<compile_context>
chip_gen: v7x
topology: tpu7x:2x2x1
jax: 0.10.2.dev20260603
libtpu: 0.0.44.dev20260713+nightly
codegen_flags: <defaults>
</compile_context>

<pallas_src>
import functools

import jax
import jax.numpy as jnp
from jax import lax
from jax.experimental import pallas as pl
from jax.experimental.pallas import tpu as pltpu
from jax.experimental.pallas import tpu_sc as plsc

N_NODES = 10000
N_PAD = 10240
H = 16
NW = 32
N_CHUNK = 80
CH = 128
E_PAD = NW * N_CHUNK * CH
ROWS_PER_TILE = N_PAD // 16
NP8 = N_PAD // 8

DEG_WIN = 24


def _deg_body(dst_hbm, out_hbm, idx_v, ones_v, buf_v, buf16_v, acc_sh, dsem):
    cid = lax.axis_index("c")
    sid = lax.axis_index("s")
    wid = cid * 16 + sid

    def _fill_ones(i, _):
        ones_v[pl.ds(i * 16, 16)] = jnp.ones((16,), jnp.float32)
        return 0

    lax.fori_loop(0, CH // 16, _fill_ones, 0)

    def _fill_zeros(i, _):
        buf_v[pl.ds(i * 16, 16)] = jnp.zeros((16,), jnp.float32)
        return 0

    lax.fori_loop(0, ROWS_PER_TILE // 16, _fill_zeros, 0)
    pltpu.sync_copy(buf_v, acc_sh.at[pl.ds(sid * ROWS_PER_TILE, ROWS_PER_TILE)])
    pltpu.sync_copy(dst_hbm.at[wid], idx_v)
    plsc.subcore_barrier()

    def _edges(j, _):
        @pl.when(j >= DEG_WIN)
        def _absorb():
            pltpu.make_async_copy(ones_v, acc_sh.at[idx_v.at[0]], dsem).wait()

        pltpu.async_copy(ones_v, acc_sh.at[idx_v.at[j]], dsem, add=True)
        return 0

    lax.fori_loop(0, N_CHUNK, _edges, 0)
    for _ in range(DEG_WIN):
        pltpu.make_async_copy(ones_v, acc_sh.at[idx_v.at[0]], dsem).wait()
    plsc.subcore_barrier()
    pltpu.sync_copy(acc_sh.at[pl.ds(sid * ROWS_PER_TILE, ROWS_PER_TILE)], buf_v)

    def _bcast(i, _):
        v = buf_v[pl.ds(i * 16, 16)]
        for l in range(16):
            buf16_v[i * 16 + l, :] = jnp.full((H,), v[l], jnp.float32)
        return 0

    lax.fori_loop(0, ROWS_PER_TILE // 16, _bcast, 0)
    pltpu.sync_copy(buf16_v, out_hbm.at[cid].at[pl.ds(sid * ROWS_PER_TILE, ROWS_PER_TILE)])


NSLOT = 10
GLOOK = 6


def _edge_body(g_hbm, src_hbm, dst_hbm, out_hbm, src_v, dst_v, rows_v, buf_v, acc_sh,
               isem, *sems):
    gsems = sems[:NSLOT]
    ssems = sems[NSLOT:]
    cid = lax.axis_index("c")
    sid = lax.axis_index("s")
    wid = cid * 16 + sid

    pltpu.async_copy(src_hbm.at[wid], src_v, isem)
    pltpu.async_copy(dst_hbm.at[wid], dst_v, isem)

    def _fill_zeros(i, _):
        buf_v[i, :] = jnp.zeros((H,), jnp.float32)
        return 0

    lax.fori_loop(0, ROWS_PER_TILE, _fill_zeros, 0)
    pltpu.sync_copy(buf_v, acc_sh.at[pl.ds(sid * ROWS_PER_TILE, ROWS_PER_TILE)])
    pltpu.make_async_copy(src_hbm.at[wid], src_v, isem).wait()
    pltpu.make_async_copy(dst_hbm.at[wid], dst_v, isem).wait()
    plsc.subcore_barrier()

    for b in range(GLOOK):
        pltpu.async_copy(g_hbm.at[src_v.at[b]], rows_v.at[b], gsems[b])

    def _rounds(o, _):
        for b in range(NSLOT):
            j = o * NSLOT + b
            bg = (b + GLOOK) % NSLOT

            @pl.when(j + GLOOK < N_CHUNK)
            def _refill():
                @pl.when(j >= NSLOT - GLOOK)
                def _absorb():
                    pltpu.make_async_copy(
                        rows_v.at[0], acc_sh.at[dst_v.at[0]], ssems[bg]).wait()

                pltpu.async_copy(g_hbm.at[src_v.at[j + GLOOK]], rows_v.at[bg], gsems[bg])

            pltpu.make_async_copy(g_hbm.at[src_v.at[j]], rows_v.at[b], gsems[b]).wait()
            pltpu.async_copy(rows_v.at[b], acc_sh.at[dst_v.at[j]], ssems[b], add=True)
        return 0

    lax.fori_loop(0, N_CHUNK // NSLOT, _rounds, 0)
    for b in range(NSLOT):
        pltpu.make_async_copy(rows_v.at[0], acc_sh.at[dst_v.at[0]], ssems[b]).wait()
    plsc.subcore_barrier()
    pltpu.sync_copy(acc_sh.at[pl.ds(sid * ROWS_PER_TILE, ROWS_PER_TILE)], buf_v)
    pltpu.sync_copy(buf_v, out_hbm.at[cid].at[pl.ds(sid * ROWS_PER_TILE, ROWS_PER_TILE)])


@functools.cache
def _sc_kernels():
    mesh = plsc.VectorSubcoreMesh(core_axis_name="c", subcore_axis_name="s")
    params = pltpu.CompilerParams(use_tc_tiling_on_sc=False)
    deg_kernel = pl.kernel(
        _deg_body,
        out_type=jax.ShapeDtypeStruct((2, N_PAD, H), jnp.float32),
        mesh=mesh,
        compiler_params=params,
        scratch_types=[
            pltpu.VMEM((N_CHUNK, CH), jnp.int32),
            pltpu.VMEM((CH,), jnp.float32),
            pltpu.VMEM((ROWS_PER_TILE,), jnp.float32),
            pltpu.VMEM((ROWS_PER_TILE, H), jnp.float32),
            pltpu.VMEM_SHARED((N_PAD,), jnp.float32),
            pltpu.SemaphoreType.DMA,
        ],
    )
    edge_kernel = pl.kernel(
        _edge_body,
        out_type=jax.ShapeDtypeStruct((2, N_PAD, H), jnp.float32),
        mesh=mesh,
        compiler_params=params,
        scratch_types=[
            pltpu.VMEM((N_CHUNK, CH), jnp.int32),
            pltpu.VMEM((N_CHUNK, CH), jnp.int32),
            pltpu.VMEM((NSLOT, CH, H), jnp.float32),
            pltpu.VMEM((ROWS_PER_TILE, H), jnp.float32),
            pltpu.VMEM_SHARED((N_PAD, H), jnp.float32),
            pltpu.SemaphoreType.DMA,
        ] + [pltpu.SemaphoreType.DMA] * (2 * NSLOT),
    )
    return deg_kernel, edge_kernel




def _mmh_body(x_ref, w_ref, o_ref):
    h = jnp.dot(x_ref[...], w_ref[...], preferred_element_type=jnp.float32)
    jrow = lax.broadcasted_iota(jnp.int32, (H, 128), 0)
    lcol = lax.broadcasted_iota(jnp.int32, (H, 128), 1)
    acc = jnp.zeros((NP8, 128), jnp.float32)
    for b in range(8):
        if (b + 1) * NP8 <= N_NODES:
            blk = lax.slice(h, (b * NP8, 0), ((b + 1) * NP8, H))
        else:
            blk = jnp.concatenate(
                [lax.slice(h, (b * NP8, 0), (N_NODES, H)),
                 jnp.zeros(((b + 1) * NP8 - N_NODES, H), jnp.float32)], axis=0)
        sel = (lcol == H * b + jrow).astype(jnp.float32)
        acc = acc + jnp.dot(blk, sel, preferred_element_type=jnp.float32)
    o_ref[...] = acc


def _scale_body(deg_ref, h_ref, g_ref, dinv_ref):
    d = deg_ref[...]
    dinv = lax.rsqrt(d[0] + d[1] + 1.0)
    dinv_ref[...] = dinv
    g_ref[...] = dinv * h_ref[...]


def _layer2_body(dinv_ref, pre_ref, g1_ref, b1_ref, w2_ref, o_ref):
    dinv = dinv_ref[...]
    p = pre_ref[...]
    out1 = jnp.maximum(dinv * (g1_ref[...] + p[0] + p[1]) + b1_ref[...], 0.0)
    o_ref[...] = dinv * jnp.dot(out1, w2_ref[...], preferred_element_type=jnp.float32)


def _final_body(dinv_ref, pre_ref, g2_ref, b2_ref, o_ref):
    p = pre_ref[...]
    logits = dinv_ref[...] * (g2_ref[...] + p[0] + p[1]) + b2_ref[...]
    col = lax.broadcasted_iota(jnp.int32, (NP8, 128), 1)
    xm = jnp.where(col % H < 10, logits, jnp.float32(-1e30))
    m = jnp.max(xm, axis=1, keepdims=True)
    e = jnp.where(col % H < 10, jnp.exp(logits - m), 0.0)
    r = lax.broadcasted_iota(jnp.int32, (128, 128), 0)
    c = lax.broadcasted_iota(jnp.int32, (128, 128), 1)
    ones_bd = (r // H == c // H).astype(jnp.float32)
    s = jnp.dot(e, ones_bd, preferred_element_type=jnp.float32)
    o_ref[...] = (logits - m) - jnp.log(s)


_mmh = pl.pallas_call(_mmh_body, out_shape=jax.ShapeDtypeStruct((NP8, 128), jnp.float32))
_scale = pl.pallas_call(_scale_body, out_shape=(
    jax.ShapeDtypeStruct((NP8, 128), jnp.float32),
    jax.ShapeDtypeStruct((NP8, 128), jnp.float32)))
_layer2 = pl.pallas_call(_layer2_body, out_shape=jax.ShapeDtypeStruct((NP8, 128), jnp.float32))
_final = pl.pallas_call(_final_body, out_shape=jax.ShapeDtypeStruct((NP8, 128), jnp.float32))


def kernel(x, edge_index, W1, b1, W2, b2):
    n, f = x.shape
    pad_e = E_PAD - edge_index.shape[1]
    dummy = jnp.broadcast_to(
        (N_NODES + jnp.arange(pad_e, dtype=jnp.int32) % (N_PAD - N_NODES))
        .reshape(pad_e // CH, CH), (2, pad_e // CH, CH))
    ep = jnp.concatenate([edge_index.reshape(2, -1, CH), dummy], axis=1)
    ep = (ep % NP8) * 8 + ep // NP8
    src_p = ep[0].reshape(NW, N_CHUNK, CH)
    dst_p = ep[1].reshape(NW, N_CHUNK, CH)
    w2p = jnp.concatenate([W2, jnp.zeros((W2.shape[0], H - W2.shape[1]), W2.dtype)], axis=1)
    w2bd = jax.scipy.linalg.block_diag(*([w2p] * 8))
    b1t = jnp.tile(b1, 8).reshape(1, 128)
    b2p = jnp.concatenate([b2, jnp.zeros((H - b2.shape[0],), b2.dtype)])
    b2t = jnp.tile(b2p, 8).reshape(1, 128)

    _deg_kernel, _edge_kernel = _sc_kernels()
    hp = _mmh(x, W1)
    deg16 = _deg_kernel(dst_p)
    g1p, dinvp = _scale(deg16.reshape(2, NP8, 128), hp)
    pre1 = _edge_kernel(g1p.reshape(N_PAD, H), src_p, dst_p)
    g2p = _layer2(dinvp, pre1.reshape(2, NP8, 128), g1p, b1t, w2bd)
    pre2 = _edge_kernel(g2p.reshape(N_PAD, H), src_p, dst_p)
    outp = _final(dinvp, pre2.reshape(2, NP8, 128), g2p, b2t)
    out = outp.reshape(NP8, 8, H).transpose(1, 0, 2).reshape(N_PAD, H)
    return out[:n, :10]

# --- scband reference (transcript-rebuilt; emitter-appended) ---
"""Pipeline reference for scband-gcn-82995948028463 (READ-ONLY COPY).

The authoritative reference and input builder live on the scoring server;
editing this copy changes nothing except your own understanding.
"""

import jax, jax.numpy as jnp
import numpy as np

N_NODES = 10000
N_EDGES = 320000
NUM_FEATURES = 128
HIDDEN = 16
NUM_CLASSES = 10


def setup_inputs(seed: int = 0) -> dict:
    key = jax.random.key(seed)
    k1, k2, k3, k4, k5, k6 = jax.random.split(key, 6)
    x = jax.random.normal(k1, (N_NODES, NUM_FEATURES), dtype=jnp.float32)
    edge_index = jax.random.randint(k2, (2, N_EDGES), 0, N_NODES, dtype=jnp.int32)
    W1 = jax.random.normal(k3, (NUM_FEATURES, HIDDEN), dtype=jnp.float32) * (1.0 / np.sqrt(NUM_FEATURES))
    b1 = jnp.zeros((HIDDEN,), dtype=jnp.float32)
    W2 = jax.random.normal(k4, (HIDDEN, NUM_CLASSES), dtype=jnp.float32) * (1.0 / np.sqrt(HIDDEN))
    b2 = jnp.zeros((NUM_CLASSES,), dtype=jnp.float32)
    return {"x": x, "edge_index": edge_index, "W1": W1, "b1": b1, "W2": W2, "b2": b2}


def _gcn_conv(x, edge_index, W, b):
    # PyG-style GCNConv: linear transform, add self-loops, symmetric normalization, scatter-add
    n = x.shape[0]
    src = edge_index[0]
    dst = edge_index[1]
    loop = jnp.arange(n, dtype=src.dtype)
    src = jnp.concatenate([src, loop])
    dst = jnp.concatenate([dst, loop])
    h = x @ W
    deg = jax.ops.segment_sum(jnp.ones_like(dst, dtype=h.dtype), dst, num_segments=n)
    dinv = jnp.where(deg > 0, jax.lax.rsqrt(jnp.maximum(deg, 1e-12)), 0.0)
    norm = dinv[src] * dinv[dst]
    msgs = h[src] * norm[:, None]
    out = jax.ops.segment_sum(msgs, dst, num_segments=n)
    return out + b


def reference(x, edge_index, W1, b1, W2, b2):
    # Dropout(p=0.3) is identity in eval/reference mode
    h = _gcn_conv(x, edge_index, W1, b1)
    h = jax.nn.relu(h)
    out = _gcn_conv(h, edge_index, W2, b2)
    return jax.nn.log_softmax(out, axis=1)

if __name__ == "__main__":
    import jax
    _d = setup_inputs()
    print(jax.jit(kernel)(*tuple(_d.values())))

</pallas_src>

<mosaic_0001>
#map = affine_map<(d0, d1) -> (0, 0)>
#map1 = affine_map<(d0, d1) -> (0, 0, 0)>
module attributes {stable_mosaic.version = 14 : i64} {
  func.func @_edge_body(%arg0: i32, %arg1: i32, %arg2: memref<10240x16xf32, #tpu.memory_space<hbm>>, %arg3: memref<32x80x128xi32, #tpu.memory_space<hbm>>, %arg4: memref<32x80x128xi32, #tpu.memory_space<hbm>>, %arg5: memref<2x10240x16xf32, #tpu.memory_space<hbm>>, %arg6: memref<80x128xi32, #tpu.memory_space<vmem>>, %arg7: memref<80x128xi32, #tpu.memory_space<vmem>>, %arg8: memref<10x128x16xf32, #tpu.memory_space<vmem>>, %arg9: memref<640x16xf32, #tpu.memory_space<vmem>>, %arg10: memref<10240x16xf32, #tpu.memory_space<vmem_shared>>, %arg11: memref<!tpu.dma_semaphore, #tpu.memory_space<semaphore_mem>>, %arg12: memref<!tpu.dma_semaphore, #tpu.memory_space<semaphore_mem>>, %arg13: memref<!tpu.dma_semaphore, #tpu.memory_space<semaphore_mem>>, %arg14: memref<!tpu.dma_semaphore, #tpu.memory_space<semaphore_mem>>, %arg15: memref<!tpu.dma_semaphore, #tpu.memory_space<semaphore_mem>>, %arg16: memref<!tpu.dma_semaphore, #tpu.memory_space<semaphore_mem>>, %arg17: memref<!tpu.dma_semaphore, #tpu.memory_space<semaphore_mem>>, %arg18: memref<!tpu.dma_semaphore, #tpu.memory_space<semaphore_mem>>, %arg19: memref<!tpu.dma_semaphore, #tpu.memory_space<semaphore_mem>>, %arg20: memref<!tpu.dma_semaphore, #tpu.memory_space<semaphore_mem>>, %arg21: memref<!tpu.dma_semaphore, #tpu.memory_space<semaphore_mem>>, %arg22: memref<!tpu.dma_semaphore, #tpu.memory_space<semaphore_mem>>, %arg23: memref<!tpu.dma_semaphore, #tpu.memory_space<semaphore_mem>>, %arg24: memref<!tpu.dma_semaphore, #tpu.memory_space<semaphore_mem>>, %arg25: memref<!tpu.dma_semaphore, #tpu.memory_space<semaphore_mem>>, %arg26: memref<!tpu.dma_semaphore, #tpu.memory_space<semaphore_mem>>, %arg27: memref<!tpu.dma_semaphore, #tpu.memory_space<semaphore_mem>>, %arg28: memref<!tpu.dma_semaphore, #tpu.memory_space<semaphore_mem>>, %arg29: memref<!tpu.dma_semaphore, #tpu.memory_space<semaphore_mem>>, %arg30: memref<!tpu.dma_semaphore, #tpu.memory_space<semaphore_mem>>, %arg31: memref<!tpu.dma_semaphore, #tpu.memory_space<semaphore_mem>>) attributes {dimension_semantics = [#tpu.dimension_semantics<core_parallel>, #tpu.dimension_semantics<subcore_parallel>], iteration_bounds = array<i64: 2, 16>, scalar_prefetch = 0 : i64, scratch_operands = 26 : i64, tpu.core_type = #tpu.core_type<sc_vector_subcore>, window_params = [{transform_indices = #map}, {transform_indices = #map1}, {transform_indices = #map1}, {transform_indices = #map1}]} {
    %mul3A = arith.constant 16 : i32
    %mul3A_0 = arith.muli %arg0, %mul3A : i32
    %add3A = arith.addi %mul3A_0, %arg1 : i32
    %dma_start3A = arith.constant 0 : i32
    %dma_start3A_1 = arith.constant 0 : i32
    %dma_start3A_2 = tpu.memref_slice %arg3[%add3A, %dma_start3A, %dma_start3A_1] : memref<32x80x128xi32, #tpu.memory_space<hbm>> -> memref<1x80x128xi32, #tpu.memory_space<hbm>>
    %dma_start3A_3 = tpu.memref_squeeze %dma_start3A_2 : memref<1x80x128xi32, #tpu.memory_space<hbm>> -> memref<80x128xi32, #tpu.memory_space<hbm>>
    %dma_start3A_4 = arith.constant 0 : i32
    %dma_start3A_5 = arith.constant 0 : i32
    %dma_start3A_6 = tpu.memref_slice %arg3[%add3A, %dma_start3A_4, %dma_start3A_5] : memref<32x80x128xi32, #tpu.memory_space<hbm>> -> memref<1x80x128xi32, #tpu.memory_space<hbm>>
    %dma_start3A_7 = tpu.memref_squeeze %dma_start3A_6 : memref<1x80x128xi32, #tpu.memory_space<hbm>> -> memref<80x128xi32, #tpu.memory_space<hbm>>
    tpu.enqueue_dma source(%dma_start3A_7 : memref<80x128xi32, #tpu.memory_space<hbm>>) target(%arg6 : memref<80x128xi32, #tpu.memory_space<vmem>>) target_semaphore(%arg11 : memref<!tpu.dma_semaphore, #tpu.memory_space<semaphore_mem>>)
    %dma_start3A_8 = arith.constant 0 : i32
    %dma_start3A_9 = arith.constant 0 : i32
    %dma_start3A_10 = tpu.memref_slice %arg4[%add3A, %dma_start3A_8, %dma_start3A_9] : memref<32x80x128xi32, #tpu.memory_space<hbm>> -> memref<1x80x128xi32, #tpu.memory_space<hbm>>
    %dma_start3A_11 = tpu.memref_squeeze %dma_start3A_10 : memref<1x80x128xi32, #tpu.memory_space<hbm>> -> memref<80x128xi32, #tpu.memory_space<hbm>>
    %dma_start3A_12 = arith.constant 0 : i32
    %dma_start3A_13 = arith.constant 0 : i32
    %dma_start3A_14 = tpu.memref_slice %arg4[%add3A, %dma_start3A_12, %dma_start3A_13] : memref<32x80x128xi32, #tpu.memory_space<hbm>> -> memref<1x80x128xi32, #tpu.memory_space<hbm>>
    %dma_start3A_15 = tpu.memref_squeeze %dma_start3A_14 : memref<1x80x128xi32, #tpu.memory_space<hbm>> -> memref<80x128xi32, #tpu.memory_space<hbm>>
    tpu.enqueue_dma source(%dma_start3A_15 : memref<80x128xi32, #tpu.memory_space<hbm>>) target(%arg7 : memref<80x128xi32, #tpu.memory_space<vmem>>) target_semaphore(%arg11 : memref<!tpu.dma_semaphore, #tpu.memory_space<semaphore_mem>>)
    %scan3A = arith.constant 0 : i32
    %scan3A_16 = arith.constant 0 : i32
    %scan3A_17 = arith.constant 640 : i32
    %scan3A_18 = arith.addi %scan3A_16, %scan3A_17 : i32
    %scan3A_19 = arith.constant 1 : i32
    %scan3A_20 = scf.for %scan3A_243 = %scan3A_16 to %scan3A_18 step %scan3A_19 iter_args(%scan3A_244 = %scan3A) -> (i32)  : i32 {
      %broadcast_in_dim3A = arith.constant 0.000000e+00 : f32
      %broadcast_in_dim3A_245 = vector.broadcast %broadcast_in_dim3A : f32 to vector<16xf32>
      %swap3A = arith.index_cast %scan3A_243 : i32 to index
      %swap3A_246 = arith.constant 0 : index
      %swap3A_247 = tpu.vector_load %arg9[%swap3A, %swap3A_246] {strides = array<i32>} : memref<640x16xf32, #tpu.memory_space<vmem>>, vector<1x16xf32>,
      %swap3A_248 = vector.shape_cast %swap3A_247 : vector<1x16xf32> to vector<16xf32>
      %swap3A_249 = vector.shape_cast %broadcast_in_dim3A_245 : vector<16xf32> to vector<1x16xf32>
      tpu.vector_store %arg9[%swap3A, %swap3A_246], %swap3A_249 {strides = array<i32>} : memref<640x16xf32, #tpu.memory_space<vmem>>, vector<1x16xf32>,
      %scan3A_250 = arith.constant 0 : i32
      scf.yield %scan3A_250 : i32
    }
    %scan3A_21 = arith.constant 640 : i32
    %mul3A_22 = arith.constant 640 : i32
    %mul3A_23 = arith.muli %arg1, %mul3A_22 : i32
    "tpu.region"() ({
      %run_scoped3A = tpu.sem_alloc : memref<!tpu.dma_semaphore, #tpu.memory_space<semaphore_mem>>
      %dma_start3A_243 = arith.constant 0 : i32
      %dma_start3A_244 = tpu.memref_slice %arg10[%mul3A_23, %dma_start3A_243] : memref<10240x16xf32, #tpu.memory_space<vmem_shared>> -> memref<640x16xf32, #tpu.memory_space<vmem_shared>>
      %dma_start3A_245 = arith.constant 0 : i32
      %dma_start3A_246 = tpu.memref_slice %arg10[%mul3A_23, %dma_start3A_245] : memref<10240x16xf32, #tpu.memory_space<vmem_shared>> -> memref<640x16xf32, #tpu.memory_space<vmem_shared>>
      tpu.enqueue_dma source(%arg9 : memref<640x16xf32, #tpu.memory_space<vmem>>) target(%dma_start3A_246 : memref<640x16xf32, #tpu.memory_space<vmem_shared>>) target_semaphore(%run_scoped3A : memref<!tpu.dma_semaphore, #tpu.memory_space<semaphore_mem>>)
      %dma_wait3A_247 = arith.constant 0 : i32
      %dma_wait3A_248 = tpu.memref_slice %arg10[%mul3A_23, %dma_wait3A_247] : memref<10240x16xf32, #tpu.memory_space<vmem_shared>> -> memref<640x16xf32, #tpu.memory_space<vmem_shared>>
      %dma_wait3A_249 = arith.constant 0 : i32
      %dma_wait3A_250 = tpu.memref_slice %arg10[%mul3A_23, %dma_wait3A_249] : memref<10240x16xf32, #tpu.memory_space<vmem_shared>> -> memref<640x16xf32, #tpu.memory_space<vmem_shared>>
      tpu.wait_dma2 semaphore(%run_scoped3A : memref<!tpu.dma_semaphore, #tpu.memory_space<semaphore_mem>>) src(%arg9 : memref<640x16xf32, #tpu.memory_space<vmem>>) dst(%dma_wait3A_250 : memref<640x16xf32, #tpu.memory_space<vmem_shared>>)
      tpu.yield
    }) : () -> ()
    %dma_wait3A = arith.constant 0 : i32
    %dma_wait3A_24 = arith.constant 0 : i32
    %dma_wait3A_25 = tpu.memref_slice %arg3[%add3A, %dma_wait3A, %dma_wait3A_24] : memref<32x80x128xi32, #tpu.memory_space<hbm>> -> memref<1x80x128xi32, #tpu.memory_space<hbm>>
    %dma_wait3A_26 = tpu.memref_squeeze %dma_wait3A_25 : memref<1x80x128xi32, #tpu.memory_space<hbm>> -> memref<80x128xi32, #tpu.memory_space<hbm>>
    %dma_wait3A_27 = arith.constant 0 : i32
    %dma_wait3A_28 = arith.constant 0 : i32
    %dma_wait3A_29 = tpu.memref_slice %arg3[%add3A, %dma_wait3A_27, %dma_wait3A_28] : memref<32x80x128xi32, #tpu.memory_space<hbm>> -> memref<1x80x128xi32, #tpu.memory_space<hbm>>
    %dma_wait3A_30 = tpu.memref_squeeze %dma_wait3A_29 : memref<1x80x128xi32, #tpu.memory_space<hbm>> -> memref<80x128xi32, #tpu.memory_space<hbm>>
    tpu.wait_dma2 semaphore(%arg11 : memref<!tpu.dma_semaphore, #tpu.memory_space<semaphore_mem>>) src(%dma_wait3A_30 : memref<80x128xi32, #tpu.memory_space<hbm>>) dst(%arg6 : memref<80x128xi32, #tpu.memory_space<vmem>>)
    %dma_wait3A_31 = arith.constant 0 : i32
    %dma_wait3A_32 = arith.constant 0 : i32
    %dma_wait3A_33 = tpu.memref_slice %arg4[%add3A, %dma_wait3A_31, %dma_wait3A_32] : memref<32x80x128xi32, #tpu.memory_space<hbm>> -> memref<1x80x128xi32, #tpu.memory_space<hbm>>
    %dma_wait3A_34 = tpu.memref_squeeze %dma_wait3A_33 : memref<1x80x128xi32, #tpu.memory_space<hbm>> -> memref<80x128xi32, #tpu.memory_space<hbm>>
    %dma_wait3A_35 = arith.constant 0 : i32
    %dma_wait3A_36 = arith.constant 0 : i32
    %dma_wait3A_37 = tpu.memref_slice %arg4[%add3A, %dma_wait3A_35, %dma_wait3A_36] : memref<32x80x128xi32, #tpu.memory_space<hbm>> -> memref<1x80x128xi32, #tpu.memory_space<hbm>>
    %dma_wait3A_38 = tpu.memref_squeeze %dma_wait3A_37 : memref<1x80x128xi32, #tpu.memory_space<hbm>> -> memref<80x128xi32, #tpu.memory_space<hbm>>
    tpu.wait_dma2 semaphore(%arg11 : memref<!tpu.dma_semaphore, #tpu.memory_space<semaphore_mem>>) src(%dma_wait3A_38 : memref<80x128xi32, #tpu.memory_space<hbm>>) dst(%arg7 : memref<80x128xi32, #tpu.memory_space<vmem>>)
    %barrier3A = arith.constant 0 : index
    tpu.barrier barrier_id(%barrier3A)
    %dma_start3A_39 = arith.constant 0 : i32
    %dma_start3A_40 = arith.constant 0 : i32
    %dma_start3A_41 = arith.constant 0 : i32
    %dma_start3A_42 = arith.constant 0 : i32
    %dma_start3A_43 = tpu.memref_slice %arg8[%dma_start3A_40, %dma_start3A_41, %dma_start3A_42] : memref<10x128x16xf32, #tpu.memory_space<vmem>> -> memref<1x128x16xf32, #tpu.memory_space<vmem>>
    %dma_start3A_44 = tpu.memref_squeeze %dma_start3A_43 : memref<1x128x16xf32, #tpu.memory_space<vmem>> -> memref<128x16xf32, #tpu.memory_space<vmem>>
    %dma_start3A_45 = arith.constant 0 : i32
    %dma_start3A_46 = tpu.memref_slice %arg6[%dma_start3A_39, %dma_start3A_45] : memref<80x128xi32, #tpu.memory_space<vmem>> -> memref<1x128xi32, #tpu.memory_space<vmem>>
    %dma_start3A_47 = tpu.memref_squeeze %dma_start3A_46 : memref<1x128xi32, #tpu.memory_space<vmem>> -> memref<128xi32, #tpu.memory_space<vmem>>
    %dma_start3A_48 = arith.constant 0 : i32
    %dma_start3A_49 = arith.constant 0 : i32
    %dma_start3A_50 = tpu.memref_slice %arg2[%dma_start3A_48, %dma_start3A_49] : memref<10240x16xf32, #tpu.memory_space<hbm>> -> memref<10240x16xf32, #tpu.memory_space<hbm>>
    tpu.enqueue_indirect_dma source(%dma_start3A_50 : memref<10240x16xf32, #tpu.memory_space<hbm>>) target(%dma_start3A_44 : memref<128x16xf32, #tpu.memory_space<vmem>>) offsets(%dma_start3A_47 : memref<128xi32, #tpu.memory_space<vmem>>) semaphore(%arg12 : memref<!tpu.dma_semaphore, #tpu.memory_space<semaphore_mem>>)
    %dma_start3A_51 = arith.constant 1 : i32
    %dma_start3A_52 = arith.constant 1 : i32
    %dma_start3A_53 = arith.constant 0 : i32
    %dma_start3A_54 = arith.constant 0 : i32
    %dma_start3A_55 = tpu.memref_slice %arg8[%dma_start3A_52, %dma_start3A_53, %dma_start3A_54] : memref<10x128x16xf32, #tpu.memory_space<vmem>> -> memref<1x128x16xf32, #tpu.memory_space<vmem>>
    %dma_start3A_56 = tpu.memref_squeeze %dma_start3A_55 : memref<1x128x16xf32, #tpu.memory_space<vmem>> -> memref<128x16xf32, #tpu.memory_space<vmem>>
    %dma_start3A_57 = arith.constant 0 : i32
    %dma_start3A_58 = tpu.memref_slice %arg6[%dma_start3A_51, %dma_start3A_57] : memref<80x128xi32, #tpu.memory_space<vmem>> -> memref<1x128xi32, #tpu.memory_space<vmem>>
    %dma_start3A_59 = tpu.memref_squeeze %dma_start3A_58 : memref<1x128xi32, #tpu.memory_space<vmem>> -> memref<128xi32, #tpu.memory_space<vmem>>
    %dma_start3A_60 = arith.constant 0 : i32
    %dma_start3A_61 = arith.constant 0 : i32
    %dma_start3A_62 = tpu.memref_slice %arg2[%dma_start3A_60, %dma_start3A_61] : memref<10240x16xf32, #tpu.memory_space<hbm>> -> memref<10240x16xf32, #tpu.memory_space<hbm>>
    tpu.enqueue_indirect_dma source(%dma_start3A_62 : memref<10240x16xf32, #tpu.memory_space<hbm>>) target(%dma_start3A_56 : memref<128x16xf32, #tpu.memory_space<vmem>>) offsets(%dma_start3A_59 : memref<128xi32, #tpu.memory_space<vmem>>) semaphore(%arg13 : memref<!tpu.dma_semaphore, #tpu.memory_space<semaphore_mem>>)
    %dma_start3A_63 = arith.constant 2 : i32
    %dma_start3A_64 = arith.constant 2 : i32
    %dma_start3A_65 = arith.constant 0 : i32
    %dma_start3A_66 = arith.constant 0 : i32
    %dma_start3A_67 = tpu.memref_slice %arg8[%dma_start3A_64, %dma_start3A_65, %dma_start3A_66] : memref<10x128x16xf32, #tpu.memory_space<vmem>> -> memref<1x128x16xf32, #tpu.memory_space<vmem>>
    %dma_start3A_68 = tpu.memref_squeeze %dma_start3A_67 : memref<1x128x16xf32, #tpu.memory_space<vmem>> -> memref<128x16xf32, #tpu.memory_space<vmem>>
    %dma_start3A_69 = arith.constant 0 : i32
    %dma_start3A_70 = tpu.memref_slice %arg6[%dma_start3A_63, %dma_start3A_69] : memref<80x128xi32, #tpu.memory_space<vmem>> -> memref<1x128xi32, #tpu.memory_space<vmem>>
    %dma_start3A_71 = tpu.memref_squeeze %dma_start3A_70 : memref<1x128xi32, #tpu.memory_space<vmem>> -> memref<128xi32, #tpu.memory_space<vmem>>
    %dma_start3A_72 = arith.constant 0 : i32
    %dma_start3A_73 = arith.constant 0 : i32
    %dma_start3A_74 = tpu.memref_slice %arg2[%dma_start3A_72, %dma_start3A_73] : memref<10240x16xf32, #tpu.memory_space<hbm>> -> memref<10240x16xf32, #tpu.memory_space<hbm>>
    tpu.enqueue_indirect_dma source(%dma_start3A_74 : memref<10240x16xf32, #tpu.memory_space<hbm>>) target(%dma_start3A_68 : memref<128x16xf32, #tpu.memory_space<vmem>>) offsets(%dma_start3A_71 : memref<128xi32, #tpu.memory_space<vmem>>) semaphore(%arg14 : memref<!tpu.dma_semaphore, #tpu.memory_space<semaphore_mem>>)
    %dma_start3A_75 = arith.constant 3 : i32
    %dma_start3A_76 = arith.constant 3 : i32
    %dma_start3A_77 = arith.constant 0 : i32
    %dma_start3A_78 = arith.constant 0 : i32
    %dma_start3A_79 = tpu.memref_slice %arg8[%dma_start3A_76, %dma_start3A_77, %dma_start3A_78] : memref<10x128x16xf32, #tpu.memory_space<vmem>> -> memref<1x128x16xf32, #tpu.memory_space<vmem>>
    %dma_start3A_80 = tpu.memref_squeeze %dma_start3A_79 : memref<1x128x16xf32, #tpu.memory_space<vmem>> -> memref<128x16xf32, #tpu.memory_space<vmem>>
    %dma_start3A_81 = arith.constant 0 : i32
    %dma_start3A_82 = tpu.memref_slice %arg6[%dma_start3A_75, %dma_start3A_81] : memref<80x128xi32, #tpu.memory_space<vmem>> -> memref<1x128xi32, #tpu.memory_space<vmem>>
    %dma_start3A_83 = tpu.memref_squeeze %dma_start3A_82 : memref<1x128xi32, #tpu.memory_space<vmem>> -> memref<128xi32, #tpu.memory_space<vmem>>
    %dma_start3A_84 = arith.constant 0 : i32
    %dma_start3A_85 = arith.constant 0 : i32
    %dma_start3A_86 = tpu.memref_slice %arg2[%dma_start3A_84, %dma_start3A_85] : memref<10240x16xf32, #tpu.memory_space<hbm>> -> memref<10240x16xf32, #tpu.memory_space<hbm>>
    tpu.enqueue_indirect_dma source(%dma_start3A_86 : memref<10240x16xf32, #tpu.memory_space<hbm>>) target(%dma_start3A_80 : memref<128x16xf32, #tpu.memory_space<vmem>>) offsets(%dma_start3A_83 : memref<128xi32, #tpu.memory_space<vmem>>) semaphore(%arg15 : memref<!tpu.dma_semaphore, #tpu.memory_space<semaphore_mem>>)
    %dma_start3A_87 = arith.constant 4 : i32
    %dma_start3A_88 = arith.constant 4 : i32
    %dma_start3A_89 = arith.constant 0 : i32
    %dma_start3A_90 = arith.constant 0 : i32
    %dma_start3A_91 = tpu.memref_slice %arg8[%dma_start3A_88, %dma_start3A_89, %dma_start3A_90] : memref<10x128x16xf32, #tpu.memory_space<vmem>> -> memref<1x128x16xf32, #tpu.memory_space<vmem>>
    %dma_start3A_92 = tpu.memref_squeeze %dma_start3A_91 : memref<1x128x16xf32, #tpu.memory_space<vmem>> -> memref<128x16xf32, #tpu.memory_space<vmem>>
    %dma_start3A_93 = arith.constant 0 : i32
    %dma_start3A_94 = tpu.memref_slice %arg6[%dma_start3A_87, %dma_start3A_93] : memref<80x128xi32, #tpu.memory_space<vmem>> -> memref<1x128xi32, #tpu.memory_space<vmem>>
    %dma_start3A_95 = tpu.memref_squeeze %dma_start3A_94 : memref<1x128xi32, #tpu.memory_space<vmem>> -> memref<128xi32, #tpu.memory_space<vmem>>
    %dma_start3A_96 = arith.constant 0 : i32
    %dma_start3A_97 = arith.constant 0 : i32
    %dma_start3A_98 = tpu.memref_slice %arg2[%dma_start3A_96, %dma_start3A_97] : memref<10240x16xf32, #tpu.memory_space<hbm>> -> memref<10240x16xf32, #tpu.memory_space<hbm>>
    tpu.enqueue_indirect_dma source(%dma_start3A_98 : memref<10240x16xf32, #tpu.memory_space<hbm>>) target(%dma_start3A_92 : memref<128x16xf32, #tpu.memory_space<vmem>>) offsets(%dma_start3A_95 : memref<128xi32, #tpu.memory_space<vmem>>) semaphore(%arg16 : memref<!tpu.dma_semaphore, #tpu.memory_space<semaphore_mem>>)
    %dma_start3A_99 = arith.constant 5 : i32
    %dma_start3A_100 = arith.constant 5 : i32
    %dma_start3A_101 = arith.constant 0 : i32
    %dma_start3A_102 = arith.constant 0 : i32
    %dma_start3A_103 = tpu.memref_slice %arg8[%dma_start3A_100, %dma_start3A_101, %dma_start3A_102] : memref<10x128x16xf32, #tpu.memory_space<vmem>> -> memref<1x128x16xf32, #tpu.memory_space<vmem>>
    %dma_start3A_104 = tpu.memref_squeeze %dma_start3A_103 : memref<1x128x16xf32, #tpu.memory_space<vmem>> -> memref<128x16xf32, #tpu.memory_space<vmem>>
    %dma_start3A_105 = arith.constant 0 : i32
    %dma_start3A_106 = tpu.memref_slice %arg6[%dma_start3A_99, %dma_start3A_105] : memref<80x128xi32, #tpu.memory_space<vmem>> -> memref<1x128xi32, #tpu.memory_space<vmem>>
    %dma_start3A_107 = tpu.memref_squeeze %dma_start3A_106 : memref<1x128xi32, #tpu.memory_space<vmem>> -> memref<128xi32, #tpu.memory_space<vmem>>
    %dma_start3A_108 = arith.constant 0 : i32
    %dma_start3A_109 = arith.constant 0 : i32
    %dma_start3A_110 = tpu.memref_slice %arg2[%dma_start3A_108, %dma_start3A_109] : memref<10240x16xf32, #tpu.memory_space<hbm>> -> memref<10240x16xf32, #tpu.memory_space<hbm>>
    tpu.enqueue_indirect_dma source(%dma_start3A_110 : memref<10240x16xf32, #tpu.memory_space<hbm>>) target(%dma_start3A_104 : memref<128x16xf32, #tpu.memory_space<vmem>>) offsets(%dma_start3A_107 : memref<128xi32, #tpu.memory_space<vmem>>) semaphore(%arg17 : memref<!tpu.dma_semaphore, #tpu.memory_space<semaphore_mem>>)
    %scan3A_111 = arith.constant 0 : i32
    %scan3A_112 = arith.constant 0 : i32
    %scan3A_113 = arith.constant 8 : i32
    %scan3A_114 = arith.addi %scan3A_112, %scan3A_113 : i32
    %scan3A_115 = arith.constant 1 : i32
    %scan3A_116 = scf.for %scan3A_243 = %scan3A_112 to %scan3A_114 step %scan3A_115 iter_args(%scan3A_244 = %scan3A_111) -> (i32)  : i32 {
      %mul3A_245 = arith.constant 10 : i32
      %mul3A_246 = arith.muli %scan3A_243, %mul3A_245 : i32
      %add3A_247 = arith.constant 0 : i32
      %add3A_248 = arith.addi %mul3A_246, %add3A_247 : i32
      %add3A_249 = arith.constant 6 : i32
      %add3A_250 = arith.addi %add3A_248, %add3A_249 : i32
      %lt3A = arith.constant 80 : i32
      %lt3A_251 = arith.cmpi slt, %add3A_250, %lt3A : i32
      %convert_element_type3A = arith.extui %lt3A_251 : i1 to i32
      %cond3A = arith.constant 0 : i32
      %cond3A_252 = arith.cmpi ne, %convert_element_type3A, %cond3A : i32
      scf.if %cond3A_252 {
        %ge3A = arith.constant 4 : i32
        %ge3A_573 = arith.cmpi sge, %add3A_248, %ge3A : i32
        %convert_element_type3A_574 = arith.extui %ge3A_573 : i1 to i32
        %cond3A_575 = arith.constant 0 : i32
        %cond3A_576 = arith.cmpi ne, %convert_element_type3A_574, %cond3A_575 : i32
        scf.if %cond3A_576 {
          %dma_wait3A_590 = arith.constant 0 : i32
          %dma_wait3A_591 = arith.constant 0 : i32
          %dma_wait3A_592 = arith.constant 0 : i32
          %dma_wait3A_593 = arith.constant 0 : i32
          %dma_wait3A_594 = tpu.memref_slice %arg8[%dma_wait3A_590, %dma_wait3A_592, %dma_wait3A_593] : memref<10x128x16xf32, #tpu.memory_space<vmem>> -> memref<1x128x16xf32, #tpu.memory_space<vmem>>
          %dma_wait3A_595 = tpu.memref_squeeze %dma_wait3A_594 : memref<1x128x16xf32, #tpu.memory_space<vmem>> -> memref<128x16xf32, #tpu.memory_space<vmem>>
          %dma_wait3A_596 = arith.constant 0 : i32
          %dma_wait3A_597 = tpu.memref_slice %arg7[%dma_wait3A_591, %dma_wait3A_596] : memref<80x128xi32, #tpu.memory_space<vmem>> -> memref<1x128xi32, #tpu.memory_space<vmem>>
          %dma_wait3A_598 = tpu.memref_squeeze %dma_wait3A_597 : memref<1x128xi32, #tpu.memory_space<vmem>> -> memref<128xi32, #tpu.memory_space<vmem>>
          %dma_wait3A_599 = arith.constant 0 : i32
          %dma_wait3A_600 = arith.constant 0 : i32
          %dma_wait3A_601 = tpu.memref_slice %arg10[%dma_wait3A_599, %dma_wait3A_600] : memref<10240x16xf32, #tpu.memory_space<vmem_shared>> -> memref<10240x16xf32, #tpu.memory_space<vmem_shared>>
          tpu.wait_indirect_dma semaphore(%arg28 : memref<!tpu.dma_semaphore, #tpu.memory_space<semaphore_mem>>) src(%dma_wait3A_595 : memref<128x16xf32, #tpu.memory_space<vmem>>) dst(%dma_wait3A_601 : memref<10240x16xf32, #tpu.memory_space<vmem_shared>>)
        } else {
        }
        %add3A_577 = arith.constant 6 : i32
        %add3A_578 = arith.addi %add3A_248, %add3A_577 : i32
        %dma_start3A_579 = arith.constant 6 : i32
        %dma_start3A_580 = arith.constant 0 : i32
        %dma_start3A_581 = arith.constant 0 : i32
        %dma_start3A_582 = tpu.memref_slice %arg8[%dma_start3A_579, %dma_start3A_580, %dma_start3A_581] : memref<10x128x16xf32, #tpu.memory_space<vmem>> -> memref<1x128x16xf32, #tpu.memory_space<vmem>>
        %dma_start3A_583 = tpu.memref_squeeze %dma_start3A_582 : memref<1x128x16xf32, #tpu.memory_space<vmem>> -> memref<128x16xf32, #tpu.memory_space<vmem>>
        %dma_start3A_584 = arith.constant 0 : i32
        %dma_start3A_585 = tpu.memref_slice %arg6[%add3A_578, %dma_start3A_584] : memref<80x128xi32, #tpu.memory_space<vmem>> -> memref<1x128xi32, #tpu.memory_space<vmem>>
        %dma_start3A_586 = tpu.memref_squeeze %dma_start3A_585 : memref<1x128xi32, #tpu.memory_space<vmem>> -> memref<128xi32, #tpu.memory_space<vmem>>
        %dma_start3A_587 = arith.constant 0 : i32
        %dma_start3A_588 = arith.constant 0 : i32
        %dma_start3A_589 = tpu.memref_slice %arg2[%dma_start3A_587, %dma_start3A_588] : memref<10240x16xf32, #tpu.memory_space<hbm>> -> memref<10240x16xf32, #tpu.memory_space<hbm>>
        tpu.enqueue_indirect_dma source(%dma_start3A_589 : memref<10240x16xf32, #tpu.memory_space<hbm>>) target(%dma_start3A_583 : memref<128x16xf32, #tpu.memory_space<vmem>>) offsets(%dma_start3A_586 : memref<128xi32, #tpu.memory_space<vmem>>) semaphore(%arg18 : memref<!tpu.dma_semaphore, #tpu.memory_space<semaphore_mem>>)
      } else {
      }
      %dma_wait3A_253 = arith.constant 0 : i32
      %dma_wait3A_254 = arith.constant 0 : i32
      %dma_wait3A_255 = arith.constant 0 : i32
      %dma_wait3A_256 = tpu.memref_slice %arg8[%dma_wait3A_253, %dma_wait3A_254, %dma_wait3A_255] : memref<10x128x16xf32, #tpu.memory_space<vmem>> -> memref<1x128x16xf32, #tpu.memory_space<vmem>>
      %dma_wait3A_257 = tpu.memref_squeeze %dma_wait3A_256 : memref<1x128x16xf32, #tpu.memory_space<vmem>> -> memref<128x16xf32, #tpu.memory_space<vmem>>
      %dma_wait3A_258 = arith.constant 0 : i32
      %dma_wait3A_259 = tpu.memref_slice %arg6[%add3A_248, %dma_wait3A_258] : memref<80x128xi32, #tpu.memory_space<vmem>> -> memref<1x128xi32, #tpu.memory_space<vmem>>
      %dma_wait3A_260 = tpu.memref_squeeze %dma_wait3A_259 : memref<1x128xi32, #tpu.memory_space<vmem>> -> memref<128xi32, #tpu.memory_space<vmem>>
      %dma_wait3A_261 = arith.constant 0 : i32
      %dma_wait3A_262 = arith.constant 0 : i32
      %dma_wait3A_263 = tpu.memref_slice %arg2[%dma_wait3A_261, %dma_wait3A_262] : memref<10240x16xf32, #tpu.memory_space<hbm>> -> memref<10240x16xf32, #tpu.memory_space<hbm>>
      tpu.wait_indirect_dma semaphore(%arg12 : memref<!tpu.dma_semaphore, #tpu.memory_space<semaphore_mem>>) src(%dma_wait3A_263 : memref<10240x16xf32, #tpu.memory_space<hbm>>) dst(%dma_wait3A_257 : memref<128x16xf32, #tpu.memory_space<vmem>>)
      %dma_start3A_264 = arith.constant 0 : i32
      %dma_start3A_265 = arith.constant 0 : i32
      %dma_start3A_266 = arith.constant 0 : i32
      %dma_start3A_267 = tpu.memref_slice %arg8[%dma_start3A_264, %dma_start3A_265, %dma_start3A_266] : memref<10x128x16xf32, #tpu.memory_space<vmem>> -> memref<1x128x16xf32, #tpu.memory_space<vmem>>
      %dma_start3A_268 = tpu.memref_squeeze %dma_start3A_267 : memref<1x128x16xf32, #tpu.memory_space<vmem>> -> memref<128x16xf32, #tpu.memory_space<vmem>>
      %dma_start3A_269 = arith.constant 0 : i32
      %dma_start3A_270 = tpu.memref_slice %arg7[%add3A_248, %dma_start3A_269] : memref<80x128xi32, #tpu.memory_space<vmem>> -> memref<1x128xi32, #tpu.memory_space<vmem>>
      %dma_start3A_271 = tpu.memref_squeeze %dma_start3A_270 : memref<1x128xi32, #tpu.memory_space<vmem>> -> memref<128xi32, #tpu.memory_space<vmem>>
      %dma_start3A_272 = arith.constant 0 : i32
      %dma_start3A_273 = arith.constant 0 : i32
      %dma_start3A_274 = tpu.memref_slice %arg10[%dma_start3A_272, %dma_start3A_273] : memref<10240x16xf32, #tpu.memory_space<vmem_shared>> -> memref<10240x16xf32, #tpu.memory_space<vmem_shared>>
      tpu.enqueue_indirect_dma source(%dma_start3A_268 : memref<128x16xf32, #tpu.memory_space<vmem>>) target(%dma_start3A_274 : memref<10240x16xf32, #tpu.memory_space<vmem_shared>>) offsets(%dma_start3A_271 : memref<128xi32, #tpu.memory_space<vmem>>) semaphore(%arg22 : memref<!tpu.dma_semaphore, #tpu.memory_space<semaphore_mem>>) {add = true}
      %mul3A_275 = arith.constant 10 : i32
      %mul3A_276 = arith.muli %scan3A_243, %mul3A_275 : i32
      %add3A_277 = arith.constant 1 : i32
      %add3A_278 = arith.addi %mul3A_276, %add3A_277 : i32
      %add3A_279 = arith.constant 6 : i32
      %add3A_280 = arith.addi %add3A_278, %add3A_279 : i32
      %lt3A_281 = arith.constant 80 : i32
      %lt3A_282 = arith.cmpi slt, %add3A_280, %lt3A_281 : i32
      %convert_element_type3A_283 = arith.extui %lt3A_282 : i1 to i32
      %cond3A_284 = arith.constant 0 : i32
      %cond3A_285 = arith.cmpi ne, %convert_element_type3A_283, %cond3A_284 : i32
      scf.if %cond3A_285 {
        %ge3A = arith.constant 4 : i32
        %ge3A_573 = arith.cmpi sge, %add3A_278, %ge3A : i32
        %convert_element_type3A_574 = arith.extui %ge3A_573 : i1 to i32
        %cond3A_575 = arith.constant 0 : i32
        %cond3A_576 = arith.cmpi ne, %convert_element_type3A_574, %cond3A_575 : i32
        scf.if %cond3A_576 {
          %dma_wait3A_590 = arith.constant 0 : i32
          %dma_wait3A_591 = arith.constant 0 : i32
          %dma_wait3A_592 = arith.constant 0 : i32
          %dma_wait3A_593 = arith.constant 0 : i32
          %dma_wait3A_594 = tpu.memref_slice %arg8[%dma_wait3A_590, %dma_wait3A_592, %dma_wait3A_593] : memref<10x128x16xf32, #tpu.memory_space<vmem>> -> memref<1x128x16xf32, #tpu.memory_space<vmem>>
          %dma_wait3A_595 = tpu.memref_squeeze %dma_wait3A_594 : memref<1x128x16xf32, #tpu.memory_space<vmem>> -> memref<128x16xf32, #tpu.memory_space<vmem>>
          %dma_wait3A_596 = arith.constant 0 : i32
          %dma_wait3A_597 = tpu.memref_slice %arg7[%dma_wait3A_591, %dma_wait3A_596] : memref<80x128xi32, #tpu.memory_space<vmem>> -> memref<1x128xi32, #tpu.memory_space<vmem>>
          %dma_wait3A_598 = tpu.memref_squeeze %dma_wait3A_597 : memref<1x128xi32, #tpu.memory_space<vmem>> -> memref<128xi32, #tpu.memory_space<vmem>>
          %dma_wait3A_599 = arith.constant 0 : i32
          %dma_wait3A_600 = arith.constant 0 : i32
          %dma_wait3A_601 = tpu.memref_slice %arg10[%dma_wait3A_599, %dma_wait3A_600] : memref<10240x16xf32, #tpu.memory_space<vmem_shared>> -> memref<10240x16xf32, #tpu.memory_space<vmem_shared>>
          tpu.wait_indirect_dma semaphore(%arg29 : memref<!tpu.dma_semaphore, #tpu.memory_space<semaphore_mem>>) src(%dma_wait3A_595 : memref<128x16xf32, #tpu.memory_space<vmem>>) dst(%dma_wait3A_601 : memref<10240x16xf32, #tpu.memory_space<vmem_shared>>)
        } else {
        }
        %add3A_577 = arith.constant 6 : i32
        %add3A_578 = arith.addi %add3A_278, %add3A_577 : i32
        %dma_start3A_579 = arith.constant 7 : i32
        %dma_start3A_580 = arith.constant 0 : i32
        %dma_start3A_581 = arith.constant 0 : i32
        %dma_start3A_582 = tpu.memref_slice %arg8[%dma_start3A_579, %dma_start3A_580, %dma_start3A_581] : memref<10x128x16xf32, #tpu.memory_space<vmem>> -> memref<1x128x16xf32, #tpu.memory_space<vmem>>
        %dma_start3A_583 = tpu.memref_squeeze %dma_start3A_582 : memref<1x128x16xf32, #tpu.memory_space<vmem>> -> memref<128x16xf32, #tpu.memory_space<vmem>>
        %dma_start3A_584 = arith.constant 0 : i32
        %dma_start3A_585 = tpu.memref_slice %arg6[%add3A_578, %dma_start3A_584] : memref<80x128xi32, #tpu.memory_space<vmem>> -> memref<1x128xi32, #tpu.memory_space<vmem>>
        %dma_start3A_586 = tpu.memref_squeeze %dma_start3A_585 : memref<1x128xi32, #tpu.memory_space<vmem>> -> memref<128xi32, #tpu.memory_space<vmem>>
        %dma_start3A_587 = arith.constant 0 : i32
        %dma_start3A_588 = arith.constant 0 : i32
        %dma_start3A_589 = tpu.memref_slice %arg2[%dma_start3A_587, %dma_start3A_588] : memref<10240x16xf32, #tpu.memory_space<hbm>> -> memref<10240x16xf32, #tpu.memory_space<hbm>>
        tpu.enqueue_indirect_dma source(%dma_start3A_589 : memref<10240x16xf32, #tpu.memory_space<hbm>>) target(%dma_start3A_583 : memref<128x16xf32, #tpu.memory_space<vmem>>) offsets(%dma_start3A_586 : memref<128xi32, #tpu.memory_space<vmem>>) semaphore(%arg19 : memref<!tpu.dma_semaphore, #tpu.memory_space<semaphore_mem>>)
      } else {
      }
      %dma_wait3A_286 = arith.constant 1 : i32
      %dma_wait3A_287 = arith.constant 0 : i32
      %dma_wait3A_288 = arith.constant 0 : i32
      %dma_wait3A_289 = tpu.memref_slice %arg8[%dma_wait3A_286, %dma_wait3A_287, %dma_wait3A_288] : memref<10x128x16xf32, #tpu.memory_space<vmem>> -> memref<1x128x16xf32, #tpu.memory_space<vmem>>
      %dma_wait3A_290 = tpu.memref_squeeze %dma_wait3A_289 : memref<1x128x16xf32, #tpu.memory_space<vmem>> -> memref<128x16xf32, #tpu.memory_space<vmem>>
      %dma_wait3A_291 = arith.constant 0 : i32
      %dma_wait3A_292 = tpu.memref_slice %arg6[%add3A_278, %dma_wait3A_291] : memref<80x128xi32, #tpu.memory_space<vmem>> -> memref<1x128xi32, #tpu.memory_space<vmem>>
      %dma_wait3A_293 = tpu.memref_squeeze %dma_wait3A_292 : memref<1x128xi32, #tpu.memory_space<vmem>> -> memref<128xi32, #tpu.memory_space<vmem>>
      %dma_wait3A_294 = arith.constant 0 : i32
      %dma_wait3A_295 = arith.constant 0 : i32
      %dma_wait3A_296 = tpu.memref_slice %arg2[%dma_wait3A_294, %dma_wait3A_295] : memref<10240x16xf32, #tpu.memory_space<hbm>> -> memref<10240x16xf32, #tpu.memory_space<hbm>>
      tpu.wait_indirect_dma semaphore(%arg13 : memref<!tpu.dma_semaphore, #tpu.memory_space<semaphore_mem>>) src(%dma_wait3A_296 : memref<10240x16xf32, #tpu.memory_space<hbm>>) dst(%dma_wait3A_290 : memref<128x16xf32, #tpu.memory_space<vmem>>)
      %dma_start3A_297 = arith.constant 1 : i32
      %dma_start3A_298 = arith.constant 0 : i32
      %dma_start3A_299 = arith.constant 0 : i32
      %dma_start3A_300 = tpu.memref_slice %arg8[%dma_start3A_297, %dma_start3A_298, %dma_start3A_299] : memref<10x128x16xf32, #tpu.memory_space<vmem>> -> memref<1x128x16xf32, #tpu.memory_space<vmem>>
      %dma_start3A_301 = tpu.memref_squeeze %dma_start3A_300 : memref<1x128x16xf32, #tpu.memory_space<vmem>> -> memref<128x16xf32, #tpu.memory_space<vmem>>
      %dma_start3A_302 = arith.constant 0 : i32
      %dma_start3A_303 = tpu.memref_slice %arg7[%add3A_278, %dma_start3A_302] : memref<80x128xi32, #tpu.memory_space<vmem>> -> memref<1x128xi32, #tpu.memory_space<vmem>>
      %dma_start3A_304 = tpu.memref_squeeze %dma_start3A_303 : memref<1x128xi32, #tpu.memory_space<vmem>> -> memref<128xi32, #tpu.memory_space<vmem>>
      %dma_start3A_305 = arith.constant 0 : i32
      %dma_start3A_306 = arith.constant 0 : i32
      %dma_start3A_307 = tpu.memref_slice %arg10[%dma_start3A_305, %dma_start3A_306] : memref<10240x16xf32, #tpu.memory_space<vmem_shared>> -> memref<10240x16xf32, #tpu.memory_space<vmem_shared>>
      tpu.enqueue_indirect_dma source(%dma_start3A_301 : memref<128x16xf32, #tpu.memory_space<vmem>>) target(%dma_start3A_307 : memref<10240x16xf32, #tpu.memory_space<vmem_shared>>) offsets(%dma_start3A_304 : memref<128xi32, #tpu.memory_space<vmem>>) semaphore(%arg23 : memref<!tpu.dma_semaphore, #tpu.memory_space<semaphore_mem>>) {add = true}
      %mul3A_308 = arith.constant 10 : i32
      %mul3A_309 = arith.muli %scan3A_243, %mul3A_308 : i32
      %add3A_310 = arith.constant 2 : i32
      %add3A_311 = arith.addi %mul3A_309, %add3A_310 : i32
      %add3A_312 = arith.constant 6 : i32
      %add3A_313 = arith.addi %add3A_311, %add3A_312 : i32
      %lt3A_314 = arith.constant 80 : i32
      %lt3A_315 = arith.cmpi slt, %add3A_313, %lt3A_314 : i32
      %convert_element_type3A_316 = arith.extui %lt3A_315 : i1 to i32
      %cond3A_317 = arith.constant 0 : i32
      %cond3A_318 = arith.cmpi ne, %convert_element_type3A_316, %cond3A_317 : i32
      scf.if %cond3A_318 {
        %ge3A = arith.constant 4 : i32
        %ge3A_573 = arith.cmpi sge, %add3A_311, %ge3A : i32
        %convert_element_type3A_574 = arith.extui %ge3A_573 : i1 to i32
        %cond3A_575 = arith.constant 0 : i32
        %cond3A_576 = arith.cmpi ne, %convert_element_type3A_574, %cond3A_575 : i32
        scf.if %cond3A_576 {
          %dma_wait3A_590 = arith.constant 0 : i32
          %dma_wait3A_591 = arith.constant 0 : i32
          %dma_wait3A_592 = arith.constant 0 : i32
          %dma_wait3A_593 = arith.constant 0 : i32
          %dma_wait3A_594 = tpu.memref_slice %arg8[%dma_wait3A_590, %dma_wait3A_592, %dma_wait3A_593] : memref<10x128x16xf32, #tpu.memory_space<vmem>> -> memref<1x128x16xf32, #tpu.memory_space<vmem>>
          %dma_wait3A_595 = tpu.memref_squeeze %dma_wait3A_594 : memref<1x128x16xf32, #tpu.memory_space<vmem>> -> memref<128x16xf32, #tpu.memory_space<vmem>>
          %dma_wait3A_596 = arith.constant 0 : i32
          %dma_wait3A_597 = tpu.memref_slice %arg7[%dma_wait3A_591, %dma_wait3A_596] : memref<80x128xi32, #tpu.memory_space<vmem>> -> memref<1x128xi32, #tpu.memory_space<vmem>>
          %dma_wait3A_598 = tpu.memref_squeeze %dma_wait3A_597 : memref<1x128xi32, #tpu.memory_space<vmem>> -> memref<128xi32, #tpu.memory_space<vmem>>
          %dma_wait3A_599 = arith.constant 0 : i32
          %dma_wait3A_600 = arith.constant 0 : i32
          %dma_wait3A_601 = tpu.memref_slice %arg10[%dma_wait3A_599, %dma_wait3A_600] : memref<10240x16xf32, #tpu.memory_space<vmem_shared>> -> memref<10240x16xf32, #tpu.memory_space<vmem_shared>>
          tpu.wait_indirect_dma semaphore(%arg30 : memref<!tpu.dma_semaphore, #tpu.memory_space<semaphore_mem>>) src(%dma_wait3A_595 : memref<128x16xf32, #tpu.memory_space<vmem>>) dst(%dma_wait3A_601 : memref<10240x16xf32, #tpu.memory_space<vmem_shared>>)
        } else {
        }
        %add3A_577 = arith.constant 6 : i32
        %add3A_578 = arith.addi %add3A_311, %add3A_577 : i32
        %dma_start3A_579 = arith.constant 8 : i32
        %dma_start3A_580 = arith.constant 0 : i32
        %dma_start3A_581 = arith.constant 0 : i32
        %dma_start3A_582 = tpu.memref_slice %arg8[%dma_start3A_579, %dma_start3A_580, %dma_start3A_581] : memref<10x128x16xf32, #tpu.memory_space<vmem>> -> memref<1x128x16xf32, #tpu.memory_space<vmem>>
        %dma_start3A_583 = tpu.memref_squeeze %dma_start3A_582 : memref<1x128x16xf32, #tpu.memory_space<vmem>> -> memref<128x16xf32, #tpu.memory_space<vmem>>
        %dma_start3A_584 = arith.constant 0 : i32
        %dma_start3A_585 = tpu.memref_slice %arg6[%add3A_578, %dma_start3A_584] : memref<80x128xi32, #tpu.memory_space<vmem>> -> memref<1x128xi32, #tpu.memory_space<vmem>>
        %dma_start3A_586 = tpu.memref_squeeze %dma_start3A_585 : memref<1x128xi32, #tpu.memory_space<vmem>> -> memref<128xi32, #tpu.memory_space<vmem>>
        %dma_start3A_587 = arith.constant 0 : i32
        %dma_start3A_588 = arith.constant 0 : i32
        %dma_start3A_589 = tpu.memref_slice %arg2[%dma_start3A_587, %dma_start3A_588] : memref<10240x16xf32, #tpu.memory_space<hbm>> -> memref<10240x16xf32, #tpu.memory_space<hbm>>
        tpu.enqueue_indirect_dma source(%dma_start3A_589 : memref<10240x16xf32, #tpu.memory_space<hbm>>) target(%dma_start3A_583 : memref<128x16xf32, #tpu.memory_space<vmem>>) offsets(%dma_start3A_586 : memref<128xi32, #tpu.memory_space<vmem>>) semaphore(%arg20 : memref<!tpu.dma_semaphore, #tpu.memory_space<semaphore_mem>>)
      } else {
      }
      %dma_wait3A_319 = arith.constant 2 : i32
      %dma_wait3A_320 = arith.constant 0 : i32
      %dma_wait3A_321 = arith.constant 0 : i32
      %dma_wait3A_322 = tpu.memref_slice %arg8[%dma_wait3A_319, %dma_wait3A_320, %dma_wait3A_321] : memref<10x128x16xf32, #tpu.memory_space<vmem>> -> memref<1x128x16xf32, #tpu.memory_space<vmem>>
      %dma_wait3A_323 = tpu.memref_squeeze %dma_wait3A_322 : memref<1x128x16xf32, #tpu.memory_space<vmem>> -> memref<128x16xf32, #tpu.memory_space<vmem>>
      %dma_wait3A_324 = arith.constant 0 : i32
      %dma_wait3A_325 = tpu.memref_slice %arg6[%add3A_311, %dma_wait3A_324] : memref<80x128xi32, #tpu.memory_space<vmem>> -> memref<1x128xi32, #tpu.memory_space<vmem>>
      %dma_wait3A_326 = tpu.memref_squeeze %dma_wait3A_325 : memref<1x128xi32, #tpu.memory_space<vmem>> -> memref<128xi32, #tpu.memory_space<vmem>>
      %dma_wait3A_327 = arith.constant 0 : i32
      %dma_wait3A_328 = arith.constant 0 : i32
      %dma_wait3A_329 = tpu.memref_slice %arg2[%dma_wait3A_327, %dma_wait3A_328] : memref<10240x16xf32, #tpu.memory_space<hbm>> -> memref<10240x16xf32, #tpu.memory_space<hbm>>
      tpu.wait_indirect_dma semaphore(%arg14 : memref<!tpu.dma_semaphore, #tpu.memory_space<semaphore_mem>>) src(%dma_wait3A_329 : memref<10240x16xf32, #tpu.memory_space<hbm>>) dst(%dma_wait3A_323 : memref<128x16xf32, #tpu.memory_space<vmem>>)
      %dma_start3A_330 = arith.constant 2 : i32
      %dma_start3A_331 = arith.constant 0 : i32
      %dma_start3A_332 = arith.constant 0 : i32
      %dma_start3A_333 = tpu.memref_slice %arg8[%dma_start3A_330, %dma_start3A_331, %dma_start3A_332] : memref<10x128x16xf32, #tpu.memory_space<vmem>> -> memref<1x128x16xf32, #tpu.memory_space<vmem>>
      %dma_start3A_334 = tpu.memref_squeeze %dma_start3A_333 : memref<1x128x16xf32, #tpu.memory_space<vmem>> -> memref<128x16xf32, #tpu.memory_space<vmem>>
      %dma_start3A_335 = arith.constant 0 : i32
      %dma_start3A_336 = tpu.memref_slice %arg7[%add3A_311, %dma_start3A_335] : memref<80x128xi32, #tpu.memory_space<vmem>> -> memref<1x128xi32, #tpu.memory_space<vmem>>
      %dma_start3A_337 = tpu.memref_squeeze %dma_start3A_336 : memref<1x128xi32, #tpu.memory_space<vmem>> -> memref<128xi32, #tpu.memory_space<vmem>>
      %dma_start3A_338 = arith.constant 0 : i32
      %dma_start3A_339 = arith.constant 0 : i32
      %dma_start3A_340 = tpu.memref_slice %arg10[%dma_start3A_338, %dma_start3A_339] : memref<10240x16xf32, #tpu.memory_space<vmem_shared>> -> memref<10240x16xf32, #tpu.memory_space<vmem_shared>>
      tpu.enqueue_indirect_dma source(%dma_start3A_334 : memref<128x16xf32, #tpu.memory_space<vmem>>) target(%dma_start3A_340 : memref<10240x16xf32, #tpu.memory_space<vmem_shared>>) offsets(%dma_start3A_337 : memref<128xi32, #tpu.memory_space<vmem>>) semaphore(%arg24 : memref<!tpu.dma_semaphore, #tpu.memory_space<semaphore_mem>>) {add = true}
      %mul3A_341 = arith.constant 10 : i32
      %mul3A_342 = arith.muli %scan3A_243, %mul3A_341 : i32
      %add3A_343 = arith.constant 3 : i32
      %add3A_344 = arith.addi %mul3A_342, %add3A_343 : i32
      %add3A_345 = arith.constant 6 : i32
      %add3A_346 = arith.addi %add3A_344, %add3A_345 : i32
      %lt3A_347 = arith.constant 80 : i32
      %lt3A_348 = arith.cmpi slt, %add3A_346, %lt3A_347 : i32
      %convert_element_type3A_349 = arith.extui %lt3A_348 : i1 to i32
      %cond3A_350 = arith.constant 0 : i32
      %cond3A_351 = arith.cmpi ne, %convert_element_type3A_349, %cond3A_350 : i32
      scf.if %cond3A_351 {
        %ge3A = arith.constant 4 : i32
        %ge3A_573 = arith.cmpi sge, %add3A_344, %ge3A : i32
        %convert_element_type3A_574 = arith.extui %ge3A_573 : i1 to i32
        %cond3A_575 = arith.constant 0 : i32
        %cond3A_576 = arith.cmpi ne, %convert_element_type3A_574, %cond3A_575 : i32
        scf.if %cond3A_576 {
          %dma_wait3A_590 = arith.constant 0 : i32
          %dma_wait3A_591 = arith.constant 0 : i32
          %dma_wait3A_592 = arith.constant 0 : i32
          %dma_wait3A_593 = arith.constant 0 : i32
          %dma_wait3A_594 = tpu.memref_slice %arg8[%dma_wait3A_590, %dma_wait3A_592, %dma_wait3A_593] : memref<10x128x16xf32, #tpu.memory_space<vmem>> -> memref<1x128x16xf32, #tpu.memory_space<vmem>>
          %dma_wait3A_595 = tpu.memref_squeeze %dma_wait3A_594 : memref<1x128x16xf32, #tpu.memory_space<vmem>> -> memref<128x16xf32, #tpu.memory_space<vmem>>
          %dma_wait3A_596 = arith.constant 0 : i32
          %dma_wait3A_597 = tpu.memref_slice %arg7[%dma_wait3A_591, %dma_wait3A_596] : memref<80x128xi32, #tpu.memory_space<vmem>> -> memref<1x128xi32, #tpu.memory_space<vmem>>
          %dma_wait3A_598 = tpu.memref_squeeze %dma_wait3A_597 : memref<1x128xi32, #tpu.memory_space<vmem>> -> memref<128xi32, #tpu.memory_space<vmem>>
          %dma_wait3A_599 = arith.constant 0 : i32
          %dma_wait3A_600 = arith.constant 0 : i32
          %dma_wait3A_601 = tpu.memref_slice %arg10[%dma_wait3A_599, %dma_wait3A_600] : memref<10240x16xf32, #tpu.memory_space<vmem_shared>> -> memref<10240x16xf32, #tpu.memory_space<vmem_shared>>
          tpu.wait_indirect_dma semaphore(%arg31 : memref<!tpu.dma_semaphore, #tpu.memory_space<semaphore_mem>>) src(%dma_wait3A_595 : memref<128x16xf32, #tpu.memory_space<vmem>>) dst(%dma_wait3A_601 : memref<10240x16xf32, #tpu.memory_space<vmem_shared>>)
        } else {
        }
        %add3A_577 = arith.constant 6 : i32
        %add3A_578 = arith.addi %add3A_344, %add3A_577 : i32
        %dma_start3A_579 = arith.constant 9 : i32
        %dma_start3A_580 = arith.constant 0 : i32
        %dma_start3A_581 = arith.constant 0 : i32
        %dma_start3A_582 = tpu.memref_slice %arg8[%dma_start3A_579, %dma_start3A_580, %dma_start3A_581] : memref<10x128x16xf32, #tpu.memory_space<vmem>> -> memref<1x128x16xf32, #tpu.memory_space<vmem>>
        %dma_start3A_583 = tpu.memref_squeeze %dma_start3A_582 : memref<1x128x16xf32, #tpu.memory_space<vmem>> -> memref<128x16xf32, #tpu.memory_space<vmem>>
        %dma_start3A_584 = arith.constant 0 : i32
        %dma_start3A_585 = tpu.memref_slice %arg6[%add3A_578, %dma_start3A_584] : memref<80x128xi32, #tpu.memory_space<vmem>> -> memref<1x128xi32, #tpu.memory_space<vmem>>
        %dma_start3A_586 = tpu.memref_squeeze %dma_start3A_585 : memref<1x128xi32, #tpu.memory_space<vmem>> -> memref<128xi32, #tpu.memory_space<vmem>>
        %dma_start3A_587 = arith.constant 0 : i32
        %dma_start3A_588 = arith.constant 0 : i32
        %dma_start3A_589 = tpu.memref_slice %arg2[%dma_start3A_587, %dma_start3A_588] : memref<10240x16xf32, #tpu.memory_space<hbm>> -> memref<10240x16xf32, #tpu.memory_space<hbm>>
        tpu.enqueue_indirect_dma source(%dma_start3A_589 : memref<10240x16xf32, #tpu.memory_space<hbm>>) target(%dma_start3A_583 : memref<128x16xf32, #tpu.memory_space<vmem>>) offsets(%dma_start3A_586 : memref<128xi32, #tpu.memory_space<vmem>>) semaphore(%arg21 : memref<!tpu.dma_semaphore, #tpu.memory_space<semaphore_mem>>)
      } else {
      }
      %dma_wait3A_352 = arith.constant 3 : i32
      %dma_wait3A_353 = arith.constant 0 : i32
      %dma_wait3A_354 = arith.constant 0 : i32
      %dma_wait3A_355 = tpu.memref_slice %arg8[%dma_wait3A_352, %dma_wait3A_353, %dma_wait3A_354] : memref<10x128x16xf32, #tpu.memory_space<vmem>> -> memref<1x128x16xf32, #tpu.memory_space<vmem>>
      %dma_wait3A_356 = tpu.memref_squeeze %dma_wait3A_355 : memref<1x128x16xf32, #tpu.memory_space<vmem>> -> memref<128x16xf32, #tpu.memory_space<vmem>>
      %dma_wait3A_357 = arith.constant 0 : i32
      %dma_wait3A_358 = tpu.memref_slice %arg6[%add3A_344, %dma_wait3A_357] : memref<80x128xi32, #tpu.memory_space<vmem>> -> memref<1x128xi32, #tpu.memory_space<vmem>>
      %dma_wait3A_359 = tpu.memref_squeeze %dma_wait3A_358 : memref<1x128xi32, #tpu.memory_space<vmem>> -> memref<128xi32, #tpu.memory_space<vmem>>
      %dma_wait3A_360 = arith.constant 0 : i32
      %dma_wait3A_361 = arith.constant 0 : i32
      %dma_wait3A_362 = tpu.memref_slice %arg2[%dma_wait3A_360, %dma_wait3A_361] : memref<10240x16xf32, #tpu.memory_space<hbm>> -> memref<10240x16xf32, #tpu.memory_space<hbm>>
      tpu.wait_indirect_dma semaphore(%arg15 : memref<!tpu.dma_semaphore, #tpu.memory_space<semaphore_mem>>) src(%dma_wait3A_362 : memref<10240x16xf32, #tpu.memory_space<hbm>>) dst(%dma_wait3A_356 : memref<128x16xf32, #tpu.memory_space<vmem>>)
      %dma_start3A_363 = arith.constant 3 : i32
      %dma_start3A_364 = arith.constant 0 : i32
      %dma_start3A_365 = arith.constant 0 : i32
      %dma_start3A_366 = tpu.memref_slice %arg8[%dma_start3A_363, %dma_start3A_364, %dma_start3A_365] : memref<10x128x16xf32, #tpu.memory_space<vmem>> -> memref<1x128x16xf32, #tpu.memory_space<vmem>>
      %dma_start3A_367 = tpu.memref_squeeze %dma_start3A_366 : memref<1x128x16xf32, #tpu.memory_space<vmem>> -> memref<128x16xf32, #tpu.memory_space<vmem>>
      %dma_start3A_368 = arith.constant 0 : i32
      %dma_start3A_369 = tpu.memref_slice %arg7[%add3A_344, %dma_start3A_368] : memref<80x128xi32, #tpu.memory_space<vmem>> -> memref<1x128xi32, #tpu.memory_space<vmem>>
      %dma_start3A_370 = tpu.memref_squeeze %dma_start3A_369 : memref<1x128xi32, #tpu.memory_space<vmem>> -> memref<128xi32, #tpu.memory_space<vmem>>
      %dma_start3A_371 = arith.constant 0 : i32
      %dma_start3A_372 = arith.constant 0 : i32
      %dma_start3A_373 = tpu.memref_slice %arg10[%dma_start3A_371, %dma_start3A_372] : memref<10240x16xf32, #tpu.memory_space<vmem_shared>> -> memref<10240x16xf32, #tpu.memory_space<vmem_shared>>
      tpu.enqueue_indirect_dma source(%dma_start3A_367 : memref<128x16xf32, #tpu.memory_space<vmem>>) target(%dma_start3A_373 : memref<10240x16xf32, #tpu.memory_space<vmem_shared>>) offsets(%dma_start3A_370 : memref<128xi32, #tpu.memory_space<vmem>>) semaphore(%arg25 : memref<!tpu.dma_semaphore, #tpu.memory_space<semaphore_mem>>) {add = true}
      %mul3A_374 = arith.constant 10 : i32
      %mul3A_375 = arith.muli %scan3A_243, %mul3A_374 : i32
      %add3A_376 = arith.constant 4 : i32
      %add3A_377 = arith.addi %mul3A_375, %add3A_376 : i32
      %add3A_378 = arith.constant 6 : i32
      %add3A_379 = arith.addi %add3A_377, %add3A_378 : i32
      %lt3A_380 = arith.constant 80 : i32
      %lt3A_381 = arith.cmpi slt, %add3A_379, %lt3A_380 : i32
      %convert_element_type3A_382 = arith.extui %lt3A_381 : i1 to i32
      %cond3A_383 = arith.constant 0 : i32
      %cond3A_384 = arith.cmpi ne, %convert_element_type3A_382, %cond3A_383 : i32
      scf.if %cond3A_384 {
        %ge3A = arith.constant 4 : i32
        %ge3A_573 = arith.cmpi sge, %add3A_377, %ge3A : i32
        %convert_element_type3A_574 = arith.extui %ge3A_573 : i1 to i32
        %cond3A_575 = arith.constant 0 : i32
        %cond3A_576 = arith.cmpi ne, %convert_element_type3A_574, %cond3A_575 : i32
        scf.if %cond3A_576 {
          %dma_wait3A_590 = arith.constant 0 : i32
          %dma_wait3A_591 = arith.constant 0 : i32
          %dma_wait3A_592 = arith.constant 0 : i32
          %dma_wait3A_593 = arith.constant 0 : i32
          %dma_wait3A_594 = tpu.memref_slice %arg8[%dma_wait3A_590, %dma_wait3A_592, %dma_wait3A_593] : memref<10x128x16xf32, #tpu.memory_space<vmem>> -> memref<1x128x16xf32, #tpu.memory_space<vmem>>
          %dma_wait3A_595 = tpu.memref_squeeze %dma_wait3A_594 : memref<1x128x16xf32, #tpu.memory_space<vmem>> -> memref<128x16xf32, #tpu.memory_space<vmem>>
          %dma_wait3A_596 = arith.constant 0 : i32
          %dma_wait3A_597 = tpu.memref_slice %arg7[%dma_wait3A_591, %dma_wait3A_596] : memref<80x128xi32, #tpu.memory_space<vmem>> -> memref<1x128xi32, #tpu.memory_space<vmem>>
          %dma_wait3A_598 = tpu.memref_squeeze %dma_wait3A_597 : memref<1x128xi32, #tpu.memory_space<vmem>> -> memref<128xi32, #tpu.memory_space<vmem>>
          %dma_wait3A_599 = arith.constant 0 : i32
          %dma_wait3A_600 = arith.constant 0 : i32
          %dma_wait3A_601 = tpu.memref_slice %arg10[%dma_wait3A_599, %dma_wait3A_600] : memref<10240x16xf32, #tpu.memory_space<vmem_shared>> -> memref<10240x16xf32, #tpu.memory_space<vmem_shared>>
          tpu.wait_indirect_dma semaphore(%arg22 : memref<!tpu.dma_semaphore, #tpu.memory_space<semaphore_mem>>) src(%dma_wait3A_595 : memref<128x16xf32, #tpu.memory_space<vmem>>) dst(%dma_wait3A_601 : memref<10240x16xf32, #tpu.memory_space<vmem_shared>>)
        } else {
        }
        %add3A_577 = arith.constant 6 : i32
        %add3A_578 = arith.addi %add3A_377, %add3A_577 : i32
        %dma_start3A_579 = arith.constant 0 : i32
        %dma_start3A_580 = arith.constant 0 : i32
        %dma_start3A_581 = arith.constant 0 : i32
        %dma_start3A_582 = tpu.memref_slice %arg8[%dma_start3A_579, %dma_start3A_580, %dma_start3A_581] : memref<10x128x16xf32, #tpu.memory_space<vmem>> -> memref<1x128x16xf32, #tpu.memory_space<vmem>>
        %dma_start3A_583 = tpu.memref_squeeze %dma_start3A_582 : memref<1x128x16xf32, #tpu.memory_space<vmem>> -> memref<128x16xf32, #tpu.memory_space<vmem>>
        %dma_start3A_584 = arith.constant 0 : i32
        %dma_start3A_585 = tpu.memref_slice %arg6[%add3A_578, %dma_start3A_584] : memref<80x128xi32, #tpu.memory_space<vmem>> -> memref<1x128xi32, #tpu.memory_space<vmem>>
        %dma_start3A_586 = tpu.memref_squeeze %dma_start3A_585 : memref<1x128xi32, #tpu.memory_space<vmem>> -> memref<128xi32, #tpu.memory_space<vmem>>
        %dma_start3A_587 = arith.constant 0 : i32
        %dma_start3A_588 = arith.constant 0 : i32
        %dma_start3A_589 = tpu.memref_slice %arg2[%dma_start3A_587, %dma_start3A_588] : memref<10240x16xf32, #tpu.memory_space<hbm>> -> memref<10240x16xf32, #tpu.memory_space<hbm>>
        tpu.enqueue_indirect_dma source(%dma_start3A_589 : memref<10240x16xf32, #tpu.memory_space<hbm>>) target(%dma_start3A_583 : memref<128x16xf32, #tpu.memory_space<vmem>>) offsets(%dma_start3A_586 : memref<128xi32, #tpu.memory_space<vmem>>) semaphore(%arg12 : memref<!tpu.dma_semaphore, #tpu.memory_space<semaphore_mem>>)
      } else {
      }
      %dma_wait3A_385 = arith.constant 4 : i32
      %dma_wait3A_386 = arith.constant 0 : i32
      %dma_wait3A_387 = arith.constant 0 : i32
      %dma_wait3A_388 = tpu.memref_slice %arg8[%dma_wait3A_385, %dma_wait3A_386, %dma_wait3A_387] : memref<10x128x16xf32, #tpu.memory_space<vmem>> -> memref<1x128x16xf32, #tpu.memory_space<vmem>>
      %dma_wait3A_389 = tpu.memref_squeeze %dma_wait3A_388 : memref<1x128x16xf32, #tpu.memory_space<vmem>> -> memref<128x16xf32, #tpu.memory_space<vmem>>
      %dma_wait3A_390 = arith.constant 0 : i32
      %dma_wait3A_391 = tpu.memref_slice %arg6[%add3A_377, %dma_wait3A_390] : memref<80x128xi32, #tpu.memory_space<vmem>> -> memref<1x128xi32, #tpu.memory_space<vmem>>
      %dma_wait3A_392 = tpu.memref_squeeze %dma_wait3A_391 : memref<1x128xi32, #tpu.memory_space<vmem>> -> memref<128xi32, #tpu.memory_space<vmem>>
      %dma_wait3A_393 = arith.constant 0 : i32
      %dma_wait3A_394 = arith.constant 0 : i32
      %dma_wait3A_395 = tpu.memref_slice %arg2[%dma_wait3A_393, %dma_wait3A_394] : memref<10240x16xf32, #tpu.memory_space<hbm>> -> memref<10240x16xf32, #tpu.memory_space<hbm>>
      tpu.wait_indirect_dma semaphore(%arg16 : memref<!tpu.dma_semaphore, #tpu.memory_space<semaphore_mem>>) src(%dma_wait3A_395 : memref<10240x16xf32, #tpu.memory_space<hbm>>) dst(%dma_wait3A_389 : memref<128x16xf32, #tpu.memory_space<vmem>>)
      %dma_start3A_396 = arith.constant 4 : i32
      %dma_start3A_397 = arith.constant 0 : i32
      %dma_start3A_398 = arith.constant 0 : i32
      %dma_start3A_399 = tpu.memref_slice %arg8[%dma_start3A_396, %dma_start3A_397, %dma_start3A_398] : memref<10x128x16xf32, #tpu.memory_space<vmem>> -> memref<1x128x16xf32, #tpu.memory_space<vmem>>
      %dma_start3A_400 = tpu.memref_squeeze %dma_start3A_399 : memref<1x128x16xf32, #tpu.memory_space<vmem>> -> memref<128x16xf32, #tpu.memory_space<vmem>>
      %dma_start3A_401 = arith.constant 0 : i32
      %dma_start3A_402 = tpu.memref_slice %arg7[%add3A_377, %dma_start3A_401] : memref<80x128xi32, #tpu.memory_space<vmem>> -> memref<1x128xi32, #tpu.memory_space<vmem>>
      %dma_start3A_403 = tpu.memref_squeeze %dma_start3A_402 : memref<1x128xi32, #tpu.memory_space<vmem>> -> memref<128xi32, #tpu.memory_space<vmem>>
      %dma_start3A_404 = arith.constant 0 : i32
      %dma_start3A_405 = arith.constant 0 : i32
      %dma_start3A_406 = tpu.memref_slice %arg10[%dma_start3A_404, %dma_start3A_405] : memref<10240x16xf32, #tpu.memory_space<vmem_shared>> -> memref<10240x16xf32, #tpu.memory_space<vmem_shared>>
      tpu.enqueue_indirect_dma source(%dma_start3A_400 : memref<128x16xf32, #tpu.memory_space<vmem>>) target(%dma_start3A_406 : memref<10240x16xf32, #tpu.memory_space<vmem_shared>>) offsets(%dma_start3A_403 : memref<128xi32, #tpu.memory_space<vmem>>) semaphore(%arg26 : memref<!tpu.dma_semaphore, #tpu.memory_space<semaphore_mem>>) {add = true}
      %mul3A_407 = arith.constant 10 : i32
      %mul3A_408 = arith.muli %scan3A_243, %mul3A_407 : i32
      %add3A_409 = arith.constant 5 : i32
      %add3A_410 = arith.addi %mul3A_408, %add3A_409 : i32
      %add3A_411 = arith.constant 6 : i32
      %add3A_412 = arith.addi %add3A_410, %add3A_411 : i32
      %lt3A_413 = arith.constant 80 : i32
      %lt3A_414 = arith.cmpi slt, %add3A_412, %lt3A_413 : i32
      %convert_element_type3A_415 = arith.extui %lt3A_414 : i1 to i32
      %cond3A_416 = arith.constant 0 : i32
      %cond3A_417 = arith.cmpi ne, %convert_element_type3A_415, %cond3A_416 : i32
      scf.if %cond3A_417 {
        %ge3A = arith.constant 4 : i32
        %ge3A_573 = arith.cmpi sge, %add3A_410, %ge3A : i32
        %convert_element_type3A_574 = arith.extui %ge3A_573 : i1 to i32
        %cond3A_575 = arith.constant 0 : i32
        %cond3A_576 = arith.cmpi ne, %convert_element_type3A_574, %cond3A_575 : i32
        scf.if %cond3A_576 {
          %dma_wait3A_590 = arith.constant 0 : i32
          %dma_wait3A_591 = arith.constant 0 : i32
          %dma_wait3A_592 = arith.constant 0 : i32
          %dma_wait3A_593 = arith.constant 0 : i32
          %dma_wait3A_594 = tpu.memref_slice %arg8[%dma_wait3A_590, %dma_wait3A_592, %dma_wait3A_593] : memref<10x128x16xf32, #tpu.memory_space<vmem>> -> memref<1x128x16xf32, #tpu.memory_space<vmem>>
          %dma_wait3A_595 = tpu.memref_squeeze %dma_wait3A_594 : memref<1x128x16xf32, #tpu.memory_space<vmem>> -> memref<128x16xf32, #tpu.memory_space<vmem>>
          %dma_wait3A_596 = arith.constant 0 : i32
          %dma_wait3A_597 = tpu.memref_slice %arg7[%dma_wait3A_591, %dma_wait3A_596] : memref<80x128xi32, #tpu.memory_space<vmem>> -> memref<1x128xi32, #tpu.memory_space<vmem>>
          %dma_wait3A_598 = tpu.memref_squeeze %dma_wait3A_597 : memref<1x128xi32, #tpu.memory_space<vmem>> -> memref<128xi32, #tpu.memory_space<vmem>>
          %dma_wait3A_599 = arith.constant 0 : i32
          %dma_wait3A_600 = arith.constant 0 : i32
          %dma_wait3A_601 = tpu.memref_slice %arg10[%dma_wait3A_599, %dma_wait3A_600] : memref<10240x16xf32, #tpu.memory_space<vmem_shared>> -> memref<10240x16xf32, #tpu.memory_space<vmem_shared>>
          tpu.wait_indirect_dma semaphore(%arg23 : memref<!tpu.dma_semaphore, #tpu.memory_space<semaphore_mem>>) src(%dma_wait3A_595 : memref<128x16xf32, #tpu.memory_space<vmem>>) dst(%dma_wait3A_601 : memref<10240x16xf32, #tpu.memory_space<vmem_shared>>)
        } else {
        }
        %add3A_577 = arith.constant 6 : i32
        %add3A_578 = arith.addi %add3A_410, %add3A_577 : i32
        %dma_start3A_579 = arith.constant 1 : i32
        %dma_start3A_580 = arith.constant 0 : i32
        %dma_start3A_581 = arith.constant 0 : i32
        %dma_start3A_582 = tpu.memref_slice %arg8[%dma_start3A_579, %dma_start3A_580, %dma_start3A_581] : memref<10x128x16xf32, #tpu.memory_space<vmem>> -> memref<1x128x16xf32, #tpu.memory_space<vmem>>
        %dma_start3A_583 = tpu.memref_squeeze %dma_start3A_582 : memref<1x128x16xf32, #tpu.memory_space<vmem>> -> memref<128x16xf32, #tpu.memory_space<vmem>>
        %dma_start3A_584 = arith.constant 0 : i32
        %dma_start3A_585 = tpu.memref_slice %arg6[%add3A_578, %dma_start3A_584] : memref<80x128xi32, #tpu.memory_space<vmem>> -> memref<1x128xi32, #tpu.memory_space<vmem>>
        %dma_start3A_586 = tpu.memref_squeeze %dma_start3A_585 : memref<1x128xi32, #tpu.memory_space<vmem>> -> memref<128xi32, #tpu.memory_space<vmem>>
        %dma_start3A_587 = arith.constant 0 : i32
        %dma_start3A_588 = arith.constant 0 : i32
        %dma_start3A_589 = tpu.memref_slice %arg2[%dma_start3A_587, %dma_start3A_588] : memref<10240x16xf32, #tpu.memory_space<hbm>> -> memref<10240x16xf32, #tpu.memory_space<hbm>>
        tpu.enqueue_indirect_dma source(%dma_start3A_589 : memref<10240x16xf32, #tpu.memory_space<hbm>>) target(%dma_start3A_583 : memref<128x16xf32, #tpu.memory_space<vmem>>) offsets(%dma_start3A_586 : memref<128xi32, #tpu.memory_space<vmem>>) semaphore(%arg13 : memref<!tpu.dma_semaphore, #tpu.memory_space<semaphore_mem>>)
      } else {
      }
      %dma_wait3A_418 = arith.constant 5 : i32
      %dma_wait3A_419 = arith.constant 0 : i32
      %dma_wait3A_420 = arith.constant 0 : i32
      %dma_wait3A_421 = tpu.memref_slice %arg8[%dma_wait3A_418, %dma_wait3A_419, %dma_wait3A_420] : memref<10x128x16xf32, #tpu.memory_space<vmem>> -> memref<1x128x16xf32, #tpu.memory_space<vmem>>
      %dma_wait3A_422 = tpu.memref_squeeze %dma_wait3A_421 : memref<1x128x16xf32, #tpu.memory_space<vmem>> -> memref<128x16xf32, #tpu.memory_space<vmem>>
      %dma_wait3A_423 = arith.constant 0 : i32
      %dma_wait3A_424 = tpu.memref_slice %arg6[%add3A_410, %dma_wait3A_423] : memref<80x128xi32, #tpu.memory_space<vmem>> -> memref<1x128xi32, #tpu.memory_space<vmem>>
      %dma_wait3A_425 = tpu.memref_squeeze %dma_wait3A_424 : memref<1x128xi32, #tpu.memory_space<vmem>> -> memref<128xi32, #tpu.memory_space<vmem>>
      %dma_wait3A_426 = arith.constant 0 : i32
      %dma_wait3A_427 = arith.constant 0 : i32
      %dma_wait3A_428 = tpu.memref_slice %arg2[%dma_wait3A_426, %dma_wait3A_427] : memref<10240x16xf32, #tpu.memory_space<hbm>> -> memref<10240x16xf32, #tpu.memory_space<hbm>>
      tpu.wait_indirect_dma semaphore(%arg17 : memref<!tpu.dma_semaphore, #tpu.memory_space<semaphore_mem>>) src(%dma_wait3A_428 : memref<10240x16xf32, #tpu.memory_space<hbm>>) dst(%dma_wait3A_422 : memref<128x16xf32, #tpu.memory_space<vmem>>)
      %dma_start3A_429 = arith.constant 5 : i32
      %dma_start3A_430 = arith.constant 0 : i32
      %dma_start3A_431 = arith.constant 0 : i32
      %dma_start3A_432 = tpu.memref_slice %arg8[%dma_start3A_429, %dma_start3A_430, %dma_start3A_431] : memref<10x128x16xf32, #tpu.memory_space<vmem>> -> memref<1x128x16xf32, #tpu.memory_space<vmem>>
      %dma_start3A_433 = tpu.memref_squeeze %dma_start3A_432 : memref<1x128x16xf32, #tpu.memory_space<vmem>> -> memref<128x16xf32, #tpu.memory_space<vmem>>
      %dma_start3A_434 = arith.constant 0 : i32
      %dma_start3A_435 = tpu.memref_slice %arg7[%add3A_410, %dma_start3A_434] : memref<80x128xi32, #tpu.memory_space<vmem>> -> memref<1x128xi32, #tpu.memory_space<vmem>>
      %dma_start3A_436 = tpu.memref_squeeze %dma_start3A_435 : memref<1x128xi32, #tpu.memory_space<vmem>> -> memref<128xi32, #tpu.memory_space<vmem>>
      %dma_start3A_437 = arith.constant 0 : i32
      %dma_start3A_438 = arith.constant 0 : i32
      %dma_start3A_439 = tpu.memref_slice %arg10[%dma_start3A_437, %dma_start3A_438] : memref<10240x16xf32, #tpu.memory_space<vmem_shared>> -> memref<10240x16xf32, #tpu.memory_space<vmem_shared>>
      tpu.enqueue_indirect_dma source(%dma_start3A_433 : memref<128x16xf32, #tpu.memory_space<vmem>>) target(%dma_start3A_439 : memref<10240x16xf32, #tpu.memory_space<vmem_shared>>) offsets(%dma_start3A_436 : memref<128xi32, #tpu.memory_space<vmem>>) semaphore(%arg27 : memref<!tpu.dma_semaphore, #tpu.memory_space<semaphore_mem>>) {add = true}
      %mul3A_440 = arith.constant 10 : i32
      %mul3A_441 = arith.muli %scan3A_243, %mul3A_440 : i32
      %add3A_442 = arith.constant 6 : i32
      %add3A_443 = arith.addi %mul3A_441, %add3A_442 : i32
      %add3A_444 = arith.constant 6 : i32
      %add3A_445 = arith.addi %add3A_443, %add3A_444 : i32
      %lt3A_446 = arith.constant 80 : i32
      %lt3A_447 = arith.cmpi slt, %add3A_445, %lt3A_446 : i32
      %convert_element_type3A_448 = arith.extui %lt3A_447 : i1 to i32
      %cond3A_449 = arith.constant 0 : i32
      %cond3A_450 = arith.cmpi ne, %convert_element_type3A_448, %cond3A_449 : i32
      scf.if %cond3A_450 {
        %ge3A = arith.constant 4 : i32
        %ge3A_573 = arith.cmpi sge, %add3A_443, %ge3A : i32
        %convert_element_type3A_574 = arith.extui %ge3A_573 : i1 to i32
        %cond3A_575 = arith.constant 0 : i32
        %cond3A_576 = arith.cmpi ne, %convert_element_type3A_574, %cond3A_575 : i32
        scf.if %cond3A_576 {
          %dma_wait3A_590 = arith.constant 0 : i32
          %dma_wait3A_591 = arith.constant 0 : i32
          %dma_wait3A_592 = arith.constant 0 : i32
          %dma_wait3A_593 = arith.constant 0 : i32
          %dma_wait3A_594 = tpu.memref_slice %arg8[%dma_wait3A_590, %dma_wait3A_592, %dma_wait3A_593] : memref<10x128x16xf32, #tpu.memory_space<vmem>> -> memref<1x128x16xf32, #tpu.memory_space<vmem>>
          %dma_wait3A_595 = tpu.memref_squeeze %dma_wait3A_594 : memref<1x128x16xf32, #tpu.memory_space<vmem>> -> memref<128x16xf32, #tpu.memory_space<vmem>>
          %dma_wait3A_596 = arith.constant 0 : i32
          %dma_wait3A_597 = tpu.memref_slice %arg7[%dma_wait3A_591, %dma_wait3A_596] : memref<80x128xi32, #tpu.memory_space<vmem>> -> memref<1x128xi32, #tpu.memory_space<vmem>>
          %dma_wait3A_598 = tpu.memref_squeeze %dma_wait3A_597 : memref<1x128xi32, #tpu.memory_space<vmem>> -> memref<128xi32, #tpu.memory_space<vmem>>
          %dma_wait3A_599 = arith.constant 0 : i32
          %dma_wait3A_600 = arith.constant 0 : i32
          %dma_wait3A_601 = tpu.memref_slice %arg10[%dma_wait3A_599, %dma_wait3A_600] : memref<10240x16xf32, #tpu.memory_space<vmem_shared>> -> memref<10240x16xf32, #tpu.memory_space<vmem_shared>>
          tpu.wait_indirect_dma semaphore(%arg24 : memref<!tpu.dma_semaphore, #tpu.memory_space<semaphore_mem>>) src(%dma_wait3A_595 : memref<128x16xf32, #tpu.memory_space<vmem>>) dst(%dma_wait3A_601 : memref<10240x16xf32, #tpu.memory_space<vmem_shared>>)
        } else {
        }
        %add3A_577 = arith.constant 6 : i32
        %add3A_578 = arith.addi %add3A_443, %add3A_577 : i32
        %dma_start3A_579 = arith.constant 2 : i32
        %dma_start3A_580 = arith.constant 0 : i32
        %dma_start3A_581 = arith.constant 0 : i32
        %dma_start3A_582 = tpu.memref_slice %arg8[%dma_start3A_579, %dma_start3A_580, %dma_start3A_581] : memref<10x128x16xf32, #tpu.memory_space<vmem>> -> memref<1x128x16xf32, #tpu.memory_space<vmem>>
        %dma_start3A_583 = tpu.memref_squeeze %dma_start3A_582 : memref<1x128x16xf32, #tpu.memory_space<vmem>> -> memref<128x16xf32, #tpu.memory_space<vmem>>
        %dma_start3A_584 = arith.constant 0 : i32
        %dma_start3A_585 = tpu.memref_slice %arg6[%add3A_578, %dma_start3A_584] : memref<80x128xi32, #tpu.memory_space<vmem>> -> memref<1x128xi32, #tpu.memory_space<vmem>>
        %dma_start3A_586 = tpu.memref_squeeze %dma_start3A_585 : memref<1x128xi32, #tpu.memory_space<vmem>> -> memref<128xi32, #tpu.memory_space<vmem>>
        %dma_start3A_587 = arith.constant 0 : i32
        %dma_start3A_588 = arith.constant 0 : i32
        %dma_start3A_589 = tpu.memref_slice %arg2[%dma_start3A_587, %dma_start3A_588] : memref<10240x16xf32, #tpu.memory_space<hbm>> -> memref<10240x16xf32, #tpu.memory_space<hbm>>
        tpu.enqueue_indirect_dma source(%dma_start3A_589 : memref<10240x16xf32, #tpu.memory_space<hbm>>) target(%dma_start3A_583 : memref<128x16xf32, #tpu.memory_space<vmem>>) offsets(%dma_start3A_586 : memref<128xi32, #tpu.memory_space<vmem>>) semaphore(%arg14 : memref<!tpu.dma_semaphore, #tpu.memory_space<semaphore_mem>>)
      } else {
      }
      %dma_wait3A_451 = arith.constant 6 : i32
      %dma_wait3A_452 = arith.constant 0 : i32
      %dma_wait3A_453 = arith.constant 0 : i32
      %dma_wait3A_454 = tpu.memref_slice %arg8[%dma_wait3A_451, %dma_wait3A_452, %dma_wait3A_453] : memref<10x128x16xf32, #tpu.memory_space<vmem>> -> memref<1x128x16xf32, #tpu.memory_space<vmem>>
      %dma_wait3A_455 = tpu.memref_squeeze %dma_wait3A_454 : memref<1x128x16xf32, #tpu.memory_space<vmem>> -> memref<128x16xf32, #tpu.memory_space<vmem>>
      %dma_wait3A_456 = arith.constant 0 : i32
      %dma_wait3A_457 = tpu.memref_slice %arg6[%add3A_443, %dma_wait3A_456] : memref<80x128xi32, #tpu.memory_space<vmem>> -> memref<1x128xi32, #tpu.memory_space<vmem>>
      %dma_wait3A_458 = tpu.memref_squeeze %dma_wait3A_457 : memref<1x128xi32, #tpu.memory_space<vmem>> -> memref<128xi32, #tpu.memory_space<vmem>>
      %dma_wait3A_459 = arith.constant 0 : i32
      %dma_wait3A_460 = arith.constant 0 : i32
      %dma_wait3A_461 = tpu.memref_slice %arg2[%dma_wait3A_459, %dma_wait3A_460] : memref<10240x16xf32, #tpu.memory_space<hbm>> -> memref<10240x16xf32, #tpu.memory_space<hbm>>
      tpu.wait_indirect_dma semaphore(%arg18 : memref<!tpu.dma_semaphore, #tpu.memory_space<semaphore_mem>>) src(%dma_wait3A_461 : memref<10240x16xf32, #tpu.memory_space<hbm>>) dst(%dma_wait3A_455 : memref<128x16xf32, #tpu.memory_space<vmem>>)
      %dma_start3A_462 = arith.constant 6 : i32
      %dma_start3A_463 = arith.constant 0 : i32
      %dma_start3A_464 = arith.constant 0 : i32
      %dma_start3A_465 = tpu.memref_slice %arg8[%dma_start3A_462, %dma_start3A_463, %dma_start3A_464] : memref<10x128x16xf32, #tpu.memory_space<vmem>> -> memref<1x128x16xf32, #tpu.memory_space<vmem>>
      %dma_start3A_466 = tpu.memref_squeeze %dma_start3A_465 : memref<1x128x16xf32, #tpu.memory_space<vmem>> -> memref<128x16xf32, #tpu.memory_space<vmem>>
      %dma_start3A_467 = arith.constant 0 : i32
      %dma_start3A_468 = tpu.memref_slice %arg7[%add3A_443, %dma_start3A_467] : memref<80x128xi32, #tpu.memory_space<vmem>> -> memref<1x128xi32, #tpu.memory_space<vmem>>
      %dma_start3A_469 = tpu.memref_squeeze %dma_start3A_468 : memref<1x128xi32, #tpu.memory_space<vmem>> -> memref<128xi32, #tpu.memory_space<vmem>>
      %dma_start3A_470 = arith.constant 0 : i32
      %dma_start3A_471 = arith.constant 0 : i32
      %dma_start3A_472 = tpu.memref_slice %arg10[%dma_start3A_470, %dma_start3A_471] : memref<10240x16xf32, #tpu.memory_space<vmem_shared>> -> memref<10240x16xf32, #tpu.memory_space<vmem_shared>>
      tpu.enqueue_indirect_dma source(%dma_start3A_466 : memref<128x16xf32, #tpu.memory_space<vmem>>) target(%dma_start3A_472 : memref<10240x16xf32, #tpu.memory_space<vmem_shared>>) offsets(%dma_start3A_469 : memref<128xi32, #tpu.memory_space<vmem>>) semaphore(%arg28 : memref<!tpu.dma_semaphore, #tpu.memory_space<semaphore_mem>>) {add = true}
      %mul3A_473 = arith.constant 10 : i32
      %mul3A_474 = arith.muli %scan3A_243, %mul3A_473 : i32
      %add3A_475 = arith.constant 7 : i32
      %add3A_476 = arith.addi %mul3A_474, %add3A_475 : i32
      %add3A_477 = arith.constant 6 : i32
      %add3A_478 = arith.addi %add3A_476, %add3A_477 : i32
      %lt3A_479 = arith.constant 80 : i32
      %lt3A_480 = arith.cmpi slt, %add3A_478, %lt3A_479 : i32
      %convert_element_type3A_481 = arith.extui %lt3A_480 : i1 to i32
      %cond3A_482 = arith.constant 0 : i32
      %cond3A_483 = arith.cmpi ne, %convert_element_type3A_481, %cond3A_482 : i32
      scf.if %cond3A_483 {
        %ge3A = arith.constant 4 : i32
        %ge3A_573 = arith.cmpi sge, %add3A_476, %ge3A : i32
        %convert_element_type3A_574 = arith.extui %ge3A_573 : i1 to i32
        %cond3A_575 = arith.constant 0 : i32
        %cond3A_576 = arith.cmpi ne, %convert_element_type3A_574, %cond3A_575 : i32
        scf.if %cond3A_576 {
          %dma_wait3A_590 = arith.constant 0 : i32
          %dma_wait3A_591 = arith.constant 0 : i32
          %dma_wait3A_592 = arith.constant 0 : i32
          %dma_wait3A_593 = arith.constant 0 : i32
          %dma_wait3A_594 = tpu.memref_slice %arg8[%dma_wait3A_590, %dma_wait3A_592, %dma_wait3A_593] : memref<10x128x16xf32, #tpu.memory_space<vmem>> -> memref<1x128x16xf32, #tpu.memory_space<vmem>>
          %dma_wait3A_595 = tpu.memref_squeeze %dma_wait3A_594 : memref<1x128x16xf32, #tpu.memory_space<vmem>> -> memref<128x16xf32, #tpu.memory_space<vmem>>
          %dma_wait3A_596 = arith.constant 0 : i32
          %dma_wait3A_597 = tpu.memref_slice %arg7[%dma_wait3A_591, %dma_wait3A_596] : memref<80x128xi32, #tpu.memory_space<vmem>> -> memref<1x128xi32, #tpu.memory_space<vmem>>
          %dma_wait3A_598 = tpu.memref_squeeze %dma_wait3A_597 : memref<1x128xi32, #tpu.memory_space<vmem>> -> memref<128xi32, #tpu.memory_space<vmem>>
          %dma_wait3A_599 = arith.constant 0 : i32
          %dma_wait3A_600 = arith.constant 0 : i32
          %dma_wait3A_601 = tpu.memref_slice %arg10[%dma_wait3A_599, %dma_wait3A_600] : memref<10240x16xf32, #tpu.memory_space<vmem_shared>> -> memref<10240x16xf32, #tpu.memory_space<vmem_shared>>
          tpu.wait_indirect_dma semaphore(%arg25 : memref<!tpu.dma_semaphore, #tpu.memory_space<semaphore_mem>>) src(%dma_wait3A_595 : memref<128x16xf32, #tpu.memory_space<vmem>>) dst(%dma_wait3A_601 : memref<10240x16xf32, #tpu.memory_space<vmem_shared>>)
        } else {
        }
        %add3A_577 = arith.constant 6 : i32
        %add3A_578 = arith.addi %add3A_476, %add3A_577 : i32
        %dma_start3A_579 = arith.constant 3 : i32
        %dma_start3A_580 = arith.constant 0 : i32
        %dma_start3A_581 = arith.constant 0 : i32
        %dma_start3A_582 = tpu.memref_slice %arg8[%dma_start3A_579, %dma_start3A_580, %dma_start3A_581] : memref<10x128x16xf32, #tpu.memory_space<vmem>> -> memref<1x128x16xf32, #tpu.memory_space<vmem>>
        %dma_start3A_583 = tpu.memref_squeeze %dma_start3A_582 : memref<1x128x16xf32, #tpu.memory_space<vmem>> -> memref<128x16xf32, #tpu.memory_space<vmem>>
        %dma_start3A_584 = arith.constant 0 : i32
        %dma_start3A_585 = tpu.memref_slice %arg6[%add3A_578, %dma_start3A_584] : memref<80x128xi32, #tpu.memory_space<vmem>> -> memref<1x128xi32, #tpu.memory_space<vmem>>
        %dma_start3A_586 = tpu.memref_squeeze %dma_start3A_585 : memref<1x128xi32, #tpu.memory_space<vmem>> -> memref<128xi32, #tpu.memory_space<vmem>>
        %dma_start3A_587 = arith.constant 0 : i32
        %dma_start3A_588 = arith.constant 0 : i32
        %dma_start3A_589 = tpu.memref_slice %arg2[%dma_start3A_587, %dma_start3A_588] : memref<10240x16xf32, #tpu.memory_space<hbm>> -> memref<10240x16xf32, #tpu.memory_space<hbm>>
        tpu.enqueue_indirect_dma source(%dma_start3A_589 : memref<10240x16xf32, #tpu.memory_space<hbm>>) target(%dma_start3A_583 : memref<128x16xf32, #tpu.memory_space<vmem>>) offsets(%dma_start3A_586 : memref<128xi32, #tpu.memory_space<vmem>>) semaphore(%arg15 : memref<!tpu.dma_semaphore, #tpu.memory_space<semaphore_mem>>)
      } else {
      }
      %dma_wait3A_484 = arith.constant 7 : i32
      %dma_wait3A_485 = arith.constant 0 : i32
      %dma_wait3A_486 = arith.constant 0 : i32
      %dma_wait3A_487 = tpu.memref_slice %arg8[%dma_wait3A_484, %dma_wait3A_485, %dma_wait3A_486] : memref<10x128x16xf32, #tpu.memory_space<vmem>> -> memref<1x128x16xf32, #tpu.memory_space<vmem>>
      %dma_wait3A_488 = tpu.memref_squeeze %dma_wait3A_487 : memref<1x128x16xf32, #tpu.memory_space<vmem>> -> memref<128x16xf32, #tpu.memory_space<vmem>>
      %dma_wait3A_489 = arith.constant 0 : i32
      %dma_wait3A_490 = tpu.memref_slice %arg6[%add3A_476, %dma_wait3A_489] : memref<80x128xi32, #tpu.memory_space<vmem>> -> memref<1x128xi32, #tpu.memory_space<vmem>>
      %dma_wait3A_491 = tpu.memref_squeeze %dma_wait3A_490 : memref<1x128xi32, #tpu.memory_space<vmem>> -> memref<128xi32, #tpu.memory_space<vmem>>
      %dma_wait3A_492 = arith.constant 0 : i32
      %dma_wait3A_493 = arith.constant 0 : i32
      %dma_wait3A_494 = tpu.memref_slice %arg2[%dma_wait3A_492, %dma_wait3A_493] : memref<10240x16xf32, #tpu.memory_space<hbm>> -> memref<10240x16xf32, #tpu.memory_space<hbm>>
      tpu.wait_indirect_dma semaphore(%arg19 : memref<!tpu.dma_semaphore, #tpu.memory_space<semaphore_mem>>) src(%dma_wait3A_494 : memref<10240x16xf32, #tpu.memory_space<hbm>>) dst(%dma_wait3A_488 : memref<128x16xf32, #tpu.memory_space<vmem>>)
      %dma_start3A_495 = arith.constant 7 : i32
      %dma_start3A_496 = arith.constant 0 : i32
      %dma_start3A_497 = arith.constant 0 : i32
      %dma_start3A_498 = tpu.memref_slice %arg8[%dma_start3A_495, %dma_start3A_496, %dma_start3A_497] : memref<10x128x16xf32, #tpu.memory_space<vmem>> -> memref<1x128x16xf32, #tpu.memory_space<vmem>>
      %dma_start3A_499 = tpu.memref_squeeze %dma_start3A_498 : memref<1x128x16xf32, #tpu.memory_space<vmem>> -> memref<128x16xf32, #tpu.memory_space<vmem>>
      %dma_start3A_500 = arith.constant 0 : i32
      %dma_start3A_501 = tpu.memref_slice %arg7[%add3A_476, %dma_start3A_500] : memref<80x128xi32, #tpu.memory_space<vmem>> -> memref<1x128xi32, #tpu.memory_space<vmem>>
      %dma_start3A_502 = tpu.memref_squeeze %dma_start3A_501 : memref<1x128xi32, #tpu.memory_space<vmem>> -> memref<128xi32, #tpu.memory_space<vmem>>
      %dma_start3A_503 = arith.constant 0 : i32
      %dma_start3A_504 = arith.constant 0 : i32
      %dma_start3A_505 = tpu.memref_slice %arg10[%dma_start3A_503, %dma_start3A_504] : memref<10240x16xf32, #tpu.memory_space<vmem_shared>> -> memref<10240x16xf32, #tpu.memory_space<vmem_shared>>
      tpu.enqueue_indirect_dma source(%dma_start3A_499 : memref<128x16xf32, #tpu.memory_space<vmem>>) target(%dma_start3A_505 : memref<10240x16xf32, #tpu.memory_space<vmem_shared>>) offsets(%dma_start3A_502 : memref<128xi32, #tpu.memory_space<vmem>>) semaphore(%arg29 : memref<!tpu.dma_semaphore, #tpu.memory_space<semaphore_mem>>) {add = true}
      %mul3A_506 = arith.constant 10 : i32
      %mul3A_507 = arith.muli %scan3A_243, %mul3A_506 : i32
      %add3A_508 = arith.constant 8 : i32
      %add3A_509 = arith.addi %mul3A_507, %add3A_508 : i32
      %add3A_510 = arith.constant 6 : i32
      %add3A_511 = arith.addi %add3A_509, %add3A_510 : i32
      %lt3A_512 = arith.constant 80 : i32
      %lt3A_513 = arith.cmpi slt, %add3A_511, %lt3A_512 : i32
      %convert_element_type3A_514 = arith.extui %lt3A_513 : i1 to i32
      %cond3A_515 = arith.constant 0 : i32
      %cond3A_516 = arith.cmpi ne, %convert_element_type3A_514, %cond3A_515 : i32
      scf.if %cond3A_516 {
        %ge3A = arith.constant 4 : i32
        %ge3A_573 = arith.cmpi sge, %add3A_509, %ge3A : i32
        %convert_element_type3A_574 = arith.extui %ge3A_573 : i1 to i32
        %cond3A_575 = arith.constant 0 : i32
        %cond3A_576 = arith.cmpi ne, %convert_element_type3A_574, %cond3A_575 : i32
        scf.if %cond3A_576 {
          %dma_wait3A_590 = arith.constant 0 : i32
          %dma_wait3A_591 = arith.constant 0 : i32
          %dma_wait3A_592 = arith.constant 0 : i32
          %dma_wait3A_593 = arith.constant 0 : i32
          %dma_wait3A_594 = tpu.memref_slice %arg8[%dma_wait3A_590, %dma_wait3A_592, %dma_wait3A_593] : memref<10x128x16xf32, #tpu.memory_space<vmem>> -> memref<1x128x16xf32, #tpu.memory_space<vmem>>
          %dma_wait3A_595 = tpu.memref_squeeze %dma_wait3A_594 : memref<1x128x16xf32, #tpu.memory_space<vmem>> -> memref<128x16xf32, #tpu.memory_space<vmem>>
          %dma_wait3A_596 = arith.constant 0 : i32
          %dma_wait3A_597 = tpu.memref_slice %arg7[%dma_wait3A_591, %dma_wait3A_596] : memref<80x128xi32, #tpu.memory_space<vmem>> -> memref<1x128xi32, #tpu.memory_space<vmem>>
          %dma_wait3A_598 = tpu.memref_squeeze %dma_wait3A_597 : memref<1x128xi32, #tpu.memory_space<vmem>> -> memref<128xi32, #tpu.memory_space<vmem>>
          %dma_wait3A_599 = arith.constant 0 : i32
          %dma_wait3A_600 = arith.constant 0 : i32
          %dma_wait3A_601 = tpu.memref_slice %arg10[%dma_wait3A_599, %dma_wait3A_600] : memref<10240x16xf32, #tpu.memory_space<vmem_shared>> -> memref<10240x16xf32, #tpu.memory_space<vmem_shared>>
          tpu.wait_indirect_dma semaphore(%arg26 : memref<!tpu.dma_semaphore, #tpu.memory_space<semaphore_mem>>) src(%dma_wait3A_595 : memref<128x16xf32, #tpu.memory_space<vmem>>) dst(%dma_wait3A_601 : memref<10240x16xf32, #tpu.memory_space<vmem_shared>>)
        } else {
        }
        %add3A_577 = arith.constant 6 : i32
        %add3A_578 = arith.addi %add3A_509, %add3A_577 : i32
        %dma_start3A_579 = arith.constant 4 : i32
        %dma_start3A_580 = arith.constant 0 : i32
        %dma_start3A_581 = arith.constant 0 : i32
        %dma_start3A_582 = tpu.memref_slice %arg8[%dma_start3A_579, %dma_start3A_580, %dma_start3A_581] : memref<10x128x16xf32, #tpu.memory_space<vmem>> -> memref<1x128x16xf32, #tpu.memory_space<vmem>>
        %dma_start3A_583 = tpu.memref_squeeze %dma_start3A_582 : memref<1x128x16xf32, #tpu.memory_space<vmem>> -> memref<128x16xf32, #tpu.memory_space<vmem>>
        %dma_start3A_584 = arith.constant 0 : i32
        %dma_start3A_585 = tpu.memref_slice %arg6[%add3A_578, %dma_start3A_584] : memref<80x128xi32, #tpu.memory_space<vmem>> -> memref<1x128xi32, #tpu.memory_space<vmem>>
        %dma_start3A_586 = tpu.memref_squeeze %dma_start3A_585 : memref<1x128xi32, #tpu.memory_space<vmem>> -> memref<128xi32, #tpu.memory_space<vmem>>
        %dma_start3A_587 = arith.constant 0 : i32
        %dma_start3A_588 = arith.constant 0 : i32
        %dma_start3A_589 = tpu.memref_slice %arg2[%dma_start3A_587, %dma_start3A_588] : memref<10240x16xf32, #tpu.memory_space<hbm>> -> memref<10240x16xf32, #tpu.memory_space<hbm>>
        tpu.enqueue_indirect_dma source(%dma_start3A_589 : memref<10240x16xf32, #tpu.memory_space<hbm>>) target(%dma_start3A_583 : memref<128x16xf32, #tpu.memory_space<vmem>>) offsets(%dma_start3A_586 : memref<128xi32, #tpu.memory_space<vmem>>) semaphore(%arg16 : memref<!tpu.dma_semaphore, #tpu.memory_space<semaphore_mem>>)
      } else {
      }
      %dma_wait3A_517 = arith.constant 8 : i32
      %dma_wait3A_518 = arith.constant 0 : i32
      %dma_wait3A_519 = arith.constant 0 : i32
      %dma_wait3A_520 = tpu.memref_slice %arg8[%dma_wait3A_517, %dma_wait3A_518, %dma_wait3A_519] : memref<10x128x16xf32, #tpu.memory_space<vmem>> -> memref<1x128x16xf32, #tpu.memory_space<vmem>>
      %dma_wait3A_521 = tpu.memref_squeeze %dma_wait3A_520 : memref<1x128x16xf32, #tpu.memory_space<vmem>> -> memref<128x16xf32, #tpu.memory_space<vmem>>
      %dma_wait3A_522 = arith.constant 0 : i32
      %dma_wait3A_523 = tpu.memref_slice %arg6[%add3A_509, %dma_wait3A_522] : memref<80x128xi32, #tpu.memory_space<vmem>> -> memref<1x128xi32, #tpu.memory_space<vmem>>
      %dma_wait3A_524 = tpu.memref_squeeze %dma_wait3A_523 : memref<1x128xi32, #tpu.memory_space<vmem>> -> memref<128xi32, #tpu.memory_space<vmem>>
      %dma_wait3A_525 = arith.constant 0 : i32
      %dma_wait3A_526 = arith.constant 0 : i32
      %dma_wait3A_527 = tpu.memref_slice %arg2[%dma_wait3A_525, %dma_wait3A_526] : memref<10240x16xf32, #tpu.memory_space<hbm>> -> memref<10240x16xf32, #tpu.memory_space<hbm>>
      tpu.wait_indirect_dma semaphore(%arg20 : memref<!tpu.dma_semaphore, #tpu.memory_space<semaphore_mem>>) src(%dma_wait3A_527 : memref<10240x16xf32, #tpu.memory_space<hbm>>) dst(%dma_wait3A_521 : memref<128x16xf32, #tpu.memory_space<vmem>>)
      %dma_start3A_528 = arith.constant 8 : i32
      %dma_start3A_529 = arith.constant 0 : i32
      %dma_start3A_530 = arith.constant 0 : i32
      %dma_start3A_531 = tpu.memref_slice %arg8[%dma_start3A_528, %dma_start3A_529, %dma_start3A_530] : memref<10x128x16xf32, #tpu.memory_space<vmem>> -> memref<1x128x16xf32, #tpu.memory_space<vmem>>
      %dma_start3A_532 = tpu.memref_squeeze %dma_start3A_531 : memref<1x128x16xf32, #tpu.memory_space<vmem>> -> memref<128x16xf32, #tpu.memory_space<vmem>>
      %dma_start3A_533 = arith.constant 0 : i32
      %dma_start3A_534 = tpu.memref_slice %arg7[%add3A_509, %dma_start3A_533] : memref<80x128xi32, #tpu.memory_space<vmem>> -> memref<1x128xi32, #tpu.memory_space<vmem>>
      %dma_start3A_535 = tpu.memref_squeeze %dma_start3A_534 : memref<1x128xi32, #tpu.memory_space<vmem>> -> memref<128xi32, #tpu.memory_space<vmem>>
      %dma_start3A_536 = arith.constant 0 : i32
      %dma_start3A_537 = arith.constant 0 : i32
      %dma_start3A_538 = tpu.memref_slice %arg10[%dma_start3A_536, %dma_start3A_537] : memref<10240x16xf32, #tpu.memory_space<vmem_shared>> -> memref<10240x16xf32, #tpu.memory_space<vmem_shared>>
      tpu.enqueue_indirect_dma source(%dma_start3A_532 : memref<128x16xf32, #tpu.memory_space<vmem>>) target(%dma_start3A_538 : memref<10240x16xf32, #tpu.memory_space<vmem_shared>>) offsets(%dma_start3A_535 : memref<128xi32, #tpu.memory_space<vmem>>) semaphore(%arg30 : memref<!tpu.dma_semaphore, #tpu.memory_space<semaphore_mem>>) {add = true}
      %mul3A_539 = arith.constant 10 : i32
      %mul3A_540 = arith.muli %scan3A_243, %mul3A_539 : i32
      %add3A_541 = arith.constant 9 : i32
      %add3A_542 = arith.addi %mul3A_540, %add3A_541 : i32
      %add3A_543 = arith.constant 6 : i32
      %add3A_544 = arith.addi %add3A_542, %add3A_543 : i32
      %lt3A_545 = arith.constant 80 : i32
      %lt3A_546 = arith.cmpi slt, %add3A_544, %lt3A_545 : i32
      %convert_element_type3A_547 = arith.extui %lt3A_546 : i1 to i32
      %cond3A_548 = arith.constant 0 : i32
      %cond3A_549 = arith.cmpi ne, %convert_element_type3A_547, %cond3A_548 : i32
      scf.if %cond3A_549 {
        %ge3A = arith.constant 4 : i32
        %ge3A_573 = arith.cmpi sge, %add3A_542, %ge3A : i32
        %convert_element_type3A_574 = arith.extui %ge3A_573 : i1 to i32
        %cond3A_575 = arith.constant 0 : i32
        %cond3A_576 = arith.cmpi ne, %convert_element_type3A_574, %cond3A_575 : i32
        scf.if %cond3A_576 {
          %dma_wait3A_590 = arith.constant 0 : i32
          %dma_wait3A_591 = arith.constant 0 : i32
          %dma_wait3A_592 = arith.constant 0 : i32
          %dma_wait3A_593 = arith.constant 0 : i32
          %dma_wait3A_594 = tpu.memref_slice %arg8[%dma_wait3A_590, %dma_wait3A_592, %dma_wait3A_593] : memref<10x128x16xf32, #tpu.memory_space<vmem>> -> memref<1x128x16xf32, #tpu.memory_space<vmem>>
          %dma_wait3A_595 = tpu.memref_squeeze %dma_wait3A_594 : memref<1x128x16xf32, #tpu.memory_space<vmem>> -> memref<128x16xf32, #tpu.memory_space<vmem>>
          %dma_wait3A_596 = arith.constant 0 : i32
          %dma_wait3A_597 = tpu.memref_slice %arg7[%dma_wait3A_591, %dma_wait3A_596] : memref<80x128xi32, #tpu.memory_space<vmem>> -> memref<1x128xi32, #tpu.memory_space<vmem>>
          %dma_wait3A_598 = tpu.memref_squeeze %dma_wait3A_597 : memref<1x128xi32, #tpu.memory_space<vmem>> -> memref<128xi32, #tpu.memory_space<vmem>>
          %dma_wait3A_599 = arith.constant 0 : i32
          %dma_wait3A_600 = arith.constant 0 : i32
          %dma_wait3A_601 = tpu.memref_slice %arg10[%dma_wait3A_599, %dma_wait3A_600] : memref<10240x16xf32, #tpu.memory_space<vmem_shared>> -> memref<10240x16xf32, #tpu.memory_space<vmem_shared>>
          tpu.wait_indirect_dma semaphore(%arg27 : memref<!tpu.dma_semaphore, #tpu.memory_space<semaphore_mem>>) src(%dma_wait3A_595 : memref<128x16xf32, #tpu.memory_space<vmem>>) dst(%dma_wait3A_601 : memref<10240x16xf32, #tpu.memory_space<vmem_shared>>)
        } else {
        }
        %add3A_577 = arith.constant 6 : i32
        %add3A_578 = arith.addi %add3A_542, %add3A_577 : i32
        %dma_start3A_579 = arith.constant 5 : i32
        %dma_start3A_580 = arith.constant 0 : i32
        %dma_start3A_581 = arith.constant 0 : i32
        %dma_start3A_582 = tpu.memref_slice %arg8[%dma_start3A_579, %dma_start3A_580, %dma_start3A_581] : memref<10x128x16xf32, #tpu.memory_space<vmem>> -> memref<1x128x16xf32, #tpu.memory_space<vmem>>
        %dma_start3A_583 = tpu.memref_squeeze %dma_start3A_582 : memref<1x128x16xf32, #tpu.memory_space<vmem>> -> memref<128x16xf32, #tpu.memory_space<vmem>>
        %dma_start3A_584 = arith.constant 0 : i32
        %dma_start3A_585 = tpu.memref_slice %arg6[%add3A_578, %dma_start3A_584] : memref<80x128xi32, #tpu.memory_space<vmem>> -> memref<1x128xi32, #tpu.memory_space<vmem>>
        %dma_start3A_586 = tpu.memref_squeeze %dma_start3A_585 : memref<1x128xi32, #tpu.memory_space<vmem>> -> memref<128xi32, #tpu.memory_space<vmem>>
        %dma_start3A_587 = arith.constant 0 : i32
        %dma_start3A_588 = arith.constant 0 : i32
        %dma_start3A_589 = tpu.memref_slice %arg2[%dma_start3A_587, %dma_start3A_588] : memref<10240x16xf32, #tpu.memory_space<hbm>> -> memref<10240x16xf32, #tpu.memory_space<hbm>>
        tpu.enqueue_indirect_dma source(%dma_start3A_589 : memref<10240x16xf32, #tpu.memory_space<hbm>>) target(%dma_start3A_583 : memref<128x16xf32, #tpu.memory_space<vmem>>) offsets(%dma_start3A_586 : memref<128xi32, #tpu.memory_space<vmem>>) semaphore(%arg17 : memref<!tpu.dma_semaphore, #tpu.memory_space<semaphore_mem>>)
      } else {
      }
      %dma_wait3A_550 = arith.constant 9 : i32
      %dma_wait3A_551 = arith.constant 0 : i32
      %dma_wait3A_552 = arith.constant 0 : i32
      %dma_wait3A_553 = tpu.memref_slice %arg8[%dma_wait3A_550, %dma_wait3A_551, %dma_wait3A_552] : memref<10x128x16xf32, #tpu.memory_space<vmem>> -> memref<1x128x16xf32, #tpu.memory_space<vmem>>
      %dma_wait3A_554 = tpu.memref_squeeze %dma_wait3A_553 : memref<1x128x16xf32, #tpu.memory_space<vmem>> -> memref<128x16xf32, #tpu.memory_space<vmem>>
      %dma_wait3A_555 = arith.constant 0 : i32
      %dma_wait3A_556 = tpu.memref_slice %arg6[%add3A_542, %dma_wait3A_555] : memref<80x128xi32, #tpu.memory_space<vmem>> -> memref<1x128xi32, #tpu.memory_space<vmem>>
      %dma_wait3A_557 = tpu.memref_squeeze %dma_wait3A_556 : memref<1x128xi32, #tpu.memory_space<vmem>> -> memref<128xi32, #tpu.memory_space<vmem>>
      %dma_wait3A_558 = arith.constant 0 : i32
      %dma_wait3A_559 = arith.constant 0 : i32
      %dma_wait3A_560 = tpu.memref_slice %arg2[%dma_wait3A_558, %dma_wait3A_559] : memref<10240x16xf32, #tpu.memory_space<hbm>> -> memref<10240x16xf32, #tpu.memory_space<hbm>>
      tpu.wait_indirect_dma semaphore(%arg21 : memref<!tpu.dma_semaphore, #tpu.memory_space<semaphore_mem>>) src(%dma_wait3A_560 : memref<10240x16xf32, #tpu.memory_space<hbm>>) dst(%dma_wait3A_554 : memref<128x16xf32, #tpu.memory_space<vmem>>)
      %dma_start3A_561 = arith.constant 9 : i32
      %dma_start3A_562 = arith.constant 0 : i32
      %dma_start3A_563 = arith.constant 0 : i32
      %dma_start3A_564 = tpu.memref_slice %arg8[%dma_start3A_561, %dma_start3A_562, %dma_start3A_563] : memref<10x128x16xf32, #tpu.memory_space<vmem>> -> memref<1x128x16xf32, #tpu.memory_space<vmem>>
      %dma_start3A_565 = tpu.memref_squeeze %dma_start3A_564 : memref<1x128x16xf32, #tpu.memory_space<vmem>> -> memref<128x16xf32, #tpu.memory_space<vmem>>
      %dma_start3A_566 = arith.constant 0 : i32
      %dma_start3A_567 = tpu.memref_slice %arg7[%add3A_542, %dma_start3A_566] : memref<80x128xi32, #tpu.memory_space<vmem>> -> memref<1x128xi32, #tpu.memory_space<vmem>>
      %dma_start3A_568 = tpu.memref_squeeze %dma_start3A_567 : memref<1x128xi32, #tpu.memory_space<vmem>> -> memref<128xi32, #tpu.memory_space<vmem>>
      %dma_start3A_569 = arith.constant 0 : i32
      %dma_start3A_570 = arith.constant 0 : i32
      %dma_start3A_571 = tpu.memref_slice %arg10[%dma_start3A_569, %dma_start3A_570] : memref<10240x16xf32, #tpu.memory_space<vmem_shared>> -> memref<10240x16xf32, #tpu.memory_space<vmem_shared>>
      tpu.enqueue_indirect_dma source(%dma_start3A_565 : memref<128x16xf32, #tpu.memory_space<vmem>>) target(%dma_start3A_571 : memref<10240x16xf32, #tpu.memory_space<vmem_shared>>) offsets(%dma_start3A_568 : memref<128xi32, #tpu.memory_space<vmem>>) semaphore(%arg31 : memref<!tpu.dma_semaphore, #tpu.memory_space<semaphore_mem>>) {add = true}
      %scan3A_572 = arith.constant 0 : i32
      scf.yield %scan3A_572 : i32
    }
    %scan3A_117 = arith.constant 8 : i32
    %dma_wait3A_118 = arith.constant 0 : i32
    %dma_wait3A_119 = arith.constant 0 : i32
    %dma_wait3A_120 = arith.constant 0 : i32
    %dma_wait3A_121 = arith.constant 0 : i32
    %dma_wait3A_122 = tpu.memref_slice %arg8[%dma_wait3A_118, %dma_wait3A_120, %dma_wait3A_121] : memref<10x128x16xf32, #tpu.memory_space<vmem>> -> memref<1x128x16xf32, #tpu.memory_space<vmem>>
    %dma_wait3A_123 = tpu.memref_squeeze %dma_wait3A_122 : memref<1x128x16xf32, #tpu.memory_space<vmem>> -> memref<128x16xf32, #tpu.memory_space<vmem>>
    %dma_wait3A_124 = arith.constant 0 : i32
    %dma_wait3A_125 = tpu.memref_slice %arg7[%dma_wait3A_119, %dma_wait3A_124] : memref<80x128xi32, #tpu.memory_space<vmem>> -> memref<1x128xi32, #tpu.memory_space<vmem>>
    %dma_wait3A_126 = tpu.memref_squeeze %dma_wait3A_125 : memref<1x128xi32, #tpu.memory_space<vmem>> -> memref<128xi32, #tpu.memory_space<vmem>>
    %dma_wait3A_127 = arith.constant 0 : i32
    %dma_wait3A_128 = arith.constant 0 : i32
    %dma_wait3A_129 = tpu.memref_slice %arg10[%dma_wait3A_127, %dma_wait3A_128] : memref<10240x16xf32, #tpu.memory_space<vmem_shared>> -> memref<10240x16xf32, #tpu.memory_space<vmem_shared>>
    tpu.wait_indirect_dma semaphore(%arg22 : memref<!tpu.dma_semaphore, #tpu.memory_space<semaphore_mem>>) src(%dma_wait3A_123 : memref<128x16xf32, #tpu.memory_space<vmem>>) dst(%dma_wait3A_129 : memref<10240x16xf32, #tpu.memory_space<vmem_shared>>)
    %dma_wait3A_130 = arith.constant 0 : i32
    %dma_wait3A_131 = arith.constant 0 : i32
    %dma_wait3A_132 = arith.constant 0 : i32
    %dma_wait3A_133 = arith.constant 0 : i32
    %dma_wait3A_134 = tpu.memref_slice %arg8[%dma_wait3A_130, %dma_wait3A_132, %dma_wait3A_133] : memref<10x128x16xf32, #tpu.memory_space<vmem>> -> memref<1x128x16xf32, #tpu.memory_space<vmem>>
    %dma_wait3A_135 = tpu.memref_squeeze %dma_wait3A_134 : memref<1x128x16xf32, #tpu.memory_space<vmem>> -> memref<128x16xf32, #tpu.memory_space<vmem>>
    %dma_wait3A_136 = arith.constant 0 : i32
    %dma_wait3A_137 = tpu.memref_slice %arg7[%dma_wait3A_131, %dma_wait3A_136] : memref<80x128xi32, #tpu.memory_space<vmem>> -> memref<1x128xi32, #tpu.memory_space<vmem>>
    %dma_wait3A_138 = tpu.memref_squeeze %dma_wait3A_137 : memref<1x128xi32, #tpu.memory_space<vmem>> -> memref<128xi32, #tpu.memory_space<vmem>>
    %dma_wait3A_139 = arith.constant 0 : i32
    %dma_wait3A_140 = arith.constant 0 : i32
    %dma_wait3A_141 = tpu.memref_slice %arg10[%dma_wait3A_139, %dma_wait3A_140] : memref<10240x16xf32, #tpu.memory_space<vmem_shared>> -> memref<10240x16xf32, #tpu.memory_space<vmem_shared>>
    tpu.wait_indirect_dma semaphore(%arg23 : memref<!tpu.dma_semaphore, #tpu.memory_space<semaphore_mem>>) src(%dma_wait3A_135 : memref<128x16xf32, #tpu.memory_space<vmem>>) dst(%dma_wait3A_141 : memref<10240x16xf32, #tpu.memory_space<vmem_shared>>)
    %dma_wait3A_142 = arith.constant 0 : i32
    %dma_wait3A_143 = arith.constant 0 : i32
    %dma_wait3A_144 = arith.constant 0 : i32
    %dma_wait3A_145 = arith.constant 0 : i32
    %dma_wait3A_146 = tpu.memref_slice %arg8[%dma_wait3A_142, %dma_wait3A_144, %dma_wait3A_145] : memref<10x128x16xf32, #tpu.memory_space<vmem>> -> memref<1x128x16xf32, #tpu.memory_space<vmem>>
    %dma_wait3A_147 = tpu.memref_squeeze %dma_wait3A_146 : memref<1x128x16xf32, #tpu.memory_space<vmem>> -> memref<128x16xf32, #tpu.memory_space<vmem>>
    %dma_wait3A_148 = arith.constant 0 : i32
    %dma_wait3A_149 = tpu.memref_slice %arg7[%dma_wait3A_143, %dma_wait3A_148] : memref<80x128xi32, #tpu.memory_space<vmem>> -> memref<1x128xi32, #tpu.memory_space<vmem>>
    %dma_wait3A_150 = tpu.memref_squeeze %dma_wait3A_149 : memref<1x128xi32, #tpu.memory_space<vmem>> -> memref<128xi32, #tpu.memory_space<vmem>>
    %dma_wait3A_151 = arith.constant 0 : i32
    %dma_wait3A_152 = arith.constant 0 : i32
    %dma_wait3A_153 = tpu.memref_slice %arg10[%dma_wait3A_151, %dma_wait3A_152] : memref<10240x16xf32, #tpu.memory_space<vmem_shared>> -> memref<10240x16xf32, #tpu.memory_space<vmem_shared>>
    tpu.wait_indirect_dma semaphore(%arg24 : memref<!tpu.dma_semaphore, #tpu.memory_space<semaphore_mem>>) src(%dma_wait3A_147 : memref<128x16xf32, #tpu.memory_space<vmem>>) dst(%dma_wait3A_153 : memref<10240x16xf32, #tpu.memory_space<vmem_shared>>)
    %dma_wait3A_154 = arith.constant 0 : i32
    %dma_wait3A_155 = arith.constant 0 : i32
    %dma_wait3A_156 = arith.constant 0 : i32
    %dma_wait3A_157 = arith.constant 0 : i32
    %dma_wait3A_158 = tpu.memref_slice %arg8[%dma_wait3A_154, %dma_wait3A_156, %dma_wait3A_157] : memref<10x128x16xf32, #tpu.memory_space<vmem>> -> memref<1x128x16xf32, #tpu.memory_space<vmem>>
    %dma_wait3A_159 = tpu.memref_squeeze %dma_wait3A_158 : memref<1x128x16xf32, #tpu.memory_space<vmem>> -> memref<128x16xf32, #tpu.memory_space<vmem>>
    %dma_wait3A_160 = arith.constant 0 : i32
    %dma_wait3A_161 = tpu.memref_slice %arg7[%dma_wait3A_155, %dma_wait3A_160] : memref<80x128xi32, #tpu.memory_space<vmem>> -> memref<1x128xi32, #tpu.memory_space<vmem>>
    %dma_wait3A_162 = tpu.memref_squeeze %dma_wait3A_161 : memref<1x128xi32, #tpu.memory_space<vmem>> -> memref<128xi32, #tpu.memory_space<vmem>>
    %dma_wait3A_163 = arith.constant 0 : i32
    %dma_wait3A_164 = arith.constant 0 : i32
    %dma_wait3A_165 = tpu.memref_slice %arg10[%dma_wait3A_163, %dma_wait3A_164] : memref<10240x16xf32, #tpu.memory_space<vmem_shared>> -> memref<10240x16xf32, #tpu.memory_space<vmem_shared>>
    tpu.wait_indirect_dma semaphore(%arg25 : memref<!tpu.dma_semaphore, #tpu.memory_space<semaphore_mem>>) src(%dma_wait3A_159 : memref<128x16xf32, #tpu.memory_space<vmem>>) dst(%dma_wait3A_165 : memref<10240x16xf32, #tpu.memory_space<vmem_shared>>)
    %dma_wait3A_166 = arith.constant 0 : i32
    %dma_wait3A_167 = arith.constant 0 : i32
    %dma_wait3A_168 = arith.constant 0 : i32
    %dma_wait3A_169 = arith.constant 0 : i32
    %dma_wait3A_170 = tpu.memref_slice %arg8[%dma_wait3A_166, %dma_wait3A_168, %dma_wait3A_169] : memref<10x128x16xf32, #tpu.memory_space<vmem>> -> memref<1x128x16xf32, #tpu.memory_space<vmem>>
    %dma_wait3A_171 = tpu.memref_squeeze %dma_wait3A_170 : memref<1x128x16xf32, #tpu.memory_space<vmem>> -> memref<128x16xf32, #tpu.memory_space<vmem>>
    %dma_wait3A_172 = arith.constant 0 : i32
    %dma_wait3A_173 = tpu.memref_slice %arg7[%dma_wait3A_167, %dma_wait3A_172] : memref<80x128xi32, #tpu.memory_space<vmem>> -> memref<1x128xi32, #tpu.memory_space<vmem>>
    %dma_wait3A_174 = tpu.memref_squeeze %dma_wait3A_173 : memref<1x128xi32, #tpu.memory_space<vmem>> -> memref<128xi32, #tpu.memory_space<vmem>>
    %dma_wait3A_175 = arith.constant 0 : i32
    %dma_wait3A_176 = arith.constant 0 : i32
    %dma_wait3A_177 = tpu.memref_slice %arg10[%dma_wait3A_175, %dma_wait3A_176] : memref<10240x16xf32, #tpu.memory_space<vmem_shared>> -> memref<10240x16xf32, #tpu.memory_space<vmem_shared>>
    tpu.wait_indirect_dma semaphore(%arg26 : memref<!tpu.dma_semaphore, #tpu.memory_space<semaphore_mem>>) src(%dma_wait3A_171 : memref<128x16xf32, #tpu.memory_space<vmem>>) dst(%dma_wait3A_177 : memref<10240x16xf32, #tpu.memory_space<vmem_shared>>)
    %dma_wait3A_178 = arith.constant 0 : i32
    %dma_wait3A_179 = arith.constant 0 : i32
    %dma_wait3A_180 = arith.constant 0 : i32
    %dma_wait3A_181 = arith.constant 0 : i32
    %dma_wait3A_182 = tpu.memref_slice %arg8[%dma_wait3A_178, %dma_wait3A_180, %dma_wait3A_181] : memref<10x128x16xf32, #tpu.memory_space<vmem>> -> memref<1x128x16xf32, #tpu.memory_space<vmem>>
    %dma_wait3A_183 = tpu.memref_squeeze %dma_wait3A_182 : memref<1x128x16xf32, #tpu.memory_space<vmem>> -> memref<128x16xf32, #tpu.memory_space<vmem>>
    %dma_wait3A_184 = arith.constant 0 : i32
    %dma_wait3A_185 = tpu.memref_slice %arg7[%dma_wait3A_179, %dma_wait3A_184] : memref<80x128xi32, #tpu.memory_space<vmem>> -> memref<1x128xi32, #tpu.memory_space<vmem>>
    %dma_wait3A_186 = tpu.memref_squeeze %dma_wait3A_185 : memref<1x128xi32, #tpu.memory_space<vmem>> -> memref<128xi32, #tpu.memory_space<vmem>>
    %dma_wait3A_187 = arith.constant 0 : i32
    %dma_wait3A_188 = arith.constant 0 : i32
    %dma_wait3A_189 = tpu.memref_slice %arg10[%dma_wait3A_187, %dma_wait3A_188] : memref<10240x16xf32, #tpu.memory_space<vmem_shared>> -> memref<10240x16xf32, #tpu.memory_space<vmem_shared>>
    tpu.wait_indirect_dma semaphore(%arg27 : memref<!tpu.dma_semaphore, #tpu.memory_space<semaphore_mem>>) src(%dma_wait3A_183 : memref<128x16xf32, #tpu.memory_space<vmem>>) dst(%dma_wait3A_189 : memref<10240x16xf32, #tpu.memory_space<vmem_shared>>)
    %dma_wait3A_190 = arith.constant 0 : i32
    %dma_wait3A_191 = arith.constant 0 : i32
    %dma_wait3A_192 = arith.constant 0 : i32
    %dma_wait3A_193 = arith.constant 0 : i32
    %dma_wait3A_194 = tpu.memref_slice %arg8[%dma_wait3A_190, %dma_wait3A_192, %dma_wait3A_193] : memref<10x128x16xf32, #tpu.memory_space<vmem>> -> memref<1x128x16xf32, #tpu.memory_space<vmem>>
    %dma_wait3A_195 = tpu.memref_squeeze %dma_wait3A_194 : memref<1x128x16xf32, #tpu.memory_space<vmem>> -> memref<128x16xf32, #tpu.memory_space<vmem>>
    %dma_wait3A_196 = arith.constant 0 : i32
    %dma_wait3A_197 = tpu.memref_slice %arg7[%dma_wait3A_191, %dma_wait3A_196] : memref<80x128xi32, #tpu.memory_space<vmem>> -> memref<1x128xi32, #tpu.memory_space<vmem>>
    %dma_wait3A_198 = tpu.memref_squeeze %dma_wait3A_197 : memref<1x128xi32, #tpu.memory_space<vmem>> -> memref<128xi32, #tpu.memory_space<vmem>>
    %dma_wait3A_199 = arith.constant 0 : i32
    %dma_wait3A_200 = arith.constant 0 : i32
    %dma_wait3A_201 = tpu.memref_slice %arg10[%dma_wait3A_199, %dma_wait3A_200] : memref<10240x16xf32, #tpu.memory_space<vmem_shared>> -> memref<10240x16xf32, #tpu.memory_space<vmem_shared>>
    tpu.wait_indirect_dma semaphore(%arg28 : memref<!tpu.dma_semaphore, #tpu.memory_space<semaphore_mem>>) src(%dma_wait3A_195 : memref<128x16xf32, #tpu.memory_space<vmem>>) dst(%dma_wait3A_201 : memref<10240x16xf32, #tpu.memory_space<vmem_shared>>)
    %dma_wait3A_202 = arith.constant 0 : i32
    %dma_wait3A_203 = arith.constant 0 : i32
    %dma_wait3A_204 = arith.constant 0 : i32
    %dma_wait3A_205 = arith.constant 0 : i32
    %dma_wait3A_206 = tpu.memref_slice %arg8[%dma_wait3A_202, %dma_wait3A_204, %dma_wait3A_205] : memref<10x128x16xf32, #tpu.memory_space<vmem>> -> memref<1x128x16xf32, #tpu.memory_space<vmem>>
    %dma_wait3A_207 = tpu.memref_squeeze %dma_wait3A_206 : memref<1x128x16xf32, #tpu.memory_space<vmem>> -> memref<128x16xf32, #tpu.memory_space<vmem>>
    %dma_wait3A_208 = arith.constant 0 : i32
    %dma_wait3A_209 = tpu.memref_slice %arg7[%dma_wait3A_203, %dma_wait3A_208] : memref<80x128xi32, #tpu.memory_space<vmem>> -> memref<1x128xi32, #tpu.memory_space<vmem>>
    %dma_wait3A_210 = tpu.memref_squeeze %dma_wait3A_209 : memref<1x128xi32, #tpu.memory_space<vmem>> -> memref<128xi32, #tpu.memory_space<vmem>>
    %dma_wait3A_211 = arith.constant 0 : i32
    %dma_wait3A_212 = arith.constant 0 : i32
    %dma_wait3A_213 = tpu.memref_slice %arg10[%dma_wait3A_211, %dma_wait3A_212] : memref<10240x16xf32, #tpu.memory_space<vmem_shared>> -> memref<10240x16xf32, #tpu.memory_space<vmem_shared>>
    tpu.wait_indirect_dma semaphore(%arg29 : memref<!tpu.dma_semaphore, #tpu.memory_space<semaphore_mem>>) src(%dma_wait3A_207 : memref<128x16xf32, #tpu.memory_space<vmem>>) dst(%dma_wait3A_213 : memref<10240x16xf32, #tpu.memory_space<vmem_shared>>)
    %dma_wait3A_214 = arith.constant 0 : i32
    %dma_wait3A_215 = arith.constant 0 : i32
    %dma_wait3A_216 = arith.constant 0 : i32
    %dma_wait3A_217 = arith.constant 0 : i32
    %dma_wait3A_218 = tpu.memref_slice %arg8[%dma_wait3A_214, %dma_wait3A_216, %dma_wait3A_217] : memref<10x128x16xf32, #tpu.memory_space<vmem>> -> memref<1x128x16xf32, #tpu.memory_space<vmem>>
    %dma_wait3A_219 = tpu.memref_squeeze %dma_wait3A_218 : memref<1x128x16xf32, #tpu.memory_space<vmem>> -> memref<128x16xf32, #tpu.memory_space<vmem>>
    %dma_wait3A_220 = arith.constant 0 : i32
    %dma_wait3A_221 = tpu.memref_slice %arg7[%dma_wait3A_215, %dma_wait3A_220] : memref<80x128xi32, #tpu.memory_space<vmem>> -> memref<1x128xi32, #tpu.memory_space<vmem>>
    %dma_wait3A_222 = tpu.memref_squeeze %dma_wait3A_221 : memref<1x128xi32, #tpu.memory_space<vmem>> -> memref<128xi32, #tpu.memory_space<vmem>>
    %dma_wait3A_223 = arith.constant 0 : i32
    %dma_wait3A_224 = arith.constant 0 : i32
    %dma_wait3A_225 = tpu.memref_slice %arg10[%dma_wait3A_223, %dma_wait3A_224] : memref<10240x16xf32, #tpu.memory_space<vmem_shared>> -> memref<10240x16xf32, #tpu.memory_space<vmem_shared>>
    tpu.wait_indirect_dma semaphore(%arg30 : memref<!tpu.dma_semaphore, #tpu.memory_space<semaphore_mem>>) src(%dma_wait3A_219 : memref<128x16xf32, #tpu.memory_space<vmem>>) dst(%dma_wait3A_225 : memref<10240x16xf32, #tpu.memory_space<vmem_shared>>)
    %dma_wait3A_226 = arith.constant 0 : i32
    %dma_wait3A_227 = arith.constant 0 : i32
    %dma_wait3A_228 = arith.constant 0 : i32
    %dma_wait3A_229 = arith.constant 0 : i32
    %dma_wait3A_230 = tpu.memref_slice %arg8[%dma_wait3A_226, %dma_wait3A_228, %dma_wait3A_229] : memref<10x128x16xf32, #tpu.memory_space<vmem>> -> memref<1x128x16xf32, #tpu.memory_space<vmem>>
    %dma_wait3A_231 = tpu.memref_squeeze %dma_wait3A_230 : memref<1x128x16xf32, #tpu.memory_space<vmem>> -> memref<128x16xf32, #tpu.memory_space<vmem>>
    %dma_wait3A_232 = arith.constant 0 : i32
    %dma_wait3A_233 = tpu.memref_slice %arg7[%dma_wait3A_227, %dma_wait3A_232] : memref<80x128xi32, #tpu.memory_space<vmem>> -> memref<1x128xi32, #tpu.memory_space<vmem>>
    %dma_wait3A_234 = tpu.memref_squeeze %dma_wait3A_233 : memref<1x128xi32, #tpu.memory_space<vmem>> -> memref<128xi32, #tpu.memory_space<vmem>>
    %dma_wait3A_235 = arith.constant 0 : i32
    %dma_wait3A_236 = arith.constant 0 : i32
    %dma_wait3A_237 = tpu.memref_slice %arg10[%dma_wait3A_235, %dma_wait3A_236] : memref<10240x16xf32, #tpu.memory_space<vmem_shared>> -> memref<10240x16xf32, #tpu.memory_space<vmem_shared>>
    tpu.wait_indirect_dma semaphore(%arg31 : memref<!tpu.dma_semaphore, #tpu.memory_space<semaphore_mem>>) src(%dma_wait3A_231 : memref<128x16xf32, #tpu.memory_space<vmem>>) dst(%dma_wait3A_237 : memref<10240x16xf32, #tpu.memory_space<vmem_shared>>)
    %barrier3A_238 = arith.constant 0 : index
    tpu.barrier barrier_id(%barrier3A_238)
    %mul3A_239 = arith.constant 640 : i32
    %mul3A_240 = arith.muli %arg1, %mul3A_239 : i32
    "tpu.region"() ({
      %run_scoped3A = tpu.sem_alloc : memref<!tpu.dma_semaphore, #tpu.memory_space<semaphore_mem>>
      %dma_start3A_243 = arith.constant 0 : i32
      %dma_start3A_244 = tpu.memref_slice %arg10[%mul3A_240, %dma_start3A_243] : memref<10240x16xf32, #tpu.memory_space<vmem_shared>> -> memref<640x16xf32, #tpu.memory_space<vmem_shared>>
      %dma_start3A_245 = arith.constant 0 : i32
      %dma_start3A_246 = tpu.memref_slice %arg10[%mul3A_240, %dma_start3A_245] : memref<10240x16xf32, #tpu.memory_space<vmem_shared>> -> memref<640x16xf32, #tpu.memory_space<vmem_shared>>
      tpu.enqueue_dma source(%dma_start3A_246 : memref<640x16xf32, #tpu.memory_space<vmem_shared>>) target(%arg9 : memref<640x16xf32, #tpu.memory_space<vmem>>) target_semaphore(%run_scoped3A : memref<!tpu.dma_semaphore, #tpu.memory_space<semaphore_mem>>)
      %dma_wait3A_247 = arith.constant 0 : i32
      %dma_wait3A_248 = tpu.memref_slice %arg10[%mul3A_240, %dma_wait3A_247] : memref<10240x16xf32, #tpu.memory_space<vmem_shared>> -> memref<640x16xf32, #tpu.memory_space<vmem_shared>>
      %dma_wait3A_249 = arith.constant 0 : i32
      %dma_wait3A_250 = tpu.memref_slice %arg10[%mul3A_240, %dma_wait3A_249] : memref<10240x16xf32, #tpu.memory_space<vmem_shared>> -> memref<640x16xf32, #tpu.memory_space<vmem_shared>>
      tpu.wait_dma2 semaphore(%run_scoped3A : memref<!tpu.dma_semaphore, #tpu.memory_space<semaphore_mem>>) src(%dma_wait3A_250 : memref<640x16xf32, #tpu.memory_space<vmem_shared>>) dst(%arg9 : memref<640x16xf32, #tpu.memory_space<vmem>>)
      tpu.yield
    }) : () -> ()
    %mul3A_241 = arith.constant 640 : i32
    %mul3A_242 = arith.muli %arg1, %mul3A_241 : i32
    "tpu.region"() ({
      %run_scoped3A = tpu.sem_alloc : memref<!tpu.dma_semaphore, #tpu.memory_space<semaphore_mem>>
      %dma_start3A_243 = arith.constant 0 : i32
      %dma_start3A_244 = arith.constant 0 : i32
      %dma_start3A_245 = tpu.memref_slice %arg5[%arg0, %dma_start3A_243, %dma_start3A_244] : memref<2x10240x16xf32, #tpu.memory_space<hbm>> -> memref<1x10240x16xf32, #tpu.memory_space<hbm>>
      %dma_start3A_246 = tpu.memref_squeeze %dma_start3A_245 : memref<1x10240x16xf32, #tpu.memory_space<hbm>> -> memref<10240x16xf32, #tpu.memory_space<hbm>>
      %dma_start3A_247 = arith.constant 0 : i32
      %dma_start3A_248 = tpu.memref_slice %dma_start3A_246[%mul3A_242, %dma_start3A_247] : memref<10240x16xf32, #tpu.memory_space<hbm>> -> memref<640x16xf32, #tpu.memory_space<hbm>>
      %dma_start3A_249 = arith.constant 0 : i32
      %dma_start3A_250 = arith.constant 0 : i32
      %dma_start3A_251 = tpu.memref_slice %arg5[%arg0, %dma_start3A_249, %dma_start3A_250] : memref<2x10240x16xf32, #tpu.memory_space<hbm>> -> memref<1x10240x16xf32, #tpu.memory_space<hbm>>
      %dma_start3A_252 = tpu.memref_squeeze %dma_start3A_251 : memref<1x10240x16xf32, #tpu.memory_space<hbm>> -> memref<10240x16xf32, #tpu.memory_space<hbm>>
      %dma_start3A_253 = arith.constant 0 : i32
      %dma_start3A_254 = tpu.memref_slice %dma_start3A_252[%mul3A_242, %dma_start3A_253] : memref<10240x16xf32, #tpu.memory_space<hbm>> -> memref<640x16xf32, #tpu.memory_space<hbm>>
      tpu.enqueue_dma source(%arg9 : memref<640x16xf32, #tpu.memory_space<vmem>>) target(%dma_start3A_254 : memref<640x16xf32, #tpu.memory_space<hbm>>) target_semaphore(%run_scoped3A : memref<!tpu.dma_semaphore, #tpu.memory_space<semaphore_mem>>)
      %dma_wait3A_255 = arith.constant 0 : i32
      %dma_wait3A_256 = arith.constant 0 : i32
      %dma_wait3A_257 = tpu.memref_slice %arg5[%arg0, %dma_wait3A_255, %dma_wait3A_256] : memref<2x10240x16xf32, #tpu.memory_space<hbm>> -> memref<1x10240x16xf32, #tpu.memory_space<hbm>>
      %dma_wait3A_258 = tpu.memref_squeeze %dma_wait3A_257 : memref<1x10240x16xf32, #tpu.memory_space<hbm>> -> memref<10240x16xf32, #tpu.memory_space<hbm>>
      %dma_wait3A_259 = arith.constant 0 : i32
      %dma_wait3A_260 = tpu.memref_slice %dma_wait3A_258[%mul3A_242, %dma_wait3A_259] : memref<10240x16xf32, #tpu.memory_space<hbm>> -> memref<640x16xf32, #tpu.memory_space<hbm>>
      %dma_wait3A_261 = arith.constant 0 : i32
      %dma_wait3A_262 = arith.constant 0 : i32
      %dma_wait3A_263 = tpu.memref_slice %arg5[%arg0, %dma_wait3A_261, %dma_wait3A_262] : memref<2x10240x16xf32, #tpu.memory_space<hbm>> -> memref<1x10240x16xf32, #tpu.memory_space<hbm>>
      %dma_wait3A_264 = tpu.memref_squeeze %dma_wait3A_263 : memref<1x10240x16xf32, #tpu.memory_space<hbm>> -> memref<10240x16xf32, #tpu.memory_space<hbm>>
      %dma_wait3A_265 = arith.constant 0 : i32
      %dma_wait3A_266 = tpu.memref_slice %dma_wait3A_264[%mul3A_242, %dma_wait3A_265] : memref<10240x16xf32, #tpu.memory_space<hbm>> -> memref<640x16xf32, #tpu.memory_space<hbm>>
      tpu.wait_dma2 semaphore(%run_scoped3A : memref<!tpu.dma_semaphore, #tpu.memory_space<semaphore_mem>>) src(%arg9 : memref<640x16xf32, #tpu.memory_space<vmem>>) dst(%dma_wait3A_266 : memref<640x16xf32, #tpu.memory_space<hbm>>)
      tpu.yield
    }) : () -> ()
    return
  }
}

#map = affine_map<(d0, d1) -> (0, 0, 0)>
module attributes {stable_mosaic.version = 14 : i64} {
  func.func @_deg_body(%arg0: i32, %arg1: i32, %arg2: memref<32x80x128xi32, #tpu.memory_space<hbm>>, %arg3: memref<2x10240x16xf32, #tpu.memory_space<hbm>>, %arg4: memref<80x128xi32, #tpu.memory_space<vmem>>, %arg5: memref<128xf32, #tpu.memory_space<vmem>>, %arg6: memref<640xf32, #tpu.memory_space<vmem>>, %arg7: memref<640x16xf32, #tpu.memory_space<vmem>>, %arg8: memref<10240xf32, #tpu.memory_space<vmem_shared>>, %arg9: memref<!tpu.dma_semaphore, #tpu.memory_space<semaphore_mem>>) attributes {dimension_semantics = [#tpu.dimension_semantics<core_parallel>, #tpu.dimension_semantics<subcore_parallel>], iteration_bounds = array<i64: 2, 16>, scalar_prefetch = 0 : i64, scratch_operands = 6 : i64, tpu.core_type = #tpu.core_type<sc_vector_subcore>, window_params = [{transform_indices = #map}, {transform_indices = #map}]} {
    %mul3A = arith.constant 16 : i32
    %mul3A_0 = arith.muli %arg0, %mul3A : i32
    %add3A = arith.addi %mul3A_0, %arg1 : i32
    %scan3A = arith.constant 0 : i32
    %scan3A_1 = arith.constant 0 : i32
    %scan3A_2 = arith.constant 8 : i32
    %scan3A_3 = arith.addi %scan3A_1, %scan3A_2 : i32
    %scan3A_4 = arith.constant 1 : i32
    %scan3A_5 = scf.for %scan3A_178 = %scan3A_1 to %scan3A_3 step %scan3A_4 iter_args(%scan3A_179 = %scan3A) -> (i32)  : i32 {
      %broadcast_in_dim3A = arith.constant 1.000000e+00 : f32
      %broadcast_in_dim3A_180 = vector.broadcast %broadcast_in_dim3A : f32 to vector<16xf32>
      %mul3A_181 = arith.constant 16 : i32
      %mul3A_182 = arith.muli %scan3A_178, %mul3A_181 : i32
      %swap3A = arith.index_cast %mul3A_182 : i32 to index
      %swap3A_183 = tpu.vector_load %arg5[%swap3A] {strides = array<i32>} : memref<128xf32, #tpu.memory_space<vmem>>, vector<16xf32>,
      %swap3A_184 = vector.shape_cast %swap3A_183 : vector<16xf32> to vector<16xf32>
      %swap3A_185 = vector.shape_cast %broadcast_in_dim3A_180 : vector<16xf32> to vector<16xf32>
      tpu.vector_store %arg5[%swap3A], %swap3A_185 {strides = array<i32>} : memref<128xf32, #tpu.memory_space<vmem>>, vector<16xf32>,
      %scan3A_186 = arith.constant 0 : i32
      scf.yield %scan3A_186 : i32
    }
    %scan3A_6 = arith.constant 8 : i32
    %scan3A_7 = arith.constant 0 : i32
    %scan3A_8 = arith.constant 0 : i32
    %scan3A_9 = arith.constant 40 : i32
    %scan3A_10 = arith.addi %scan3A_8, %scan3A_9 : i32
    %scan3A_11 = arith.constant 1 : i32
    %scan3A_12 = scf.for %scan3A_178 = %scan3A_8 to %scan3A_10 step %scan3A_11 iter_args(%scan3A_179 = %scan3A_7) -> (i32)  : i32 {
      %broadcast_in_dim3A = arith.constant 0.000000e+00 : f32
      %broadcast_in_dim3A_180 = vector.broadcast %broadcast_in_dim3A : f32 to vector<16xf32>
      %mul3A_181 = arith.constant 16 : i32
      %mul3A_182 = arith.muli %scan3A_178, %mul3A_181 : i32
      %swap3A = arith.index_cast %mul3A_182 : i32 to index
      %swap3A_183 = tpu.vector_load %arg6[%swap3A] {strides = array<i32>} : memref<640xf32, #tpu.memory_space<vmem>>, vector<16xf32>,
      %swap3A_184 = vector.shape_cast %swap3A_183 : vector<16xf32> to vector<16xf32>
      %swap3A_185 = vector.shape_cast %broadcast_in_dim3A_180 : vector<16xf32> to vector<16xf32>
      tpu.vector_store %arg6[%swap3A], %swap3A_185 {strides = array<i32>} : memref<640xf32, #tpu.memory_space<vmem>>, vector<16xf32>,
      %scan3A_186 = arith.constant 0 : i32
      scf.yield %scan3A_186 : i32
    }
    %scan3A_13 = arith.constant 40 : i32
    %mul3A_14 = arith.constant 640 : i32
    %mul3A_15 = arith.muli %arg1, %mul3A_14 : i32
    "tpu.region"() ({
      %run_scoped3A = tpu.sem_alloc : memref<!tpu.dma_semaphore, #tpu.memory_space<semaphore_mem>>
      %dma_start3A = tpu.memref_slice %arg8[%mul3A_15] : memref<10240xf32, #tpu.memory_space<vmem_shared>> -> memref<640xf32, #tpu.memory_space<vmem_shared>>
      %dma_start3A_178 = tpu.memref_slice %arg8[%mul3A_15] : memref<10240xf32, #tpu.memory_space<vmem_shared>> -> memref<640xf32, #tpu.memory_space<vmem_shared>>
      tpu.enqueue_dma source(%arg6 : memref<640xf32, #tpu.memory_space<vmem>>) target(%dma_start3A_178 : memref<640xf32, #tpu.memory_space<vmem_shared>>) target_semaphore(%run_scoped3A : memref<!tpu.dma_semaphore, #tpu.memory_space<semaphore_mem>>)
      %dma_wait3A_179 = tpu.memref_slice %arg8[%mul3A_15] : memref<10240xf32, #tpu.memory_space<vmem_shared>> -> memref<640xf32, #tpu.memory_space<vmem_shared>>
      %dma_wait3A_180 = tpu.memref_slice %arg8[%mul3A_15] : memref<10240xf32, #tpu.memory_space<vmem_shared>> -> memref<640xf32, #tpu.memory_space<vmem_shared>>
      tpu.wait_dma2 semaphore(%run_scoped3A : memref<!tpu.dma_semaphore, #tpu.memory_space<semaphore_mem>>) src(%arg6 : memref<640xf32, #tpu.memory_space<vmem>>) dst(%dma_wait3A_180 : memref<640xf32, #tpu.memory_space<vmem_shared>>)
      tpu.yield
    }) : () -> ()
    "tpu.region"() ({
      %run_scoped3A = tpu.sem_alloc : memref<!tpu.dma_semaphore, #tpu.memory_space<semaphore_mem>>
      %dma_start3A = arith.constant 0 : i32
      %dma_start3A_178 = arith.constant 0 : i32
      %dma_start3A_179 = tpu.memref_slice %arg2[%add3A, %dma_start3A, %dma_start3A_178] : memref<32x80x128xi32, #tpu.memory_space<hbm>> -> memref<1x80x128xi32, #tpu.memory_space<hbm>>
      %dma_start3A_180 = tpu.memref_squeeze %dma_start3A_179 : memref<1x80x128xi32, #tpu.memory_space<hbm>> -> memref<80x128xi32, #tpu.memory_space<hbm>>
      %dma_start3A_181 = arith.constant 0 : i32
      %dma_start3A_182 = arith.constant 0 : i32
      %dma_start3A_183 = tpu.memref_slice %arg2[%add3A, %dma_start3A_181, %dma_start3A_182] : memref<32x80x128xi32, #tpu.memory_space<hbm>> -> memref<1x80x128xi32, #tpu.memory_space<hbm>>
      %dma_start3A_184 = tpu.memref_squeeze %dma_start3A_183 : memref<1x80x128xi32, #tpu.memory_space<hbm>> -> memref<80x128xi32, #tpu.memory_space<hbm>>
      tpu.enqueue_dma source(%dma_start3A_184 : memref<80x128xi32, #tpu.memory_space<hbm>>) target(%arg4 : memref<80x128xi32, #tpu.memory_space<vmem>>) target_semaphore(%run_scoped3A : memref<!tpu.dma_semaphore, #tpu.memory_space<semaphore_mem>>)
      %dma_wait3A_185 = arith.constant 0 : i32
      %dma_wait3A_186 = arith.constant 0 : i32
      %dma_wait3A_187 = tpu.memref_slice %arg2[%add3A, %dma_wait3A_185, %dma_wait3A_186] : memref<32x80x128xi32, #tpu.memory_space<hbm>> -> memref<1x80x128xi32, #tpu.memory_space<hbm>>
      %dma_wait3A_188 = tpu.memref_squeeze %dma_wait3A_187 : memref<1x80x128xi32, #tpu.memory_space<hbm>> -> memref<80x128xi32, #tpu.memory_space<hbm>>
      %dma_wait3A_189 = arith.constant 0 : i32
      %dma_wait3A_190 = arith.constant 0 : i32
      %dma_wait3A_191 = tpu.memref_slice %arg2[%add3A, %dma_wait3A_189, %dma_wait3A_190] : memref<32x80x128xi32, #tpu.memory_space<hbm>> -> memref<1x80x128xi32, #tpu.memory_space<hbm>>
      %dma_wait3A_192 = tpu.memref_squeeze %dma_wait3A_191 : memref<1x80x128xi32, #tpu.memory_space<hbm>> -> memref<80x128xi32, #tpu.memory_space<hbm>>
      tpu.wait_dma2 semaphore(%run_scoped3A : memref<!tpu.dma_semaphore, #tpu.memory_space<semaphore_mem>>) src(%dma_wait3A_192 : memref<80x128xi32, #tpu.memory_space<hbm>>) dst(%arg4 : memref<80x128xi32, #tpu.memory_space<vmem>>)
      tpu.yield
    }) : () -> ()
    %barrier3A = arith.constant 0 : index
    tpu.barrier barrier_id(%barrier3A)
    %scan3A_16 = arith.constant 0 : i32
    %scan3A_17 = arith.constant 0 : i32
    %scan3A_18 = arith.constant 80 : i32
    %scan3A_19 = arith.addi %scan3A_17, %scan3A_18 : i32
    %scan3A_20 = arith.constant 1 : i32
    %scan3A_21 = scf.for %scan3A_178 = %scan3A_17 to %scan3A_19 step %scan3A_20 iter_args(%scan3A_179 = %scan3A_16) -> (i32)  : i32 {
      %ge3A = arith.constant 24 : i32
      %ge3A_180 = arith.cmpi sge, %scan3A_178, %ge3A : i32
      %convert_element_type3A = arith.extui %ge3A_180 : i1 to i32
      %cond3A = arith.constant 0 : i32
      %cond3A_181 = arith.cmpi ne, %convert_element_type3A, %cond3A : i32
      scf.if %cond3A_181 {
        %dma_wait3A_187 = arith.constant 0 : i32
        %dma_wait3A_188 = arith.constant 0 : i32
        %dma_wait3A_189 = tpu.memref_slice %arg4[%dma_wait3A_187, %dma_wait3A_188] : memref<80x128xi32, #tpu.memory_space<vmem>> -> memref<1x128xi32, #tpu.memory_space<vmem>>
        %dma_wait3A_190 = tpu.memref_squeeze %dma_wait3A_189 : memref<1x128xi32, #tpu.memory_space<vmem>> -> memref<128xi32, #tpu.memory_space<vmem>>
        %dma_wait3A_191 = arith.constant 0 : i32
        %dma_wait3A_192 = tpu.memref_slice %arg8[%dma_wait3A_191] : memref<10240xf32, #tpu.memory_space<vmem_shared>> -> memref<10240xf32, #tpu.memory_space<vmem_shared>>
        tpu.wait_indirect_dma semaphore(%arg9 : memref<!tpu.dma_semaphore, #tpu.memory_space<semaphore_mem>>) src(%arg5 : memref<128xf32, #tpu.memory_space<vmem>>) dst(%dma_wait3A_192 : memref<10240xf32, #tpu.memory_space<vmem_shared>>)
      } else {
      }
      %dma_start3A = arith.constant 0 : i32
      %dma_start3A_182 = tpu.memref_slice %arg4[%scan3A_178, %dma_start3A] : memref<80x128xi32, #tpu.memory_space<vmem>> -> memref<1x128xi32, #tpu.memory_space<vmem>>
      %dma_start3A_183 = tpu.memref_squeeze %dma_start3A_182 : memref<1x128xi32, #tpu.memory_space<vmem>> -> memref<128xi32, #tpu.memory_space<vmem>>
      %dma_start3A_184 = arith.constant 0 : i32
      %dma_start3A_185 = tpu.memref_slice %arg8[%dma_start3A_184] : memref<10240xf32, #tpu.memory_space<vmem_shared>> -> memref<10240xf32, #tpu.memory_space<vmem_shared>>
      tpu.enqueue_indirect_dma source(%arg5 : memref<128xf32, #tpu.memory_space<vmem>>) target(%dma_start3A_185 : memref<10240xf32, #tpu.memory_space<vmem_shared>>) offsets(%dma_start3A_183 : memref<128xi32, #tpu.memory_space<vmem>>) semaphore(%arg9 : memref<!tpu.dma_semaphore, #tpu.memory_space<semaphore_mem>>) {add = true}
      %scan3A_186 = arith.constant 0 : i32
      scf.yield %scan3A_186 : i32
    }
    %scan3A_22 = arith.constant 80 : i32
    %dma_wait3A = arith.constant 0 : i32
    %dma_wait3A_23 = arith.constant 0 : i32
    %dma_wait3A_24 = tpu.memref_slice %arg4[%dma_wait3A, %dma_wait3A_23] : memref<80x128xi32, #tpu.memory_space<vmem>> -> memref<1x128xi32, #tpu.memory_space<vmem>>
    %dma_wait3A_25 = tpu.memref_squeeze %dma_wait3A_24 : memref<1x128xi32, #tpu.memory_space<vmem>> -> memref<128xi32, #tpu.memory_space<vmem>>
    %dma_wait3A_26 = arith.constant 0 : i32
    %dma_wait3A_27 = tpu.memref_slice %arg8[%dma_wait3A_26] : memref<10240xf32, #tpu.memory_space<vmem_shared>> -> memref<10240xf32, #tpu.memory_space<vmem_shared>>
    tpu.wait_indirect_dma semaphore(%arg9 : memref<!tpu.dma_semaphore, #tpu.memory_space<semaphore_mem>>) src(%arg5 : memref<128xf32, #tpu.memory_space<vmem>>) dst(%dma_wait3A_27 : memref<10240xf32, #tpu.memory_space<vmem_shared>>)
    %dma_wait3A_28 = arith.constant 0 : i32
    %dma_wait3A_29 = arith.constant 0 : i32
    %dma_wait3A_30 = tpu.memref_slice %arg4[%dma_wait3A_28, %dma_wait3A_29] : memref<80x128xi32, #tpu.memory_space<vmem>> -> memref<1x128xi32, #tpu.memory_space<vmem>>
    %dma_wait3A_31 = tpu.memref_squeeze %dma_wait3A_30 : memref<1x128xi32, #tpu.memory_space<vmem>> -> memref<128xi32, #tpu.memory_space<vmem>>
    %dma_wait3A_32 = arith.constant 0 : i32
    %dma_wait3A_33 = tpu.memref_slice %arg8[%dma_wait3A_32] : memref<10240xf32, #tpu.memory_space<vmem_shared>> -> memref<10240xf32, #tpu.memory_space<vmem_shared>>
    tpu.wait_indirect_dma semaphore(%arg9 : memref<!tpu.dma_semaphore, #tpu.memory_space<semaphore_mem>>) src(%arg5 : memref<128xf32, #tpu.memory_space<vmem>>) dst(%dma_wait3A_33 : memref<10240xf32, #tpu.memory_space<vmem_shared>>)
    %dma_wait3A_34 = arith.constant 0 : i32
    %dma_wait3A_35 = arith.constant 0 : i32
    %dma_wait3A_36 = tpu.memref_slice %arg4[%dma_wait3A_34, %dma_wait3A_35] : memref<80x128xi32, #tpu.memory_space<vmem>> -> memref<1x128xi32, #tpu.memory_space<vmem>>
    %dma_wait3A_37 = tpu.memref_squeeze %dma_wait3A_36 : memref<1x128xi32, #tpu.memory_space<vmem>> -> memref<128xi32, #tpu.memory_space<vmem>>
    %dma_wait3A_38 = arith.constant 0 : i32
    %dma_wait3A_39 = tpu.memref_slice %arg8[%dma_wait3A_38] : memref<10240xf32, #tpu.memory_space<vmem_shared>> -> memref<10240xf32, #tpu.memory_space<vmem_shared>>
    tpu.wait_indirect_dma semaphore(%arg9 : memref<!tpu.dma_semaphore, #tpu.memory_space<semaphore_mem>>) src(%arg5 : memref<128xf32, #tpu.memory_space<vmem>>) dst(%dma_wait3A_39 : memref<10240xf32, #tpu.memory_space<vmem_shared>>)
    %dma_wait3A_40 = arith.constant 0 : i32
    %dma_wait3A_41 = arith.constant 0 : i32
    %dma_wait3A_42 = tpu.memref_slice %arg4[%dma_wait3A_40, %dma_wait3A_41] : memref<80x128xi32, #tpu.memory_space<vmem>> -> memref<1x128xi32, #tpu.memory_space<vmem>>
    %dma_wait3A_43 = tpu.memref_squeeze %dma_wait3A_42 : memref<1x128xi32, #tpu.memory_space<vmem>> -> memref<128xi32, #tpu.memory_space<vmem>>
    %dma_wait3A_44 = arith.constant 0 : i32
    %dma_wait3A_45 = tpu.memref_slice %arg8[%dma_wait3A_44] : memref<10240xf32, #tpu.memory_space<vmem_shared>> -> memref<10240xf32, #tpu.memory_space<vmem_shared>>
    tpu.wait_indirect_dma semaphore(%arg9 : memref<!tpu.dma_semaphore, #tpu.memory_space<semaphore_mem>>) src(%arg5 : memref<128xf32, #tpu.memory_space<vmem>>) dst(%dma_wait3A_45 : memref<10240xf32, #tpu.memory_space<vmem_shared>>)
    %dma_wait3A_46 = arith.constant 0 : i32
    %dma_wait3A_47 = arith.constant 0 : i32
    %dma_wait3A_48 = tpu.memref_slice %arg4[%dma_wait3A_46, %dma_wait3A_47] : memref<80x128xi32, #tpu.memory_space<vmem>> -> memref<1x128xi32, #tpu.memory_space<vmem>>
    %dma_wait3A_49 = tpu.memref_squeeze %dma_wait3A_48 : memref<1x128xi32, #tpu.memory_space<vmem>> -> memref<128xi32, #tpu.memory_space<vmem>>
    %dma_wait3A_50 = arith.constant 0 : i32
    %dma_wait3A_51 = tpu.memref_slice %arg8[%dma_wait3A_50] : memref<10240xf32, #tpu.memory_space<vmem_shared>> -> memref<10240xf32, #tpu.memory_space<vmem_shared>>
    tpu.wait_indirect_dma semaphore(%arg9 : memref<!tpu.dma_semaphore, #tpu.memory_space<semaphore_mem>>) src(%arg5 : memref<128xf32, #tpu.memory_space<vmem>>) dst(%dma_wait3A_51 : memref<10240xf32, #tpu.memory_space<vmem_shared>>)
    %dma_wait3A_52 = arith.constant 0 : i32
    %dma_wait3A_53 = arith.constant 0 : i32
    %dma_wait3A_54 = tpu.memref_slice %arg4[%dma_wait3A_52, %dma_wait3A_53] : memref<80x128xi32, #tpu.memory_space<vmem>> -> memref<1x128xi32, #tpu.memory_space<vmem>>
    %dma_wait3A_55 = tpu.memref_squeeze %dma_wait3A_54 : memref<1x128xi32, #tpu.memory_space<vmem>> -> memref<128xi32, #tpu.memory_space<vmem>>
    %dma_wait3A_56 = arith.constant 0 : i32
    %dma_wait3A_57 = tpu.memref_slice %arg8[%dma_wait3A_56] : memref<10240xf32, #tpu.memory_space<vmem_shared>> -> memref<10240xf32, #tpu.memory_space<vmem_shared>>
    tpu.wait_indirect_dma semaphore(%arg9 : memref<!tpu.dma_semaphore, #tpu.memory_space<semaphore_mem>>) src(%arg5 : memref<128xf32, #tpu.memory_space<vmem>>) dst(%dma_wait3A_57 : memref<10240xf32, #tpu.memory_space<vmem_shared>>)
    %dma_wait3A_58 = arith.constant 0 : i32
    %dma_wait3A_59 = arith.constant 0 : i32
    %dma_wait3A_60 = tpu.memref_slice %arg4[%dma_wait3A_58, %dma_wait3A_59] : memref<80x128xi32, #tpu.memory_space<vmem>> -> memref<1x128xi32, #tpu.memory_space<vmem>>
    %dma_wait3A_61 = tpu.memref_squeeze %dma_wait3A_60 : memref<1x128xi32, #tpu.memory_space<vmem>> -> memref<128xi32, #tpu.memory_space<vmem>>
    %dma_wait3A_62 = arith.constant 0 : i32
    %dma_wait3A_63 = tpu.memref_slice %arg8[%dma_wait3A_62] : memref<10240xf32, #tpu.memory_space<vmem_shared>> -> memref<10240xf32, #tpu.memory_space<vmem_shared>>
    tpu.wait_indirect_dma semaphore(%arg9 : memref<!tpu.dma_semaphore, #tpu.memory_space<semaphore_mem>>) src(%arg5 : memref<128xf32, #tpu.memory_space<vmem>>) dst(%dma_wait3A_63 : memref<10240xf32, #tpu.memory_space<vmem_shared>>)
    %dma_wait3A_64 = arith.constant 0 : i32
    %dma_wait3A_65 = arith.constant 0 : i32
    %dma_wait3A_66 = tpu.memref_slice %arg4[%dma_wait3A_64, %dma_wait3A_65] : memref<80x128xi32, #tpu.memory_space<vmem>> -> memref<1x128xi32, #tpu.memory_space<vmem>>
    %dma_wait3A_67 = tpu.memref_squeeze %dma_wait3A_66 : memref<1x128xi32, #tpu.memory_space<vmem>> -> memref<128xi32, #tpu.memory_space<vmem>>
    %dma_wait3A_68 = arith.constant 0 : i32
    %dma_wait3A_69 = tpu.memref_slice %arg8[%dma_wait3A_68] : memref<10240xf32, #tpu.memory_space<vmem_shared>> -> memref<10240xf32, #tpu.memory_space<vmem_shared>>
    tpu.wait_indirect_dma semaphore(%arg9 : memref<!tpu.dma_semaphore, #tpu.memory_space<semaphore_mem>>) src(%arg5 : memref<128xf32, #tpu.memory_space<vmem>>) dst(%dma_wait3A_69 : memref<10240xf32, #tpu.memory_space<vmem_shared>>)
    %dma_wait3A_70 = arith.constant 0 : i32
    %dma_wait3A_71 = arith.constant 0 : i32
    %dma_wait3A_72 = tpu.memref_slice %arg4[%dma_wait3A_70, %dma_wait3A_71] : memref<80x128xi32, #tpu.memory_space<vmem>> -> memref<1x128xi32, #tpu.memory_space<vmem>>
    %dma_wait3A_73 = tpu.memref_squeeze %dma_wait3A_72 : memref<1x128xi32, #tpu.memory_space<vmem>> -> memref<128xi32, #tpu.memory_space<vmem>>
    %dma_wait3A_74 = arith.constant 0 : i32
    %dma_wait3A_75 = tpu.memref_slice %arg8[%dma_wait3A_74] : memref<10240xf32, #tpu.memory_space<vmem_shared>> -> memref<10240xf32, #tpu.memory_space<vmem_shared>>
    tpu.wait_indirect_dma semaphore(%arg9 : memref<!tpu.dma_semaphore, #tpu.memory_space<semaphore_mem>>) src(%arg5 : memref<128xf32, #tpu.memory_space<vmem>>) dst(%dma_wait3A_75 : memref<10240xf32, #tpu.memory_space<vmem_shared>>)
    %dma_wait3A_76 = arith.constant 0 : i32
    %dma_wait3A_77 = arith.constant 0 : i32
    %dma_wait3A_78 = tpu.memref_slice %arg4[%dma_wait3A_76, %dma_wait3A_77] : memref<80x128xi32, #tpu.memory_space<vmem>> -> memref<1x128xi32, #tpu.memory_space<vmem>>
    %dma_wait3A_79 = tpu.memref_squeeze %dma_wait3A_78 : memref<1x128xi32, #tpu.memory_space<vmem>> -> memref<128xi32, #tpu.memory_space<vmem>>
    %dma_wait3A_80 = arith.constant 0 : i32
    %dma_wait3A_81 = tpu.memref_slice %arg8[%dma_wait3A_80] : memref<10240xf32, #tpu.memory_space<vmem_shared>> -> memref<10240xf32, #tpu.memory_space<vmem_shared>>
    tpu.wait_indirect_dma semaphore(%arg9 : memref<!tpu.dma_semaphore, #tpu.memory_space<semaphore_mem>>) src(%arg5 : memref<128xf32, #tpu.memory_space<vmem>>) dst(%dma_wait3A_81 : memref<10240xf32, #tpu.memory_space<vmem_shared>>)
    %dma_wait3A_82 = arith.constant 0 : i32
    %dma_wait3A_83 = arith.constant 0 : i32
    %dma_wait3A_84 = tpu.memref_slice %arg4[%dma_wait3A_82, %dma_wait3A_83] : memref<80x128xi32, #tpu.memory_space<vmem>> -> memref<1x128xi32, #tpu.memory_space<vmem>>
    %dma_wait3A_85 = tpu.memref_squeeze %dma_wait3A_84 : memref<1x128xi32, #tpu.memory_space<vmem>> -> memref<128xi32, #tpu.memory_space<vmem>>
    %dma_wait3A_86 = arith.constant 0 : i32
    %dma_wait3A_87 = tpu.memref_slice %arg8[%dma_wait3A_86] : memref<10240xf32, #tpu.memory_space<vmem_shared>> -> memref<10240xf32, #tpu.memory_space<vmem_shared>>
    tpu.wait_indirect_dma semaphore(%arg9 : memref<!tpu.dma_semaphore, #tpu.memory_space<semaphore_mem>>) src(%arg5 : memref<128xf32, #tpu.memory_space<vmem>>) dst(%dma_wait3A_87 : memref<10240xf32, #tpu.memory_space<vmem_shared>>)
    %dma_wait3A_88 = arith.constant 0 : i32
    %dma_wait3A_89 = arith.constant 0 : i32
    %dma_wait3A_90 = tpu.memref_slice %arg4[%dma_wait3A_88, %dma_wait3A_89] : memref<80x128xi32, #tpu.memory_space<vmem>> -> memref<1x128xi32, #tpu.memory_space<vmem>>
    %dma_wait3A_91 = tpu.memref_squeeze %dma_wait3A_90 : memref<1x128xi32, #tpu.memory_space<vmem>> -> memref<128xi32, #tpu.memory_space<vmem>>
    %dma_wait3A_92 = arith.constant 0 : i32
    %dma_wait3A_93 = tpu.memref_slice %arg8[%dma_wait3A_92] : memref<10240xf32, #tpu.memory_space<vmem_shared>> -> memref<10240xf32, #tpu.memory_space<vmem_shared>>
    tpu.wait_indirect_dma semaphore(%arg9 : memref<!tpu.dma_semaphore, #tpu.memory_space<semaphore_mem>>) src(%arg5 : memref<128xf32, #tpu.memory_space<vmem>>) dst(%dma_wait3A_93 : memref<10240xf32, #tpu.memory_space<vmem_shared>>)
    %dma_wait3A_94 = arith.constant 0 : i32
    %dma_wait3A_95 = arith.constant 0 : i32
    %dma_wait3A_96 = tpu.memref_slice %arg4[%dma_wait3A_94, %dma_wait3A_95] : memref<80x128xi32, #tpu.memory_space<vmem>> -> memref<1x128xi32, #tpu.memory_space<vmem>>
    %dma_wait3A_97 = tpu.memref_squeeze %dma_wait3A_96 : memref<1x128xi32, #tpu.memory_space<vmem>> -> memref<128xi32, #tpu.memory_space<vmem>>
    %dma_wait3A_98 = arith.constant 0 : i32
    %dma_wait3A_99 = tpu.memref_slice %arg8[%dma_wait3A_98] : memref<10240xf32, #tpu.memory_space<vmem_shared>> -> memref<10240xf32, #tpu.memory_space<vmem_shared>>
    tpu.wait_indirect_dma semaphore(%arg9 : memref<!tpu.dma_semaphore, #tpu.memory_space<semaphore_mem>>) src(%arg5 : memref<128xf32, #tpu.memory_space<vmem>>) dst(%dma_wait3A_99 : memref<10240xf32, #tpu.memory_space<vmem_shared>>)
    %dma_wait3A_100 = arith.constant 0 : i32
    %dma_wait3A_101 = arith.constant 0 : i32
    %dma_wait3A_102 = tpu.memref_slice %arg4[%dma_wait3A_100, %dma_wait3A_101] : memref<80x128xi32, #tpu.memory_space<vmem>> -> memref<1x128xi32, #tpu.memory_space<vmem>>
    %dma_wait3A_103 = tpu.memref_squeeze %dma_wait3A_102 : memref<1x128xi32, #tpu.memory_space<vmem>> -> memref<128xi32, #tpu.memory_space<vmem>>
    %dma_wait3A_104 = arith.constant 0 : i32
    %dma_wait3A_105 = tpu.memref_slice %arg8[%dma_wait3A_104] : memref<10240xf32, #tpu.memory_space<vmem_shared>> -> memref<10240xf32, #tpu.memory_space<vmem_shared>>
    tpu.wait_indirect_dma semaphore(%arg9 : memref<!tpu.dma_semaphore, #tpu.memory_space<semaphore_mem>>) src(%arg5 : memref<128xf32, #tpu.memory_space<vmem>>) dst(%dma_wait3A_105 : memref<10240xf32, #tpu.memory_space<vmem_shared>>)
    %dma_wait3A_106 = arith.constant 0 : i32
    %dma_wait3A_107 = arith.constant 0 : i32
    %dma_wait3A_108 = tpu.memref_slice %arg4[%dma_wait3A_106, %dma_wait3A_107] : memref<80x128xi32, #tpu.memory_space<vmem>> -> memref<1x128xi32, #tpu.memory_space<vmem>>
    %dma_wait3A_109 = tpu.memref_squeeze %dma_wait3A_108 : memref<1x128xi32, #tpu.memory_space<vmem>> -> memref<128xi32, #tpu.memory_space<vmem>>
    %dma_wait3A_110 = arith.constant 0 : i32
    %dma_wait3A_111 = tpu.memref_slice %arg8[%dma_wait3A_110] : memref<10240xf32, #tpu.memory_space<vmem_shared>> -> memref<10240xf32, #tpu.memory_space<vmem_shared>>
    tpu.wait_indirect_dma semaphore(%arg9 : memref<!tpu.dma_semaphore, #tpu.memory_space<semaphore_mem>>) src(%arg5 : memref<128xf32, #tpu.memory_space<vmem>>) dst(%dma_wait3A_111 : memref<10240xf32, #tpu.memory_space<vmem_shared>>)
    %dma_wait3A_112 = arith.constant 0 : i32
    %dma_wait3A_113 = arith.constant 0 : i32
    %dma_wait3A_114 = tpu.memref_slice %arg4[%dma_wait3A_112, %dma_wait3A_113] : memref<80x128xi32, #tpu.memory_space<vmem>> -> memref<1x128xi32, #tpu.memory_space<vmem>>
    %dma_wait3A_115 = tpu.memref_squeeze %dma_wait3A_114 : memref<1x128xi32, #tpu.memory_space<vmem>> -> memref<128xi32, #tpu.memory_space<vmem>>
    %dma_wait3A_116 = arith.constant 0 : i32
    %dma_wait3A_117 = tpu.memref_slice %arg8[%dma_wait3A_116] : memref<10240xf32, #tpu.memory_space<vmem_shared>> -> memref<10240xf32, #tpu.memory_space<vmem_shared>>
    tpu.wait_indirect_dma semaphore(%arg9 : memref<!tpu.dma_semaphore, #tpu.memory_space<semaphore_mem>>) src(%arg5 : memref<128xf32, #tpu.memory_space<vmem>>) dst(%dma_wait3A_117 : memref<10240xf32, #tpu.memory_space<vmem_shared>>)
    %dma_wait3A_118 = arith.constant 0 : i32
    %dma_wait3A_119 = arith.constant 0 : i32
    %dma_wait3A_120 = tpu.memref_slice %arg4[%dma_wait3A_118, %dma_wait3A_119] : memref<80x128xi32, #tpu.memory_space<vmem>> -> memref<1x128xi32, #tpu.memory_space<vmem>>
    %dma_wait3A_121 = tpu.memref_squeeze %dma_wait3A_120 : memref<1x128xi32, #tpu.memory_space<vmem>> -> memref<128xi32, #tpu.memory_space<vmem>>
    %dma_wait3A_122 = arith.constant 0 : i32
    %dma_wait3A_123 = tpu.memref_slice %arg8[%dma_wait3A_122] : memref<10240xf32, #tpu.memory_space<vmem_shared>> -> memref<10240xf32, #tpu.memory_space<vmem_shared>>
    tpu.wait_indirect_dma semaphore(%arg9 : memref<!tpu.dma_semaphore, #tpu.memory_space<semaphore_mem>>) src(%arg5 : memref<128xf32, #tpu.memory_space<vmem>>) dst(%dma_wait3A_123 : memref<10240xf32, #tpu.memory_space<vmem_shared>>)
    %dma_wait3A_124 = arith.constant 0 : i32
    %dma_wait3A_125 = arith.constant 0 : i32
    %dma_wait3A_126 = tpu.memref_slice %arg4[%dma_wait3A_124, %dma_wait3A_125] : memref<80x128xi32, #tpu.memory_space<vmem>> -> memref<1x128xi32, #tpu.memory_space<vmem>>
    %dma_wait3A_127 = tpu.memref_squeeze %dma_wait3A_126 : memref<1x128xi32, #tpu.memory_space<vmem>> -> memref<128xi32, #tpu.memory_space<vmem>>
    %dma_wait3A_128 = arith.constant 0 : i32
    %dma_wait3A_129 = tpu.memref_slice %arg8[%dma_wait3A_128] : memref<10240xf32, #tpu.memory_space<vmem_shared>> -> memref<10240xf32, #tpu.memory_space<vmem_shared>>
    tpu.wait_indirect_dma semaphore(%arg9 : memref<!tpu.dma_semaphore, #tpu.memory_space<semaphore_mem>>) src(%arg5 : memref<128xf32, #tpu.memory_space<vmem>>) dst(%dma_wait3A_129 : memref<10240xf32, #tpu.memory_space<vmem_shared>>)
    %dma_wait3A_130 = arith.constant 0 : i32
    %dma_wait3A_131 = arith.constant 0 : i32
    %dma_wait3A_132 = tpu.memref_slice %arg4[%dma_wait3A_130, %dma_wait3A_131] : memref<80x128xi32, #tpu.memory_space<vmem>> -> memref<1x128xi32, #tpu.memory_space<vmem>>
    %dma_wait3A_133 = tpu.memref_squeeze %dma_wait3A_132 : memref<1x128xi32, #tpu.memory_space<vmem>> -> memref<128xi32, #tpu.memory_space<vmem>>
    %dma_wait3A_134 = arith.constant 0 : i32
    %dma_wait3A_135 = tpu.memref_slice %arg8[%dma_wait3A_134] : memref<10240xf32, #tpu.memory_space<vmem_shared>> -> memref<10240xf32, #tpu.memory_space<vmem_shared>>
    tpu.wait_indirect_dma semaphore(%arg9 : memref<!tpu.dma_semaphore, #tpu.memory_space<semaphore_mem>>) src(%arg5 : memref<128xf32, #tpu.memory_space<vmem>>) dst(%dma_wait3A_135 : memref<10240xf32, #tpu.memory_space<vmem_shared>>)
    %dma_wait3A_136 = arith.constant 0 : i32
    %dma_wait3A_137 = arith.constant 0 : i32
    %dma_wait3A_138 = tpu.memref_slice %arg4[%dma_wait3A_136, %dma_wait3A_137] : memref<80x128xi32, #tpu.memory_space<vmem>> -> memref<1x128xi32, #tpu.memory_space<vmem>>
    %dma_wait3A_139 = tpu.memref_squeeze %dma_wait3A_138 : memref<1x128xi32, #tpu.memory_space<vmem>> -> memref<128xi32, #tpu.memory_space<vmem>>
    %dma_wait3A_140 = arith.constant 0 : i32
    %dma_wait3A_141 = tpu.memref_slice %arg8[%dma_wait3A_140] : memref<10240xf32, #tpu.memory_space<vmem_shared>> -> memref<10240xf32, #tpu.memory_space<vmem_shared>>
    tpu.wait_indirect_dma semaphore(%arg9 : memref<!tpu.dma_semaphore, #tpu.memory_space<semaphore_mem>>) src(%arg5 : memref<128xf32, #tpu.memory_space<vmem>>) dst(%dma_wait3A_141 : memref<10240xf32, #tpu.memory_space<vmem_shared>>)
    %dma_wait3A_142 = arith.constant 0 : i32
    %dma_wait3A_143 = arith.constant 0 : i32
    %dma_wait3A_144 = tpu.memref_slice %arg4[%dma_wait3A_142, %dma_wait3A_143] : memref<80x128xi32, #tpu.memory_space<vmem>> -> memref<1x128xi32, #tpu.memory_space<vmem>>
    %dma_wait3A_145 = tpu.memref_squeeze %dma_wait3A_144 : memref<1x128xi32, #tpu.memory_space<vmem>> -> memref<128xi32, #tpu.memory_space<vmem>>
    %dma_wait3A_146 = arith.constant 0 : i32
    %dma_wait3A_147 = tpu.memref_slice %arg8[%dma_wait3A_146] : memref<10240xf32, #tpu.memory_space<vmem_shared>> -> memref<10240xf32, #tpu.memory_space<vmem_shared>>
    tpu.wait_indirect_dma semaphore(%arg9 : memref<!tpu.dma_semaphore, #tpu.memory_space<semaphore_mem>>) src(%arg5 : memref<128xf32, #tpu.memory_space<vmem>>) dst(%dma_wait3A_147 : memref<10240xf32, #tpu.memory_space<vmem_shared>>)
    %dma_wait3A_148 = arith.constant 0 : i32
    %dma_wait3A_149 = arith.constant 0 : i32
    %dma_wait3A_150 = tpu.memref_slice %arg4[%dma_wait3A_148, %dma_wait3A_149] : memref<80x128xi32, #tpu.memory_space<vmem>> -> memref<1x128xi32, #tpu.memory_space<vmem>>
    %dma_wait3A_151 = tpu.memref_squeeze %dma_wait3A_150 : memref<1x128xi32, #tpu.memory_space<vmem>> -> memref<128xi32, #tpu.memory_space<vmem>>
    %dma_wait3A_152 = arith.constant 0 : i32
    %dma_wait3A_153 = tpu.memref_slice %arg8[%dma_wait3A_152] : memref<10240xf32, #tpu.memory_space<vmem_shared>> -> memref<10240xf32, #tpu.memory_space<vmem_shared>>
    tpu.wait_indirect_dma semaphore(%arg9 : memref<!tpu.dma_semaphore, #tpu.memory_space<semaphore_mem>>) src(%arg5 : memref<128xf32, #tpu.memory_space<vmem>>) dst(%dma_wait3A_153 : memref<10240xf32, #tpu.memory_space<vmem_shared>>)
    %dma_wait3A_154 = arith.constant 0 : i32
    %dma_wait3A_155 = arith.constant 0 : i32
    %dma_wait3A_156 = tpu.memref_slice %arg4[%dma_wait3A_154, %dma_wait3A_155] : memref<80x128xi32, #tpu.memory_space<vmem>> -> memref<1x128xi32, #tpu.memory_space<vmem>>
    %dma_wait3A_157 = tpu.memref_squeeze %dma_wait3A_156 : memref<1x128xi32, #tpu.memory_space<vmem>> -> memref<128xi32, #tpu.memory_space<vmem>>
    %dma_wait3A_158 = arith.constant 0 : i32
    %dma_wait3A_159 = tpu.memref_slice %arg8[%dma_wait3A_158] : memref<10240xf32, #tpu.memory_space<vmem_shared>> -> memref<10240xf32, #tpu.memory_space<vmem_shared>>
    tpu.wait_indirect_dma semaphore(%arg9 : memref<!tpu.dma_semaphore, #tpu.memory_space<semaphore_mem>>) src(%arg5 : memref<128xf32, #tpu.memory_space<vmem>>) dst(%dma_wait3A_159 : memref<10240xf32, #tpu.memory_space<vmem_shared>>)
    %dma_wait3A_160 = arith.constant 0 : i32
    %dma_wait3A_161 = arith.constant 0 : i32
    %dma_wait3A_162 = tpu.memref_slice %arg4[%dma_wait3A_160, %dma_wait3A_161] : memref<80x128xi32, #tpu.memory_space<vmem>> -> memref<1x128xi32, #tpu.memory_space<vmem>>
    %dma_wait3A_163 = tpu.memref_squeeze %dma_wait3A_162 : memref<1x128xi32, #tpu.memory_space<vmem>> -> memref<128xi32, #tpu.memory_space<vmem>>
    %dma_wait3A_164 = arith.constant 0 : i32
    %dma_wait3A_165 = tpu.memref_slice %arg8[%dma_wait3A_164] : memref<10240xf32, #tpu.memory_space<vmem_shared>> -> memref<10240xf32, #tpu.memory_space<vmem_shared>>
    tpu.wait_indirect_dma semaphore(%arg9 : memref<!tpu.dma_semaphore, #tpu.memory_space<semaphore_mem>>) src(%arg5 : memref<128xf32, #tpu.memory_space<vmem>>) dst(%dma_wait3A_165 : memref<10240xf32, #tpu.memory_space<vmem_shared>>)
    %barrier3A_166 = arith.constant 0 : index
    tpu.barrier barrier_id(%barrier3A_166)
    %mul3A_167 = arith.constant 640 : i32
    %mul3A_168 = arith.muli %arg1, %mul3A_167 : i32
    "tpu.region"() ({
      %run_scoped3A = tpu.sem_alloc : memref<!tpu.dma_semaphore, #tpu.memory_space<semaphore_mem>>
      %dma_start3A = tpu.memref_slice %arg8[%mul3A_168] : memref<10240xf32, #tpu.memory_space<vmem_shared>> -> memref<640xf32, #tpu.memory_space<vmem_shared>>
      %dma_start3A_178 = tpu.memref_slice %arg8[%mul3A_168] : memref<10240xf32, #tpu.memory_space<vmem_shared>> -> memref<640xf32, #tpu.memory_space<vmem_shared>>
      tpu.enqueue_dma source(%dma_start3A_178 : memref<640xf32, #tpu.memory_space<vmem_shared>>) target(%arg6 : memref<640xf32, #tpu.memory_space<vmem>>) target_semaphore(%run_scoped3A : memref<!tpu.dma_semaphore, #tpu.memory_space<semaphore_mem>>)
      %dma_wait3A_179 = tpu.memref_slice %arg8[%mul3A_168] : memref<10240xf32, #tpu.memory_space<vmem_shared>> -> memref<640xf32, #tpu.memory_space<vmem_shared>>
      %dma_wait3A_180 = tpu.memref_slice %arg8[%mul3A_168] : memref<10240xf32, #tpu.memory_space<vmem_shared>> -> memref<640xf32, #tpu.memory_space<vmem_shared>>
      tpu.wait_dma2 semaphore(%run_scoped3A : memref<!tpu.dma_semaphore, #tpu.memory_space<semaphore_mem>>) src(%dma_wait3A_180 : memref<640xf32, #tpu.memory_space<vmem_shared>>) dst(%arg6 : memref<640xf32, #tpu.memory_space<vmem>>)
      tpu.yield
    }) : () -> ()
    %scan3A_169 = arith.constant 0 : i32
    %scan3A_170 = arith.constant 0 : i32
    %scan3A_171 = arith.constant 40 : i32
    %scan3A_172 = arith.addi %scan3A_170, %scan3A_171 : i32
    %scan3A_173 = arith.constant 1 : i32
    %scan3A_174 = scf.for %scan3A_178 = %scan3A_170 to %scan3A_172 step %scan3A_173 iter_args(%scan3A_179 = %scan3A_169) -> (i32)  : i32 {
      %mul3A_180 = arith.constant 16 : i32
      %mul3A_181 = arith.muli %scan3A_178, %mul3A_180 : i32
      %get3A = arith.index_cast %mul3A_181 : i32 to index
      %get3A_182 = tpu.vector_load %arg6[%get3A] {strides = array<i32>} : memref<640xf32, #tpu.memory_space<vmem>>, vector<16xf32>,
      %get3A_183 = vector.shape_cast %get3A_182 : vector<16xf32> to vector<16xf32>
      %slice3A = vector.extract_strided_slice %get3A_183 {offsets = [0], sizes = [1], strides = [1]} : vector<16xf32> to vector<1xf32>
      %squeeze3A = vector.extract %slice3A[0] : f32 from vector<1xf32>
      %broadcast_in_dim3A = vector.broadcast %squeeze3A : f32 to vector<16xf32>
      %mul3A_184 = arith.constant 16 : i32
      %mul3A_185 = arith.muli %scan3A_178, %mul3A_184 : i32
      %add3A_186 = arith.constant 0 : i32
      %add3A_187 = arith.addi %mul3A_185, %add3A_186 : i32
      %swap3A = arith.index_cast %add3A_187 : i32 to index
      %swap3A_188 = arith.constant 0 : index
      %swap3A_189 = tpu.vector_load %arg7[%swap3A, %swap3A_188] {strides = array<i32>} : memref<640x16xf32, #tpu.memory_space<vmem>>, vector<1x16xf32>,
      %swap3A_190 = vector.shape_cast %swap3A_189 : vector<1x16xf32> to vector<16xf32>
      %swap3A_191 = vector.shape_cast %broadcast_in_dim3A : vector<16xf32> to vector<1x16xf32>
      tpu.vector_store %arg7[%swap3A, %swap3A_188], %swap3A_191 {strides = array<i32>} : memref<640x16xf32, #tpu.memory_space<vmem>>, vector<1x16xf32>,
      %slice3A_192 = vector.extract_strided_slice %get3A_183 {offsets = [1], sizes = [1], strides = [1]} : vector<16xf32> to vector<1xf32>
      %squeeze3A_193 = vector.extract %slice3A_192[0] : f32 from vector<1xf32>
      %broadcast_in_dim3A_194 = vector.broadcast %squeeze3A_193 : f32 to vector<16xf32>
      %mul3A_195 = arith.constant 16 : i32
      %mul3A_196 = arith.muli %scan3A_178, %mul3A_195 : i32
      %add3A_197 = arith.constant 1 : i32
      %add3A_198 = arith.addi %mul3A_196, %add3A_197 : i32
      %swap3A_199 = arith.index_cast %add3A_198 : i32 to index
      %swap3A_200 = arith.constant 0 : index
      %swap3A_201 = tpu.vector_load %arg7[%swap3A_199, %swap3A_200] {strides = array<i32>} : memref<640x16xf32, #tpu.memory_space<vmem>>, vector<1x16xf32>,
      %swap3A_202 = vector.shape_cast %swap3A_201 : vector<1x16xf32> to vector<16xf32>
      %swap3A_203 = vector.shape_cast %broadcast_in_dim3A_194 : vector<16xf32> to vector<1x16xf32>
      tpu.vector_store %arg7[%swap3A_199, %swap3A_200], %swap3A_203 {strides = array<i32>} : memref<640x16xf32, #tpu.memory_space<vmem>>, vector<1x16xf32>,
      %slice3A_204 = vector.extract_strided_slice %get3A_183 {offsets = [2], sizes = [1], strides = [1]} : vector<16xf32> to vector<1xf32>
      %squeeze3A_205 = vector.extract %slice3A_204[0] : f32 from vector<1xf32>
      %broadcast_in_dim3A_206 = vector.broadcast %squeeze3A_205 : f32 to vector<16xf32>
      %mul3A_207 = arith.constant 16 : i32
      %mul3A_208 = arith.muli %scan3A_178, %mul3A_207 : i32
      %add3A_209 = arith.constant 2 : i32
      %add3A_210 = arith.addi %mul3A_208, %add3A_209 : i32
      %swap3A_211 = arith.index_cast %add3A_210 : i32 to index
      %swap3A_212 = arith.constant 0 : index
      %swap3A_213 = tpu.vector_load %arg7[%swap3A_211, %swap3A_212] {strides = array<i32>} : memref<640x16xf32, #tpu.memory_space<vmem>>, vector<1x16xf32>,
      %swap3A_214 = vector.shape_cast %swap3A_213 : vector<1x16xf32> to vector<16xf32>
      %swap3A_215 = vector.shape_cast %broadcast_in_dim3A_206 : vector<16xf32> to vector<1x16xf32>
      tpu.vector_store %arg7[%swap3A_211, %swap3A_212], %swap3A_215 {strides = array<i32>} : memref<640x16xf32, #tpu.memory_space<vmem>>, vector<1x16xf32>,
      %slice3A_216 = vector.extract_strided_slice %get3A_183 {offsets = [3], sizes = [1], strides = [1]} : vector<16xf32> to vector<1xf32>
      %squeeze3A_217 = vector.extract %slice3A_216[0] : f32 from vector<1xf32>
      %broadcast_in_dim3A_218 = vector.broadcast %squeeze3A_217 : f32 to vector<16xf32>
      %mul3A_219 = arith.constant 16 : i32
      %mul3A_220 = arith.muli %scan3A_178, %mul3A_219 : i32
      %add3A_221 = arith.constant 3 : i32
      %add3A_222 = arith.addi %mul3A_220, %add3A_221 : i32
      %swap3A_223 = arith.index_cast %add3A_222 : i32 to index
      %swap3A_224 = arith.constant 0 : index
      %swap3A_225 = tpu.vector_load %arg7[%swap3A_223, %swap3A_224] {strides = array<i32>} : memref<640x16xf32, #tpu.memory_space<vmem>>, vector<1x16xf32>,
      %swap3A_226 = vector.shape_cast %swap3A_225 : vector<1x16xf32> to vector<16xf32>
      %swap3A_227 = vector.shape_cast %broadcast_in_dim3A_218 : vector<16xf32> to vector<1x16xf32>
      tpu.vector_store %arg7[%swap3A_223, %swap3A_224], %swap3A_227 {strides = array<i32>} : memref<640x16xf32, #tpu.memory_space<vmem>>, vector<1x16xf32>,
      %slice3A_228 = vector.extract_strided_slice %get3A_183 {offsets = [4], sizes = [1], strides = [1]} : vector<16xf32> to vector<1xf32>
      %squeeze3A_229 = vector.extract %slice3A_228[0] : f32 from vector<1xf32>
      %broadcast_in_dim3A_230 = vector.broadcast %squeeze3A_229 : f32 to vector<16xf32>
      %mul3A_231 = arith.constant 16 : i32
      %mul3A_232 = arith.muli %scan3A_178, %mul3A_231 : i32
      %add3A_233 = arith.constant 4 : i32
      %add3A_234 = arith.addi %mul3A_232, %add3A_233 : i32
      %swap3A_235 = arith.index_cast %add3A_234 : i32 to index
      %swap3A_236 = arith.constant 0 : index
      %swap3A_237 = tpu.vector_load %arg7[%swap3A_235, %swap3A_236] {strides = array<i32>} : memref<640x16xf32, #tpu.memory_space<vmem>>, vector<1x16xf32>,
      %swap3A_238 = vector.shape_cast %swap3A_237 : vector<1x16xf32> to vector<16xf32>
      %swap3A_239 = vector.shape_cast %broadcast_in_dim3A_230 : vector<16xf32> to vector<1x16xf32>
      tpu.vector_store %arg7[%swap3A_235, %swap3A_236], %swap3A_239 {strides = array<i32>} : memref<640x16xf32, #tpu.memory_space<vmem>>, vector<1x16xf32>,
      %slice3A_240 = vector.extract_strided_slice %get3A_183 {offsets = [5], sizes = [1], strides = [1]} : vector<16xf32> to vector<1xf32>
      %squeeze3A_241 = vector.extract %slice3A_240[0] : f32 from vector<1xf32>
      %broadcast_in_dim3A_242 = vector.broadcast %squeeze3A_241 : f32 to vector<16xf32>
      %mul3A_243 = arith.constant 16 : i32
      %mul3A_244 = arith.muli %scan3A_178, %mul3A_243 : i32
      %add3A_245 = arith.constant 5 : i32
      %add3A_246 = arith.addi %mul3A_244, %add3A_245 : i32
      %swap3A_247 = arith.index_cast %add3A_246 : i32 to index
      %swap3A_248 = arith.constant 0 : index
      %swap3A_249 = tpu.vector_load %arg7[%swap3A_247, %swap3A_248] {strides = array<i32>} : memref<640x16xf32, #tpu.memory_space<vmem>>, vector<1x16xf32>,
      %swap3A_250 = vector.shape_cast %swap3A_249 : vector<1x16xf32> to vector<16xf32>
      %swap3A_251 = vector.shape_cast %broadcast_in_dim3A_242 : vector<16xf32> to vector<1x16xf32>
      tpu.vector_store %arg7[%swap3A_247, %swap3A_248], %swap3A_251 {strides = array<i32>} : memref<640x16xf32, #tpu.memory_space<vmem>>, vector<1x16xf32>,
      %slice3A_252 = vector.extract_strided_slice %get3A_183 {offsets = [6], sizes = [1], strides = [1]} : vector<16xf32> to vector<1xf32>
      %squeeze3A_253 = vector.extract %slice3A_252[0] : f32 from vector<1xf32>
      %broadcast_in_dim3A_254 = vector.broadcast %squeeze3A_253 : f32 to vector<16xf32>
      %mul3A_255 = arith.constant 16 : i32
      %mul3A_256 = arith.muli %scan3A_178, %mul3A_255 : i32
      %add3A_257 = arith.constant 6 : i32
      %add3A_258 = arith.addi %mul3A_256, %add3A_257 : i32
      %swap3A_259 = arith.index_cast %add3A_258 : i32 to index
      %swap3A_260 = arith.constant 0 : index
      %swap3A_261 = tpu.vector_load %arg7[%swap3A_259, %swap3A_260] {strides = array<i32>} : memref<640x16xf32, #tpu.memory_space<vmem>>, vector<1x16xf32>,
      %swap3A_262 = vector.shape_cast %swap3A_261 : vector<1x16xf32> to vector<16xf32>
      %swap3A_263 = vector.shape_cast %broadcast_in_dim3A_254 : vector<16xf32> to vector<1x16xf32>
      tpu.vector_store %arg7[%swap3A_259, %swap3A_260], %swap3A_263 {strides = array<i32>} : memref<640x16xf32, #tpu.memory_space<vmem>>, vector<1x16xf32>,
      %slice3A_264 = vector.extract_strided_slice %get3A_183 {offsets = [7], sizes = [1], strides = [1]} : vector<16xf32> to vector<1xf32>
      %squeeze3A_265 = vector.extract %slice3A_264[0] : f32 from vector<1xf32>
      %broadcast_in_dim3A_266 = vector.broadcast %squeeze3A_265 : f32 to vector<16xf32>
      %mul3A_267 = arith.constant 16 : i32
      %mul3A_268 = arith.muli %scan3A_178, %mul3A_267 : i32
      %add3A_269 = arith.constant 7 : i32
      %add3A_270 = arith.addi %mul3A_268, %add3A_269 : i32
      %swap3A_271 = arith.index_cast %add3A_270 : i32 to index
      %swap3A_272 = arith.constant 0 : index
      %swap3A_273 = tpu.vector_load %arg7[%swap3A_271, %swap3A_272] {strides = array<i32>} : memref<640x16xf32, #tpu.memory_space<vmem>>, vector<1x16xf32>,
      %swap3A_274 = vector.shape_cast %swap3A_273 : vector<1x16xf32> to vector<16xf32>
      %swap3A_275 = vector.shape_cast %broadcast_in_dim3A_266 : vector<16xf32> to vector<1x16xf32>
      tpu.vector_store %arg7[%swap3A_271, %swap3A_272], %swap3A_275 {strides = array<i32>} : memref<640x16xf32, #tpu.memory_space<vmem>>, vector<1x16xf32>,
      %slice3A_276 = vector.extract_strided_slice %get3A_183 {offsets = [8], sizes = [1], strides = [1]} : vector<16xf32> to vector<1xf32>
      %squeeze3A_277 = vector.extract %slice3A_276[0] : f32 from vector<1xf32>
      %broadcast_in_dim3A_278 = vector.broadcast %squeeze3A_277 : f32 to vector<16xf32>
      %mul3A_279 = arith.constant 16 : i32
      %mul3A_280 = arith.muli %scan3A_178, %mul3A_279 : i32
      %add3A_281 = arith.constant 8 : i32
      %add3A_282 = arith.addi %mul3A_280, %add3A_281 : i32
      %swap3A_283 = arith.index_cast %add3A_282 : i32 to index
      %swap3A_284 = arith.constant 0 : index
      %swap3A_285 = tpu.vector_load %arg7[%swap3A_283, %swap3A_284] {strides = array<i32>} : memref<640x16xf32, #tpu.memory_space<vmem>>, vector<1x16xf32>,
      %swap3A_286 = vector.shape_cast %swap3A_285 : vector<1x16xf32> to vector<16xf32>
      %swap3A_287 = vector.shape_cast %broadcast_in_dim3A_278 : vector<16xf32> to vector<1x16xf32>
      tpu.vector_store %arg7[%swap3A_283, %swap3A_284], %swap3A_287 {strides = array<i32>} : memref<640x16xf32, #tpu.memory_space<vmem>>, vector<1x16xf32>,
      %slice3A_288 = vector.extract_strided_slice %get3A_183 {offsets = [9], sizes = [1], strides = [1]} : vector<16xf32> to vector<1xf32>
      %squeeze3A_289 = vector.extract %slice3A_288[0] : f32 from vector<1xf32>
      %broadcast_in_dim3A_290 = vector.broadcast %squeeze3A_289 : f32 to vector<16xf32>
      %mul3A_291 = arith.constant 16 : i32
      %mul3A_292 = arith.muli %scan3A_178, %mul3A_291 : i32
      %add3A_293 = arith.constant 9 : i32
      %add3A_294 = arith.addi %mul3A_292, %add3A_293 : i32
      %swap3A_295 = arith.index_cast %add3A_294 : i32 to index
      %swap3A_296 = arith.constant 0 : index
      %swap3A_297 = tpu.vector_load %arg7[%swap3A_295, %swap3A_296] {strides = array<i32>} : memref<640x16xf32, #tpu.memory_space<vmem>>, vector<1x16xf32>,
      %swap3A_298 = vector.shape_cast %swap3A_297 : vector<1x16xf32> to vector<16xf32>
      %swap3A_299 = vector.shape_cast %broadcast_in_dim3A_290 : vector<16xf32> to vector<1x16xf32>
      tpu.vector_store %arg7[%swap3A_295, %swap3A_296], %swap3A_299 {strides = array<i32>} : memref<640x16xf32, #tpu.memory_space<vmem>>, vector<1x16xf32>,
      %slice3A_300 = vector.extract_strided_slice %get3A_183 {offsets = [10], sizes = [1], strides = [1]} : vector<16xf32> to vector<1xf32>
      %squeeze3A_301 = vector.extract %slice3A_300[0] : f32 from vector<1xf32>
      %broadcast_in_dim3A_302 = vector.broadcast %squeeze3A_301 : f32 to vector<16xf32>
      %mul3A_303 = arith.constant 16 : i32
      %mul3A_304 = arith.muli %scan3A_178, %mul3A_303 : i32
      %add3A_305 = arith.constant 10 : i32
      %add3A_306 = arith.addi %mul3A_304, %add3A_305 : i32
      %swap3A_307 = arith.index_cast %add3A_306 : i32 to index
      %swap3A_308 = arith.constant 0 : index
      %swap3A_309 = tpu.vector_load %arg7[%swap3A_307, %swap3A_308] {strides = array<i32>} : memref<640x16xf32, #tpu.memory_space<vmem>>, vector<1x16xf32>,
      %swap3A_310 = vector.shape_cast %swap3A_309 : vector<1x16xf32> to vector<16xf32>
      %swap3A_311 = vector.shape_cast %broadcast_in_dim3A_302 : vector<16xf32> to vector<1x16xf32>
      tpu.vector_store %arg7[%swap3A_307, %swap3A_308], %swap3A_311 {strides = array<i32>} : memref<640x16xf32, #tpu.memory_space<vmem>>, vector<1x16xf32>,
      %slice3A_312 = vector.extract_strided_slice %get3A_183 {offsets = [11], sizes = [1], strides = [1]} : vector<16xf32> to vector<1xf32>
      %squeeze3A_313 = vector.extract %slice3A_312[0] : f32 from vector<1xf32>
      %broadcast_in_dim3A_314 = vector.broadcast %squeeze3A_313 : f32 to vector<16xf32>
      %mul3A_315 = arith.constant 16 : i32
      %mul3A_316 = arith.muli %scan3A_178, %mul3A_315 : i32
      %add3A_317 = arith.constant 11 : i32
      %add3A_318 = arith.addi %mul3A_316, %add3A_317 : i32
      %swap3A_319 = arith.index_cast %add3A_318 : i32 to index
      %swap3A_320 = arith.constant 0 : index
      %swap3A_321 = tpu.vector_load %arg7[%swap3A_319, %swap3A_320] {strides = array<i32>} : memref<640x16xf32, #tpu.memory_space<vmem>>, vector<1x16xf32>,
      %swap3A_322 = vector.shape_cast %swap3A_321 : vector<1x16xf32> to vector<16xf32>
      %swap3A_323 = vector.shape_cast %broadcast_in_dim3A_314 : vector<16xf32> to vector<1x16xf32>
      tpu.vector_store %arg7[%swap3A_319, %swap3A_320], %swap3A_323 {strides = array<i32>} : memref<640x16xf32, #tpu.memory_space<vmem>>, vector<1x16xf32>,
      %slice3A_324 = vector.extract_strided_slice %get3A_183 {offsets = [12], sizes = [1], strides = [1]} : vector<16xf32> to vector<1xf32>
      %squeeze3A_325 = vector.extract %slice3A_324[0] : f32 from vector<1xf32>
      %broadcast_in_dim3A_326 = vector.broadcast %squeeze3A_325 : f32 to vector<16xf32>
      %mul3A_327 = arith.constant 16 : i32
      %mul3A_328 = arith.muli %scan3A_178, %mul3A_327 : i32
      %add3A_329 = arith.constant 12 : i32
      %add3A_330 = arith.addi %mul3A_328, %add3A_329 : i32
      %swap3A_331 = arith.index_cast %add3A_330 : i32 to index
      %swap3A_332 = arith.constant 0 : index
      %swap3A_333 = tpu.vector_load %arg7[%swap3A_331, %swap3A_332] {strides = array<i32>} : memref<640x16xf32, #tpu.memory_space<vmem>>, vector<1x16xf32>,
      %swap3A_334 = vector.shape_cast %swap3A_333 : vector<1x16xf32> to vector<16xf32>
      %swap3A_335 = vector.shape_cast %broadcast_in_dim3A_326 : vector<16xf32> to vector<1x16xf32>
      tpu.vector_store %arg7[%swap3A_331, %swap3A_332], %swap3A_335 {strides = array<i32>} : memref<640x16xf32, #tpu.memory_space<vmem>>, vector<1x16xf32>,
      %slice3A_336 = vector.extract_strided_slice %get3A_183 {offsets = [13], sizes = [1], strides = [1]} : vector<16xf32> to vector<1xf32>
      %squeeze3A_337 = vector.extract %slice3A_336[0] : f32 from vector<1xf32>
      %broadcast_in_dim3A_338 = vector.broadcast %squeeze3A_337 : f32 to vector<16xf32>
      %mul3A_339 = arith.constant 16 : i32
      %mul3A_340 = arith.muli %scan3A_178, %mul3A_339 : i32
      %add3A_341 = arith.constant 13 : i32
      %add3A_342 = arith.addi %mul3A_340, %add3A_341 : i32
      %swap3A_343 = arith.index_cast %add3A_342 : i32 to index
      %swap3A_344 = arith.constant 0 : index
      %swap3A_345 = tpu.vector_load %arg7[%swap3A_343, %swap3A_344] {strides = array<i32>} : memref<640x16xf32, #tpu.memory_space<vmem>>, vector<1x16xf32>,
      %swap3A_346 = vector.shape_cast %swap3A_345 : vector<1x16xf32> to vector<16xf32>
      %swap3A_347 = vector.shape_cast %broadcast_in_dim3A_338 : vector<16xf32> to vector<1x16xf32>
      tpu.vector_store %arg7[%swap3A_343, %swap3A_344], %swap3A_347 {strides = array<i32>} : memref<640x16xf32, #tpu.memory_space<vmem>>, vector<1x16xf32>,
      %slice3A_348 = vector.extract_strided_slice %get3A_183 {offsets = [14], sizes = [1], strides = [1]} : vector<16xf32> to vector<1xf32>
      %squeeze3A_349 = vector.extract %slice3A_348[0] : f32 from vector<1xf32>
      %broadcast_in_dim3A_350 = vector.broadcast %squeeze3A_349 : f32 to vector<16xf32>
      %mul3A_351 = arith.constant 16 : i32
      %mul3A_352 = arith.muli %scan3A_178, %mul3A_351 : i32
      %add3A_353 = arith.constant 14 : i32
      %add3A_354 = arith.addi %mul3A_352, %add3A_353 : i32
      %swap3A_355 = arith.index_cast %add3A_354 : i32 to index
      %swap3A_356 = arith.constant 0 : index
      %swap3A_357 = tpu.vector_load %arg7[%swap3A_355, %swap3A_356] {strides = array<i32>} : memref<640x16xf32, #tpu.memory_space<vmem>>, vector<1x16xf32>,
      %swap3A_358 = vector.shape_cast %swap3A_357 : vector<1x16xf32> to vector<16xf32>
      %swap3A_359 = vector.shape_cast %broadcast_in_dim3A_350 : vector<16xf32> to vector<1x16xf32>
      tpu.vector_store %arg7[%swap3A_355, %swap3A_356], %swap3A_359 {strides = array<i32>} : memref<640x16xf32, #tpu.memory_space<vmem>>, vector<1x16xf32>,
      %slice3A_360 = vector.extract_strided_slice %get3A_183 {offsets = [15], sizes = [1], strides = [1]} : vector<16xf32> to vector<1xf32>
      %squeeze3A_361 = vector.extract %slice3A_360[0] : f32 from vector<1xf32>
      %broadcast_in_dim3A_362 = vector.broadcast %squeeze3A_361 : f32 to vector<16xf32>
      %mul3A_363 = arith.constant 16 : i32
      %mul3A_364 = arith.muli %scan3A_178, %mul3A_363 : i32
      %add3A_365 = arith.constant 15 : i32
      %add3A_366 = arith.addi %mul3A_364, %add3A_365 : i32
      %swap3A_367 = arith.index_cast %add3A_366 : i32 to index
      %swap3A_368 = arith.constant 0 : index
      %swap3A_369 = tpu.vector_load %arg7[%swap3A_367, %swap3A_368] {strides = array<i32>} : memref<640x16xf32, #tpu.memory_space<vmem>>, vector<1x16xf32>,
      %swap3A_370 = vector.shape_cast %swap3A_369 : vector<1x16xf32> to vector<16xf32>
      %swap3A_371 = vector.shape_cast %broadcast_in_dim3A_362 : vector<16xf32> to vector<1x16xf32>
      tpu.vector_store %arg7[%swap3A_367, %swap3A_368], %swap3A_371 {strides = array<i32>} : memref<640x16xf32, #tpu.memory_space<vmem>>, vector<1x16xf32>,
      %scan3A_372 = arith.constant 0 : i32
      scf.yield %scan3A_372 : i32
    }
    %scan3A_175 = arith.constant 40 : i32
    %mul3A_176 = arith.constant 640 : i32
    %mul3A_177 = arith.muli %arg1, %mul3A_176 : i32
    "tpu.region"() ({
      %run_scoped3A = tpu.sem_alloc : memref<!tpu.dma_semaphore, #tpu.memory_space<semaphore_mem>>
      %dma_start3A = arith.constant 0 : i32
      %dma_start3A_178 = arith.constant 0 : i32
      %dma_start3A_179 = tpu.memref_slice %arg3[%arg0, %dma_start3A, %dma_start3A_178] : memref<2x10240x16xf32, #tpu.memory_space<hbm>> -> memref<1x10240x16xf32, #tpu.memory_space<hbm>>
      %dma_start3A_180 = tpu.memref_squeeze %dma_start3A_179 : memref<1x10240x16xf32, #tpu.memory_space<hbm>> -> memref<10240x16xf32, #tpu.memory_space<hbm>>
      %dma_start3A_181 = arith.constant 0 : i32
      %dma_start3A_182 = tpu.memref_slice %dma_start3A_180[%mul3A_177, %dma_start3A_181] : memref<10240x16xf32, #tpu.memory_space<hbm>> -> memref<640x16xf32, #tpu.memory_space<hbm>>
      %dma_start3A_183 = arith.constant 0 : i32
      %dma_start3A_184 = arith.constant 0 : i32
      %dma_start3A_185 = tpu.memref_slice %arg3[%arg0, %dma_start3A_183, %dma_start3A_184] : memref<2x10240x16xf32, #tpu.memory_space<hbm>> -> memref<1x10240x16xf32, #tpu.memory_space<hbm>>
      %dma_start3A_186 = tpu.memref_squeeze %dma_start3A_185 : memref<1x10240x16xf32, #tpu.memory_space<hbm>> -> memref<10240x16xf32, #tpu.memory_space<hbm>>
      %dma_start3A_187 = arith.constant 0 : i32
      %dma_start3A_188 = tpu.memref_slice %dma_start3A_186[%mul3A_177, %dma_start3A_187] : memref<10240x16xf32, #tpu.memory_space<hbm>> -> memref<640x16xf32, #tpu.memory_space<hbm>>
      tpu.enqueue_dma source(%arg7 : memref<640x16xf32, #tpu.memory_space<vmem>>) target(%dma_start3A_188 : memref<640x16xf32, #tpu.memory_space<hbm>>) target_semaphore(%run_scoped3A : memref<!tpu.dma_semaphore, #tpu.memory_space<semaphore_mem>>)
      %dma_wait3A_189 = arith.constant 0 : i32
      %dma_wait3A_190 = arith.constant 0 : i32
      %dma_wait3A_191 = tpu.memref_slice %arg3[%arg0, %dma_wait3A_189, %dma_wait3A_190] : memref<2x10240x16xf32, #tpu.memory_space<hbm>> -> memref<1x10240x16xf32, #tpu.memory_space<hbm>>
      %dma_wait3A_192 = tpu.memref_squeeze %dma_wait3A_191 : memref<1x10240x16xf32, #tpu.memory_space<hbm>> -> memref<10240x16xf32, #tpu.memory_space<hbm>>
      %dma_wait3A_193 = arith.constant 0 : i32
      %dma_wait3A_194 = tpu.memref_slice %dma_wait3A_192[%mul3A_177, %dma_wait3A_193] : memref<10240x16xf32, #tpu.memory_space<hbm>> -> memref<640x16xf32, #tpu.memory_space<hbm>>
      %dma_wait3A_195 = arith.constant 0 : i32
      %dma_wait3A_196 = arith.constant 0 : i32
      %dma_wait3A_197 = tpu.memref_slice %arg3[%arg0, %dma_wait3A_195, %dma_wait3A_196] : memref<2x10240x16xf32, #tpu.memory_space<hbm>> -> memref<1x10240x16xf32, #tpu.memory_space<hbm>>
      %dma_wait3A_198 = tpu.memref_squeeze %dma_wait3A_197 : memref<1x10240x16xf32, #tpu.memory_space<hbm>> -> memref<10240x16xf32, #tpu.memory_space<hbm>>
      %dma_wait3A_199 = arith.constant 0 : i32
      %dma_wait3A_200 = tpu.memref_slice %dma_wait3A_198[%mul3A_177, %dma_wait3A_199] : memref<10240x16xf32, #tpu.memory_space<hbm>> -> memref<640x16xf32, #tpu.memory_space<hbm>>
      tpu.wait_dma2 semaphore(%run_scoped3A : memref<!tpu.dma_semaphore, #tpu.memory_space<semaphore_mem>>) src(%arg7 : memref<640x16xf32, #tpu.memory_space<vmem>>) dst(%dma_wait3A_200 : memref<640x16xf32, #tpu.memory_space<hbm>>)
      tpu.yield
    }) : () -> ()
    return
  }
}

#map = affine_map<(d0, d1) -> (0, 0)>
#map1 = affine_map<(d0, d1) -> (0, 0, 0)>
module attributes {stable_mosaic.version = 14 : i64} {
  func.func @_edge_body(%arg0: i32, %arg1: i32, %arg2: memref<10240x16xf32, #tpu.memory_space<hbm>>, %arg3: memref<32x80x128xi32, #tpu.memory_space<hbm>>, %arg4: memref<32x80x128xi32, #tpu.memory_space<hbm>>, %arg5: memref<2x10240x16xf32, #tpu.memory_space<hbm>>, %arg6: memref<80x128xi32, #tpu.memory_space<vmem>>, %arg7: memref<80x128xi32, #tpu.memory_space<vmem>>, %arg8: memref<10x128x16xf32, #tpu.memory_space<vmem>>, %arg9: memref<640x16xf32, #tpu.memory_space<vmem>>, %arg10: memref<10240x16xf32, #tpu.memory_space<vmem_shared>>, %arg11: memref<!tpu.dma_semaphore, #tpu.memory_space<semaphore_mem>>, %arg12: memref<!tpu.dma_semaphore, #tpu.memory_space<semaphore_mem>>, %arg13: memref<!tpu.dma_semaphore, #tpu.memory_space<semaphore_mem>>, %arg14: memref<!tpu.dma_semaphore, #tpu.memory_space<semaphore_mem>>, %arg15: memref<!tpu.dma_semaphore, #tpu.memory_space<semaphore_mem>>, %arg16: memref<!tpu.dma_semaphore, #tpu.memory_space<semaphore_mem>>, %arg17: memref<!tpu.dma_semaphore, #tpu.memory_space<semaphore_mem>>, %arg18: memref<!tpu.dma_semaphore, #tpu.memory_space<semaphore_mem>>, %arg19: memref<!tpu.dma_semaphore, #tpu.memory_space<semaphore_mem>>, %arg20: memref<!tpu.dma_semaphore, #tpu.memory_space<semaphore_mem>>, %arg21: memref<!tpu.dma_semaphore, #tpu.memory_space<semaphore_mem>>, %arg22: memref<!tpu.dma_semaphore, #tpu.memory_space<semaphore_mem>>, %arg23: memref<!tpu.dma_semaphore, #tpu.memory_space<semaphore_mem>>, %arg24: memref<!tpu.dma_semaphore, #tpu.memory_space<semaphore_mem>>, %arg25: memref<!tpu.dma_semaphore, #tpu.memory_space<semaphore_mem>>, %arg26: memref<!tpu.dma_semaphore, #tpu.memory_space<semaphore_mem>>, %arg27: memref<!tpu.dma_semaphore, #tpu.memory_space<semaphore_mem>>, %arg28: memref<!tpu.dma_semaphore, #tpu.memory_space<semaphore_mem>>, %arg29: memref<!tpu.dma_semaphore, #tpu.memory_space<semaphore_mem>>, %arg30: memref<!tpu.dma_semaphore, #tpu.memory_space<semaphore_mem>>, %arg31: memref<!tpu.dma_semaphore, #tpu.memory_space<semaphore_mem>>) attributes {dimension_semantics = [#tpu.dimension_semantics<core_parallel>, #tpu.dimension_semantics<subcore_parallel>], iteration_bounds = array<i64: 2, 16>, scalar_prefetch = 0 : i64, scratch_operands = 26 : i64, tpu.core_type = #tpu.core_type<sc_vector_subcore>, window_params = [{transform_indices = #map}, {transform_indices = #map1}, {transform_indices = #map1}, {transform_indices = #map1}]} {
    %mul3A = arith.constant 16 : i32
    %mul3A_0 = arith.muli %arg0, %mul3A : i32
    %add3A = arith.addi %mul3A_0, %arg1 : i32
    %dma_start3A = arith.constant 0 : i32
    %dma_start3A_1 = arith.constant 0 : i32
    %dma_start3A_2 = tpu.memref_slice %arg3[%add3A, %dma_start3A, %dma_start3A_1] : memref<32x80x128xi32, #tpu.memory_space<hbm>> -> memref<1x80x128xi32, #tpu.memory_space<hbm>>
    %dma_start3A_3 = tpu.memref_squeeze %dma_start3A_2 : memref<1x80x128xi32, #tpu.memory_space<hbm>> -> memref<80x128xi32, #tpu.memory_space<hbm>>
    %dma_start3A_4 = arith.constant 0 : i32
    %dma_start3A_5 = arith.constant 0 : i32
    %dma_start3A_6 = tpu.memref_slice %arg3[%add3A, %dma_start3A_4, %dma_start3A_5] : memref<32x80x128xi32, #tpu.memory_space<hbm>> -> memref<1x80x128xi32, #tpu.memory_space<hbm>>
    %dma_start3A_7 = tpu.memref_squeeze %dma_start3A_6 : memref<1x80x128xi32, #tpu.memory_space<hbm>> -> memref<80x128xi32, #tpu.memory_space<hbm>>
    tpu.enqueue_dma source(%dma_start3A_7 : memref<80x128xi32, #tpu.memory_space<hbm>>) target(%arg6 : memref<80x128xi32, #tpu.memory_space<vmem>>) target_semaphore(%arg11 : memref<!tpu.dma_semaphore, #tpu.memory_space<semaphore_mem>>)
    %dma_start3A_8 = arith.constant 0 : i32
    %dma_start3A_9 = arith.constant 0 : i32
    %dma_start3A_10 = tpu.memref_slice %arg4[%add3A, %dma_start3A_8, %dma_start3A_9] : memref<32x80x128xi32, #tpu.memory_space<hbm>> -> memref<1x80x128xi32, #tpu.memory_space<hbm>>
    %dma_start3A_11 = tpu.memref_squeeze %dma_start3A_10 : memref<1x80x128xi32, #tpu.memory_space<hbm>> -> memref<80x128xi32, #tpu.memory_space<hbm>>
    %dma_start3A_12 = arith.constant 0 : i32
    %dma_start3A_13 = arith.constant 0 : i32
    %dma_start3A_14 = tpu.memref_slice %arg4[%add3A, %dma_start3A_12, %dma_start3A_13] : memref<32x80x128xi32, #tpu.memory_space<hbm>> -> memref<1x80x128xi32, #tpu.memory_space<hbm>>
    %dma_start3A_15 = tpu.memref_squeeze %dma_start3A_14 : memref<1x80x128xi32, #tpu.memory_space<hbm>> -> memref<80x128xi32, #tpu.memory_space<hbm>>
    tpu.enqueue_dma source(%dma_start3A_15 : memref<80x128xi32, #tpu.memory_space<hbm>>) target(%arg7 : memref<80x128xi32, #tpu.memory_space<vmem>>) target_semaphore(%arg11 : memref<!tpu.dma_semaphore, #tpu.memory_space<semaphore_mem>>)
    %scan3A = arith.constant 0 : i32
    %scan3A_16 = arith.constant 0 : i32
    %scan3A_17 = arith.constant 640 : i32
    %scan3A_18 = arith.addi %scan3A_16, %scan3A_17 : i32
    %scan3A_19 = arith.constant 1 : i32
    %scan3A_20 = scf.for %scan3A_243 = %scan3A_16 to %scan3A_18 step %scan3A_19 iter_args(%scan3A_244 = %scan3A) -> (i32)  : i32 {
      %broadcast_in_dim3A = arith.constant 0.000000e+00 : f32
      %broadcast_in_dim3A_245 = vector.broadcast %broadcast_in_dim3A : f32 to vector<16xf32>
      %swap3A = arith.index_cast %scan3A_243 : i32 to index
      %swap3A_246 = arith.constant 0 : index
      %swap3A_247 = tpu.vector_load %arg9[%swap3A, %swap3A_246] {strides = array<i32>} : memref<640x16xf32, #tpu.memory_space<vmem>>, vector<1x16xf32>,
      %swap3A_248 = vector.shape_cast %swap3A_247 : vector<1x16xf32> to vector<16xf32>
      %swap3A_249 = vector.shape_cast %broadcast_in_dim3A_245 : vector<16xf32> to vector<1x16xf32>
      tpu.vector_store %arg9[%swap3A, %swap3A_246], %swap3A_249 {strides = array<i32>} : memref<640x16xf32, #tpu.memory_space<vmem>>, vector<1x16xf32>,
      %scan3A_250 = arith.constant 0 : i32
      scf.yield %scan3A_250 : i32
    }
    %scan3A_21 = arith.constant 640 : i32
    %mul3A_22 = arith.constant 640 : i32
    %mul3A_23 = arith.muli %arg1, %mul3A_22 : i32
    "tpu.region"() ({
      %run_scoped3A = tpu.sem_alloc : memref<!tpu.dma_semaphore, #tpu.memory_space<semaphore_mem>>
      %dma_start3A_243 = arith.constant 0 : i32
      %dma_start3A_244 = tpu.memref_slice %arg10[%mul3A_23, %dma_start3A_243] : memref<10240x16xf32, #tpu.memory_space<vmem_shared>> -> memref<640x16xf32, #tpu.memory_space<vmem_shared>>
      %dma_start3A_245 = arith.constant 0 : i32
      %dma_start3A_246 = tpu.memref_slice %arg10[%mul3A_23, %dma_start3A_245] : memref<10240x16xf32, #tpu.memory_space<vmem_shared>> -> memref<640x16xf32, #tpu.memory_space<vmem_shared>>
      tpu.enqueue_dma source(%arg9 : memref<640x16xf32, #tpu.memory_space<vmem>>) target(%dma_start3A_246 : memref<640x16xf32, #tpu.memory_space<vmem_shared>>) target_semaphore(%run_scoped3A : memref<!tpu.dma_semaphore, #tpu.memory_space<semaphore_mem>>)
      %dma_wait3A_247 = arith.constant 0 : i32
      %dma_wait3A_248 = tpu.memref_slice %arg10[%mul3A_23, %dma_wait3A_247] : memref<10240x16xf32, #tpu.memory_space<vmem_shared>> -> memref<640x16xf32, #tpu.memory_space<vmem_shared>>
      %dma_wait3A_249 = arith.constant 0 : i32
      %dma_wait3A_250 = tpu.memref_slice %arg10[%mul3A_23, %dma_wait3A_249] : memref<10240x16xf32, #tpu.memory_space<vmem_shared>> -> memref<640x16xf32, #tpu.memory_space<vmem_shared>>
      tpu.wait_dma2 semaphore(%run_scoped3A : memref<!tpu.dma_semaphore, #tpu.memory_space<semaphore_mem>>) src(%arg9 : memref<640x16xf32, #tpu.memory_space<vmem>>) dst(%dma_wait3A_250 : memref<640x16xf32, #tpu.memory_space<vmem_shared>>)
      tpu.yield
    }) : () -> ()
    %dma_wait3A = arith.constant 0 : i32
    %dma_wait3A_24 = arith.constant 0 : i32
    %dma_wait3A_25 = tpu.memref_slice %arg3[%add3A, %dma_wait3A, %dma_wait3A_24] : memref<32x80x128xi32, #tpu.memory_space<hbm>> -> memref<1x80x128xi32, #tpu.memory_space<hbm>>
    %dma_wait3A_26 = tpu.memref_squeeze %dma_wait3A_25 : memref<1x80x128xi32, #tpu.memory_space<hbm>> -> memref<80x128xi32, #tpu.memory_space<hbm>>
    %dma_wait3A_27 = arith.constant 0 : i32
    %dma_wait3A_28 = arith.constant 0 : i32
    %dma_wait3A_29 = tpu.memref_slice %arg3[%add3A, %dma_wait3A_27, %dma_wait3A_28] : memref<32x80x128xi32, #tpu.memory_space<hbm>> -> memref<1x80x128xi32, #tpu.memory_space<hbm>>
    %dma_wait3A_30 = tpu.memref_squeeze %dma_wait3A_29 : memref<1x80x128xi32, #tpu.memory_space<hbm>> -> memref<80x128xi32, #tpu.memory_space<hbm>>
    tpu.wait_dma2 semaphore(%arg11 : memref<!tpu.dma_semaphore, #tpu.memory_space<semaphore_mem>>) src(%dma_wait3A_30 : memref<80x128xi32, #tpu.memory_space<hbm>>) dst(%arg6 : memref<80x128xi32, #tpu.memory_space<vmem>>)
    %dma_wait3A_31 = arith.constant 0 : i32
    %dma_wait3A_32 = arith.constant 0 : i32
    %dma_wait3A_33 = tpu.memref_slice %arg4[%add3A, %dma_wait3A_31, %dma_wait3A_32] : memref<32x80x128xi32, #tpu.memory_space<hbm>> -> memref<1x80x128xi32, #tpu.memory_space<hbm>>
    %dma_wait3A_34 = tpu.memref_squeeze %dma_wait3A_33 : memref<1x80x128xi32, #tpu.memory_space<hbm>> -> memref<80x128xi32, #tpu.memory_space<hbm>>
    %dma_wait3A_35 = arith.constant 0 : i32
    %dma_wait3A_36 = arith.constant 0 : i32
    %dma_wait3A_37 = tpu.memref_slice %arg4[%add3A, %dma_wait3A_35, %dma_wait3A_36] : memref<32x80x128xi32, #tpu.memory_space<hbm>> -> memref<1x80x128xi32, #tpu.memory_space<hbm>>
    %dma_wait3A_38 = tpu.memref_squeeze %dma_wait3A_37 : memref<1x80x128xi32, #tpu.memory_space<hbm>> -> memref<80x128xi32, #tpu.memory_space<hbm>>
    tpu.wait_dma2 semaphore(%arg11 : memref<!tpu.dma_semaphore, #tpu.memory_space<semaphore_mem>>) src(%dma_wait3A_38 : memref<80x128xi32, #tpu.memory_space<hbm>>) dst(%arg7 : memref<80x128xi32, #tpu.memory_space<vmem>>)
    %barrier3A = arith.constant 0 : index
    tpu.barrier barrier_id(%barrier3A)
    %dma_start3A_39 = arith.constant 0 : i32
    %dma_start3A_40 = arith.constant 0 : i32
    %dma_start3A_41 = arith.constant 0 : i32
    %dma_start3A_42 = arith.constant 0 : i32
    %dma_start3A_43 = tpu.memref_slice %arg8[%dma_start3A_40, %dma_start3A_41, %dma_start3A_42] : memref<10x128x16xf32, #tpu.memory_space<vmem>> -> memref<1x128x16xf32, #tpu.memory_space<vmem>>
    %dma_start3A_44 = tpu.memref_squeeze %dma_start3A_43 : memref<1x128x16xf32, #tpu.memory_space<vmem>> -> memref<128x16xf32, #tpu.memory_space<vmem>>
    %dma_start3A_45 = arith.constant 0 : i32
    %dma_start3A_46 = tpu.memref_slice %arg6[%dma_start3A_39, %dma_start3A_45] : memref<80x128xi32, #tpu.memory_space<vmem>> -> memref<1x128xi32, #tpu.memory_space<vmem>>
    %dma_start3A_47 = tpu.memref_squeeze %dma_start3A_46 : memref<1x128xi32, #tpu.memory_space<vmem>> -> memref<128xi32, #tpu.memory_space<vmem>>
    %dma_start3A_48 = arith.constant 0 : i32
    %dma_start3A_49 = arith.constant 0 : i32
    %dma_start3A_50 = tpu.memref_slice %arg2[%dma_start3A_48, %dma_start3A_49] : memref<10240x16xf32, #tpu.memory_space<hbm>> -> memref<10240x16xf32, #tpu.memory_space<hbm>>
    tpu.enqueue_indirect_dma source(%dma_start3A_50 : memref<10240x16xf32, #tpu.memory_space<hbm>>) target(%dma_start3A_44 : memref<128x16xf32, #tpu.memory_space<vmem>>) offsets(%dma_start3A_47 : memref<128xi32, #tpu.memory_space<vmem>>) semaphore(%arg12 : memref<!tpu.dma_semaphore, #tpu.memory_space<semaphore_mem>>)
    %dma_start3A_51 = arith.constant 1 : i32
    %dma_start3A_52 = arith.constant 1 : i32
    %dma_start3A_53 = arith.constant 0 : i32
    %dma_start3A_54 = arith.constant 0 : i32
    %dma_start3A_55 = tpu.memref_slice %arg8[%dma_start3A_52, %dma_start3A_53, %dma_start3A_54] : memref<10x128x16xf32, #tpu.memory_space<vmem>> -> memref<1x128x16xf32, #tpu.memory_space<vmem>>
    %dma_start3A_56 = tpu.memref_squeeze %dma_start3A_55 : memref<1x128x16xf32, #tpu.memory_space<vmem>> -> memref<128x16xf32, #tpu.memory_space<vmem>>
    %dma_start3A_57 = arith.constant 0 : i32
    %dma_start3A_58 = tpu.memref_slice %arg6[%dma_start3A_51, %dma_start3A_57] : memref<80x128xi32, #tpu.memory_space<vmem>> -> memref<1x128xi32, #tpu.memory_space<vmem>>
    %dma_start3A_59 = tpu.memref_squeeze %dma_start3A_58 : memref<1x128xi32, #tpu.memory_space<vmem>> -> memref<128xi32, #tpu.memory_space<vmem>>
    %dma_start3A_60 = arith.constant 0 : i32
    %dma_start3A_61 = arith.constant 0 : i32
    %dma_start3A_62 = tpu.memref_slice %arg2[%dma_start3A_60, %dma_start3A_61] : memref<10240x16xf32, #tpu.memory_space<hbm>> -> memref<10240x16xf32, #tpu.memory_space<hbm>>
    tpu.enqueue_indirect_dma source(%dma_start3A_62 : memref<10240x16xf32, #tpu.memory_space<hbm>>) target(%dma_start3A_56 : memref<128x16xf32, #tpu.memory_space<vmem>>) offsets(%dma_start3A_59 : memref<128xi32, #tpu.memory_space<vmem>>) semaphore(%arg13 : memref<!tpu.dma_semaphore, #tpu.memory_space<semaphore_mem>>)
    %dma_start3A_63 = arith.constant 2 : i32
    %dma_start3A_64 = arith.constant 2 : i32
    %dma_start3A_65 = arith.constant 0 : i32
    %dma_start3A_66 = arith.constant 0 : i32
    %dma_start3A_67 = tpu.memref_slice %arg8[%dma_start3A_64, %dma_start3A_65, %dma_start3A_66] : memref<10x128x16xf32, #tpu.memory_space<vmem>> -> memref<1x128x16xf32, #tpu.memory_space<vmem>>
    %dma_start3A_68 = tpu.memref_squeeze %dma_start3A_67 : memref<1x128x16xf32, #tpu.memory_space<vmem>> -> memref<128x16xf32, #tpu.memory_space<vmem>>
    %dma_start3A_69 = arith.constant 0 : i32
    %dma_start3A_70 = tpu.memref_slice %arg6[%dma_start3A_63, %dma_start3A_69] : memref<80x128xi32, #tpu.memory_space<vmem>> -> memref<1x128xi32, #tpu.memory_space<vmem>>
    %dma_start3A_71 = tpu.memref_squeeze %dma_start3A_70 : memref<1x128xi32, #tpu.memory_space<vmem>> -> memref<128xi32, #tpu.memory_space<vmem>>
    %dma_start3A_72 = arith.constant 0 : i32
    %dma_start3A_73 = arith.constant 0 : i32
    %dma_start3A_74 = tpu.memref_slice %arg2[%dma_start3A_72, %dma_start3A_73] : memref<10240x16xf32, #tpu.memory_space<hbm>> -> memref<10240x16xf32, #tpu.memory_space<hbm>>
    tpu.enqueue_indirect_dma source(%dma_start3A_74 : memref<10240x16xf32, #tpu.memory_space<hbm>>) target(%dma_start3A_68 : memref<128x16xf32, #tpu.memory_space<vmem>>) offsets(%dma_start3A_71 : memref<128xi32, #tpu.memory_space<vmem>>) semaphore(%arg14 : memref<!tpu.dma_semaphore, #tpu.memory_space<semaphore_mem>>)
    %dma_start3A_75 = arith.constant 3 : i32
    %dma_start3A_76 = arith.constant 3 : i32
    %dma_start3A_77 = arith.constant 0 : i32
    %dma_start3A_78 = arith.constant 0 : i32
    %dma_start3A_79 = tpu.memref_slice %arg8[%dma_start3A_76, %dma_start3A_77, %dma_start3A_78] : memref<10x128x16xf32, #tpu.memory_space<vmem>> -> memref<1x128x16xf32, #tpu.memory_space<vmem>>
    %dma_start3A_80 = tpu.memref_squeeze %dma_start3A_79 : memref<1x128x16xf32, #tpu.memory_space<vmem>> -> memref<128x16xf32, #tpu.memory_space<vmem>>
    %dma_start3A_81 = arith.constant 0 : i32
    %dma_start3A_82 = tpu.memref_slice %arg6[%dma_start3A_75, %dma_start3A_81] : memref<80x128xi32, #tpu.memory_space<vmem>> -> memref<1x128xi32, #tpu.memory_space<vmem>>
    %dma_start3A_83 = tpu.memref_squeeze %dma_start3A_82 : memref<1x128xi32, #tpu.memory_space<vmem>> -> memref<128xi32, #tpu.memory_space<vmem>>
    %dma_start3A_84 = arith.constant 0 : i32
    %dma_start3A_85 = arith.constant 0 : i32
    %dma_start3A_86 = tpu.memref_slice %arg2[%dma_start3A_84, %dma_start3A_85] : memref<10240x16xf32, #tpu.memory_space<hbm>> -> memref<10240x16xf32, #tpu.memory_space<hbm>>
    tpu.enqueue_indirect_dma source(%dma_start3A_86 : memref<10240x16xf32, #tpu.memory_space<hbm>>) target(%dma_start3A_80 : memref<128x16xf32, #tpu.memory_space<vmem>>) offsets(%dma_start3A_83 : memref<128xi32, #tpu.memory_space<vmem>>) semaphore(%arg15 : memref<!tpu.dma_semaphore, #tpu.memory_space<semaphore_mem>>)
    %dma_start3A_87 = arith.constant 4 : i32
    %dma_start3A_88 = arith.constant 4 : i32
    %dma_start3A_89 = arith.constant 0 : i32
    %dma_start3A_90 = arith.constant 0 : i32
    %dma_start3A_91 = tpu.memref_slice %arg8[%dma_start3A_88, %dma_start3A_89, %dma_start3A_90] : memref<10x128x16xf32, #tpu.memory_space<vmem>> -> memref<1x128x16xf32, #tpu.memory_space<vmem>>
    %dma_start3A_92 = tpu.memref_squeeze %dma_start3A_91 : memref<1x128x16xf32, #tpu.memory_space<vmem>> -> memref<128x16xf32, #tpu.memory_space<vmem>>
    %dma_start3A_93 = arith.constant 0 : i32
    %dma_start3A_94 = tpu.memref_slice %arg6[%dma_start3A_87, %dma_start3A_93] : memref<80x128xi32, #tpu.memory_space<vmem>> -> memref<1x128xi32, #tpu.memory_space<vmem>>
    %dma_start3A_95 = tpu.memref_squeeze %dma_start3A_94 : memref<1x128xi32, #tpu.memory_space<vmem>> -> memref<128xi32, #tpu.memory_space<vmem>>
    %dma_start3A_96 = arith.constant 0 : i32
    %dma_start3A_97 = arith.constant 0 : i32
    %dma_start3A_98 = tpu.memref_slice %arg2[%dma_start3A_96, %dma_start3A_97] : memref<10240x16xf32, #tpu.memory_space<hbm>> -> memref<10240x16xf32, #tpu.memory_space<hbm>>
    tpu.enqueue_indirect_dma source(%dma_start3A_98 : memref<10240x16xf32, #tpu.memory_space<hbm>>) target(%dma_start3A_92 : memref<128x16xf32, #tpu.memory_space<vmem>>) offsets(%dma_start3A_95 : memref<128xi32, #tpu.memory_space<vmem>>) semaphore(%arg16 : memref<!tpu.dma_semaphore, #tpu.memory_space<semaphore_mem>>)
    %dma_start3A_99 = arith.constant 5 : i32
    %dma_start3A_100 = arith.constant 5 : i32
    %dma_start3A_101 = arith.constant 0 : i32
    %dma_start3A_102 = arith.constant 0 : i32
    %dma_start3A_103 = tpu.memref_slice %arg8[%dma_start3A_100, %dma_start3A_101, %dma_start3A_102] : memref<10x128x16xf32, #tpu.memory_space<vmem>> -> memref<1x128x16xf32, #tpu.memory_space<vmem>>
    %dma_start3A_104 = tpu.memref_squeeze %dma_start3A_103 : memref<1x128x16xf32, #tpu.memory_space<vmem>> -> memref<128x16xf32, #tpu.memory_space<vmem>>
    %dma_start3A_105 = arith.constant 0 : i32
    %dma_start3A_106 = tpu.memref_slice %arg6[%dma_start3A_99, %dma_start3A_105] : memref<80x128xi32, #tpu.memory_space<vmem>> -> memref<1x128xi32, #tpu.memory_space<vmem>>
    %dma_start3A_107 = tpu.memref_squeeze %dma_start3A_106 : memref<1x128xi32, #tpu.memory_space<vmem>> -> memref<128xi32, #tpu.memory_space<vmem>>
    %dma_start3A_108 = arith.constant 0 : i32
    %dma_start3A_109 = arith.constant 0 : i32
    %dma_start3A_110 = tpu.memref_slice %arg2[%dma_start3A_108, %dma_start3A_109] : memref<10240x16xf32, #tpu.memory_space<hbm>> -> memref<10240x16xf32, #tpu.memory_space<hbm>>
    tpu.enqueue_indirect_dma source(%dma_start3A_110 : memref<10240x16xf32, #tpu.memory_space<hbm>>) target(%dma_start3A_104 : memref<128x16xf32, #tpu.memory_space<vmem>>) offsets(%dma_start3A_107 : memref<128xi32, #tpu.memory_space<vmem>>) semaphore(%arg17 : memref<!tpu.dma_semaphore, #tpu.memory_space<semaphore_mem>>)
    %scan3A_111 = arith.constant 0 : i32
    %scan3A_112 = arith.constant 0 : i32
    %scan3A_113 = arith.constant 8 : i32
    %scan3A_114 = arith.addi %scan3A_112, %scan3A_113 : i32
    %scan3A_115 = arith.constant 1 : i32
    %scan3A_116 = scf.for %scan3A_243 = %scan3A_112 to %scan3A_114 step %scan3A_115 iter_args(%scan3A_244 = %scan3A_111) -> (i32)  : i32 {
      %mul3A_245 = arith.constant 10 : i32
      %mul3A_246 = arith.muli %scan3A_243, %mul3A_245 : i32
      %add3A_247 = arith.constant 0 : i32
      %add3A_248 = arith.addi %mul3A_246, %add3A_247 : i32
      %add3A_249 = arith.constant 6 : i32
      %add3A_250 = arith.addi %add3A_248, %add3A_249 : i32
      %lt3A = arith.constant 80 : i32
      %lt3A_251 = arith.cmpi slt, %add3A_250, %lt3A : i32
      %convert_element_type3A = arith.extui %lt3A_251 : i1 to i32
      %cond3A = arith.constant 0 : i32
      %cond3A_252 = arith.cmpi ne, %convert_element_type3A, %cond3A : i32
      scf.if %cond3A_252 {
        %ge3A = arith.constant 4 : i32
        %ge3A_573 = arith.cmpi sge, %add3A_248, %ge3A : i32
        %convert_element_type3A_574 = arith.extui %ge3A_573 : i1 to i32
        %cond3A_575 = arith.constant 0 : i32
        %cond3A_576 = arith.cmpi ne, %convert_element_type3A_574, %cond3A_575 : i32
        scf.if %cond3A_576 {
          %dma_wait3A_590 = arith.constant 0 : i32
          %dma_wait3A_591 = arith.constant 0 : i32
          %dma_wait3A_592 = arith.constant 0 : i32
          %dma_wait3A_593 = arith.constant 0 : i32
          %dma_wait3A_594 = tpu.memref_slice %arg8[%dma_wait3A_590, %dma_wait3A_592, %dma_wait3A_593] : memref<10x128x16xf32, #tpu.memory_space<vmem>> -> memref<1x128x16xf32, #tpu.memory_space<vmem>>
          %dma_wait3A_595 = tpu.memref_squeeze %dma_wait3A_594 : memref<1x128x16xf32, #tpu.memory_space<vmem>> -> memref<128x16xf32, #tpu.memory_space<vmem>>
          %dma_wait3A_596 = arith.constant 0 : i32
          %dma_wait3A_597 = tpu.memref_slice %arg7[%dma_wait3A_591, %dma_wait3A_596] : memref<80x128xi32, #tpu.memory_space<vmem>> -> memref<1x128xi32, #tpu.memory_space<vmem>>
          %dma_wait3A_598 = tpu.memref_squeeze %dma_wait3A_597 : memref<1x128xi32, #tpu.memory_space<vmem>> -> memref<128xi32, #tpu.memory_space<vmem>>
          %dma_wait3A_599 = arith.constant 0 : i32
          %dma_wait3A_600 = arith.constant 0 : i32
          %dma_wait3A_601 = tpu.memref_slice %arg10[%dma_wait3A_599, %dma_wait3A_600] : memref<10240x16xf32, #tpu.memory_space<vmem_shared>> -> memref<10240x16xf32, #tpu.memory_space<vmem_shared>>
          tpu.wait_indirect_dma semaphore(%arg28 : memref<!tpu.dma_semaphore, #tpu.memory_space<semaphore_mem>>) src(%dma_wait3A_595 : memref<128x16xf32, #tpu.memory_space<vmem>>) dst(%dma_wait3A_601 : memref<10240x16xf32, #tpu.memory_space<vmem_shared>>)
        } else {
        }
        %add3A_577 = arith.constant 6 : i32
        %add3A_578 = arith.addi %add3A_248, %add3A_577 : i32
        %dma_start3A_579 = arith.constant 6 : i32
        %dma_start3A_580 = arith.constant 0 : i32
        %dma_start3A_581 = arith.constant 0 : i32
        %dma_start3A_582 = tpu.memref_slice %arg8[%dma_start3A_579, %dma_start3A_580, %dma_start3A_581] : memref<10x128x16xf32, #tpu.memory_space<vmem>> -> memref<1x128x16xf32, #tpu.memory_space<vmem>>
        %dma_start3A_583 = tpu.memref_squeeze %dma_start3A_582 : memref<1x128x16xf32, #tpu.memory_space<vmem>> -> memref<128x16xf32, #tpu.memory_space<vmem>>
        %dma_start3A_584 = arith.constant 0 : i32
        %dma_start3A_585 = tpu.memref_slice %arg6[%add3A_578, %dma_start3A_584] : memref<80x128xi32, #tpu.memory_space<vmem>> -> memref<1x128xi32, #tpu.memory_space<vmem>>
        %dma_start3A_586 = tpu.memref_squeeze %dma_start3A_585 : memref<1x128xi32, #tpu.memory_space<vmem>> -> memref<128xi32, #tpu.memory_space<vmem>>
        %dma_start3A_587 = arith.constant 0 : i32
        %dma_start3A_588 = arith.constant 0 : i32
        %dma_start3A_589 = tpu.memref_slice %arg2[%dma_start3A_587, %dma_start3A_588] : memref<10240x16xf32, #tpu.memory_space<hbm>> -> memref<10240x16xf32, #tpu.memory_space<hbm>>
        tpu.enqueue_indirect_dma source(%dma_start3A_589 : memref<10240x16xf32, #tpu.memory_space<hbm>>) target(%dma_start3A_583 : memref<128x16xf32, #tpu.memory_space<vmem>>) offsets(%dma_start3A_586 : memref<128xi32, #tpu.memory_space<vmem>>) semaphore(%arg18 : memref<!tpu.dma_semaphore, #tpu.memory_space<semaphore_mem>>)
      } else {
      }
      %dma_wait3A_253 = arith.constant 0 : i32
      %dma_wait3A_254 = arith.constant 0 : i32
      %dma_wait3A_255 = arith.constant 0 : i32
      %dma_wait3A_256 = tpu.memref_slice %arg8[%dma_wait3A_253, %dma_wait3A_254, %dma_wait3A_255] : memref<10x128x16xf32, #tpu.memory_space<vmem>> -> memref<1x128x16xf32, #tpu.memory_space<vmem>>
      %dma_wait3A_257 = tpu.memref_squeeze %dma_wait3A_256 : memref<1x128x16xf32, #tpu.memory_space<vmem>> -> memref<128x16xf32, #tpu.memory_space<vmem>>
      %dma_wait3A_258 = arith.constant 0 : i32
      %dma_wait3A_259 = tpu.memref_slice %arg6[%add3A_248, %dma_wait3A_258] : memref<80x128xi32, #tpu.memory_space<vmem>> -> memref<1x128xi32, #tpu.memory_space<vmem>>
      %dma_wait3A_260 = tpu.memref_squeeze %dma_wait3A_259 : memref<1x128xi32, #tpu.memory_space<vmem>> -> memref<128xi32, #tpu.memory_space<vmem>>
      %dma_wait3A_261 = arith.constant 0 : i32
      %dma_wait3A_262 = arith.constant 0 : i32
      %dma_wait3A_263 = tpu.memref_slice %arg2[%dma_wait3A_261, %dma_wait3A_262] : memref<10240x16xf32, #tpu.memory_space<hbm>> -> memref<10240x16xf32, #tpu.memory_space<hbm>>
      tpu.wait_indirect_dma semaphore(%arg12 : memref<!tpu.dma_semaphore, #tpu.memory_space<semaphore_mem>>) src(%dma_wait3A_263 : memref<10240x16xf32, #tpu.memory_space<hbm>>) dst(%dma_wait3A_257 : memref<128x16xf32, #tpu.memory_space<vmem>>)
      %dma_start3A_264 = arith.constant 0 : i32
      %dma_start3A_265 = arith.constant 0 : i32
      %dma_start3A_266 = arith.constant 0 : i32
      %dma_start3A_267 = tpu.memref_slice %arg8[%dma_start3A_264, %dma_start3A_265, %dma_start3A_266] : memref<10x128x16xf32, #tpu.memory_space<vmem>> -> memref<1x128x16xf32, #tpu.memory_space<vmem>>
      %dma_start3A_268 = tpu.memref_squeeze %dma_start3A_267 : memref<1x128x16xf32, #tpu.memory_space<vmem>> -> memref<128x16xf32, #tpu.memory_space<vmem>>
      %dma_start3A_269 = arith.constant 0 : i32
      %dma_start3A_270 = tpu.memref_slice %arg7[%add3A_248, %dma_start3A_269] : memref<80x128xi32, #tpu.memory_space<vmem>> -> memref<1x128xi32, #tpu.memory_space<vmem>>
      %dma_start3A_271 = tpu.memref_squeeze %dma_start3A_270 : memref<1x128xi32, #tpu.memory_space<vmem>> -> memref<128xi32, #tpu.memory_space<vmem>>
      %dma_start3A_272 = arith.constant 0 : i32
      %dma_start3A_273 = arith.constant 0 : i32
      %dma_start3A_274 = tpu.memref_slice %arg10[%dma_start3A_272, %dma_start3A_273] : memref<10240x16xf32, #tpu.memory_space<vmem_shared>> -> memref<10240x16xf32, #tpu.memory_space<vmem_shared>>
      tpu.enqueue_indirect_dma source(%dma_start3A_268 : memref<128x16xf32, #tpu.memory_space<vmem>>) target(%dma_start3A_274 : memref<10240x16xf32, #tpu.memory_space<vmem_shared>>) offsets(%dma_start3A_271 : memref<128xi32, #tpu.memory_space<vmem>>) semaphore(%arg22 : memref<!tpu.dma_semaphore, #tpu.memory_space<semaphore_mem>>) {add = true}
      %mul3A_275 = arith.constant 10 : i32
      %mul3A_276 = arith.muli %scan3A_243, %mul3A_275 : i32
      %add3A_277 = arith.constant 1 : i32
      %add3A_278 = arith.addi %mul3A_276, %add3A_277 : i32
      %add3A_279 = arith.constant 6 : i32
      %add3A_280 = arith.addi %add3A_278, %add3A_279 : i32
      %lt3A_281 = arith.constant 80 : i32
      %lt3A_282 = arith.cmpi slt, %add3A_280, %lt3A_281 : i32
      %convert_element_type3A_283 = arith.extui %lt3A_282 : i1 to i32
      %cond3A_284 = arith.constant 0 : i32
      %cond3A_285 = arith.cmpi ne, %convert_element_type3A_283, %cond3A_284 : i32
      scf.if %cond3A_285 {
        %ge3A = arith.constant 4 : i32
        %ge3A_573 = arith.cmpi sge, %add3A_278, %ge3A : i32
        %convert_element_type3A_574 = arith.extui %ge3A_573 : i1 to i32
        %cond3A_575 = arith.constant 0 : i32
        %cond3A_576 = arith.cmpi ne, %convert_element_type3A_574, %cond3A_575 : i32
        scf.if %cond3A_576 {
          %dma_wait3A_590 = arith.constant 0 : i32
          %dma_wait3A_591 = arith.constant 0 : i32
          %dma_wait3A_592 = arith.constant 0 : i32
          %dma_wait3A_593 = arith.constant 0 : i32
          %dma_wait3A_594 = tpu.memref_slice %arg8[%dma_wait3A_590, %dma_wait3A_592, %dma_wait3A_593] : memref<10x128x16xf32, #tpu.memory_space<vmem>> -> memref<1x128x16xf32, #tpu.memory_space<vmem>>
          %dma_wait3A_595 = tpu.memref_squeeze %dma_wait3A_594 : memref<1x128x16xf32, #tpu.memory_space<vmem>> -> memref<128x16xf32, #tpu.memory_space<vmem>>
          %dma_wait3A_596 = arith.constant 0 : i32
          %dma_wait3A_597 = tpu.memref_slice %arg7[%dma_wait3A_591, %dma_wait3A_596] : memref<80x128xi32, #tpu.memory_space<vmem>> -> memref<1x128xi32, #tpu.memory_space<vmem>>
          %dma_wait3A_598 = tpu.memref_squeeze %dma_wait3A_597 : memref<1x128xi32, #tpu.memory_space<vmem>> -> memref<128xi32, #tpu.memory_space<vmem>>
          %dma_wait3A_599 = arith.constant 0 : i32
          %dma_wait3A_600 = arith.constant 0 : i32
          %dma_wait3A_601 = tpu.memref_slice %arg10[%dma_wait3A_599, %dma_wait3A_600] : memref<10240x16xf32, #tpu.memory_space<vmem_shared>> -> memref<10240x16xf32, #tpu.memory_space<vmem_shared>>
          tpu.wait_indirect_dma semaphore(%arg29 : memref<!tpu.dma_semaphore, #tpu.memory_space<semaphore_mem>>) src(%dma_wait3A_595 : memref<128x16xf32, #tpu.memory_space<vmem>>) dst(%dma_wait3A_601 : memref<10240x16xf32, #tpu.memory_space<vmem_shared>>)
        } else {
        }
        %add3A_577 = arith.constant 6 : i32
        %add3A_578 = arith.addi %add3A_278, %add3A_577 : i32
        %dma_start3A_579 = arith.constant 7 : i32
        %dma_start3A_580 = arith.constant 0 : i32
        %dma_start3A_581 = arith.constant 0 : i32
        %dma_start3A_582 = tpu.memref_slice %arg8[%dma_start3A_579, %dma_start3A_580, %dma_start3A_581] : memref<10x128x16xf32, #tpu.memory_space<vmem>> -> memref<1x128x16xf32, #tpu.memory_space<vmem>>
        %dma_start3A_583 = tpu.memref_squeeze %dma_start3A_582 : memref<1x128x16xf32, #tpu.memory_space<vmem>> -> memref<128x16xf32, #tpu.memory_space<vmem>>
        %dma_start3A_584 = arith.constant 0 : i32
        %dma_start3A_585 = tpu.memref_slice %arg6[%add3A_578, %dma_start3A_584] : memref<80x128xi32, #tpu.memory_space<vmem>> -> memref<1x128xi32, #tpu.memory_space<vmem>>
        %dma_start3A_586 = tpu.memref_squeeze %dma_start3A_585 : memref<1x128xi32, #tpu.memory_space<vmem>> -> memref<128xi32, #tpu.memory_space<vmem>>
        %dma_start3A_587 = arith.constant 0 : i32
        %dma_start3A_588 = arith.constant 0 : i32
        %dma_start3A_589 = tpu.memref_slice %arg2[%dma_start3A_587, %dma_start3A_588] : memref<10240x16xf32, #tpu.memory_space<hbm>> -> memref<10240x16xf32, #tpu.memory_space<hbm>>
        tpu.enqueue_indirect_dma source(%dma_start3A_589 : memref<10240x16xf32, #tpu.memory_space<hbm>>) target(%dma_start3A_583 : memref<128x16xf32, #tpu.memory_space<vmem>>) offsets(%dma_start3A_586 : memref<128xi32, #tpu.memory_space<vmem>>) semaphore(%arg19 : memref<!tpu.dma_semaphore, #tpu.memory_space<semaphore_mem>>)
      } else {
      }
      %dma_wait3A_286 = arith.constant 1 : i32
      %dma_wait3A_287 = arith.constant 0 : i32
      %dma_wait3A_288 = arith.constant 0 : i32
      %dma_wait3A_289 = tpu.memref_slice %arg8[%dma_wait3A_286, %dma_wait3A_287, %dma_wait3A_288] : memref<10x128x16xf32, #tpu.memory_space<vmem>> -> memref<1x128x16xf32, #tpu.memory_space<vmem>>
      %dma_wait3A_290 = tpu.memref_squeeze %dma_wait3A_289 : memref<1x128x16xf32, #tpu.memory_space<vmem>> -> memref<128x16xf32, #tpu.memory_space<vmem>>
      %dma_wait3A_291 = arith.constant 0 : i32
      %dma_wait3A_292 = tpu.memref_slice %arg6[%add3A_278, %dma_wait3A_291] : memref<80x128xi32, #tpu.memory_space<vmem>> -> memref<1x128xi32, #tpu.memory_space<vmem>>
      %dma_wait3A_293 = tpu.memref_squeeze %dma_wait3A_292 : memref<1x128xi32, #tpu.memory_space<vmem>> -> memref<128xi32, #tpu.memory_space<vmem>>
      %dma_wait3A_294 = arith.constant 0 : i32
      %dma_wait3A_295 = arith.constant 0 : i32
      %dma_wait3A_296 = tpu.memref_slice %arg2[%dma_wait3A_294, %dma_wait3A_295] : memref<10240x16xf32, #tpu.memory_space<hbm>> -> memref<10240x16xf32, #tpu.memory_space<hbm>>
      tpu.wait_indirect_dma semaphore(%arg13 : memref<!tpu.dma_semaphore, #tpu.memory_space<semaphore_mem>>) src(%dma_wait3A_296 : memref<10240x16xf32, #tpu.memory_space<hbm>>) dst(%dma_wait3A_290 : memref<128x16xf32, #tpu.memory_space<vmem>>)
      %dma_start3A_297 = arith.constant 1 : i32
      %dma_start3A_298 = arith.constant 0 : i32
      %dma_start3A_299 = arith.constant 0 : i32
      %dma_start3A_300 = tpu.memref_slice %arg8[%dma_start3A_297, %dma_start3A_298, %dma_start3A_299] : memref<10x128x16xf32, #tpu.memory_space<vmem>> -> memref<1x128x16xf32, #tpu.memory_space<vmem>>
      %dma_start3A_301 = tpu.memref_squeeze %dma_start3A_300 : memref<1x128x16xf32, #tpu.memory_space<vmem>> -> memref<128x16xf32, #tpu.memory_space<vmem>>
      %dma_start3A_302 = arith.constant 0 : i32
      %dma_start3A_303 = tpu.memref_slice %arg7[%add3A_278, %dma_start3A_302] : memref<80x128xi32, #tpu.memory_space<vmem>> -> memref<1x128xi32, #tpu.memory_space<vmem>>
      %dma_start3A_304 = tpu.memref_squeeze %dma_start3A_303 : memref<1x128xi32, #tpu.memory_space<vmem>> -> memref<128xi32, #tpu.memory_space<vmem>>
      %dma_start3A_305 = arith.constant 0 : i32
      %dma_start3A_306 = arith.constant 0 : i32
      %dma_start3A_307 = tpu.memref_slice %arg10[%dma_start3A_305, %dma_start3A_306] : memref<10240x16xf32, #tpu.memory_space<vmem_shared>> -> memref<10240x16xf32, #tpu.memory_space<vmem_shared>>
      tpu.enqueue_indirect_dma source(%dma_start3A_301 : memref<128x16xf32, #tpu.memory_space<vmem>>) target(%dma_start3A_307 : memref<10240x16xf32, #tpu.memory_space<vmem_shared>>) offsets(%dma_start3A_304 : memref<128xi32, #tpu.memory_space<vmem>>) semaphore(%arg23 : memref<!tpu.dma_semaphore, #tpu.memory_space<semaphore_mem>>) {add = true}
      %mul3A_308 = arith.constant 10 : i32
      %mul3A_309 = arith.muli %scan3A_243, %mul3A_308 : i32
      %add3A_310 = arith.constant 2 : i32
      %add3A_311 = arith.addi %mul3A_309, %add3A_310 : i32
      %add3A_312 = arith.constant 6 : i32
      %add3A_313 = arith.addi %add3A_311, %add3A_312 : i32
      %lt3A_314 = arith.constant 80 : i32
      %lt3A_315 = arith.cmpi slt, %add3A_313, %lt3A_314 : i32
      %convert_element_type3A_316 = arith.extui %lt3A_315 : i1 to i32
      %cond3A_317 = arith.constant 0 : i32
      %cond3A_318 = arith.cmpi ne, %convert_element_type3A_316, %cond3A_317 : i32
      scf.if %cond3A_318 {
        %ge3A = arith.constant 4 : i32
        %ge3A_573 = arith.cmpi sge, %add3A_311, %ge3A : i32
        %convert_element_type3A_574 = arith.extui %ge3A_573 : i1 to i32
        %cond3A_575 = arith.constant 0 : i32
        %cond3A_576 = arith.cmpi ne, %convert_element_type3A_574, %cond3A_575 : i32
        scf.if %cond3A_576 {
          %dma_wait3A_590 = arith.constant 0 : i32
          %dma_wait3A_591 = arith.constant 0 : i32
          %dma_wait3A_592 = arith.constant 0 : i32
          %dma_wait3A_593 = arith.constant 0 : i32
          %dma_wait3A_594 = tpu.memref_slice %arg8[%dma_wait3A_590, %dma_wait3A_592, %dma_wait3A_593] : memref<10x128x16xf32, #tpu.memory_space<vmem>> -> memref<1x128x16xf32, #tpu.memory_space<vmem>>
          %dma_wait3A_595 = tpu.memref_squeeze %dma_wait3A_594 : memref<1x128x16xf32, #tpu.memory_space<vmem>> -> memref<128x16xf32, #tpu.memory_space<vmem>>
          %dma_wait3A_596 = arith.constant 0 : i32
          %dma_wait3A_597 = tpu.memref_slice %arg7[%dma_wait3A_591, %dma_wait3A_596] : memref<80x128xi32, #tpu.memory_space<vmem>> -> memref<1x128xi32, #tpu.memory_space<vmem>>
          %dma_wait3A_598 = tpu.memref_squeeze %dma_wait3A_597 : memref<1x128xi32, #tpu.memory_space<vmem>> -> memref<128xi32, #tpu.memory_space<vmem>>
          %dma_wait3A_599 = arith.constant 0 : i32
          %dma_wait3A_600 = arith.constant 0 : i32
          %dma_wait3A_601 = tpu.memref_slice %arg10[%dma_wait3A_599, %dma_wait3A_600] : memref<10240x16xf32, #tpu.memory_space<vmem_shared>> -> memref<10240x16xf32, #tpu.memory_space<vmem_shared>>
          tpu.wait_indirect_dma semaphore(%arg30 : memref<!tpu.dma_semaphore, #tpu.memory_space<semaphore_mem>>) src(%dma_wait3A_595 : memref<128x16xf32, #tpu.memory_space<vmem>>) dst(%dma_wait3A_601 : memref<10240x16xf32, #tpu.memory_space<vmem_shared>>)
        } else {
        }
        %add3A_577 = arith.constant 6 : i32
        %add3A_578 = arith.addi %add3A_311, %add3A_577 : i32
        %dma_start3A_579 = arith.constant 8 : i32
        %dma_start3A_580 = arith.constant 0 : i32
        %dma_start3A_581 = arith.constant 0 : i32
        %dma_start3A_582 = tpu.memref_slice %arg8[%dma_start3A_579, %dma_start3A_580, %dma_start3A_581] : memref<10x128x16xf32, #tpu.memory_space<vmem>> -> memref<1x128x16xf32, #tpu.memory_space<vmem>>
        %dma_start3A_583 = tpu.memref_squeeze %dma_start3A_582 : memref<1x128x16xf32, #tpu.memory_space<vmem>> -> memref<128x16xf32, #tpu.memory_space<vmem>>
        %dma_start3A_584 = arith.constant 0 : i32
        %dma_start3A_585 = tpu.memref_slice %arg6[%add3A_578, %dma_start3A_584] : memref<80x128xi32, #tpu.memory_space<vmem>> -> memref<1x128xi32, #tpu.memory_space<vmem>>
        %dma_start3A_586 = tpu.memref_squeeze %dma_start3A_585 : memref<1x128xi32, #tpu.memory_space<vmem>> -> memref<128xi32, #tpu.memory_space<vmem>>
        %dma_start3A_587 = arith.constant 0 : i32
        %dma_start3A_588 = arith.constant 0 : i32
        %dma_start3A_589 = tpu.memref_slice %arg2[%dma_start3A_587, %dma_start3A_588] : memref<10240x16xf32, #tpu.memory_space<hbm>> -> memref<10240x16xf32, #tpu.memory_space<hbm>>
        tpu.enqueue_indirect_dma source(%dma_start3A_589 : memref<10240x16xf32, #tpu.memory_space<hbm>>) target(%dma_start3A_583 : memref<128x16xf32, #tpu.memory_space<vmem>>) offsets(%dma_start3A_586 : memref<128xi32, #tpu.memory_space<vmem>>) semaphore(%arg20 : memref<!tpu.dma_semaphore, #tpu.memory_space<semaphore_mem>>)
      } else {
      }
      %dma_wait3A_319 = arith.constant 2 : i32
      %dma_wait3A_320 = arith.constant 0 : i32
      %dma_wait3A_321 = arith.constant 0 : i32
      %dma_wait3A_322 = tpu.memref_slice %arg8[%dma_wait3A_319, %dma_wait3A_320, %dma_wait3A_321] : memref<10x128x16xf32, #tpu.memory_space<vmem>> -> memref<1x128x16xf32, #tpu.memory_space<vmem>>
      %dma_wait3A_323 = tpu.memref_squeeze %dma_wait3A_322 : memref<1x128x16xf32, #tpu.memory_space<vmem>> -> memref<128x16xf32, #tpu.memory_space<vmem>>
      %dma_wait3A_324 = arith.constant 0 : i32
      %dma_wait3A_325 = tpu.memref_slice %arg6[%add3A_311, %dma_wait3A_324] : memref<80x128xi32, #tpu.memory_space<vmem>> -> memref<1x128xi32, #tpu.memory_space<vmem>>
      %dma_wait3A_326 = tpu.memref_squeeze %dma_wait3A_325 : memref<1x128xi32, #tpu.memory_space<vmem>> -> memref<128xi32, #tpu.memory_space<vmem>>
      %dma_wait3A_327 = arith.constant 0 : i32
      %dma_wait3A_328 = arith.constant 0 : i32
      %dma_wait3A_329 = tpu.memref_slice %arg2[%dma_wait3A_327, %dma_wait3A_328] : memref<10240x16xf32, #tpu.memory_space<hbm>> -> memref<10240x16xf32, #tpu.memory_space<hbm>>
      tpu.wait_indirect_dma semaphore(%arg14 : memref<!tpu.dma_semaphore, #tpu.memory_space<semaphore_mem>>) src(%dma_wait3A_329 : memref<10240x16xf32, #tpu.memory_space<hbm>>) dst(%dma_wait3A_323 : memref<128x16xf32, #tpu.memory_space<vmem>>)
      %dma_start3A_330 = arith.constant 2 : i32
      %dma_start3A_331 = arith.constant 0 : i32
      %dma_start3A_332 = arith.constant 0 : i32
      %dma_start3A_333 = tpu.memref_slice %arg8[%dma_start3A_330, %dma_start3A_331, %dma_start3A_332] : memref<10x128x16xf32, #tpu.memory_space<vmem>> -> memref<1x128x16xf32, #tpu.memory_space<vmem>>
      %dma_start3A_334 = tpu.memref_squeeze %dma_start3A_333 : memref<1x128x16xf32, #tpu.memory_space<vmem>> -> memref<128x16xf32, #tpu.memory_space<vmem>>
      %dma_start3A_335 = arith.constant 0 : i32
      %dma_start3A_336 = tpu.memref_slice %arg7[%add3A_311, %dma_start3A_335] : memref<80x128xi32, #tpu.memory_space<vmem>> -> memref<1x128xi32, #tpu.memory_space<vmem>>
      %dma_start3A_337 = tpu.memref_squeeze %dma_start3A_336 : memref<1x128xi32, #tpu.memory_space<vmem>> -> memref<128xi32, #tpu.memory_space<vmem>>
      %dma_start3A_338 = arith.constant 0 : i32
      %dma_start3A_339 = arith.constant 0 : i32
      %dma_start3A_340 = tpu.memref_slice %arg10[%dma_start3A_338, %dma_start3A_339] : memref<10240x16xf32, #tpu.memory_space<vmem_shared>> -> memref<10240x16xf32, #tpu.memory_space<vmem_shared>>
      tpu.enqueue_indirect_dma source(%dma_start3A_334 : memref<128x16xf32, #tpu.memory_space<vmem>>) target(%dma_start3A_340 : memref<10240x16xf32, #tpu.memory_space<vmem_shared>>) offsets(%dma_start3A_337 : memref<128xi32, #tpu.memory_space<vmem>>) semaphore(%arg24 : memref<!tpu.dma_semaphore, #tpu.memory_space<semaphore_mem>>) {add = true}
      %mul3A_341 = arith.constant 10 : i32
      %mul3A_342 = arith.muli %scan3A_243, %mul3A_341 : i32
      %add3A_343 = arith.constant 3 : i32
      %add3A_344 = arith.addi %mul3A_342, %add3A_343 : i32
      %add3A_345 = arith.constant 6 : i32
      %add3A_346 = arith.addi %add3A_344, %add3A_345 : i32
      %lt3A_347 = arith.constant 80 : i32
      %lt3A_348 = arith.cmpi slt, %add3A_346, %lt3A_347 : i32
      %convert_element_type3A_349 = arith.extui %lt3A_348 : i1 to i32
      %cond3A_350 = arith.constant 0 : i32
      %cond3A_351 = arith.cmpi ne, %convert_element_type3A_349, %cond3A_350 : i32
      scf.if %cond3A_351 {
        %ge3A = arith.constant 4 : i32
        %ge3A_573 = arith.cmpi sge, %add3A_344, %ge3A : i32
        %convert_element_type3A_574 = arith.extui %ge3A_573 : i1 to i32
        %cond3A_575 = arith.constant 0 : i32
        %cond3A_576 = arith.cmpi ne, %convert_element_type3A_574, %cond3A_575 : i32
        scf.if %cond3A_576 {
          %dma_wait3A_590 = arith.constant 0 : i32
          %dma_wait3A_591 = arith.constant 0 : i32
          %dma_wait3A_592 = arith.constant 0 : i32
          %dma_wait3A_593 = arith.constant 0 : i32
          %dma_wait3A_594 = tpu.memref_slice %arg8[%dma_wait3A_590, %dma_wait3A_592, %dma_wait3A_593] : memref<10x128x16xf32, #tpu.memory_space<vmem>> -> memref<1x128x16xf32, #tpu.memory_space<vmem>>
          %dma_wait3A_595 = tpu.memref_squeeze %dma_wait3A_594 : memref<1x128x16xf32, #tpu.memory_space<vmem>> -> memref<128x16xf32, #tpu.memory_space<vmem>>
          %dma_wait3A_596 = arith.constant 0 : i32
          %dma_wait3A_597 = tpu.memref_slice %arg7[%dma_wait3A_591, %dma_wait3A_596] : memref<80x128xi32, #tpu.memory_space<vmem>> -> memref<1x128xi32, #tpu.memory_space<vmem>>
          %dma_wait3A_598 = tpu.memref_squeeze %dma_wait3A_597 : memref<1x128xi32, #tpu.memory_space<vmem>> -> memref<128xi32, #tpu.memory_space<vmem>>
          %dma_wait3A_599 = arith.constant 0 : i32
          %dma_wait3A_600 = arith.constant 0 : i32
          %dma_wait3A_601 = tpu.memref_slice %arg10[%dma_wait3A_599, %dma_wait3A_600] : memref<10240x16xf32, #tpu.memory_space<vmem_shared>> -> memref<10240x16xf32, #tpu.memory_space<vmem_shared>>
          tpu.wait_indirect_dma semaphore(%arg31 : memref<!tpu.dma_semaphore, #tpu.memory_space<semaphore_mem>>) src(%dma_wait3A_595 : memref<128x16xf32, #tpu.memory_space<vmem>>) dst(%dma_wait3A_601 : memref<10240x16xf32, #tpu.memory_space<vmem_shared>>)
        } else {
        }
        %add3A_577 = arith.constant 6 : i32
        %add3A_578 = arith.addi %add3A_344, %add3A_577 : i32
        %dma_start3A_579 = arith.constant 9 : i32
        %dma_start3A_580 = arith.constant 0 : i32
        %dma_start3A_581 = arith.constant 0 : i32
        %dma_start3A_582 = tpu.memref_slice %arg8[%dma_start3A_579, %dma_start3A_580, %dma_start3A_581] : memref<10x128x16xf32, #tpu.memory_space<vmem>> -> memref<1x128x16xf32, #tpu.memory_space<vmem>>
        %dma_start3A_583 = tpu.memref_squeeze %dma_start3A_582 : memref<1x128x16xf32, #tpu.memory_space<vmem>> -> memref<128x16xf32, #tpu.memory_space<vmem>>
        %dma_start3A_584 = arith.constant 0 : i32
        %dma_start3A_585 = tpu.memref_slice %arg6[%add3A_578, %dma_start3A_584] : memref<80x128xi32, #tpu.memory_space<vmem>> -> memref<1x128xi32, #tpu.memory_space<vmem>>
        %dma_start3A_586 = tpu.memref_squeeze %dma_start3A_585 : memref<1x128xi32, #tpu.memory_space<vmem>> -> memref<128xi32, #tpu.memory_space<vmem>>
        %dma_start3A_587 = arith.constant 0 : i32
        %dma_start3A_588 = arith.constant 0 : i32
        %dma_start3A_589 = tpu.memref_slice %arg2[%dma_start3A_587, %dma_start3A_588] : memref<10240x16xf32, #tpu.memory_space<hbm>> -> memref<10240x16xf32, #tpu.memory_space<hbm>>
        tpu.enqueue_indirect_dma source(%dma_start3A_589 : memref<10240x16xf32, #tpu.memory_space<hbm>>) target(%dma_start3A_583 : memref<128x16xf32, #tpu.memory_space<vmem>>) offsets(%dma_start3A_586 : memref<128xi32, #tpu.memory_space<vmem>>) semaphore(%arg21 : memref<!tpu.dma_semaphore, #tpu.memory_space<semaphore_mem>>)
      } else {
      }
      %dma_wait3A_352 = arith.constant 3 : i32
      %dma_wait3A_353 = arith.constant 0 : i32
      %dma_wait3A_354 = arith.constant 0 : i32
      %dma_wait3A_355 = tpu.memref_slice %arg8[%dma_wait3A_352, %dma_wait3A_353, %dma_wait3A_354] : memref<10x128x16xf32, #tpu.memory_space<vmem>> -> memref<1x128x16xf32, #tpu.memory_space<vmem>>
      %dma_wait3A_356 = tpu.memref_squeeze %dma_wait3A_355 : memref<1x128x16xf32, #tpu.memory_space<vmem>> -> memref<128x16xf32, #tpu.memory_space<vmem>>
      %dma_wait3A_357 = arith.constant 0 : i32
      %dma_wait3A_358 = tpu.memref_slice %arg6[%add3A_344, %dma_wait3A_357] : memref<80x128xi32, #tpu.memory_space<vmem>> -> memref<1x128xi32, #tpu.memory_space<vmem>>
      %dma_wait3A_359 = tpu.memref_squeeze %dma_wait3A_358 : memref<1x128xi32, #tpu.memory_space<vmem>> -> memref<128xi32, #tpu.memory_space<vmem>>
      %dma_wait3A_360 = arith.constant 0 : i32
      %dma_wait3A_361 = arith.constant 0 : i32
      %dma_wait3A_362 = tpu.memref_slice %arg2[%dma_wait3A_360, %dma_wait3A_361] : memref<10240x16xf32, #tpu.memory_space<hbm>> -> memref<10240x16xf32, #tpu.memory_space<hbm>>
      tpu.wait_indirect_dma semaphore(%arg15 : memref<!tpu.dma_semaphore, #tpu.memory_space<semaphore_mem>>) src(%dma_wait3A_362 : memref<10240x16xf32, #tpu.memory_space<hbm>>) dst(%dma_wait3A_356 : memref<128x16xf32, #tpu.memory_space<vmem>>)
      %dma_start3A_363 = arith.constant 3 : i32
      %dma_start3A_364 = arith.constant 0 : i32
      %dma_start3A_365 = arith.constant 0 : i32
      %dma_start3A_366 = tpu.memref_slice %arg8[%dma_start3A_363, %dma_start3A_364, %dma_start3A_365] : memref<10x128x16xf32, #tpu.memory_space<vmem>> -> memref<1x128x16xf32, #tpu.memory_space<vmem>>
      %dma_start3A_367 = tpu.memref_squeeze %dma_start3A_366 : memref<1x128x16xf32, #tpu.memory_space<vmem>> -> memref<128x16xf32, #tpu.memory_space<vmem>>
      %dma_start3A_368 = arith.constant 0 : i32
      %dma_start3A_369 = tpu.memref_slice %arg7[%add3A_344, %dma_start3A_368] : memref<80x128xi32, #tpu.memory_space<vmem>> -> memref<1x128xi32, #tpu.memory_space<vmem>>
      %dma_start3A_370 = tpu.memref_squeeze %dma_start3A_369 : memref<1x128xi32, #tpu.memory_space<vmem>> -> memref<128xi32, #tpu.memory_space<vmem>>
      %dma_start3A_371 = arith.constant 0 : i32
      %dma_start3A_372 = arith.constant 0 : i32
      %dma_start3A_373 = tpu.memref_slice %arg10[%dma_start3A_371, %dma_start3A_372] : memref<10240x16xf32, #tpu.memory_space<vmem_shared>> -> memref<10240x16xf32, #tpu.memory_space<vmem_shared>>
      tpu.enqueue_indirect_dma source(%dma_start3A_367 : memref<128x16xf32, #tpu.memory_space<vmem>>) target(%dma_start3A_373 : memref<10240x16xf32, #tpu.memory_space<vmem_shared>>) offsets(%dma_start3A_370 : memref<128xi32, #tpu.memory_space<vmem>>) semaphore(%arg25 : memref<!tpu.dma_semaphore, #tpu.memory_space<semaphore_mem>>) {add = true}
      %mul3A_374 = arith.constant 10 : i32
      %mul3A_375 = arith.muli %scan3A_243, %mul3A_374 : i32
      %add3A_376 = arith.constant 4 : i32
      %add3A_377 = arith.addi %mul3A_375, %add3A_376 : i32
      %add3A_378 = arith.constant 6 : i32
      %add3A_379 = arith.addi %add3A_377, %add3A_378 : i32
      %lt3A_380 = arith.constant 80 : i32
      %lt3A_381 = arith.cmpi slt, %add3A_379, %lt3A_380 : i32
      %convert_element_type3A_382 = arith.extui %lt3A_381 : i1 to i32
      %cond3A_383 = arith.constant 0 : i32
      %cond3A_384 = arith.cmpi ne, %convert_element_type3A_382, %cond3A_383 : i32
      scf.if %cond3A_384 {
        %ge3A = arith.constant 4 : i32
        %ge3A_573 = arith.cmpi sge, %add3A_377, %ge3A : i32
        %convert_element_type3A_574 = arith.extui %ge3A_573 : i1 to i32
        %cond3A_575 = arith.constant 0 : i32
        %cond3A_576 = arith.cmpi ne, %convert_element_type3A_574, %cond3A_575 : i32
        scf.if %cond3A_576 {
          %dma_wait3A_590 = arith.constant 0 : i32
          %dma_wait3A_591 = arith.constant 0 : i32
          %dma_wait3A_592 = arith.constant 0 : i32
          %dma_wait3A_593 = arith.constant 0 : i32
          %dma_wait3A_594 = tpu.memref_slice %arg8[%dma_wait3A_590, %dma_wait3A_592, %dma_wait3A_593] : memref<10x128x16xf32, #tpu.memory_space<vmem>> -> memref<1x128x16xf32, #tpu.memory_space<vmem>>
          %dma_wait3A_595 = tpu.memref_squeeze %dma_wait3A_594 : memref<1x128x16xf32, #tpu.memory_space<vmem>> -> memref<128x16xf32, #tpu.memory_space<vmem>>
          %dma_wait3A_596 = arith.constant 0 : i32
          %dma_wait3A_597 = tpu.memref_slice %arg7[%dma_wait3A_591, %dma_wait3A_596] : memref<80x128xi32, #tpu.memory_space<vmem>> -> memref<1x128xi32, #tpu.memory_space<vmem>>
          %dma_wait3A_598 = tpu.memref_squeeze %dma_wait3A_597 : memref<1x128xi32, #tpu.memory_space<vmem>> -> memref<128xi32, #tpu.memory_space<vmem>>
          %dma_wait3A_599 = arith.constant 0 : i32
          %dma_wait3A_600 = arith.constant 0 : i32
          %dma_wait3A_601 = tpu.memref_slice %arg10[%dma_wait3A_599, %dma_wait3A_600] : memref<10240x16xf32, #tpu.memory_space<vmem_shared>> -> memref<10240x16xf32, #tpu.memory_space<vmem_shared>>
          tpu.wait_indirect_dma semaphore(%arg22 : memref<!tpu.dma_semaphore, #tpu.memory_space<semaphore_mem>>) src(%dma_wait3A_595 : memref<128x16xf32, #tpu.memory_space<vmem>>) dst(%dma_wait3A_601 : memref<10240x16xf32, #tpu.memory_space<vmem_shared>>)
        } else {
        }
        %add3A_577 = arith.constant 6 : i32
        %add3A_578 = arith.addi %add3A_377, %add3A_577 : i32
        %dma_start3A_579 = arith.constant 0 : i32
        %dma_start3A_580 = arith.constant 0 : i32
        %dma_start3A_581 = arith.constant 0 : i32
        %dma_start3A_582 = tpu.memref_slice %arg8[%dma_start3A_579, %dma_start3A_580, %dma_start3A_581] : memref<10x128x16xf32, #tpu.memory_space<vmem>> -> memref<1x128x16xf32, #tpu.memory_space<vmem>>
        %dma_start3A_583 = tpu.memref_squeeze %dma_start3A_582 : memref<1x128x16xf32, #tpu.memory_space<vmem>> -> memref<128x16xf32, #tpu.memory_space<vmem>>
        %dma_start3A_584 = arith.constant 0 : i32
        %dma_start3A_585 = tpu.memref_slice %arg6[%add3A_578, %dma_start3A_584] : memref<80x128xi32, #tpu.memory_space<vmem>> -> memref<1x128xi32, #tpu.memory_space<vmem>>
        %dma_start3A_586 = tpu.memref_squeeze %dma_start3A_585 : memref<1x128xi32, #tpu.memory_space<vmem>> -> memref<128xi32, #tpu.memory_space<vmem>>
        %dma_start3A_587 = arith.constant 0 : i32
        %dma_start3A_588 = arith.constant 0 : i32
        %dma_start3A_589 = tpu.memref_slice %arg2[%dma_start3A_587, %dma_start3A_588] : memref<10240x16xf32, #tpu.memory_space<hbm>> -> memref<10240x16xf32, #tpu.memory_space<hbm>>
        tpu.enqueue_indirect_dma source(%dma_start3A_589 : memref<10240x16xf32, #tpu.memory_space<hbm>>) target(%dma_start3A_583 : memref<128x16xf32, #tpu.memory_space<vmem>>) offsets(%dma_start3A_586 : memref<128xi32, #tpu.memory_space<vmem>>) semaphore(%arg12 : memref<!tpu.dma_semaphore, #tpu.memory_space<semaphore_mem>>)
      } else {
      }
      %dma_wait3A_385 = arith.constant 4 : i32
      %dma_wait3A_386 = arith.constant 0 : i32
      %dma_wait3A_387 = arith.constant 0 : i32
      %dma_wait3A_388 = tpu.memref_slice %arg8[%dma_wait3A_385, %dma_wait3A_386, %dma_wait3A_387] : memref<10x128x16xf32, #tpu.memory_space<vmem>> -> memref<1x128x16xf32, #tpu.memory_space<vmem>>
      %dma_wait3A_389 = tpu.memref_squeeze %dma_wait3A_388 : memref<1x128x16xf32, #tpu.memory_space<vmem>> -> memref<128x16xf32, #tpu.memory_space<vmem>>
      %dma_wait3A_390 = arith.constant 0 : i32
      %dma_wait3A_391 = tpu.memref_slice %arg6[%add3A_377, %dma_wait3A_390] : memref<80x128xi32, #tpu.memory_space<vmem>> -> memref<1x128xi32, #tpu.memory_space<vmem>>
      %dma_wait3A_392 = tpu.memref_squeeze %dma_wait3A_391 : memref<1x128xi32, #tpu.memory_space<vmem>> -> memref<128xi32, #tpu.memory_space<vmem>>
      %dma_wait3A_393 = arith.constant 0 : i32
      %dma_wait3A_394 = arith.constant 0 : i32
      %dma_wait3A_395 = tpu.memref_slice %arg2[%dma_wait3A_393, %dma_wait3A_394] : memref<10240x16xf32, #tpu.memory_space<hbm>> -> memref<10240x16xf32, #tpu.memory_space<hbm>>
      tpu.wait_indirect_dma semaphore(%arg16 : memref<!tpu.dma_semaphore, #tpu.memory_space<semaphore_mem>>) src(%dma_wait3A_395 : memref<10240x16xf32, #tpu.memory_space<hbm>>) dst(%dma_wait3A_389 : memref<128x16xf32, #tpu.memory_space<vmem>>)
      %dma_start3A_396 = arith.constant 4 : i32
      %dma_start3A_397 = arith.constant 0 : i32
      %dma_start3A_398 = arith.constant 0 : i32
      %dma_start3A_399 = tpu.memref_slice %arg8[%dma_start3A_396, %dma_start3A_397, %dma_start3A_398] : memref<10x128x16xf32, #tpu.memory_space<vmem>> -> memref<1x128x16xf32, #tpu.memory_space<vmem>>
      %dma_start3A_400 = tpu.memref_squeeze %dma_start3A_399 : memref<1x128x16xf32, #tpu.memory_space<vmem>> -> memref<128x16xf32, #tpu.memory_space<vmem>>
      %dma_start3A_401 = arith.constant 0 : i32
      %dma_start3A_402 = tpu.memref_slice %arg7[%add3A_377, %dma_start3A_401] : memref<80x128xi32, #tpu.memory_space<vmem>> -> memref<1x128xi32, #tpu.memory_space<vmem>>
      %dma_start3A_403 = tpu.memref_squeeze %dma_start3A_402 : memref<1x128xi32, #tpu.memory_space<vmem>> -> memref<128xi32, #tpu.memory_space<vmem>>
      %dma_start3A_404 = arith.constant 0 : i32
      %dma_start3A_405 = arith.constant 0 : i32
      %dma_start3A_406 = tpu.memref_slice %arg10[%dma_start3A_404, %dma_start3A_405] : memref<10240x16xf32, #tpu.memory_space<vmem_shared>> -> memref<10240x16xf32, #tpu.memory_space<vmem_shared>>
      tpu.enqueue_indirect_dma source(%dma_start3A_400 : memref<128x16xf32, #tpu.memory_space<vmem>>) target(%dma_start3A_406 : memref<10240x16xf32, #tpu.memory_space<vmem_shared>>) offsets(%dma_start3A_403 : memref<128xi32, #tpu.memory_space<vmem>>) semaphore(%arg26 : memref<!tpu.dma_semaphore, #tpu.memory_space<semaphore_mem>>) {add = true}
      %mul3A_407 = arith.constant 10 : i32
      %mul3A_408 = arith.muli %scan3A_243, %mul3A_407 : i32
      %add3A_409 = arith.constant 5 : i32
      %add3A_410 = arith.addi %mul3A_408, %add3A_409 : i32
      %add3A_411 = arith.constant 6 : i32
      %add3A_412 = arith.addi %add3A_410, %add3A_411 : i32
      %lt3A_413 = arith.constant 80 : i32
      %lt3A_414 = arith.cmpi slt, %add3A_412, %lt3A_413 : i32
      %convert_element_type3A_415 = arith.extui %lt3A_414 : i1 to i32
      %cond3A_416 = arith.constant 0 : i32
      %cond3A_417 = arith.cmpi ne, %convert_element_type3A_415, %cond3A_416 : i32
      scf.if %cond3A_417 {
        %ge3A = arith.constant 4 : i32
        %ge3A_573 = arith.cmpi sge, %add3A_410, %ge3A : i32
        %convert_element_type3A_574 = arith.extui %ge3A_573 : i1 to i32
        %cond3A_575 = arith.constant 0 : i32
        %cond3A_576 = arith.cmpi ne, %convert_element_type3A_574, %cond3A_575 : i32
        scf.if %cond3A_576 {
          %dma_wait3A_590 = arith.constant 0 : i32
          %dma_wait3A_591 = arith.constant 0 : i32
          %dma_wait3A_592 = arith.constant 0 : i32
          %dma_wait3A_593 = arith.constant 0 : i32
          %dma_wait3A_594 = tpu.memref_slice %arg8[%dma_wait3A_590, %dma_wait3A_592, %dma_wait3A_593] : memref<10x128x16xf32, #tpu.memory_space<vmem>> -> memref<1x128x16xf32, #tpu.memory_space<vmem>>
          %dma_wait3A_595 = tpu.memref_squeeze %dma_wait3A_594 : memref<1x128x16xf32, #tpu.memory_space<vmem>> -> memref<128x16xf32, #tpu.memory_space<vmem>>
          %dma_wait3A_596 = arith.constant 0 : i32
          %dma_wait3A_597 = tpu.memref_slice %arg7[%dma_wait3A_591, %dma_wait3A_596] : memref<80x128xi32, #tpu.memory_space<vmem>> -> memref<1x128xi32, #tpu.memory_space<vmem>>
          %dma_wait3A_598 = tpu.memref_squeeze %dma_wait3A_597 : memref<1x128xi32, #tpu.memory_space<vmem>> -> memref<128xi32, #tpu.memory_space<vmem>>
          %dma_wait3A_599 = arith.constant 0 : i32
          %dma_wait3A_600 = arith.constant 0 : i32
          %dma_wait3A_601 = tpu.memref_slice %arg10[%dma_wait3A_599, %dma_wait3A_600] : memref<10240x16xf32, #tpu.memory_space<vmem_shared>> -> memref<10240x16xf32, #tpu.memory_space<vmem_shared>>
          tpu.wait_indirect_dma semaphore(%arg23 : memref<!tpu.dma_semaphore, #tpu.memory_space<semaphore_mem>>) src(%dma_wait3A_595 : memref<128x16xf32, #tpu.memory_space<vmem>>) dst(%dma_wait3A_601 : memref<10240x16xf32, #tpu.memory_space<vmem_shared>>)
        } else {
        }
        %add3A_577 = arith.constant 6 : i32
        %add3A_578 = arith.addi %add3A_410, %add3A_577 : i32
        %dma_start3A_579 = arith.constant 1 : i32
        %dma_start3A_580 = arith.constant 0 : i32
        %dma_start3A_581 = arith.constant 0 : i32
        %dma_start3A_582 = tpu.memref_slice %arg8[%dma_start3A_579, %dma_start3A_580, %dma_start3A_581] : memref<10x128x16xf32, #tpu.memory_space<vmem>> -> memref<1x128x16xf32, #tpu.memory_space<vmem>>
        %dma_start3A_583 = tpu.memref_squeeze %dma_start3A_582 : memref<1x128x16xf32, #tpu.memory_space<vmem>> -> memref<128x16xf32, #tpu.memory_space<vmem>>
        %dma_start3A_584 = arith.constant 0 : i32
        %dma_start3A_585 = tpu.memref_slice %arg6[%add3A_578, %dma_start3A_584] : memref<80x128xi32, #tpu.memory_space<vmem>> -> memref<1x128xi32, #tpu.memory_space<vmem>>
        %dma_start3A_586 = tpu.memref_squeeze %dma_start3A_585 : memref<1x128xi32, #tpu.memory_space<vmem>> -> memref<128xi32, #tpu.memory_space<vmem>>
        %dma_start3A_587 = arith.constant 0 : i32
        %dma_start3A_588 = arith.constant 0 : i32
        %dma_start3A_589 = tpu.memref_slice %arg2[%dma_start3A_587, %dma_start3A_588] : memref<10240x16xf32, #tpu.memory_space<hbm>> -> memref<10240x16xf32, #tpu.memory_space<hbm>>
        tpu.enqueue_indirect_dma source(%dma_start3A_589 : memref<10240x16xf32, #tpu.memory_space<hbm>>) target(%dma_start3A_583 : memref<128x16xf32, #tpu.memory_space<vmem>>) offsets(%dma_start3A_586 : memref<128xi32, #tpu.memory_space<vmem>>) semaphore(%arg13 : memref<!tpu.dma_semaphore, #tpu.memory_space<semaphore_mem>>)
      } else {
      }
      %dma_wait3A_418 = arith.constant 5 : i32
      %dma_wait3A_419 = arith.constant 0 : i32
      %dma_wait3A_420 = arith.constant 0 : i32
      %dma_wait3A_421 = tpu.memref_slice %arg8[%dma_wait3A_418, %dma_wait3A_419, %dma_wait3A_420] : memref<10x128x16xf32, #tpu.memory_space<vmem>> -> memref<1x128x16xf32, #tpu.memory_space<vmem>>
      %dma_wait3A_422 = tpu.memref_squeeze %dma_wait3A_421 : memref<1x128x16xf32, #tpu.memory_space<vmem>> -> memref<128x16xf32, #tpu.memory_space<vmem>>
      %dma_wait3A_423 = arith.constant 0 : i32
      %dma_wait3A_424 = tpu.memref_slice %arg6[%add3A_410, %dma_wait3A_423] : memref<80x128xi32, #tpu.memory_space<vmem>> -> memref<1x128xi32, #tpu.memory_space<vmem>>
      %dma_wait3A_425 = tpu.memref_squeeze %dma_wait3A_424 : memref<1x128xi32, #tpu.memory_space<vmem>> -> memref<128xi32, #tpu.memory_space<vmem>>
      %dma_wait3A_426 = arith.constant 0 : i32
      %dma_wait3A_427 = arith.constant 0 : i32
      %dma_wait3A_428 = tpu.memref_slice %arg2[%dma_wait3A_426, %dma_wait3A_427] : memref<10240x16xf32, #tpu.memory_space<hbm>> -> memref<10240x16xf32, #tpu.memory_space<hbm>>
      tpu.wait_indirect_dma semaphore(%arg17 : memref<!tpu.dma_semaphore, #tpu.memory_space<semaphore_mem>>) src(%dma_wait3A_428 : memref<10240x16xf32, #tpu.memory_space<hbm>>) dst(%dma_wait3A_422 : memref<128x16xf32, #tpu.memory_space<vmem>>)
      %dma_start3A_429 = arith.constant 5 : i32
      %dma_start3A_430 = arith.constant 0 : i32
      %dma_start3A_431 = arith.constant 0 : i32
      %dma_start3A_432 = tpu.memref_slice %arg8[%dma_start3A_429, %dma_start3A_430, %dma_start3A_431] : memref<10x128x16xf32, #tpu.memory_space<vmem>> -> memref<1x128x16xf32, #tpu.memory_space<vmem>>
      %dma_start3A_433 = tpu.memref_squeeze %dma_start3A_432 : memref<1x128x16xf32, #tpu.memory_space<vmem>> -> memref<128x16xf32, #tpu.memory_space<vmem>>
      %dma_start3A_434 = arith.constant 0 : i32
      %dma_start3A_435 = tpu.memref_slice %arg7[%add3A_410, %dma_start3A_434] : memref<80x128xi32, #tpu.memory_space<vmem>> -> memref<1x128xi32, #tpu.memory_space<vmem>>
      %dma_start3A_436 = tpu.memref_squeeze %dma_start3A_435 : memref<1x128xi32, #tpu.memory_space<vmem>> -> memref<128xi32, #tpu.memory_space<vmem>>
      %dma_start3A_437 = arith.constant 0 : i32
      %dma_start3A_438 = arith.constant 0 : i32
      %dma_start3A_439 = tpu.memref_slice %arg10[%dma_start3A_437, %dma_start3A_438] : memref<10240x16xf32, #tpu.memory_space<vmem_shared>> -> memref<10240x16xf32, #tpu.memory_space<vmem_shared>>
      tpu.enqueue_indirect_dma source(%dma_start3A_433 : memref<128x16xf32, #tpu.memory_space<vmem>>) target(%dma_start3A_439 : memref<10240x16xf32, #tpu.memory_space<vmem_shared>>) offsets(%dma_start3A_436 : memref<128xi32, #tpu.memory_space<vmem>>) semaphore(%arg27 : memref<!tpu.dma_semaphore, #tpu.memory_space<semaphore_mem>>) {add = true}
      %mul3A_440 = arith.constant 10 : i32
      %mul3A_441 = arith.muli %scan3A_243, %mul3A_440 : i32
      %add3A_442 = arith.constant 6 : i32
      %add3A_443 = arith.addi %mul3A_441, %add3A_442 : i32
      %add3A_444 = arith.constant 6 : i32
      %add3A_445 = arith.addi %add3A_443, %add3A_444 : i32
      %lt3A_446 = arith.constant 80 : i32
      %lt3A_447 = arith.cmpi slt, %add3A_445, %lt3A_446 : i32
      %convert_element_type3A_448 = arith.extui %lt3A_447 : i1 to i32
      %cond3A_449 = arith.constant 0 : i32
      %cond3A_450 = arith.cmpi ne, %convert_element_type3A_448, %cond3A_449 : i32
      scf.if %cond3A_450 {
        %ge3A = arith.constant 4 : i32
        %ge3A_573 = arith.cmpi sge, %add3A_443, %ge3A : i32
        %convert_element_type3A_574 = arith.extui %ge3A_573 : i1 to i32
        %cond3A_575 = arith.constant 0 : i32
        %cond3A_576 = arith.cmpi ne, %convert_element_type3A_574, %cond3A_575 : i32
        scf.if %cond3A_576 {
          %dma_wait3A_590 = arith.constant 0 : i32
          %dma_wait3A_591 = arith.constant 0 : i32
          %dma_wait3A_592 = arith.constant 0 : i32
          %dma_wait3A_593 = arith.constant 0 : i32
          %dma_wait3A_594 = tpu.memref_slice %arg8[%dma_wait3A_590, %dma_wait3A_592, %dma_wait3A_593] : memref<10x128x16xf32, #tpu.memory_space<vmem>> -> memref<1x128x16xf32, #tpu.memory_space<vmem>>
          %dma_wait3A_595 = tpu.memref_squeeze %dma_wait3A_594 : memref<1x128x16xf32, #tpu.memory_space<vmem>> -> memref<128x16xf32, #tpu.memory_space<vmem>>
          %dma_wait3A_596 = arith.constant 0 : i32
          %dma_wait3A_597 = tpu.memref_slice %arg7[%dma_wait3A_591, %dma_wait3A_596] : memref<80x128xi32, #tpu.memory_space<vmem>> -> memref<1x128xi32, #tpu.memory_space<vmem>>
          %dma_wait3A_598 = tpu.memref_squeeze %dma_wait3A_597 : memref<1x128xi32, #tpu.memory_space<vmem>> -> memref<128xi32, #tpu.memory_space<vmem>>
          %dma_wait3A_599 = arith.constant 0 : i32
          %dma_wait3A_600 = arith.constant 0 : i32
          %dma_wait3A_601 = tpu.memref_slice %arg10[%dma_wait3A_599, %dma_wait3A_600] : memref<10240x16xf32, #tpu.memory_space<vmem_shared>> -> memref<10240x16xf32, #tpu.memory_space<vmem_shared>>
          tpu.wait_indirect_dma semaphore(%arg24 : memref<!tpu.dma_semaphore, #tpu.memory_space<semaphore_mem>>) src(%dma_wait3A_595 : memref<128x16xf32, #tpu.memory_space<vmem>>) dst(%dma_wait3A_601 : memref<10240x16xf32, #tpu.memory_space<vmem_shared>>)
        } else {
        }
        %add3A_577 = arith.constant 6 : i32
        %add3A_578 = arith.addi %add3A_443, %add3A_577 : i32
        %dma_start3A_579 = arith.constant 2 : i32
        %dma_start3A_580 = arith.constant 0 : i32
        %dma_start3A_581 = arith.constant 0 : i32
        %dma_start3A_582 = tpu.memref_slice %arg8[%dma_start3A_579, %dma_start3A_580, %dma_start3A_581] : memref<10x128x16xf32, #tpu.memory_space<vmem>> -> memref<1x128x16xf32, #tpu.memory_space<vmem>>
        %dma_start3A_583 = tpu.memref_squeeze %dma_start3A_582 : memref<1x128x16xf32, #tpu.memory_space<vmem>> -> memref<128x16xf32, #tpu.memory_space<vmem>>
        %dma_start3A_584 = arith.constant 0 : i32
        %dma_start3A_585 = tpu.memref_slice %arg6[%add3A_578, %dma_start3A_584] : memref<80x128xi32, #tpu.memory_space<vmem>> -> memref<1x128xi32, #tpu.memory_space<vmem>>
        %dma_start3A_586 = tpu.memref_squeeze %dma_start3A_585 : memref<1x128xi32, #tpu.memory_space<vmem>> -> memref<128xi32, #tpu.memory_space<vmem>>
        %dma_start3A_587 = arith.constant 0 : i32
        %dma_start3A_588 = arith.constant 0 : i32
        %dma_start3A_589 = tpu.memref_slice %arg2[%dma_start3A_587, %dma_start3A_588] : memref<10240x16xf32, #tpu.memory_space<hbm>> -> memref<10240x16xf32, #tpu.memory_space<hbm>>
        tpu.enqueue_indirect_dma source(%dma_start3A_589 : memref<10240x16xf32, #tpu.memory_space<hbm>>) target(%dma_start3A_583 : memref<128x16xf32, #tpu.memory_space<vmem>>) offsets(%dma_start3A_586 : memref<128xi32, #tpu.memory_space<vmem>>) semaphore(%arg14 : memref<!tpu.dma_semaphore, #tpu.memory_space<semaphore_mem>>)
      } else {
      }
      %dma_wait3A_451 = arith.constant 6 : i32
      %dma_wait3A_452 = arith.constant 0 : i32
      %dma_wait3A_453 = arith.constant 0 : i32
      %dma_wait3A_454 = tpu.memref_slice %arg8[%dma_wait3A_451, %dma_wait3A_452, %dma_wait3A_453] : memref<10x128x16xf32, #tpu.memory_space<vmem>> -> memref<1x128x16xf32, #tpu.memory_space<vmem>>
      %dma_wait3A_455 = tpu.memref_squeeze %dma_wait3A_454 : memref<1x128x16xf32, #tpu.memory_space<vmem>> -> memref<128x16xf32, #tpu.memory_space<vmem>>
      %dma_wait3A_456 = arith.constant 0 : i32
      %dma_wait3A_457 = tpu.memref_slice %arg6[%add3A_443, %dma_wait3A_456] : memref<80x128xi32, #tpu.memory_space<vmem>> -> memref<1x128xi32, #tpu.memory_space<vmem>>
      %dma_wait3A_458 = tpu.memref_squeeze %dma_wait3A_457 : memref<1x128xi32, #tpu.memory_space<vmem>> -> memref<128xi32, #tpu.memory_space<vmem>>
      %dma_wait3A_459 = arith.constant 0 : i32
      %dma_wait3A_460 = arith.constant 0 : i32
      %dma_wait3A_461 = tpu.memref_slice %arg2[%dma_wait3A_459, %dma_wait3A_460] : memref<10240x16xf32, #tpu.memory_space<hbm>> -> memref<10240x16xf32, #tpu.memory_space<hbm>>
      tpu.wait_indirect_dma semaphore(%arg18 : memref<!tpu.dma_semaphore, #tpu.memory_space<semaphore_mem>>) src(%dma_wait3A_461 : memref<10240x16xf32, #tpu.memory_space<hbm>>) dst(%dma_wait3A_455 : memref<128x16xf32, #tpu.memory_space<vmem>>)
      %dma_start3A_462 = arith.constant 6 : i32
      %dma_start3A_463 = arith.constant 0 : i32
      %dma_start3A_464 = arith.constant 0 : i32
      %dma_start3A_465 = tpu.memref_slice %arg8[%dma_start3A_462, %dma_start3A_463, %dma_start3A_464] : memref<10x128x16xf32, #tpu.memory_space<vmem>> -> memref<1x128x16xf32, #tpu.memory_space<vmem>>
      %dma_start3A_466 = tpu.memref_squeeze %dma_start3A_465 : memref<1x128x16xf32, #tpu.memory_space<vmem>> -> memref<128x16xf32, #tpu.memory_space<vmem>>
      %dma_start3A_467 = arith.constant 0 : i32
      %dma_start3A_468 = tpu.memref_slice %arg7[%add3A_443, %dma_start3A_467] : memref<80x128xi32, #tpu.memory_space<vmem>> -> memref<1x128xi32, #tpu.memory_space<vmem>>
      %dma_start3A_469 = tpu.memref_squeeze %dma_start3A_468 : memref<1x128xi32, #tpu.memory_space<vmem>> -> memref<128xi32, #tpu.memory_space<vmem>>
      %dma_start3A_470 = arith.constant 0 : i32
      %dma_start3A_471 = arith.constant 0 : i32
      %dma_start3A_472 = tpu.memref_slice %arg10[%dma_start3A_470, %dma_start3A_471] : memref<10240x16xf32, #tpu.memory_space<vmem_shared>> -> memref<10240x16xf32, #tpu.memory_space<vmem_shared>>
      tpu.enqueue_indirect_dma source(%dma_start3A_466 : memref<128x16xf32, #tpu.memory_space<vmem>>) target(%dma_start3A_472 : memref<10240x16xf32, #tpu.memory_space<vmem_shared>>) offsets(%dma_start3A_469 : memref<128xi32, #tpu.memory_space<vmem>>) semaphore(%arg28 : memref<!tpu.dma_semaphore, #tpu.memory_space<semaphore_mem>>) {add = true}
      %mul3A_473 = arith.constant 10 : i32
      %mul3A_474 = arith.muli %scan3A_243, %mul3A_473 : i32
      %add3A_475 = arith.constant 7 : i32
      %add3A_476 = arith.addi %mul3A_474, %add3A_475 : i32
      %add3A_477 = arith.constant 6 : i32
      %add3A_478 = arith.addi %add3A_476, %add3A_477 : i32
      %lt3A_479 = arith.constant 80 : i32
      %lt3A_480 = arith.cmpi slt, %add3A_478, %lt3A_479 : i32
      %convert_element_type3A_481 = arith.extui %lt3A_480 : i1 to i32
      %cond3A_482 = arith.constant 0 : i32
      %cond3A_483 = arith.cmpi ne, %convert_element_type3A_481, %cond3A_482 : i32
      scf.if %cond3A_483 {
        %ge3A = arith.constant 4 : i32
        %ge3A_573 = arith.cmpi sge, %add3A_476, %ge3A : i32
        %convert_element_type3A_574 = arith.extui %ge3A_573 : i1 to i32
        %cond3A_575 = arith.constant 0 : i32
        %cond3A_576 = arith.cmpi ne, %convert_element_type3A_574, %cond3A_575 : i32
        scf.if %cond3A_576 {
          %dma_wait3A_590 = arith.constant 0 : i32
          %dma_wait3A_591 = arith.constant 0 : i32
          %dma_wait3A_592 = arith.constant 0 : i32
          %dma_wait3A_593 = arith.constant 0 : i32
          %dma_wait3A_594 = tpu.memref_slice %arg8[%dma_wait3A_590, %dma_wait3A_592, %dma_wait3A_593] : memref<10x128x16xf32, #tpu.memory_space<vmem>> -> memref<1x128x16xf32, #tpu.memory_space<vmem>>
          %dma_wait3A_595 = tpu.memref_squeeze %dma_wait3A_594 : memref<1x128x16xf32, #tpu.memory_space<vmem>> -> memref<128x16xf32, #tpu.memory_space<vmem>>
          %dma_wait3A_596 = arith.constant 0 : i32
          %dma_wait3A_597 = tpu.memref_slice %arg7[%dma_wait3A_591, %dma_wait3A_596] : memref<80x128xi32, #tpu.memory_space<vmem>> -> memref<1x128xi32, #tpu.memory_space<vmem>>
          %dma_wait3A_598 = tpu.memref_squeeze %dma_wait3A_597 : memref<1x128xi32, #tpu.memory_space<vmem>> -> memref<128xi32, #tpu.memory_space<vmem>>
          %dma_wait3A_599 = arith.constant 0 : i32
          %dma_wait3A_600 = arith.constant 0 : i32
          %dma_wait3A_601 = tpu.memref_slice %arg10[%dma_wait3A_599, %dma_wait3A_600] : memref<10240x16xf32, #tpu.memory_space<vmem_shared>> -> memref<10240x16xf32, #tpu.memory_space<vmem_shared>>
          tpu.wait_indirect_dma semaphore(%arg25 : memref<!tpu.dma_semaphore, #tpu.memory_space<semaphore_mem>>) src(%dma_wait3A_595 : memref<128x16xf32, #tpu.memory_space<vmem>>) dst(%dma_wait3A_601 : memref<10240x16xf32, #tpu.memory_space<vmem_shared>>)
        } else {
        }
        %add3A_577 = arith.constant 6 : i32
        %add3A_578 = arith.addi %add3A_476, %add3A_577 : i32
        %dma_start3A_579 = arith.constant 3 : i32
        %dma_start3A_580 = arith.constant 0 : i32
        %dma_start3A_581 = arith.constant 0 : i32
        %dma_start3A_582 = tpu.memref_slice %arg8[%dma_start3A_579, %dma_start3A_580, %dma_start3A_581] : memref<10x128x16xf32, #tpu.memory_space<vmem>> -> memref<1x128x16xf32, #tpu.memory_space<vmem>>
        %dma_start3A_583 = tpu.memref_squeeze %dma_start3A_582 : memref<1x128x16xf32, #tpu.memory_space<vmem>> -> memref<128x16xf32, #tpu.memory_space<vmem>>
        %dma_start3A_584 = arith.constant 0 : i32
        %dma_start3A_585 = tpu.memref_slice %arg6[%add3A_578, %dma_start3A_584] : memref<80x128xi32, #tpu.memory_space<vmem>> -> memref<1x128xi32, #tpu.memory_space<vmem>>
        %dma_start3A_586 = tpu.memref_squeeze %dma_start3A_585 : memref<1x128xi32, #tpu.memory_space<vmem>> -> memref<128xi32, #tpu.memory_space<vmem>>
        %dma_start3A_587 = arith.constant 0 : i32
        %dma_start3A_588 = arith.constant 0 : i32
        %dma_start3A_589 = tpu.memref_slice %arg2[%dma_start3A_587, %dma_start3A_588] : memref<10240x16xf32, #tpu.memory_space<hbm>> -> memref<10240x16xf32, #tpu.memory_space<hbm>>
        tpu.enqueue_indirect_dma source(%dma_start3A_589 : memref<10240x16xf32, #tpu.memory_space<hbm>>) target(%dma_start3A_583 : memref<128x16xf32, #tpu.memory_space<vmem>>) offsets(%dma_start3A_586 : memref<128xi32, #tpu.memory_space<vmem>>) semaphore(%arg15 : memref<!tpu.dma_semaphore, #tpu.memory_space<semaphore_mem>>)
      } else {
      }
      %dma_wait3A_484 = arith.constant 7 : i32
      %dma_wait3A_485 = arith.constant 0 : i32
      %dma_wait3A_486 = arith.constant 0 : i32
      %dma_wait3A_487 = tpu.memref_slice %arg8[%dma_wait3A_484, %dma_wait3A_485, %dma_wait3A_486] : memref<10x128x16xf32, #tpu.memory_space<vmem>> -> memref<1x128x16xf32, #tpu.memory_space<vmem>>
      %dma_wait3A_488 = tpu.memref_squeeze %dma_wait3A_487 : memref<1x128x16xf32, #tpu.memory_space<vmem>> -> memref<128x16xf32, #tpu.memory_space<vmem>>
      %dma_wait3A_489 = arith.constant 0 : i32
      %dma_wait3A_490 = tpu.memref_slice %arg6[%add3A_476, %dma_wait3A_489] : memref<80x128xi32, #tpu.memory_space<vmem>> -> memref<1x128xi32, #tpu.memory_space<vmem>>
      %dma_wait3A_491 = tpu.memref_squeeze %dma_wait3A_490 : memref<1x128xi32, #tpu.memory_space<vmem>> -> memref<128xi32, #tpu.memory_space<vmem>>
      %dma_wait3A_492 = arith.constant 0 : i32
      %dma_wait3A_493 = arith.constant 0 : i32
      %dma_wait3A_494 = tpu.memref_slice %arg2[%dma_wait3A_492, %dma_wait3A_493] : memref<10240x16xf32, #tpu.memory_space<hbm>> -> memref<10240x16xf32, #tpu.memory_space<hbm>>
      tpu.wait_indirect_dma semaphore(%arg19 : memref<!tpu.dma_semaphore, #tpu.memory_space<semaphore_mem>>) src(%dma_wait3A_494 : memref<10240x16xf32, #tpu.memory_space<hbm>>) dst(%dma_wait3A_488 : memref<128x16xf32, #tpu.memory_space<vmem>>)
      %dma_start3A_495 = arith.constant 7 : i32
      %dma_start3A_496 = arith.constant 0 : i32
      %dma_start3A_497 = arith.constant 0 : i32
      %dma_start3A_498 = tpu.memref_slice %arg8[%dma_start3A_495, %dma_start3A_496, %dma_start3A_497] : memref<10x128x16xf32, #tpu.memory_space<vmem>> -> memref<1x128x16xf32, #tpu.memory_space<vmem>>
      %dma_start3A_499 = tpu.memref_squeeze %dma_start3A_498 : memref<1x128x16xf32, #tpu.memory_space<vmem>> -> memref<128x16xf32, #tpu.memory_space<vmem>>
      %dma_start3A_500 = arith.constant 0 : i32
      %dma_start3A_501 = tpu.memref_slice %arg7[%add3A_476, %dma_start3A_500] : memref<80x128xi32, #tpu.memory_space<vmem>> -> memref<1x128xi32, #tpu.memory_space<vmem>>
      %dma_start3A_502 = tpu.memref_squeeze %dma_start3A_501 : memref<1x128xi32, #tpu.memory_space<vmem>> -> memref<128xi32, #tpu.memory_space<vmem>>
      %dma_start3A_503 = arith.constant 0 : i32
      %dma_start3A_504 = arith.constant 0 : i32
      %dma_start3A_505 = tpu.memref_slice %arg10[%dma_start3A_503, %dma_start3A_504] : memref<10240x16xf32, #tpu.memory_space<vmem_shared>> -> memref<10240x16xf32, #tpu.memory_space<vmem_shared>>
      tpu.enqueue_indirect_dma source(%dma_start3A_499 : memref<128x16xf32, #tpu.memory_space<vmem>>) target(%dma_start3A_505 : memref<10240x16xf32, #tpu.memory_space<vmem_shared>>) offsets(%dma_start3A_502 : memref<128xi32, #tpu.memory_space<vmem>>) semaphore(%arg29 : memref<!tpu.dma_semaphore, #tpu.memory_space<semaphore_mem>>) {add = true}
      %mul3A_506 = arith.constant 10 : i32
      %mul3A_507 = arith.muli %scan3A_243, %mul3A_506 : i32
      %add3A_508 = arith.constant 8 : i32
      %add3A_509 = arith.addi %mul3A_507, %add3A_508 : i32
      %add3A_510 = arith.constant 6 : i32
      %add3A_511 = arith.addi %add3A_509, %add3A_510 : i32
      %lt3A_512 = arith.constant 80 : i32
      %lt3A_513 = arith.cmpi slt, %add3A_511, %lt3A_512 : i32
      %convert_element_type3A_514 = arith.extui %lt3A_513 : i1 to i32
      %cond3A_515 = arith.constant 0 : i32
      %cond3A_516 = arith.cmpi ne, %convert_element_type3A_514, %cond3A_515 : i32
      scf.if %cond3A_516 {
        %ge3A = arith.constant 4 : i32
        %ge3A_573 = arith.cmpi sge, %add3A_509, %ge3A : i32
        %convert_element_type3A_574 = arith.extui %ge3A_573 : i1 to i32
        %cond3A_575 = arith.constant 0 : i32
        %cond3A_576 = arith.cmpi ne, %convert_element_type3A_574, %cond3A_575 : i32
        scf.if %cond3A_576 {
          %dma_wait3A_590 = arith.constant 0 : i32
          %dma_wait3A_591 = arith.constant 0 : i32
          %dma_wait3A_592 = arith.constant 0 : i32
          %dma_wait3A_593 = arith.constant 0 : i32
          %dma_wait3A_594 = tpu.memref_slice %arg8[%dma_wait3A_590, %dma_wait3A_592, %dma_wait3A_593] : memref<10x128x16xf32, #tpu.memory_space<vmem>> -> memref<1x128x16xf32, #tpu.memory_space<vmem>>
          %dma_wait3A_595 = tpu.memref_squeeze %dma_wait3A_594 : memref<1x128x16xf32, #tpu.memory_space<vmem>> -> memref<128x16xf32, #tpu.memory_space<vmem>>
          %dma_wait3A_596 = arith.constant 0 : i32
          %dma_wait3A_597 = tpu.memref_slice %arg7[%dma_wait3A_591, %dma_wait3A_596] : memref<80x128xi32, #tpu.memory_space<vmem>> -> memref<1x128xi32, #tpu.memory_space<vmem>>
          %dma_wait3A_598 = tpu.memref_squeeze %dma_wait3A_597 : memref<1x128xi32, #tpu.memory_space<vmem>> -> memref<128xi32, #tpu.memory_space<vmem>>
          %dma_wait3A_599 = arith.constant 0 : i32
          %dma_wait3A_600 = arith.constant 0 : i32
          %dma_wait3A_601 = tpu.memref_slice %arg10[%dma_wait3A_599, %dma_wait3A_600] : memref<10240x16xf32, #tpu.memory_space<vmem_shared>> -> memref<10240x16xf32, #tpu.memory_space<vmem_shared>>
          tpu.wait_indirect_dma semaphore(%arg26 : memref<!tpu.dma_semaphore, #tpu.memory_space<semaphore_mem>>) src(%dma_wait3A_595 : memref<128x16xf32, #tpu.memory_space<vmem>>) dst(%dma_wait3A_601 : memref<10240x16xf32, #tpu.memory_space<vmem_shared>>)
        } else {
        }
        %add3A_577 = arith.constant 6 : i32
        %add3A_578 = arith.addi %add3A_509, %add3A_577 : i32
        %dma_start3A_579 = arith.constant 4 : i32
        %dma_start3A_580 = arith.constant 0 : i32
        %dma_start3A_581 = arith.constant 0 : i32
        %dma_start3A_582 = tpu.memref_slice %arg8[%dma_start3A_579, %dma_start3A_580, %dma_start3A_581] : memref<10x128x16xf32, #tpu.memory_space<vmem>> -> memref<1x128x16xf32, #tpu.memory_space<vmem>>
        %dma_start3A_583 = tpu.memref_squeeze %dma_start3A_582 : memref<1x128x16xf32, #tpu.memory_space<vmem>> -> memref<128x16xf32, #tpu.memory_space<vmem>>
        %dma_start3A_584 = arith.constant 0 : i32
        %dma_start3A_585 = tpu.memref_slice %arg6[%add3A_578, %dma_start3A_584] : memref<80x128xi32, #tpu.memory_space<vmem>> -> memref<1x128xi32, #tpu.memory_space<vmem>>
        %dma_start3A_586 = tpu.memref_squeeze %dma_start3A_585 : memref<1x128xi32, #tpu.memory_space<vmem>> -> memref<128xi32, #tpu.memory_space<vmem>>
        %dma_start3A_587 = arith.constant 0 : i32
        %dma_start3A_588 = arith.constant 0 : i32
        %dma_start3A_589 = tpu.memref_slice %arg2[%dma_start3A_587, %dma_start3A_588] : memref<10240x16xf32, #tpu.memory_space<hbm>> -> memref<10240x16xf32, #tpu.memory_space<hbm>>
        tpu.enqueue_indirect_dma source(%dma_start3A_589 : memref<10240x16xf32, #tpu.memory_space<hbm>>) target(%dma_start3A_583 : memref<128x16xf32, #tpu.memory_space<vmem>>) offsets(%dma_start3A_586 : memref<128xi32, #tpu.memory_space<vmem>>) semaphore(%arg16 : memref<!tpu.dma_semaphore, #tpu.memory_space<semaphore_mem>>)
      } else {
      }
      %dma_wait3A_517 = arith.constant 8 : i32
      %dma_wait3A_518 = arith.constant 0 : i32
      %dma_wait3A_519 = arith.constant 0 : i32
      %dma_wait3A_520 = tpu.memref_slice %arg8[%dma_wait3A_517, %dma_wait3A_518, %dma_wait3A_519] : memref<10x128x16xf32, #tpu.memory_space<vmem>> -> memref<1x128x16xf32, #tpu.memory_space<vmem>>
      %dma_wait3A_521 = tpu.memref_squeeze %dma_wait3A_520 : memref<1x128x16xf32, #tpu.memory_space<vmem>> -> memref<128x16xf32, #tpu.memory_space<vmem>>
      %dma_wait3A_522 = arith.constant 0 : i32
      %dma_wait3A_523 = tpu.memref_slice %arg6[%add3A_509, %dma_wait3A_522] : memref<80x128xi32, #tpu.memory_space<vmem>> -> memref<1x128xi32, #tpu.memory_space<vmem>>
      %dma_wait3A_524 = tpu.memref_squeeze %dma_wait3A_523 : memref<1x128xi32, #tpu.memory_space<vmem>> -> memref<128xi32, #tpu.memory_space<vmem>>
      %dma_wait3A_525 = arith.constant 0 : i32
      %dma_wait3A_526 = arith.constant 0 : i32
      %dma_wait3A_527 = tpu.memref_slice %arg2[%dma_wait3A_525, %dma_wait3A_526] : memref<10240x16xf32, #tpu.memory_space<hbm>> -> memref<10240x16xf32, #tpu.memory_space<hbm>>
      tpu.wait_indirect_dma semaphore(%arg20 : memref<!tpu.dma_semaphore, #tpu.memory_space<semaphore_mem>>) src(%dma_wait3A_527 : memref<10240x16xf32, #tpu.memory_space<hbm>>) dst(%dma_wait3A_521 : memref<128x16xf32, #tpu.memory_space<vmem>>)
      %dma_start3A_528 = arith.constant 8 : i32
      %dma_start3A_529 = arith.constant 0 : i32
      %dma_start3A_530 = arith.constant 0 : i32
      %dma_start3A_531 = tpu.memref_slice %arg8[%dma_start3A_528, %dma_start3A_529, %dma_start3A_530] : memref<10x128x16xf32, #tpu.memory_space<vmem>> -> memref<1x128x16xf32, #tpu.memory_space<vmem>>
      %dma_start3A_532 = tpu.memref_squeeze %dma_start3A_531 : memref<1x128x16xf32, #tpu.memory_space<vmem>> -> memref<128x16xf32, #tpu.memory_space<vmem>>
      %dma_start3A_533 = arith.constant 0 : i32
      %dma_start3A_534 = tpu.memref_slice %arg7[%add3A_509, %dma_start3A_533] : memref<80x128xi32, #tpu.memory_space<vmem>> -> memref<1x128xi32, #tpu.memory_space<vmem>>
      %dma_start3A_535 = tpu.memref_squeeze %dma_start3A_534 : memref<1x128xi32, #tpu.memory_space<vmem>> -> memref<128xi32, #tpu.memory_space<vmem>>
      %dma_start3A_536 = arith.constant 0 : i32
      %dma_start3A_537 = arith.constant 0 : i32
      %dma_start3A_538 = tpu.memref_slice %arg10[%dma_start3A_536, %dma_start3A_537] : memref<10240x16xf32, #tpu.memory_space<vmem_shared>> -> memref<10240x16xf32, #tpu.memory_space<vmem_shared>>
      tpu.enqueue_indirect_dma source(%dma_start3A_532 : memref<128x16xf32, #tpu.memory_space<vmem>>) target(%dma_start3A_538 : memref<10240x16xf32, #tpu.memory_space<vmem_shared>>) offsets(%dma_start3A_535 : memref<128xi32, #tpu.memory_space<vmem>>) semaphore(%arg30 : memref<!tpu.dma_semaphore, #tpu.memory_space<semaphore_mem>>) {add = true}
      %mul3A_539 = arith.constant 10 : i32
      %mul3A_540 = arith.muli %scan3A_243, %mul3A_539 : i32
      %add3A_541 = arith.constant 9 : i32
      %add3A_542 = arith.addi %mul3A_540, %add3A_541 : i32
      %add3A_543 = arith.constant 6 : i32
      %add3A_544 = arith.addi %add3A_542, %add3A_543 : i32
      %lt3A_545 = arith.constant 80 : i32
      %lt3A_546 = arith.cmpi slt, %add3A_544, %lt3A_545 : i32
      %convert_element_type3A_547 = arith.extui %lt3A_546 : i1 to i32
      %cond3A_548 = arith.constant 0 : i32
      %cond3A_549 = arith.cmpi ne, %convert_element_type3A_547, %cond3A_548 : i32
      scf.if %cond3A_549 {
        %ge3A = arith.constant 4 : i32
        %ge3A_573 = arith.cmpi sge, %add3A_542, %ge3A : i32
        %convert_element_type3A_574 = arith.extui %ge3A_573 : i1 to i32
        %cond3A_575 = arith.constant 0 : i32
        %cond3A_576 = arith.cmpi ne, %convert_element_type3A_574, %cond3A_575 : i32
        scf.if %cond3A_576 {
          %dma_wait3A_590 = arith.constant 0 : i32
          %dma_wait3A_591 = arith.constant 0 : i32
          %dma_wait3A_592 = arith.constant 0 : i32
          %dma_wait3A_593 = arith.constant 0 : i32
          %dma_wait3A_594 = tpu.memref_slice %arg8[%dma_wait3A_590, %dma_wait3A_592, %dma_wait3A_593] : memref<10x128x16xf32, #tpu.memory_space<vmem>> -> memref<1x128x16xf32, #tpu.memory_space<vmem>>
          %dma_wait3A_595 = tpu.memref_squeeze %dma_wait3A_594 : memref<1x128x16xf32, #tpu.memory_space<vmem>> -> memref<128x16xf32, #tpu.memory_space<vmem>>
          %dma_wait3A_596 = arith.constant 0 : i32
          %dma_wait3A_597 = tpu.memref_slice %arg7[%dma_wait3A_591, %dma_wait3A_596] : memref<80x128xi32, #tpu.memory_space<vmem>> -> memref<1x128xi32, #tpu.memory_space<vmem>>
          %dma_wait3A_598 = tpu.memref_squeeze %dma_wait3A_597 : memref<1x128xi32, #tpu.memory_space<vmem>> -> memref<128xi32, #tpu.memory_space<vmem>>
          %dma_wait3A_599 = arith.constant 0 : i32
          %dma_wait3A_600 = arith.constant 0 : i32
          %dma_wait3A_601 = tpu.memref_slice %arg10[%dma_wait3A_599, %dma_wait3A_600] : memref<10240x16xf32, #tpu.memory_space<vmem_shared>> -> memref<10240x16xf32, #tpu.memory_space<vmem_shared>>
          tpu.wait_indirect_dma semaphore(%arg27 : memref<!tpu.dma_semaphore, #tpu.memory_space<semaphore_mem>>) src(%dma_wait3A_595 : memref<128x16xf32, #tpu.memory_space<vmem>>) dst(%dma_wait3A_601 : memref<10240x16xf32, #tpu.memory_space<vmem_shared>>)
        } else {
        }
        %add3A_577 = arith.constant 6 : i32
        %add3A_578 = arith.addi %add3A_542, %add3A_577 : i32
        %dma_start3A_579 = arith.constant 5 : i32
        %dma_start3A_580 = arith.constant 0 : i32
        %dma_start3A_581 = arith.constant 0 : i32
        %dma_start3A_582 = tpu.memref_slice %arg8[%dma_start3A_579, %dma_start3A_580, %dma_start3A_581] : memref<10x128x16xf32, #tpu.memory_space<vmem>> -> memref<1x128x16xf32, #tpu.memory_space<vmem>>
        %dma_start3A_583 = tpu.memref_squeeze %dma_start3A_582 : memref<1x128x16xf32, #tpu.memory_space<vmem>> -> memref<128x16xf32, #tpu.memory_space<vmem>>
        %dma_start3A_584 = arith.constant 0 : i32
        %dma_start3A_585 = tpu.memref_slice %arg6[%add3A_578, %dma_start3A_584] : memref<80x128xi32, #tpu.memory_space<vmem>> -> memref<1x128xi32, #tpu.memory_space<vmem>>
        %dma_start3A_586 = tpu.memref_squeeze %dma_start3A_585 : memref<1x128xi32, #tpu.memory_space<vmem>> -> memref<128xi32, #tpu.memory_space<vmem>>
        %dma_start3A_587 = arith.constant 0 : i32
        %dma_start3A_588 = arith.constant 0 : i32
        %dma_start3A_589 = tpu.memref_slice %arg2[%dma_start3A_587, %dma_start3A_588] : memref<10240x16xf32, #tpu.memory_space<hbm>> -> memref<10240x16xf32, #tpu.memory_space<hbm>>
        tpu.enqueue_indirect_dma source(%dma_start3A_589 : memref<10240x16xf32, #tpu.memory_space<hbm>>) target(%dma_start3A_583 : memref<128x16xf32, #tpu.memory_space<vmem>>) offsets(%dma_start3A_586 : memref<128xi32, #tpu.memory_space<vmem>>) semaphore(%arg17 : memref<!tpu.dma_semaphore, #tpu.memory_space<semaphore_mem>>)
      } else {
      }
      %dma_wait3A_550 = arith.constant 9 : i32
      %dma_wait3A_551 = arith.constant 0 : i32
      %dma_wait3A_552 = arith.constant 0 : i32
      %dma_wait3A_553 = tpu.memref_slice %arg8[%dma_wait3A_550, %dma_wait3A_551, %dma_wait3A_552] : memref<10x128x16xf32, #tpu.memory_space<vmem>> -> memref<1x128x16xf32, #tpu.memory_space<vmem>>
      %dma_wait3A_554 = tpu.memref_squeeze %dma_wait3A_553 : memref<1x128x16xf32, #tpu.memory_space<vmem>> -> memref<128x16xf32, #tpu.memory_space<vmem>>
      %dma_wait3A_555 = arith.constant 0 : i32
      %dma_wait3A_556 = tpu.memref_slice %arg6[%add3A_542, %dma_wait3A_555] : memref<80x128xi32, #tpu.memory_space<vmem>> -> memref<1x128xi32, #tpu.memory_space<vmem>>
      %dma_wait3A_557 = tpu.memref_squeeze %dma_wait3A_556 : memref<1x128xi32, #tpu.memory_space<vmem>> -> memref<128xi32, #tpu.memory_space<vmem>>
      %dma_wait3A_558 = arith.constant 0 : i32
      %dma_wait3A_559 = arith.constant 0 : i32
      %dma_wait3A_560 = tpu.memref_slice %arg2[%dma_wait3A_558, %dma_wait3A_559] : memref<10240x16xf32, #tpu.memory_space<hbm>> -> memref<10240x16xf32, #tpu.memory_space<hbm>>
      tpu.wait_indirect_dma semaphore(%arg21 : memref<!tpu.dma_semaphore, #tpu.memory_space<semaphore_mem>>) src(%dma_wait3A_560 : memref<10240x16xf32, #tpu.memory_space<hbm>>) dst(%dma_wait3A_554 : memref<128x16xf32, #tpu.memory_space<vmem>>)
      %dma_start3A_561 = arith.constant 9 : i32
      %dma_start3A_562 = arith.constant 0 : i32
      %dma_start3A_563 = arith.constant 0 : i32
      %dma_start3A_564 = tpu.memref_slice %arg8[%dma_start3A_561, %dma_start3A_562, %dma_start3A_563] : memref<10x128x16xf32, #tpu.memory_space<vmem>> -> memref<1x128x16xf32, #tpu.memory_space<vmem>>
      %dma_start3A_565 = tpu.memref_squeeze %dma_start3A_564 : memref<1x128x16xf32, #tpu.memory_space<vmem>> -> memref<128x16xf32, #tpu.memory_space<vmem>>
      %dma_start3A_566 = arith.constant 0 : i32
      %dma_start3A_567 = tpu.memref_slice %arg7[%add3A_542, %dma_start3A_566] : memref<80x128xi32, #tpu.memory_space<vmem>> -> memref<1x128xi32, #tpu.memory_space<vmem>>
      %dma_start3A_568 = tpu.memref_squeeze %dma_start3A_567 : memref<1x128xi32, #tpu.memory_space<vmem>> -> memref<128xi32, #tpu.memory_space<vmem>>
      %dma_start3A_569 = arith.constant 0 : i32
      %dma_start3A_570 = arith.constant 0 : i32
      %dma_start3A_571 = tpu.memref_slice %arg10[%dma_start3A_569, %dma_start3A_570] : memref<10240x16xf32, #tpu.memory_space<vmem_shared>> -> memref<10240x16xf32, #tpu.memory_space<vmem_shared>>
      tpu.enqueue_indirect_dma source(%dma_start3A_565 : memref<128x16xf32, #tpu.memory_space<vmem>>) target(%dma_start3A_571 : memref<10240x16xf32, #tpu.memory_space<vmem_shared>>) offsets(%dma_start3A_568 : memref<128xi32, #tpu.memory_space<vmem>>) semaphore(%arg31 : memref<!tpu.dma_semaphore, #tpu.memory_space<semaphore_mem>>) {add = true}
      %scan3A_572 = arith.constant 0 : i32
      scf.yield %scan3A_572 : i32
    }
    %scan3A_117 = arith.constant 8 : i32
    %dma_wait3A_118 = arith.constant 0 : i32
    %dma_wait3A_119 = arith.constant 0 : i32
    %dma_wait3A_120 = arith.constant 0 : i32
    %dma_wait3A_121 = arith.constant 0 : i32
    %dma_wait3A_122 = tpu.memref_slice %arg8[%dma_wait3A_118, %dma_wait3A_120, %dma_wait3A_121] : memref<10x128x16xf32, #tpu.memory_space<vmem>> -> memref<1x128x16xf32, #tpu.memory_space<vmem>>
    %dma_wait3A_123 = tpu.memref_squeeze %dma_wait3A_122 : memref<1x128x16xf32, #tpu.memory_space<vmem>> -> memref<128x16xf32, #tpu.memory_space<vmem>>
    %dma_wait3A_124 = arith.constant 0 : i32
    %dma_wait3A_125 = tpu.memref_slice %arg7[%dma_wait3A_119, %dma_wait3A_124] : memref<80x128xi32, #tpu.memory_space<vmem>> -> memref<1x128xi32, #tpu.memory_space<vmem>>
    %dma_wait3A_126 = tpu.memref_squeeze %dma_wait3A_125 : memref<1x128xi32, #tpu.memory_space<vmem>> -> memref<128xi32, #tpu.memory_space<vmem>>
    %dma_wait3A_127 = arith.constant 0 : i32
    %dma_wait3A_128 = arith.constant 0 : i32
    %dma_wait3A_129 = tpu.memref_slice %arg10[%dma_wait3A_127, %dma_wait3A_128] : memref<10240x16xf32, #tpu.memory_space<vmem_shared>> -> memref<10240x16xf32, #tpu.memory_space<vmem_shared>>
    tpu.wait_indirect_dma semaphore(%arg22 : memref<!tpu.dma_semaphore, #tpu.memory_space<semaphore_mem>>) src(%dma_wait3A_123 : memref<128x16xf32, #tpu.memory_space<vmem>>) dst(%dma_wait3A_129 : memref<10240x16xf32, #tpu.memory_space<vmem_shared>>)
    %dma_wait3A_130 = arith.constant 0 : i32
    %dma_wait3A_131 = arith.constant 0 : i32
    %dma_wait3A_132 = arith.constant 0 : i32
    %dma_wait3A_133 = arith.constant 0 : i32
    %dma_wait3A_134 = tpu.memref_slice %arg8[%dma_wait3A_130, %dma_wait3A_132, %dma_wait3A_133] : memref<10x128x16xf32, #tpu.memory_space<vmem>> -> memref<1x128x16xf32, #tpu.memory_space<vmem>>
    %dma_wait3A_135 = tpu.memref_squeeze %dma_wait3A_134 : memref<1x128x16xf32, #tpu.memory_space<vmem>> -> memref<128x16xf32, #tpu.memory_space<vmem>>
    %dma_wait3A_136 = arith.constant 0 : i32
    %dma_wait3A_137 = tpu.memref_slice %arg7[%dma_wait3A_131, %dma_wait3A_136] : memref<80x128xi32, #tpu.memory_space<vmem>> -> memref<1x128xi32, #tpu.memory_space<vmem>>
    %dma_wait3A_138 = tpu.memref_squeeze %dma_wait3A_137 : memref<1x128xi32, #tpu.memory_space<vmem>> -> memref<128xi32, #tpu.memory_space<vmem>>
    %dma_wait3A_139 = arith.constant 0 : i32
    %dma_wait3A_140 = arith.constant 0 : i32
    %dma_wait3A_141 = tpu.memref_slice %arg10[%dma_wait3A_139, %dma_wait3A_140] : memref<10240x16xf32, #tpu.memory_space<vmem_shared>> -> memref<10240x16xf32, #tpu.memory_space<vmem_shared>>
    tpu.wait_indirect_dma semaphore(%arg23 : memref<!tpu.dma_semaphore, #tpu.memory_space<semaphore_mem>>) src(%dma_wait3A_135 : memref<128x16xf32, #tpu.memory_space<vmem>>) dst(%dma_wait3A_141 : memref<10240x16xf32, #tpu.memory_space<vmem_shared>>)
    %dma_wait3A_142 = arith.constant 0 : i32
    %dma_wait3A_143 = arith.constant 0 : i32
    %dma_wait3A_144 = arith.constant 0 : i32
    %dma_wait3A_145 = arith.constant 0 : i32
    %dma_wait3A_146 = tpu.memref_slice %arg8[%dma_wait3A_142, %dma_wait3A_144, %dma_wait3A_145] : memref<10x128x16xf32, #tpu.memory_space<vmem>> -> memref<1x128x16xf32, #tpu.memory_space<vmem>>
    %dma_wait3A_147 = tpu.memref_squeeze %dma_wait3A_146 : memref<1x128x16xf32, #tpu.memory_space<vmem>> -> memref<128x16xf32, #tpu.memory_space<vmem>>
    %dma_wait3A_148 = arith.constant 0 : i32
    %dma_wait3A_149 = tpu.memref_slice %arg7[%dma_wait3A_143, %dma_wait3A_148] : memref<80x128xi32, #tpu.memory_space<vmem>> -> memref<1x128xi32, #tpu.memory_space<vmem>>
    %dma_wait3A_150 = tpu.memref_squeeze %dma_wait3A_149 : memref<1x128xi32, #tpu.memory_space<vmem>> -> memref<128xi32, #tpu.memory_space<vmem>>
    %dma_wait3A_151 = arith.constant 0 : i32
    %dma_wait3A_152 = arith.constant 0 : i32
    %dma_wait3A_153 = tpu.memref_slice %arg10[%dma_wait3A_151, %dma_wait3A_152] : memref<10240x16xf32, #tpu.memory_space<vmem_shared>> -> memref<10240x16xf32, #tpu.memory_space<vmem_shared>>
    tpu.wait_indirect_dma semaphore(%arg24 : memref<!tpu.dma_semaphore, #tpu.memory_space<semaphore_mem>>) src(%dma_wait3A_147 : memref<128x16xf32, #tpu.memory_space<vmem>>) dst(%dma_wait3A_153 : memref<10240x16xf32, #tpu.memory_space<vmem_shared>>)
    %dma_wait3A_154 = arith.constant 0 : i32
    %dma_wait3A_155 = arith.constant 0 : i32
    %dma_wait3A_156 = arith.constant 0 : i32
    %dma_wait3A_157 = arith.constant 0 : i32
    %dma_wait3A_158 = tpu.memref_slice %arg8[%dma_wait3A_154, %dma_wait3A_156, %dma_wait3A_157] : memref<10x128x16xf32, #tpu.memory_space<vmem>> -> memref<1x128x16xf32, #tpu.memory_space<vmem>>
    %dma_wait3A_159 = tpu.memref_squeeze %dma_wait3A_158 : memref<1x128x16xf32, #tpu.memory_space<vmem>> -> memref<128x16xf32, #tpu.memory_space<vmem>>
    %dma_wait3A_160 = arith.constant 0 : i32
    %dma_wait3A_161 = tpu.memref_slice %arg7[%dma_wait3A_155, %dma_wait3A_160] : memref<80x128xi32, #tpu.memory_space<vmem>> -> memref<1x128xi32, #tpu.memory_space<vmem>>
    %dma_wait3A_162 = tpu.memref_squeeze %dma_wait3A_161 : memref<1x128xi32, #tpu.memory_space<vmem>> -> memref<128xi32, #tpu.memory_space<vmem>>
    %dma_wait3A_163 = arith.constant 0 : i32
    %dma_wait3A_164 = arith.constant 0 : i32
    %dma_wait3A_165 = tpu.memref_slice %arg10[%dma_wait3A_163, %dma_wait3A_164] : memref<10240x16xf32, #tpu.memory_space<vmem_shared>> -> memref<10240x16xf32, #tpu.memory_space<vmem_shared>>
    tpu.wait_indirect_dma semaphore(%arg25 : memref<!tpu.dma_semaphore, #tpu.memory_space<semaphore_mem>>) src(%dma_wait3A_159 : memref<128x16xf32, #tpu.memory_space<vmem>>) dst(%dma_wait3A_165 : memref<10240x16xf32, #tpu.memory_space<vmem_shared>>)
    %dma_wait3A_166 = arith.constant 0 : i32
    %dma_wait3A_167 = arith.constant 0 : i32
    %dma_wait3A_168 = arith.constant 0 : i32
    %dma_wait3A_169 = arith.constant 0 : i32
    %dma_wait3A_170 = tpu.memref_slice %arg8[%dma_wait3A_166, %dma_wait3A_168, %dma_wait3A_169] : memref<10x128x16xf32, #tpu.memory_space<vmem>> -> memref<1x128x16xf32, #tpu.memory_space<vmem>>
    %dma_wait3A_171 = tpu.memref_squeeze %dma_wait3A_170 : memref<1x128x16xf32, #tpu.memory_space<vmem>> -> memref<128x16xf32, #tpu.memory_space<vmem>>
    %dma_wait3A_172 = arith.constant 0 : i32
    %dma_wait3A_173 = tpu.memref_slice %arg7[%dma_wait3A_167, %dma_wait3A_172] : memref<80x128xi32, #tpu.memory_space<vmem>> -> memref<1x128xi32, #tpu.memory_space<vmem>>
    %dma_wait3A_174 = tpu.memref_squeeze %dma_wait3A_173 : memref<1x128xi32, #tpu.memory_space<vmem>> -> memref<128xi32, #tpu.memory_space<vmem>>
    %dma_wait3A_175 = arith.constant 0 : i32
    %dma_wait3A_176 = arith.constant 0 : i32
    %dma_wait3A_177 = tpu.memref_slice %arg10[%dma_wait3A_175, %dma_wait3A_176] : memref<10240x16xf32, #tpu.memory_space<vmem_shared>> -> memref<10240x16xf32, #tpu.memory_space<vmem_shared>>
    tpu.wait_indirect_dma semaphore(%arg26 : memref<!tpu.dma_semaphore, #tpu.memory_space<semaphore_mem>>) src(%dma_wait3A_171 : memref<128x16xf32, #tpu.memory_space<vmem>>) dst(%dma_wait3A_177 : memref<10240x16xf32, #tpu.memory_space<vmem_shared>>)
    %dma_wait3A_178 = arith.constant 0 : i32
    %dma_wait3A_179 = arith.constant 0 : i32
    %dma_wait3A_180 = arith.constant 0 : i32
    %dma_wait3A_181 = arith.constant 0 : i32
    %dma_wait3A_182 = tpu.memref_slice %arg8[%dma_wait3A_178, %dma_wait3A_180, %dma_wait3A_181] : memref<10x128x16xf32, #tpu.memory_space<vmem>> -> memref<1x128x16xf32, #tpu.memory_space<vmem>>
    %dma_wait3A_183 = tpu.memref_squeeze %dma_wait3A_182 : memref<1x128x16xf32, #tpu.memory_space<vmem>> -> memref<128x16xf32, #tpu.memory_space<vmem>>
    %dma_wait3A_184 = arith.constant 0 : i32
    %dma_wait3A_185 = tpu.memref_slice %arg7[%dma_wait3A_179, %dma_wait3A_184] : memref<80x128xi32, #tpu.memory_space<vmem>> -> memref<1x128xi32, #tpu.memory_space<vmem>>
    %dma_wait3A_186 = tpu.memref_squeeze %dma_wait3A_185 : memref<1x128xi32, #tpu.memory_space<vmem>> -> memref<128xi32, #tpu.memory_space<vmem>>
    %dma_wait3A_187 = arith.constant 0 : i32
    %dma_wait3A_188 = arith.constant 0 : i32
    %dma_wait3A_189 = tpu.memref_slice %arg10[%dma_wait3A_187, %dma_wait3A_188] : memref<10240x16xf32, #tpu.memory_space<vmem_shared>> -> memref<10240x16xf32, #tpu.memory_space<vmem_shared>>
    tpu.wait_indirect_dma semaphore(%arg27 : memref<!tpu.dma_semaphore, #tpu.memory_space<semaphore_mem>>) src(%dma_wait3A_183 : memref<128x16xf32, #tpu.memory_space<vmem>>) dst(%dma_wait3A_189 : memref<10240x16xf32, #tpu.memory_space<vmem_shared>>)
    %dma_wait3A_190 = arith.constant 0 : i32
    %dma_wait3A_191 = arith.constant 0 : i32
    %dma_wait3A_192 = arith.constant 0 : i32
    %dma_wait3A_193 = arith.constant 0 : i32
    %dma_wait3A_194 = tpu.memref_slice %arg8[%dma_wait3A_190, %dma_wait3A_192, %dma_wait3A_193] : memref<10x128x16xf32, #tpu.memory_space<vmem>> -> memref<1x128x16xf32, #tpu.memory_space<vmem>>
    %dma_wait3A_195 = tpu.memref_squeeze %dma_wait3A_194 : memref<1x128x16xf32, #tpu.memory_space<vmem>> -> memref<128x16xf32, #tpu.memory_space<vmem>>
    %dma_wait3A_196 = arith.constant 0 : i32
    %dma_wait3A_197 = tpu.memref_slice %arg7[%dma_wait3A_191, %dma_wait3A_196] : memref<80x128xi32, #tpu.memory_space<vmem>> -> memref<1x128xi32, #tpu.memory_space<vmem>>
    %dma_wait3A_198 = tpu.memref_squeeze %dma_wait3A_197 : memref<1x128xi32, #tpu.memory_space<vmem>> -> memref<128xi32, #tpu.memory_space<vmem>>
    %dma_wait3A_199 = arith.constant 0 : i32
    %dma_wait3A_200 = arith.constant 0 : i32
    %dma_wait3A_201 = tpu.memref_slice %arg10[%dma_wait3A_199, %dma_wait3A_200] : memref<10240x16xf32, #tpu.memory_space<vmem_shared>> -> memref<10240x16xf32, #tpu.memory_space<vmem_shared>>
    tpu.wait_indirect_dma semaphore(%arg28 : memref<!tpu.dma_semaphore, #tpu.memory_space<semaphore_mem>>) src(%dma_wait3A_195 : memref<128x16xf32, #tpu.memory_space<vmem>>) dst(%dma_wait3A_201 : memref<10240x16xf32, #tpu.memory_space<vmem_shared>>)
    %dma_wait3A_202 = arith.constant 0 : i32
    %dma_wait3A_203 = arith.constant 0 : i32
    %dma_wait3A_204 = arith.constant 0 : i32
    %dma_wait3A_205 = arith.constant 0 : i32
    %dma_wait3A_206 = tpu.memref_slice %arg8[%dma_wait3A_202, %dma_wait3A_204, %dma_wait3A_205] : memref<10x128x16xf32, #tpu.memory_space<vmem>> -> memref<1x128x16xf32, #tpu.memory_space<vmem>>
    %dma_wait3A_207 = tpu.memref_squeeze %dma_wait3A_206 : memref<1x128x16xf32, #tpu.memory_space<vmem>> -> memref<128x16xf32, #tpu.memory_space<vmem>>
    %dma_wait3A_208 = arith.constant 0 : i32
    %dma_wait3A_209 = tpu.memref_slice %arg7[%dma_wait3A_203, %dma_wait3A_208] : memref<80x128xi32, #tpu.memory_space<vmem>> -> memref<1x128xi32, #tpu.memory_space<vmem>>
    %dma_wait3A_210 = tpu.memref_squeeze %dma_wait3A_209 : memref<1x128xi32, #tpu.memory_space<vmem>> -> memref<128xi32, #tpu.memory_space<vmem>>
    %dma_wait3A_211 = arith.constant 0 : i32
    %dma_wait3A_212 = arith.constant 0 : i32
    %dma_wait3A_213 = tpu.memref_slice %arg10[%dma_wait3A_211, %dma_wait3A_212] : memref<10240x16xf32, #tpu.memory_space<vmem_shared>> -> memref<10240x16xf32, #tpu.memory_space<vmem_shared>>
    tpu.wait_indirect_dma semaphore(%arg29 : memref<!tpu.dma_semaphore, #tpu.memory_space<semaphore_mem>>) src(%dma_wait3A_207 : memref<128x16xf32, #tpu.memory_space<vmem>>) dst(%dma_wait3A_213 : memref<10240x16xf32, #tpu.memory_space<vmem_shared>>)
    %dma_wait3A_214 = arith.constant 0 : i32
    %dma_wait3A_215 = arith.constant 0 : i32
    %dma_wait3A_216 = arith.constant 0 : i32
    %dma_wait3A_217 = arith.constant 0 : i32
    %dma_wait3A_218 = tpu.memref_slice %arg8[%dma_wait3A_214, %dma_wait3A_216, %dma_wait3A_217] : memref<10x128x16xf32, #tpu.memory_space<vmem>> -> memref<1x128x16xf32, #tpu.memory_space<vmem>>
    %dma_wait3A_219 = tpu.memref_squeeze %dma_wait3A_218 : memref<1x128x16xf32, #tpu.memory_space<vmem>> -> memref<128x16xf32, #tpu.memory_space<vmem>>
    %dma_wait3A_220 = arith.constant 0 : i32
    %dma_wait3A_221 = tpu.memref_slice %arg7[%dma_wait3A_215, %dma_wait3A_220] : memref<80x128xi32, #tpu.memory_space<vmem>> -> memref<1x128xi32, #tpu.memory_space<vmem>>
    %dma_wait3A_222 = tpu.memref_squeeze %dma_wait3A_221 : memref<1x128xi32, #tpu.memory_space<vmem>> -> memref<128xi32, #tpu.memory_space<vmem>>
    %dma_wait3A_223 = arith.constant 0 : i32
    %dma_wait3A_224 = arith.constant 0 : i32
    %dma_wait3A_225 = tpu.memref_slice %arg10[%dma_wait3A_223, %dma_wait3A_224] : memref<10240x16xf32, #tpu.memory_space<vmem_shared>> -> memref<10240x16xf32, #tpu.memory_space<vmem_shared>>
    tpu.wait_indirect_dma semaphore(%arg30 : memref<!tpu.dma_semaphore, #tpu.memory_space<semaphore_mem>>) src(%dma_wait3A_219 : memref<128x16xf32, #tpu.memory_space<vmem>>) dst(%dma_wait3A_225 : memref<10240x16xf32, #tpu.memory_space<vmem_shared>>)
    %dma_wait3A_226 = arith.constant 0 : i32
    %dma_wait3A_227 = arith.constant 0 : i32
    %dma_wait3A_228 = arith.constant 0 : i32
    %dma_wait3A_229 = arith.constant 0 : i32
    %dma_wait3A_230 = tpu.memref_slice %arg8[%dma_wait3A_226, %dma_wait3A_228, %dma_wait3A_229] : memref<10x128x16xf32, #tpu.memory_space<vmem>> -> memref<1x128x16xf32, #tpu.memory_space<vmem>>
    %dma_wait3A_231 = tpu.memref_squeeze %dma_wait3A_230 : memref<1x128x16xf32, #tpu.memory_space<vmem>> -> memref<128x16xf32, #tpu.memory_space<vmem>>
    %dma_wait3A_232 = arith.constant 0 : i32
    %dma_wait3A_233 = tpu.memref_slice %arg7[%dma_wait3A_227, %dma_wait3A_232] : memref<80x128xi32, #tpu.memory_space<vmem>> -> memref<1x128xi32, #tpu.memory_space<vmem>>
    %dma_wait3A_234 = tpu.memref_squeeze %dma_wait3A_233 : memref<1x128xi32, #tpu.memory_space<vmem>> -> memref<128xi32, #tpu.memory_space<vmem>>
    %dma_wait3A_235 = arith.constant 0 : i32
    %dma_wait3A_236 = arith.constant 0 : i32
    %dma_wait3A_237 = tpu.memref_slice %arg10[%dma_wait3A_235, %dma_wait3A_236] : memref<10240x16xf32, #tpu.memory_space<vmem_shared>> -> memref<10240x16xf32, #tpu.memory_space<vmem_shared>>
    tpu.wait_indirect_dma semaphore(%arg31 : memref<!tpu.dma_semaphore, #tpu.memory_space<semaphore_mem>>) src(%dma_wait3A_231 : memref<128x16xf32, #tpu.memory_space<vmem>>) dst(%dma_wait3A_237 : memref<10240x16xf32, #tpu.memory_space<vmem_shared>>)
    %barrier3A_238 = arith.constant 0 : index
    tpu.barrier barrier_id(%barrier3A_238)
    %mul3A_239 = arith.constant 640 : i32
    %mul3A_240 = arith.muli %arg1, %mul3A_239 : i32
    "tpu.region"() ({
      %run_scoped3A = tpu.sem_alloc : memref<!tpu.dma_semaphore, #tpu.memory_space<semaphore_mem>>
      %dma_start3A_243 = arith.constant 0 : i32
      %dma_start3A_244 = tpu.memref_slice %arg10[%mul3A_240, %dma_start3A_243] : memref<10240x16xf32, #tpu.memory_space<vmem_shared>> -> memref<640x16xf32, #tpu.memory_space<vmem_shared>>
      %dma_start3A_245 = arith.constant 0 : i32
      %dma_start3A_246 = tpu.memref_slice %arg10[%mul3A_240, %dma_start3A_245] : memref<10240x16xf32, #tpu.memory_space<vmem_shared>> -> memref<640x16xf32, #tpu.memory_space<vmem_shared>>
      tpu.enqueue_dma source(%dma_start3A_246 : memref<640x16xf32, #tpu.memory_space<vmem_shared>>) target(%arg9 : memref<640x16xf32, #tpu.memory_space<vmem>>) target_semaphore(%run_scoped3A : memref<!tpu.dma_semaphore, #tpu.memory_space<semaphore_mem>>)
      %dma_wait3A_247 = arith.constant 0 : i32
      %dma_wait3A_248 = tpu.memref_slice %arg10[%mul3A_240, %dma_wait3A_247] : memref<10240x16xf32, #tpu.memory_space<vmem_shared>> -> memref<640x16xf32, #tpu.memory_space<vmem_shared>>
      %dma_wait3A_249 = arith.constant 0 : i32
      %dma_wait3A_250 = tpu.memref_slice %arg10[%mul3A_240, %dma_wait3A_249] : memref<10240x16xf32, #tpu.memory_space<vmem_shared>> -> memref<640x16xf32, #tpu.memory_space<vmem_shared>>
      tpu.wait_dma2 semaphore(%run_scoped3A : memref<!tpu.dma_semaphore, #tpu.memory_space<semaphore_mem>>) src(%dma_wait3A_250 : memref<640x16xf32, #tpu.memory_space<vmem_shared>>) dst(%arg9 : memref<640x16xf32, #tpu.memory_space<vmem>>)
      tpu.yield
    }) : () -> ()
    %mul3A_241 = arith.constant 640 : i32
    %mul3A_242 = arith.muli %arg1, %mul3A_241 : i32
    "tpu.region"() ({
      %run_scoped3A = tpu.sem_alloc : memref<!tpu.dma_semaphore, #tpu.memory_space<semaphore_mem>>
      %dma_start3A_243 = arith.constant 0 : i32
      %dma_start3A_244 = arith.constant 0 : i32
      %dma_start3A_245 = tpu.memref_slice %arg5[%arg0, %dma_start3A_243, %dma_start3A_244] : memref<2x10240x16xf32, #tpu.memory_space<hbm>> -> memref<1x10240x16xf32, #tpu.memory_space<hbm>>
      %dma_start3A_246 = tpu.memref_squeeze %dma_start3A_245 : memref<1x10240x16xf32, #tpu.memory_space<hbm>> -> memref<10240x16xf32, #tpu.memory_space<hbm>>
      %dma_start3A_247 = arith.constant 0 : i32
      %dma_start3A_248 = tpu.memref_slice %dma_start3A_246[%mul3A_242, %dma_start3A_247] : memref<10240x16xf32, #tpu.memory_space<hbm>> -> memref<640x16xf32, #tpu.memory_space<hbm>>
      %dma_start3A_249 = arith.constant 0 : i32
      %dma_start3A_250 = arith.constant 0 : i32
      %dma_start3A_251 = tpu.memref_slice %arg5[%arg0, %dma_start3A_249, %dma_start3A_250] : memref<2x10240x16xf32, #tpu.memory_space<hbm>> -> memref<1x10240x16xf32, #tpu.memory_space<hbm>>
      %dma_start3A_252 = tpu.memref_squeeze %dma_start3A_251 : memref<1x10240x16xf32, #tpu.memory_space<hbm>> -> memref<10240x16xf32, #tpu.memory_space<hbm>>
      %dma_start3A_253 = arith.constant 0 : i32
      %dma_start3A_254 = tpu.memref_slice %dma_start3A_252[%mul3A_242, %dma_start3A_253] : memref<10240x16xf32, #tpu.memory_space<hbm>> -> memref<640x16xf32, #tpu.memory_space<hbm>>
      tpu.enqueue_dma source(%arg9 : memref<640x16xf32, #tpu.memory_space<vmem>>) target(%dma_start3A_254 : memref<640x16xf32, #tpu.memory_space<hbm>>) target_semaphore(%run_scoped3A : memref<!tpu.dma_semaphore, #tpu.memory_space<semaphore_mem>>)
      %dma_wait3A_255 = arith.constant 0 : i32
      %dma_wait3A_256 = arith.constant 0 : i32
      %dma_wait3A_257 = tpu.memref_slice %arg5[%arg0, %dma_wait3A_255, %dma_wait3A_256] : memref<2x10240x16xf32, #tpu.memory_space<hbm>> -> memref<1x10240x16xf32, #tpu.memory_space<hbm>>
      %dma_wait3A_258 = tpu.memref_squeeze %dma_wait3A_257 : memref<1x10240x16xf32, #tpu.memory_space<hbm>> -> memref<10240x16xf32, #tpu.memory_space<hbm>>
      %dma_wait3A_259 = arith.constant 0 : i32
      %dma_wait3A_260 = tpu.memref_slice %dma_wait3A_258[%mul3A_242, %dma_wait3A_259] : memref<10240x16xf32, #tpu.memory_space<hbm>> -> memref<640x16xf32, #tpu.memory_space<hbm>>
      %dma_wait3A_261 = arith.constant 0 : i32
      %dma_wait3A_262 = arith.constant 0 : i32
      %dma_wait3A_263 = tpu.memref_slice %arg5[%arg0, %dma_wait3A_261, %dma_wait3A_262] : memref<2x10240x16xf32, #tpu.memory_space<hbm>> -> memref<1x10240x16xf32, #tpu.memory_space<hbm>>
      %dma_wait3A_264 = tpu.memref_squeeze %dma_wait3A_263 : memref<1x10240x16xf32, #tpu.memory_space<hbm>> -> memref<10240x16xf32, #tpu.memory_space<hbm>>
      %dma_wait3A_265 = arith.constant 0 : i32
      %dma_wait3A_266 = tpu.memref_slice %dma_wait3A_264[%mul3A_242, %dma_wait3A_265] : memref<10240x16xf32, #tpu.memory_space<hbm>> -> memref<640x16xf32, #tpu.memory_space<hbm>>
      tpu.wait_dma2 semaphore(%run_scoped3A : memref<!tpu.dma_semaphore, #tpu.memory_space<semaphore_mem>>) src(%arg9 : memref<640x16xf32, #tpu.memory_space<vmem>>) dst(%dma_wait3A_266 : memref<640x16xf32, #tpu.memory_space<hbm>>)
      tpu.yield
    }) : () -> ()
    return
  }
}

module attributes {stable_mosaic.version = 14 : i64} {
  func.func @_mmh_body(%arg0: memref<10000x128xf32, #tpu.memory_space<vmem>>, %arg1: memref<128x16xf32, #tpu.memory_space<vmem>>, %arg2: memref<1280x128xf32, #tpu.memory_space<vmem>>) attributes {dimension_semantics = [], scalar_prefetch = 0 : i64, scratch_operands = 0 : i64, tpu.core_type = #tpu.core_type<tc>} {
    %get3A = arith.constant 0 : index
    %get3A_0 = arith.constant 0 : index
    %get3A_1 = vector.load %arg0[%get3A, %get3A_0] : memref<10000x128xf32, #tpu.memory_space<vmem>>, vector<10000x128xf32>
    %get3A_2 = arith.constant 0 : index
    %get3A_3 = arith.constant 0 : index
    %get3A_4 = vector.load %arg1[%get3A_2, %get3A_3] : memref<128x16xf32, #tpu.memory_space<vmem>>, vector<128x16xf32>
    %dot_general3A = arith.constant dense<0.000000e+00> : vector<10000x16xf32>
    %dot_general3A_5 = tpu.matmul %get3A_1, %get3A_4, %dot_general3A {dimension_numbers = #tpu.dot_dimension_numbers<[1], [0], [0], [1], [0, 0, 1, 1], [], []>, transpose_lhs_hint = false} : vector<10000x128xf32>, vector<128x16xf32>, vector<10000x16xf32> -> vector<10000x16xf32>
    %iota3A = tpu.iota {dimensions = array<i32: 0>} : vector<16x128xi32>
    %iota3A_6 = tpu.iota {dimensions = array<i32: 1>} : vector<16x128xi32>
    %broadcast_in_dim3A = arith.constant 0.000000e+00 : f32
    %broadcast_in_dim3A_7 = vector.broadcast %broadcast_in_dim3A : f32 to vector<1280x128xf32>
    %slice3A = vector.extract_strided_slice %dot_general3A_5 {offsets = [0, 0], sizes = [1280, 16], strides = [1, 1]} : vector<10000x16xf32> to vector<1280x16xf32>
    %add3A = arith.constant 0 : i32
    %add3A_8 = vector.broadcast %add3A : i32 to vector<16x128xi32>
    %add3A_9 = arith.addi %add3A_8, %iota3A : vector<16x128xi32>
    %eq3A = arith.cmpi eq, %iota3A_6, %add3A_9 : vector<16x128xi32>
    %convert_element_type3A = arith.extui %eq3A : vector<16x128xi1> to vector<16x128xi32>
    %convert_element_type3A_10 = arith.sitofp %convert_element_type3A : vector<16x128xi32> to vector<16x128xf32>
    %dot_general3A_11 = arith.constant dense<0.000000e+00> : vector<1280x128xf32>
    %dot_general3A_12 = tpu.matmul %slice3A, %convert_element_type3A_10, %dot_general3A_11 {dimension_numbers = #tpu.dot_dimension_numbers<[1], [0], [0], [1], [0, 0, 1, 1], [], []>, transpose_lhs_hint = false} : vector<1280x16xf32>, vector<16x128xf32>, vector<1280x128xf32> -> vector<1280x128xf32>
    %add3A_13 = arith.addf %broadcast_in_dim3A_7, %dot_general3A_12 : vector<1280x128xf32>
    %slice3A_14 = vector.extract_strided_slice %dot_general3A_5 {offsets = [1280, 0], sizes = [1280, 16], strides = [1, 1]} : vector<10000x16xf32> to vector<1280x16xf32>
    %add3A_15 = arith.constant 16 : i32
    %add3A_16 = vector.broadcast %add3A_15 : i32 to vector<16x128xi32>
    %add3A_17 = arith.addi %add3A_16, %iota3A : vector<16x128xi32>
    %eq3A_18 = arith.cmpi eq, %iota3A_6, %add3A_17 : vector<16x128xi32>
    %convert_element_type3A_19 = arith.extui %eq3A_18 : vector<16x128xi1> to vector<16x128xi32>
    %convert_element_type3A_20 = arith.sitofp %convert_element_type3A_19 : vector<16x128xi32> to vector<16x128xf32>
    %dot_general3A_21 = arith.constant dense<0.000000e+00> : vector<1280x128xf32>
    %dot_general3A_22 = tpu.matmul %slice3A_14, %convert_element_type3A_20, %dot_general3A_21 {dimension_numbers = #tpu.dot_dimension_numbers<[1], [0], [0], [1], [0, 0, 1, 1], [], []>, transpose_lhs_hint = false} : vector<1280x16xf32>, vector<16x128xf32>, vector<1280x128xf32> -> vector<1280x128xf32>
    %add3A_23 = arith.addf %add3A_13, %dot_general3A_22 : vector<1280x128xf32>
    %slice3A_24 = vector.extract_strided_slice %dot_general3A_5 {offsets = [2560, 0], sizes = [1280, 16], strides = [1, 1]} : vector<10000x16xf32> to vector<1280x16xf32>
    %add3A_25 = arith.constant 32 : i32
    %add3A_26 = vector.broadcast %add3A_25 : i32 to vector<16x128xi32>
    %add3A_27 = arith.addi %add3A_26, %iota3A : vector<16x128xi32>
    %eq3A_28 = arith.cmpi eq, %iota3A_6, %add3A_27 : vector<16x128xi32>
    %convert_element_type3A_29 = arith.extui %eq3A_28 : vector<16x128xi1> to vector<16x128xi32>
    %convert_element_type3A_30 = arith.sitofp %convert_element_type3A_29 : vector<16x128xi32> to vector<16x128xf32>
    %dot_general3A_31 = arith.constant dense<0.000000e+00> : vector<1280x128xf32>
    %dot_general3A_32 = tpu.matmul %slice3A_24, %convert_element_type3A_30, %dot_general3A_31 {dimension_numbers = #tpu.dot_dimension_numbers<[1], [0], [0], [1], [0, 0, 1, 1], [], []>, transpose_lhs_hint = false} : vector<1280x16xf32>, vector<16x128xf32>, vector<1280x128xf32> -> vector<1280x128xf32>
    %add3A_33 = arith.addf %add3A_23, %dot_general3A_32 : vector<1280x128xf32>
    %slice3A_34 = vector.extract_strided_slice %dot_general3A_5 {offsets = [3840, 0], sizes = [1280, 16], strides = [1, 1]} : vector<10000x16xf32> to vector<1280x16xf32>
    %add3A_35 = arith.constant 48 : i32
    %add3A_36 = vector.broadcast %add3A_35 : i32 to vector<16x128xi32>
    %add3A_37 = arith.addi %add3A_36, %iota3A : vector<16x128xi32>
    %eq3A_38 = arith.cmpi eq, %iota3A_6, %add3A_37 : vector<16x128xi32>
    %convert_element_type3A_39 = arith.extui %eq3A_38 : vector<16x128xi1> to vector<16x128xi32>
    %convert_element_type3A_40 = arith.sitofp %convert_element_type3A_39 : vector<16x128xi32> to vector<16x128xf32>
    %dot_general3A_41 = arith.constant dense<0.000000e+00> : vector<1280x128xf32>
    %dot_general3A_42 = tpu.matmul %slice3A_34, %convert_element_type3A_40, %dot_general3A_41 {dimension_numbers = #tpu.dot_dimension_numbers<[1], [0], [0], [1], [0, 0, 1, 1], [], []>, transpose_lhs_hint = false} : vector<1280x16xf32>, vector<16x128xf32>, vector<1280x128xf32> -> vector<1280x128xf32>
    %add3A_43 = arith.addf %add3A_33, %dot_general3A_42 : vector<1280x128xf32>
    %slice3A_44 = vector.extract_strided_slice %dot_general3A_5 {offsets = [5120, 0], sizes = [1280, 16], strides = [1, 1]} : vector<10000x16xf32> to vector<1280x16xf32>
    %add3A_45 = arith.constant 64 : i32
    %add3A_46 = vector.broadcast %add3A_45 : i32 to vector<16x128xi32>
    %add3A_47 = arith.addi %add3A_46, %iota3A : vector<16x128xi32>
    %eq3A_48 = arith.cmpi eq, %iota3A_6, %add3A_47 : vector<16x128xi32>
    %convert_element_type3A_49 = arith.extui %eq3A_48 : vector<16x128xi1> to vector<16x128xi32>
    %convert_element_type3A_50 = arith.sitofp %convert_element_type3A_49 : vector<16x128xi32> to vector<16x128xf32>
    %dot_general3A_51 = arith.constant dense<0.000000e+00> : vector<1280x128xf32>
    %dot_general3A_52 = tpu.matmul %slice3A_44, %convert_element_type3A_50, %dot_general3A_51 {dimension_numbers = #tpu.dot_dimension_numbers<[1], [0], [0], [1], [0, 0, 1, 1], [], []>, transpose_lhs_hint = false} : vector<1280x16xf32>, vector<16x128xf32>, vector<1280x128xf32> -> vector<1280x128xf32>
    %add3A_53 = arith.addf %add3A_43, %dot_general3A_52 : vector<1280x128xf32>
    %slice3A_54 = vector.extract_strided_slice %dot_general3A_5 {offsets = [6400, 0], sizes = [1280, 16], strides = [1, 1]} : vector<10000x16xf32> to vector<1280x16xf32>
    %add3A_55 = arith.constant 80 : i32
    %add3A_56 = vector.broadcast %add3A_55 : i32 to vector<16x128xi32>
    %add3A_57 = arith.addi %add3A_56, %iota3A : vector<16x128xi32>
    %eq3A_58 = arith.cmpi eq, %iota3A_6, %add3A_57 : vector<16x128xi32>
    %convert_element_type3A_59 = arith.extui %eq3A_58 : vector<16x128xi1> to vector<16x128xi32>
    %convert_element_type3A_60 = arith.sitofp %convert_element_type3A_59 : vector<16x128xi32> to vector<16x128xf32>
    %dot_general3A_61 = arith.constant dense<0.000000e+00> : vector<1280x128xf32>
    %dot_general3A_62 = tpu.matmul %slice3A_54, %convert_element_type3A_60, %dot_general3A_61 {dimension_numbers = #tpu.dot_dimension_numbers<[1], [0], [0], [1], [0, 0, 1, 1], [], []>, transpose_lhs_hint = false} : vector<1280x16xf32>, vector<16x128xf32>, vector<1280x128xf32> -> vector<1280x128xf32>
    %add3A_63 = arith.addf %add3A_53, %dot_general3A_62 : vector<1280x128xf32>
    %slice3A_64 = vector.extract_strided_slice %dot_general3A_5 {offsets = [7680, 0], sizes = [1280, 16], strides = [1, 1]} : vector<10000x16xf32> to vector<1280x16xf32>
    %add3A_65 = arith.constant 96 : i32
    %add3A_66 = vector.broadcast %add3A_65 : i32 to vector<16x128xi32>
    %add3A_67 = arith.addi %add3A_66, %iota3A : vector<16x128xi32>
    %eq3A_68 = arith.cmpi eq, %iota3A_6, %add3A_67 : vector<16x128xi32>
    %convert_element_type3A_69 = arith.extui %eq3A_68 : vector<16x128xi1> to vector<16x128xi32>
    %convert_element_type3A_70 = arith.sitofp %convert_element_type3A_69 : vector<16x128xi32> to vector<16x128xf32>
    %dot_general3A_71 = arith.constant dense<0.000000e+00> : vector<1280x128xf32>
    %dot_general3A_72 = tpu.matmul %slice3A_64, %convert_element_type3A_70, %dot_general3A_71 {dimension_numbers = #tpu.dot_dimension_numbers<[1], [0], [0], [1], [0, 0, 1, 1], [], []>, transpose_lhs_hint = false} : vector<1280x16xf32>, vector<16x128xf32>, vector<1280x128xf32> -> vector<1280x128xf32>
    %add3A_73 = arith.addf %add3A_63, %dot_general3A_72 : vector<1280x128xf32>
    %slice3A_74 = vector.extract_strided_slice %dot_general3A_5 {offsets = [8960, 0], sizes = [1040, 16], strides = [1, 1]} : vector<10000x16xf32> to vector<1040x16xf32>
    %broadcast_in_dim3A_75 = arith.constant 0.000000e+00 : f32
    %broadcast_in_dim3A_76 = vector.broadcast %broadcast_in_dim3A_75 : f32 to vector<240x16xf32>
    %concatenate3A = tpu.concatenate %slice3A_74, %broadcast_in_dim3A_76 in 0 : vector<1040x16xf32>, vector<240x16xf32> -> vector<1280x16xf32>
    %add3A_77 = arith.constant 112 : i32
    %add3A_78 = vector.broadcast %add3A_77 : i32 to vector<16x128xi32>
    %add3A_79 = arith.addi %add3A_78, %iota3A : vector<16x128xi32>
    %eq3A_80 = arith.cmpi eq, %iota3A_6, %add3A_79 : vector<16x128xi32>
    %convert_element_type3A_81 = arith.extui %eq3A_80 : vector<16x128xi1> to vector<16x128xi32>
    %convert_element_type3A_82 = arith.sitofp %convert_element_type3A_81 : vector<16x128xi32> to vector<16x128xf32>
    %dot_general3A_83 = arith.constant dense<0.000000e+00> : vector<1280x128xf32>
    %dot_general3A_84 = tpu.matmul %concatenate3A, %convert_element_type3A_82, %dot_general3A_83 {dimension_numbers = #tpu.dot_dimension_numbers<[1], [0], [0], [1], [0, 0, 1, 1], [], []>, transpose_lhs_hint = false} : vector<1280x16xf32>, vector<16x128xf32>, vector<1280x128xf32> -> vector<1280x128xf32>
    %add3A_85 = arith.addf %add3A_73, %dot_general3A_84 : vector<1280x128xf32>
    %swap3A = arith.constant 0 : index
    %swap3A_86 = arith.constant 0 : index
    %swap3A_87 = vector.load %arg2[%swap3A, %swap3A_86] : memref<1280x128xf32, #tpu.memory_space<vmem>>, vector<1280x128xf32>
    tpu.vector_store %arg2[%swap3A, %swap3A_86], %add3A_85 {strides = array<i32>} : memref<1280x128xf32, #tpu.memory_space<vmem>>, vector<1280x128xf32>,
    return
  }
}

module attributes {stable_mosaic.version = 14 : i64} {
  func.func @_scale_body(%arg0: memref<2x1280x128xf32, #tpu.memory_space<vmem>>, %arg1: memref<1280x128xf32, #tpu.memory_space<vmem>>, %arg2: memref<1280x128xf32, #tpu.memory_space<vmem>>, %arg3: memref<1280x128xf32, #tpu.memory_space<vmem>>) attributes {dimension_semantics = [], scalar_prefetch = 0 : i64, scratch_operands = 0 : i64, tpu.core_type = #tpu.core_type<tc>} {
    %get3A = arith.constant 0 : index
    %get3A_0 = arith.constant 0 : index
    %get3A_1 = arith.constant 0 : index
    %get3A_2 = vector.load %arg0[%get3A, %get3A_0, %get3A_1] : memref<2x1280x128xf32, #tpu.memory_space<vmem>>, vector<2x1280x128xf32>
    %slice3A = vector.extract_strided_slice %get3A_2 {offsets = [0, 0, 0], sizes = [1, 1280, 128], strides = [1, 1, 1]} : vector<2x1280x128xf32> to vector<1x1280x128xf32>
    %squeeze3A = vector.shape_cast %slice3A : vector<1x1280x128xf32> to vector<1280x128xf32>
    %slice3A_3 = vector.extract_strided_slice %get3A_2 {offsets = [1, 0, 0], sizes = [1, 1280, 128], strides = [1, 1, 1]} : vector<2x1280x128xf32> to vector<1x1280x128xf32>
    %squeeze3A_4 = vector.shape_cast %slice3A_3 : vector<1x1280x128xf32> to vector<1280x128xf32>
    %add3A = arith.addf %squeeze3A, %squeeze3A_4 : vector<1280x128xf32>
    %add3A_5 = arith.constant 1.000000e+00 : f32
    %add3A_6 = vector.broadcast %add3A_5 : f32 to vector<1280x128xf32>
    %add3A_7 = arith.addf %add3A, %add3A_6 : vector<1280x128xf32>
    %rsqrt3A = math.rsqrt %add3A_7 : vector<1280x128xf32>
    %swap3A = arith.constant 0 : index
    %swap3A_8 = arith.constant 0 : index
    %swap3A_9 = vector.load %arg3[%swap3A, %swap3A_8] : memref<1280x128xf32, #tpu.memory_space<vmem>>, vector<1280x128xf32>
    tpu.vector_store %arg3[%swap3A, %swap3A_8], %rsqrt3A {strides = array<i32>} : memref<1280x128xf32, #tpu.memory_space<vmem>>, vector<1280x128xf32>,
    %get3A_10 = arith.constant 0 : index
    %get3A_11 = arith.constant 0 : index
    %get3A_12 = vector.load %arg1[%get3A_10, %get3A_11] : memref<1280x128xf32, #tpu.memory_space<vmem>>, vector<1280x128xf32>
    %mul3A = arith.mulf %rsqrt3A, %get3A_12 : vector<1280x128xf32>
    %swap3A_13 = arith.constant 0 : index
    %swap3A_14 = arith.constant 0 : index
    %swap3A_15 = vector.load %arg2[%swap3A_13, %swap3A_14] : memref<1280x128xf32, #tpu.memory_space<vmem>>, vector<1280x128xf32>
    tpu.vector_store %arg2[%swap3A_13, %swap3A_14], %mul3A {strides = array<i32>} : memref<1280x128xf32, #tpu.memory_space<vmem>>, vector<1280x128xf32>,
    return
  }
}

module attributes {stable_mosaic.version = 14 : i64} {
  func.func @_layer2_body(%arg0: memref<1280x128xf32, #tpu.memory_space<vmem>>, %arg1: memref<2x1280x128xf32, #tpu.memory_space<vmem>>, %arg2: memref<1280x128xf32, #tpu.memory_space<vmem>>, %arg3: memref<1x128xf32, #tpu.memory_space<vmem>>, %arg4: memref<128x128xf32, #tpu.memory_space<vmem>>, %arg5: memref<1280x128xf32, #tpu.memory_space<vmem>>) attributes {dimension_semantics = [], scalar_prefetch = 0 : i64, scratch_operands = 0 : i64, tpu.core_type = #tpu.core_type<tc>} {
    %get3A = arith.constant 0 : index
    %get3A_0 = arith.constant 0 : index
    %get3A_1 = vector.load %arg0[%get3A, %get3A_0] : memref<1280x128xf32, #tpu.memory_space<vmem>>, vector<1280x128xf32>
    %get3A_2 = arith.constant 0 : index
    %get3A_3 = arith.constant 0 : index
    %get3A_4 = arith.constant 0 : index
    %get3A_5 = vector.load %arg1[%get3A_2, %get3A_3, %get3A_4] : memref<2x1280x128xf32, #tpu.memory_space<vmem>>, vector<2x1280x128xf32>
    %get3A_6 = arith.constant 0 : index
    %get3A_7 = arith.constant 0 : index
    %get3A_8 = vector.load %arg2[%get3A_6, %get3A_7] : memref<1280x128xf32, #tpu.memory_space<vmem>>, vector<1280x128xf32>
    %slice3A = vector.extract_strided_slice %get3A_5 {offsets = [0, 0, 0], sizes = [1, 1280, 128], strides = [1, 1, 1]} : vector<2x1280x128xf32> to vector<1x1280x128xf32>
    %squeeze3A = vector.shape_cast %slice3A : vector<1x1280x128xf32> to vector<1280x128xf32>
    %add3A = arith.addf %get3A_8, %squeeze3A : vector<1280x128xf32>
    %slice3A_9 = vector.extract_strided_slice %get3A_5 {offsets = [1, 0, 0], sizes = [1, 1280, 128], strides = [1, 1, 1]} : vector<2x1280x128xf32> to vector<1x1280x128xf32>
    %squeeze3A_10 = vector.shape_cast %slice3A_9 : vector<1x1280x128xf32> to vector<1280x128xf32>
    %add3A_11 = arith.addf %add3A, %squeeze3A_10 : vector<1280x128xf32>
    %mul3A = arith.mulf %get3A_1, %add3A_11 : vector<1280x128xf32>
    %get3A_12 = arith.constant 0 : index
    %get3A_13 = arith.constant 0 : index
    %get3A_14 = vector.load %arg3[%get3A_12, %get3A_13] : memref<1x128xf32, #tpu.memory_space<vmem>>, vector<1x128xf32>
    %add3A_15 = vector.broadcast %get3A_14 : vector<1x128xf32> to vector<1280x128xf32>
    %add3A_16 = arith.addf %mul3A, %add3A_15 : vector<1280x128xf32>
    %max3A = arith.constant 0.000000e+00 : f32
    %max3A_17 = vector.broadcast %max3A : f32 to vector<1280x128xf32>
    %max3A_18 = arith.maximumf %add3A_16, %max3A_17 : vector<1280x128xf32>
    %get3A_19 = arith.constant 0 : index
    %get3A_20 = arith.constant 0 : index
    %get3A_21 = vector.load %arg4[%get3A_19, %get3A_20] : memref<128x128xf32, #tpu.memory_space<vmem>>, vector<128x128xf32>
    %dot_general3A = arith.constant dense<0.000000e+00> : vector<1280x128xf32>
    %dot_general3A_22 = tpu.matmul %max3A_18, %get3A_21, %dot_general3A {dimension_numbers = #tpu.dot_dimension_numbers<[1], [0], [0], [1], [0, 0, 1, 1], [], []>, transpose_lhs_hint = false} : vector<1280x128xf32>, vector<128x128xf32>, vector<1280x128xf32> -> vector<1280x128xf32>
    %mul3A_23 = arith.mulf %get3A_1, %dot_general3A_22 : vector<1280x128xf32>
    %swap3A = arith.constant 0 : index
    %swap3A_24 = arith.constant 0 : index
    %swap3A_25 = vector.load %arg5[%swap3A, %swap3A_24] : memref<1280x128xf32, #tpu.memory_space<vmem>>, vector<1280x128xf32>
    tpu.vector_store %arg5[%swap3A, %swap3A_24], %mul3A_23 {strides = array<i32>} : memref<1280x128xf32, #tpu.memory_space<vmem>>, vector<1280x128xf32>,
    return
  }
}

module attributes {stable_mosaic.version = 14 : i64} {
  func.func @_final_body(%arg0: memref<1280x128xf32, #tpu.memory_space<vmem>>, %arg1: memref<2x1280x128xf32, #tpu.memory_space<vmem>>, %arg2: memref<1280x128xf32, #tpu.memory_space<vmem>>, %arg3: memref<1x128xf32, #tpu.memory_space<vmem>>, %arg4: memref<1280x128xf32, #tpu.memory_space<vmem>>) attributes {dimension_semantics = [], scalar_prefetch = 0 : i64, scratch_operands = 0 : i64, tpu.core_type = #tpu.core_type<tc>} {
    %get3A = arith.constant 0 : index
    %get3A_0 = arith.constant 0 : index
    %get3A_1 = arith.constant 0 : index
    %get3A_2 = vector.load %arg1[%get3A, %get3A_0, %get3A_1] : memref<2x1280x128xf32, #tpu.memory_space<vmem>>, vector<2x1280x128xf32>
    %get3A_3 = arith.constant 0 : index
    %get3A_4 = arith.constant 0 : index
    %get3A_5 = vector.load %arg0[%get3A_3, %get3A_4] : memref<1280x128xf32, #tpu.memory_space<vmem>>, vector<1280x128xf32>
    %get3A_6 = arith.constant 0 : index
    %get3A_7 = arith.constant 0 : index
    %get3A_8 = vector.load %arg2[%get3A_6, %get3A_7] : memref<1280x128xf32, #tpu.memory_space<vmem>>, vector<1280x128xf32>
    %slice3A = vector.extract_strided_slice %get3A_2 {offsets = [0, 0, 0], sizes = [1, 1280, 128], strides = [1, 1, 1]} : vector<2x1280x128xf32> to vector<1x1280x128xf32>
    %squeeze3A = vector.shape_cast %slice3A : vector<1x1280x128xf32> to vector<1280x128xf32>
    %add3A = arith.addf %get3A_8, %squeeze3A : vector<1280x128xf32>
    %slice3A_9 = vector.extract_strided_slice %get3A_2 {offsets = [1, 0, 0], sizes = [1, 1280, 128], strides = [1, 1, 1]} : vector<2x1280x128xf32> to vector<1x1280x128xf32>
    %squeeze3A_10 = vector.shape_cast %slice3A_9 : vector<1x1280x128xf32> to vector<1280x128xf32>
    %add3A_11 = arith.addf %add3A, %squeeze3A_10 : vector<1280x128xf32>
    %mul3A = arith.mulf %get3A_5, %add3A_11 : vector<1280x128xf32>
    %get3A_12 = arith.constant 0 : index
    %get3A_13 = arith.constant 0 : index
    %get3A_14 = vector.load %arg3[%get3A_12, %get3A_13] : memref<1x128xf32, #tpu.memory_space<vmem>>, vector<1x128xf32>
    %add3A_15 = vector.broadcast %get3A_14 : vector<1x128xf32> to vector<1280x128xf32>
    %add3A_16 = arith.addf %mul3A, %add3A_15 : vector<1280x128xf32>
    %iota3A = tpu.iota {dimensions = array<i32: 1>} : vector<1280x128xi32>
    %jit3A = arith.constant 16 : i32
    %eq3A = arith.constant 0 : i32
    %eq3A_17 = arith.cmpi eq, %jit3A, %eq3A : i32
    %jit3A_18 = arith.constant 1 : i32
    %select_n3A = arith.select %eq3A_17, %jit3A_18, %jit3A : i32
    %rem3A = vector.broadcast %select_n3A : i32 to vector<1280x128xi32>
    %rem3A_19 = arith.remsi %iota3A, %rem3A : vector<1280x128xi32>
    %ne3A = arith.constant 0 : i32
    %ne3A_20 = vector.broadcast %ne3A : i32 to vector<1280x128xi32>
    %ne3A_21 = arith.cmpi ne, %rem3A_19, %ne3A_20 : vector<1280x128xi32>
    %lt3A = arith.constant 0 : i32
    %lt3A_22 = vector.broadcast %lt3A : i32 to vector<1280x128xi32>
    %lt3A_23 = arith.cmpi slt, %rem3A_19, %lt3A_22 : vector<1280x128xi32>
    %lt3A_24 = arith.constant 0 : i32
    %lt3A_25 = arith.cmpi slt, %select_n3A, %lt3A_24 : i32
    %ne3A_26 = vector.broadcast %lt3A_25 : i1 to vector<1280x128xi1>
    %ne3A_27 = vector.broadcast %ne3A_26 : vector<1280x128xi1> to vector<1280x128xi1>
    %ne3A_28 = arith.xori %lt3A_23, %ne3A_27 : vector<1280x128xi1>
    %and3A = arith.andi %ne3A_28, %ne3A_21 : vector<1280x128xi1>
    %add3A_29 = vector.broadcast %select_n3A : i32 to vector<1280x128xi32>
    %add3A_30 = arith.addi %rem3A_19, %add3A_29 : vector<1280x128xi32>
    %select_n3A_31 = arith.select %and3A, %add3A_30, %rem3A_19 : vector<1280x128xi1>, vector<1280x128xi32>
    %lt3A_32 = arith.constant 10 : i32
    %lt3A_33 = vector.broadcast %lt3A_32 : i32 to vector<1280x128xi32>
    %lt3A_34 = arith.cmpi slt, %select_n3A_31, %lt3A_33 : vector<1280x128xi32>
    %jit3A_35 = arith.constant -1.000000e+30 : f32
    %broadcast_in_dim3A = vector.broadcast %jit3A_35 : f32 to vector<1280x128xf32>
    %select_n3A_36 = arith.select %lt3A_34, %add3A_16, %broadcast_in_dim3A : vector<1280x128xi1>, vector<1280x128xf32>
    %reduce_max3A = arith.constant dense<0xFF800000> : vector<1280xf32>
    %reduce_max3A_37 = vector.multi_reduction <maximumf>, %select_n3A_36, %reduce_max3A [1] : vector<1280x128xf32> to vector<1280xf32>
    %broadcast_in_dim3A_38 = vector.shape_cast %reduce_max3A_37 : vector<1280xf32> to vector<1280x1xf32>
    %jit3A_39 = arith.constant 16 : i32
    %eq3A_40 = arith.constant 0 : i32
    %eq3A_41 = arith.cmpi eq, %jit3A_39, %eq3A_40 : i32
    %jit3A_42 = arith.constant 1 : i32
    %select_n3A_43 = arith.select %eq3A_41, %jit3A_42, %jit3A_39 : i32
    %rem3A_44 = vector.broadcast %select_n3A_43 : i32 to vector<1280x128xi32>
    %rem3A_45 = arith.remsi %iota3A, %rem3A_44 : vector<1280x128xi32>
    %ne3A_46 = arith.constant 0 : i32
    %ne3A_47 = vector.broadcast %ne3A_46 : i32 to vector<1280x128xi32>
    %ne3A_48 = arith.cmpi ne, %rem3A_45, %ne3A_47 : vector<1280x128xi32>
    %lt3A_49 = arith.constant 0 : i32
    %lt3A_50 = vector.broadcast %lt3A_49 : i32 to vector<1280x128xi32>
    %lt3A_51 = arith.cmpi slt, %rem3A_45, %lt3A_50 : vector<1280x128xi32>
    %lt3A_52 = arith.constant 0 : i32
    %lt3A_53 = arith.cmpi slt, %select_n3A_43, %lt3A_52 : i32
    %ne3A_54 = vector.broadcast %lt3A_53 : i1 to vector<1280x128xi1>
    %ne3A_55 = vector.broadcast %ne3A_54 : vector<1280x128xi1> to vector<1280x128xi1>
    %ne3A_56 = arith.xori %lt3A_51, %ne3A_55 : vector<1280x128xi1>
    %and3A_57 = arith.andi %ne3A_56, %ne3A_48 : vector<1280x128xi1>
    %add3A_58 = vector.broadcast %select_n3A_43 : i32 to vector<1280x128xi32>
    %add3A_59 = arith.addi %rem3A_45, %add3A_58 : vector<1280x128xi32>
    %select_n3A_60 = arith.select %and3A_57, %add3A_59, %rem3A_45 : vector<1280x128xi1>, vector<1280x128xi32>
    %lt3A_61 = arith.constant 10 : i32
    %lt3A_62 = vector.broadcast %lt3A_61 : i32 to vector<1280x128xi32>
    %lt3A_63 = arith.cmpi slt, %select_n3A_60, %lt3A_62 : vector<1280x128xi32>
    %sub3A = vector.broadcast %broadcast_in_dim3A_38 : vector<1280x1xf32> to vector<1280x128xf32>
    %sub3A_64 = arith.subf %add3A_16, %sub3A : vector<1280x128xf32>
    %exp3A = math.exp %sub3A_64 : vector<1280x128xf32>
    %jit3A_65 = arith.constant 0.000000e+00 : f32
    %broadcast_in_dim3A_66 = vector.broadcast %jit3A_65 : f32 to vector<1280x128xf32>
    %select_n3A_67 = arith.select %lt3A_63, %exp3A, %broadcast_in_dim3A_66 : vector<1280x128xi1>, vector<1280x128xf32>
    %iota3A_68 = tpu.iota {dimensions = array<i32: 0>} : vector<128x128xi32>
    %iota3A_69 = tpu.iota {dimensions = array<i32: 1>} : vector<128x128xi32>
    %jit3A_70 = arith.constant 16 : i32
    %div3A = vector.broadcast %jit3A_70 : i32 to vector<128x128xi32>
    %div3A_71 = arith.divsi %iota3A_68, %div3A : vector<128x128xi32>
    %sign3A = arith.constant 0 : i32
    %sign3A_72 = vector.broadcast %sign3A : i32 to vector<128x128xi32>
    %sign3A_73 = arith.cmpi sgt, %iota3A_68, %sign3A_72 : vector<128x128xi32>
    %sign3A_74 = arith.extui %sign3A_73 : vector<128x128xi1> to vector<128x128xi32>
    %sign3A_75 = arith.constant 0 : i32
    %sign3A_76 = vector.broadcast %sign3A_75 : i32 to vector<128x128xi32>
    %sign3A_77 = arith.cmpi slt, %iota3A_68, %sign3A_76 : vector<128x128xi32>
    %sign3A_78 = arith.extui %sign3A_77 : vector<128x128xi1> to vector<128x128xi32>
    %sign3A_79 = arith.subi %sign3A_74, %sign3A_78 : vector<128x128xi32>
    %sign3A_80 = arith.constant 0 : i32
    %sign3A_81 = arith.cmpi sgt, %jit3A_70, %sign3A_80 : i32
    %sign3A_82 = arith.extui %sign3A_81 : i1 to i32
    %sign3A_83 = arith.constant 0 : i32
    %sign3A_84 = arith.cmpi slt, %jit3A_70, %sign3A_83 : i32
    %sign3A_85 = arith.extui %sign3A_84 : i1 to i32
    %sign3A_86 = arith.subi %sign3A_82, %sign3A_85 : i32
    %ne3A_87 = vector.broadcast %sign3A_86 : i32 to vector<128x128xi32>
    %ne3A_88 = arith.cmpi ne, %sign3A_79, %ne3A_87 : vector<128x128xi32>
    %rem3A_89 = vector.broadcast %jit3A_70 : i32 to vector<128x128xi32>
    %rem3A_90 = arith.remsi %iota3A_68, %rem3A_89 : vector<128x128xi32>
    %ne3A_91 = arith.constant 0 : i32
    %ne3A_92 = vector.broadcast %ne3A_91 : i32 to vector<128x128xi32>
    %ne3A_93 = arith.cmpi ne, %rem3A_90, %ne3A_92 : vector<128x128xi32>
    %and3A_94 = arith.andi %ne3A_88, %ne3A_93 : vector<128x128xi1>
    %sub3A_95 = arith.constant 1 : i32
    %sub3A_96 = vector.broadcast %sub3A_95 : i32 to vector<128x128xi32>
    %sub3A_97 = arith.subi %div3A_71, %sub3A_96 : vector<128x128xi32>
    %select_n3A_98 = arith.select %and3A_94, %sub3A_97, %div3A_71 : vector<128x128xi1>, vector<128x128xi32>
    %jit3A_99 = arith.constant 16 : i32
    %div3A_100 = vector.broadcast %jit3A_99 : i32 to vector<128x128xi32>
    %div3A_101 = arith.divsi %iota3A_69, %div3A_100 : vector<128x128xi32>
    %sign3A_102 = arith.constant 0 : i32
    %sign3A_103 = vector.broadcast %sign3A_102 : i32 to vector<128x128xi32>
    %sign3A_104 = arith.cmpi sgt, %iota3A_69, %sign3A_103 : vector<128x128xi32>
    %sign3A_105 = arith.extui %sign3A_104 : vector<128x128xi1> to vector<128x128xi32>
    %sign3A_106 = arith.constant 0 : i32
    %sign3A_107 = vector.broadcast %sign3A_106 : i32 to vector<128x128xi32>
    %sign3A_108 = arith.cmpi slt, %iota3A_69, %sign3A_107 : vector<128x128xi32>
    %sign3A_109 = arith.extui %sign3A_108 : vector<128x128xi1> to vector<128x128xi32>
    %sign3A_110 = arith.subi %sign3A_105, %sign3A_109 : vector<128x128xi32>
    %sign3A_111 = arith.constant 0 : i32
    %sign3A_112 = arith.cmpi sgt, %jit3A_99, %sign3A_111 : i32
    %sign3A_113 = arith.extui %sign3A_112 : i1 to i32
    %sign3A_114 = arith.constant 0 : i32
    %sign3A_115 = arith.cmpi slt, %jit3A_99, %sign3A_114 : i32
    %sign3A_116 = arith.extui %sign3A_115 : i1 to i32
    %sign3A_117 = arith.subi %sign3A_113, %sign3A_116 : i32
    %ne3A_118 = vector.broadcast %sign3A_117 : i32 to vector<128x128xi32>
    %ne3A_119 = arith.cmpi ne, %sign3A_110, %ne3A_118 : vector<128x128xi32>
    %rem3A_120 = vector.broadcast %jit3A_99 : i32 to vector<128x128xi32>
    %rem3A_121 = arith.remsi %iota3A_69, %rem3A_120 : vector<128x128xi32>
    %ne3A_122 = arith.constant 0 : i32
    %ne3A_123 = vector.broadcast %ne3A_122 : i32 to vector<128x128xi32>
    %ne3A_124 = arith.cmpi ne, %rem3A_121, %ne3A_123 : vector<128x128xi32>
    %and3A_125 = arith.andi %ne3A_119, %ne3A_124 : vector<128x128xi1>
    %sub3A_126 = arith.constant 1 : i32
    %sub3A_127 = vector.broadcast %sub3A_126 : i32 to vector<128x128xi32>
    %sub3A_128 = arith.subi %div3A_101, %sub3A_127 : vector<128x128xi32>
    %select_n3A_129 = arith.select %and3A_125, %sub3A_128, %div3A_101 : vector<128x128xi1>, vector<128x128xi32>
    %eq3A_130 = arith.cmpi eq, %select_n3A_98, %select_n3A_129 : vector<128x128xi32>
    %convert_element_type3A = arith.extui %eq3A_130 : vector<128x128xi1> to vector<128x128xi32>
    %convert_element_type3A_131 = arith.sitofp %convert_element_type3A : vector<128x128xi32> to vector<128x128xf32>
    %dot_general3A = arith.constant dense<0.000000e+00> : vector<1280x128xf32>
    %dot_general3A_132 = tpu.matmul %select_n3A_67, %convert_element_type3A_131, %dot_general3A {dimension_numbers = #tpu.dot_dimension_numbers<[1], [0], [0], [1], [0, 0, 1, 1], [], []>, transpose_lhs_hint = false} : vector<1280x128xf32>, vector<128x128xf32>, vector<1280x128xf32> -> vector<1280x128xf32>
    %sub3A_133 = vector.broadcast %broadcast_in_dim3A_38 : vector<1280x1xf32> to vector<1280x128xf32>
    %sub3A_134 = arith.subf %add3A_16, %sub3A_133 : vector<1280x128xf32>
    %log3A = math.log %dot_general3A_132 : vector<1280x128xf32>
    %sub3A_135 = arith.subf %sub3A_134, %log3A : vector<1280x128xf32>
    %swap3A = arith.constant 0 : index
    %swap3A_136 = arith.constant 0 : index
    %swap3A_137 = vector.load %arg4[%swap3A, %swap3A_136] : memref<1280x128xf32, #tpu.memory_space<vmem>>, vector<1280x128xf32>
    tpu.vector_store %arg4[%swap3A, %swap3A_136], %sub3A_135 {strides = array<i32>} : memref<1280x128xf32, #tpu.memory_space<vmem>>, vector<1280x128xf32>,
    return
  }
}

</mosaic_0001>

<sc_bundles>
// kernel: kernel.12.cloned.1.call-start
scs
__scs_entry_jumppad:
0x0: {  	(pc) =	sbr.rel $0x88, $3  }
0x1: {  	(tag) =	ssettag $0x0;
	lr =	simm.s32 $0x1  }
0x2: {  	[smem:$0x3F9B] =	sst lr;
	_ =	strace $0xD0000000  }
0x3: {  	_ = 	snop  }
0x4: {  	_ = 	snop  }
0x5: {  	_ = 	snop  }
0x6: {  	_ = 	snop  }
0x7: {  	_ = 	snop  }
__scs_overlays_trampoline_lowered:
0x8: {  	[smem:$0x3FAA] =	sst s0  }
0x9: {  	[smem:$0x3FAB] =	sst s1  }
0xa: {  	[smem:$0x3FAC] =	sst s2  }
0xb: {  	[smem:$0x3FAD] =	sst s3  }
0xc: {  	[smem:$0x3FAE] =	sst s4  }
0xd: {  	[smem:$0x3FAF] =	sst s5  }
0xe: {  	[smem:$0x3FB0] =	sst s6  }
0xf: {  	[smem:$0x3FB1] =	sst s7  }
0x10: {  	[smem:$0x3FB2] =	sst s8  }
0x11: {  	[smem:$0x3FB3] =	sst s9;
	s0 =	simm.s32 @!p0 $0x0  }
0x12: {  	s1 =	sld [smem:$0x3F99];
	s0 =	simm.s32 @p0 $0x1  }
0x13: {  	[smem:$0x3FB4] =	sst s0;
	s0 =	simm.s32 @!p1 $0x0  }
0x14: {  	s2 =	sld [smem:$0x3F98];
	s0 =	simm.s32 @p1 $0x1  }
0x15: {  	[smem:$0x3FB5] =	sst s0;
	s0 =	simm.s32 @!p2 $0x0  }
0x16: {  	s3 =	sld [smem:$0x3FDB];
	s0 =	simm.s32 @p2 $0x1  }
0x17: {  	s4 =	simm.s32 $0x1BF5;
	[smem:$0x3FB7] =	sst s0  }
0x18: {  	s0 =	sld [smem:$0x3F9A];
	_ =	swait.ge [sflag:s4], $0x0  }
0x19: {  	s7 =	sld [smem:$0x3F9B]  }
0x1a: {  	s8 =	sadd.s32 $0xFFFFE003, lr  }
0x1b: {  	s9 =	sadd.s32 $0xFFFFFEF7, lr;
	s5 =	simm.s32 $0xFFFFFFFF;
	p2 =	slt.u32 s8, $0xFFFFF086  }
0x1c: {  	p1 =	slt.u32 s9, $0xF7A;
	s5 =	simm.s32 @!p2 $0x0  }
0x1d: {  	s5 =	simm.s32 @p1 $0x1;
	p0 =	seq.s32 s7, s2  }
0x1e: {  	s7 =	smul.u32 @!p0 $0xF7A, s2;
	p2 =	seq.s32 @!p0 s5, $0x0  }
0x1f: {  	s9 =	smul.u32 $0xF7A, s1;
	s8 =	simm.s32 @!p0 $0x1BF5;
	p2 =	por !p2, p0  }
0x20: {  	[sflag:s8] =	ssyncset.s32 @!p0 $0xFFFFF086;
	s6 =	sadd.s32 @!p0 s3, s7;
	s7 =	simm.s32 @!p0 $0x108  }
0x21: {  	s3 =	sadd.s32 s3, s9;
	s6 =	sadd.s32 @!p0 $0x88, s6;
	s7 =	simm.s32 @p2 $0x1082  }
0x22: {  	[simem:s7], [sflag:s8] =	dma.local @!p0 [hbm:s6], $0xF7A  }
0x23: {  	s9 =	sor.u32 $0xD0000000, s2;
	s6 =	simm.s32 $0x108;
	_ =	swait.ge @!p0 [sflag:s8], $0x0  }
0x24: {  	s3 =	sadd.s32 $0x88, s3;
	s6 =	simm.s32 @!p1 $0x1082;
	[sflag:s4] =	ssyncset.s32 $0xFFFFF086  }
0x25: {  	[simem:s6], [sflag:s4] =	dma.local [hbm:s3], $0xF7A  }
0x26: {  	[smem:$0x3F9B] =	sst s1;
	(tag) =	ssettag s2;
	_ =	strace s9  }
0x27: {  	s1 =	sld [smem:$0x3FAB]  }
0x28: {  	s2 =	sld [smem:$0x3FAC]  }
0x29: {  	s4 =	sld [smem:$0x3FAE]  }
0x2a: {  	p0 =	seq.s32 s5, $0x0;
	s5 =	sld [smem:$0x3FAF]  }
0x2b: {  	s6 =	sld [smem:$0x3FB0]  }
0x2c: {  	s7 =	sld [smem:$0x3FB1]  }
0x2d: {  	s3 =	simm.s32 $0x108;
	s8 =	sld [smem:$0x3FB2]  }
0x2e: {  	s3 =	simm.s32 @!p0 $0x1082;
	s9 =	sld [smem:$0x3FB3]  }
0x2f: {  	lr =	sadd.s32 s0, s3;
	s0 =	sld [smem:$0x3FAA]  }
0x30: {  	s3 =	sld [smem:$0x3FAD]  }
0x31: {  	[smem:$0x3FB6] =	sst s10  }
0x32: {  	s10 =	sld [smem:$0x3FB4];
	_ =	sdelay $0x3  }
0x33: {  	p0 =	seq.s32 s10, $0x1;
	s10 =	sld [smem:$0x3FB6];
	_ =	sdelay $0x3  }
0x34: {  	[smem:$0x3FB6] =	sst s10  }
0x35: {  	s10 =	sld [smem:$0x3FB5];
	_ =	sdelay $0x3  }
0x36: {  	p1 =	seq.s32 s10, $0x1;
	s10 =	sld [smem:$0x3FB6];
	_ =	sdelay $0x3  }
0x37: {  	[smem:$0x3FB6] =	sst s10  }
0x38: {  	s10 =	sld [smem:$0x3FB7]  }
0x39: {  	_ = 	snop;
	(pc) =	sbr.ind lr, $3  }
0x3a: {  	_ = 	snop  }
0x3b: {  	_ = 	snop  }
0x3c: {  	p2 =	seq.s32 s10, $0x1;
	s10 =	sld [smem:$0x3FB6]  }
0x3d: {  	_ =	shalt  }
0x3e: {  	_ =	shalt  }
0x3f: {  	_ =	shalt  }
0x40: {  	_ =	shalt  }
0x41: {  	_ =	shalt  }
0x42: {  	_ =	shalt  }
0x43: {  	_ =	shalt  }
0x44: {  	_ =	shalt  }
0x45: {  	_ =	shalt  }
0x46: {  	_ =	shalt  }
0x47: {  	_ =	shalt  }
0x48: {  	_ =	shalt  }
0x49: {  	_ =	shalt  }
0x4a: {  	_ =	shalt  }
0x4b: {  	_ =	shalt  }
0x4c: {  	_ =	shalt  }
0x4d: {  	_ =	shalt  }
0x4e: {  	_ =	shalt  }
0x4f: {  	_ =	shalt  }
0x50: {  	_ =	shalt  }
0x51: {  	_ =	shalt  }
0x52: {  	_ =	shalt  }
0x53: {  	_ =	shalt  }
0x54: {  	_ =	shalt  }
0x55: {  	_ =	shalt  }
0x56: {  	_ =	shalt  }
0x57: {  	_ =	shalt  }
0x58: {  	_ =	shalt  }
0x59: {  	_ =	shalt  }
0x5a: {  	_ =	shalt  }
0x5b: {  	_ =	shalt  }
0x5c: {  	_ =	shalt  }
0x5d: {  	_ =	shalt  }
0x5e: {  	_ =	shalt  }
0x5f: {  	_ =	shalt  }
0x60: {  	_ =	shalt  }
0x61: {  	_ =	shalt  }
0x62: {  	_ =	shalt  }
0x63: {  	_ =	shalt  }
0x64: {  	_ =	shalt  }
0x65: {  	_ =	shalt  }
0x66: {  	_ =	shalt  }
0x67: {  	_ =	shalt  }
0x68: {  	_ =	shalt  }
0x69: {  	_ =	shalt  }
0x6a: {  	_ =	shalt  }
0x6b: {  	_ =	shalt  }
0x6c: {  	_ =	shalt  }
0x6d: {  	_ =	shalt  }
0x6e: {  	_ =	shalt  }
0x6f: {  	_ =	shalt  }
0x70: {  	_ =	shalt  }
0x71: {  	_ =	shalt  }
0x72: {  	_ =	shalt  }
0x73: {  	_ =	shalt  }
0x74: {  	_ =	shalt  }
0x75: {  	_ =	shalt  }
0x76: {  	_ =	shalt  }
0x77: {  	_ =	shalt  }
0x78: {  	_ =	shalt  }
0x79: {  	_ =	shalt  }
0x7a: {  	_ =	shalt  }
0x7b: {  	_ =	shalt  }
0x7c: {  	_ =	shalt  }
0x7d: {  	_ =	shalt  }
0x7e: {  	_ =	shalt  }
0x7f: {  	_ =	shalt  }
0x80: {  	_ =	shalt  }
0x81: {  	_ =	shalt  }
0x82: {  	_ =	shalt  }
0x83: {  	_ =	shalt  }
0x84: {  	_ =	shalt  }
0x85: {  	_ =	shalt  }
0x86: {  	_ =	shalt  }
0x87: {  	_ =	shalt  }
.Lfunc_end0:
.L_simem_size_0:
called_computation.1_lowered:
.L_overlay_start_0:
0x88: {  	s2 =	sld [smem:$0x3FD9]  }
0x89: {  	s3 =	sld [smem:$0x3FFE];
	_ =	sdelay $0x1  }
0x8a: {  	s1 =	srdreg.scid  }
0x8b: {  	s0 =	sand.u32 $0x1, s1  }
0x8c: {  	s16 =	sshll.u32 s0, $0xA;
	s2 =	sadd.s32 s3, s2  }
0x8d: {  	s2 =	sadd.s32 s2, s16  }
0x8e: {  	[smem:$0x3FC2] =	sst s2  }
0x8f: {  	_ = 	snop  }
0x90: {  	(tm) =	ssettm $0x1  }
0x91: {  	s17 =	sld [smem:$0x3FFB];
	_ =	sdelay $0x3  }
0x92: {  	_ =	strace s17  }
0x93: {  	s2 =	sld [smem:$0x3FFC];
	_ =	sdelay $0x3  }
0x94: {  	_ =	strace s2  }
0x95: {  	s2 =	sld [smem:$0x3FFD];
	_ =	sdelay $0x3  }
0x96: {  	_ =	strace s2  }
0x97: {  	_ =	strace $0x8FFFFFFF  }
0x98: {  	s18 =	sld [smem:$0x3FDB];
	_ =	sdelay $0x1  }
0x99: {  	s19 =	simm.s32 $_scs_section_size  }
0x9a: {  	s4 =	simm.s32 $_size__tile_overlayer_lowered;
	s5 =	simm.s32 $_tile_overlayer_lowered  }
0x9b: {  	s22 =	simm.s32 $0x1BFF;
	s21 =	sshll.u32 s5, $0x1;
	s2 =	sadd.s32 s19, s18  }
0x9c: {  	s6 =	simm.s32 $0x0;
	s20 =	sshll.u32 s4, $0x1;
	s4 =	sadd.s32 s21, s2  }
0x9d: {  	[timem:s6], [sflag:s22] =	dma.local [hbm:s4], s20  }
0x9e: {  	_ =	swait.ge [sflag:s22], s20  }
0x9f: {  	s3 =	ssub.s32 $0x0, s20;
	[sflag:s22] =	ssyncset.done $0x0  }
0xa0: {  	[sflag:s22] =	ssyncadd.s32 s3;
	_ =	sdelay $0x1  }
0xa1: {  	s23 =	simm.s32 $0x1B8B  }
0xa2: {  	_ =	swait.ge [sflag:s23], $0x1  }
0xa3: {  	[sflag:s23] =	ssyncset.done $0x0  }
0xa4: {  	s25 =	simm.s32 $0x1B8E;
	s24 =	sld [smem:$0x3FFE];
	[sflag:s23] =	ssyncadd.s32 $0xFFFFFFFF  }
0xa5: {  	s26 =	simm.s32 $execute0_lowered;
	[smem:$0x3FD2] =	sst s25  }
0xa6: {  	s4 =	sshll.u32 s26, $0x1;
	_ =	strace $0x80000049;
	[dreg:$0x1] =	wrdreg $0xFFFFFFFF  }
0xa7: {  	s28 =	simm.s32 $_size_execute0_lowered;
	s2 =	sadd.s32 s2, s4;
	[dreg:$0x0] =	wrdreg $0x0  }
0xa8: {  	s4 =	sshll.u32 s28, $0x1;
	[dreg:$0x2] =	wrdreg s2  }
0xa9: {  	[dreg:$0x3] =	wrdreg s4  }
0xaa: {  	[dreg:$0x4] =	wrdreg $0xC0  }
0xab: {  	_ =	task [dreg:s6], $0x5FFFF  }
0xac: {  	[dreg:$0x1] =	wrdreg $0xFFFFFFFF  }
0xad: {  	[dreg:$0x0] =	wrdreg $0x60  }
0xae: {  	[dreg:$0x2] =	wrdreg s24  }
0xaf: {  	[dreg:$0x3] =	wrdreg $0xC8000  }
0xb0: {  	[dreg:$0x4] =	wrdreg $0x9  }
0xb1: {  	_ =	task.clear_ibuf [dreg:s6], $0x5FFFF;
	_ =	strace $0x90000049  }
0xb2: {  	s29 =	simm.s32 $0x9;
	_ =	strace $0x8000004B  }
0xb3: {  	_ =	swait.ge [sflag:s29], $0x1  }
0xb4: {  	[sflag:s29] =	ssyncadd.s32 $0xFFFFFFFF  }
0xb5: {  	_ =	strace $0x9000004B  }
0xb6: {  	_ =	sfence  }
0xb7: {  	s30 =	sld [smem:$0x0];
	_ =	sdelay $0x2  }
0xb8: {  	s31 =	sshll.u32 s1, $0xD;
	s1 =	sshrl.u32 s1, $0x2  }
0xb9: {  	s3 =	sand.u32 $0x4000, s31;
	s1 =	sadd.s32 s1, s30  }
0xba: {  	s0 =	sor.u32 s3, s0;
	s1 =	sshll.u32 s1, $0x11  }
0xbb: {  	s0 =	sor.u32 s1, s0  }
0xbc: {  	s0 =	sadd.s32 $0x8F2B, s0  }
0xbd: {  	[sflag:s0] =	ssyncadd.remote.s32 $0x1  }
0xbe: {  	_ =	sfence.sel $0xFFFF  }
0xbf: {  	[dreg:$0x0] =	wrdreg $0xFFFFFFFF;
	(pc) =	sbr.abs _section_cstart, $3  }
0xc0: {  	[dreg:$0x1] =	wrdreg $0xFFFFFFFF  }
0xc1: {  	_ =	task.clear_ibuf [dreg:s6], $0x2FFFF;
	_ =	strace $0x9FFFFFFF  }
0xc2: {  	(tm) =	ssettm $0x7FFFFFFF  }
0xc3: {  	_ =	shalt  }
tec
execute0_lowered:
.L_overlay_start_1:
0x0: {  	(tag) =	ssettag $0x1  }
0x1: {  	s0 =	rddreg [dreg:$0x0]  }
0x2: {  	s1 =	rddreg [dreg:$0x1]  }
0x3: {  	s2 =	srdreg.scid;
	s8 =	simm.s32 $0x0;
	s7 =	stileid.u32  }
0x4: {  	s10 =	simm.s32 $0x16;
	s13 =	simm.s32 $0x80;
	s12 =	simm.s32 $0x5000  }
0x5: {  	s14 =	simm.s32 $0x5800;
	s15 =	simm.s32 $0x6000;
	s17 =	simm.s32 $0x6800  }
0x6: {  	s25 =	simm.s32 $0x8000;
	s26 =	simm.s32 $0x9000;
	s28 =	simm.s32 $0x3  }
0x7: {  	s29 =	simm.s32 $0x4;
	s30 =	simm.s32 $0x9800;
	s31 =	simm.s32 $0x5  }
0x8: {  	s9 =	simm.s32 $0xB;
	s2 =	sand.u32 $0x1, s2;
	[smem:$0x7FF] =	sst s8  }
0x9: {  	s4 =	sadd.s32 $0x16E00, s0;
	s3 =	sshll.u32 s2, $0x4;
	_ =	strace $0x8000004A  }
0xa: {  	s5 =	smul.u32 $0x5000, s2;
	s2 =	ssub.s32 $0x2, s2;
	[dreg:$0x3] =	wrdreg s25  }
0xb: {  	[dreg:$0x4] =	wrdreg s26;
	s3 =	sor.u32 s7, s3;
	s7 =	smul.u32 $0x2800, s7  }
0xc: {  	s25 =	simm.s32 $0x2;
	s26 =	simm.s32 $0x8800;
	s6 =	sshrl.u32 s2, $0x1  }
0xd: {  	s3 =	smul.u32 $0x500, s3;
	s2 =	ssub.s32 s2, s6;
	s6 =	sadd.s32 s7, s1  }
0xe: {  	s24 =	sshrl.u32 s7, $0x3;
	s2 =	smax.u32 s2, $0x1;
	s7 =	simm.s32 $0xA000  }
0xf: {  	s3 =	sadd.s32 s3, s0;
	s0 =	sadd.s32 s5, s0;
	[dreg:$0x8] =	wrdreg s2  }
0x10: {  	s2 =	simm.s32 $0x9;
	[dreg:$0x7] =	wrdreg s6;
	s23 =	sadd.s32 $0x2E00, s3  }
0x11: {  	s3 =	sadd.s32 $0xCE00, s3;
	s0 =	sadd.s32 $0x1BE00, s0;
	[dreg:$0x5] =	wrdreg s23  }
0x12: {  	s5 =	simm.s32 $0x0;
	[dreg:$0x6] =	wrdreg s3;
	s0 =	sadd.s32 s24, s0  }
0x13: {  	v0 =	vimm.f32 $0.0e+00;
	s23 =	simm.s32 $0x7800;
	[dreg:$0x9] =	wrdreg s0;
	s0 =	simm.s32 $0x7  }
.LBB2_1:
0x14: {  	[dreg:$0xa] =	wrdreg s5  }
0x15: {  	s3 =	rddreg [dreg:$0x5]  }
0x16: {  	s22 =	rddreg [dreg:$0x6]  }
0x17: {  	[tilespmem:s8], [sflag:$0x1] =	stream.linear.gather [hbm4b:s3+s8], $0x2800, $0x38;
	[tilespmem:$0xF000] =	vst v63  }
0x18: {  	s24 =	simm.s32 $0x2800;
	s5 =	simm.s32 $0x0;
	s3 =	simm.s32 $0x40  }
0x19: {  	[tilespmem:s24], [sflag:$0x1] =	stream.linear.gather [hbm4b:s22+s8], $0x2800, $0x38;
	[tilespmem:$0xF000] =	vst v63  }
.LBB2_2:
0x1a: {  	p0 =	sne.s32 s3, $0x9FC0;
	[tilespmem:s5+$0xA000] =	vst v0;
	s5 =	smov.u32 s3;
	s3 =	sadd.s32 $0x40, s3  }
.Ltmp0:
0x1b: {  	(pc) =	sbr.rel @p0 .LBB2_2-.Ltmp0, $2  }
0x1c: {  	_ =	sdelay $0x2  }
0x1d: {  	s5 =	sshra.s32 s5, $0x2  }
0x1e: {  	[tilespmem:s5+$0xA000] =	vst v0  }
0x1f: {  	[spmem:s6] =	stream.linear.scatter [tilespmem:s7], [sflag:$0x16], $0x2800, $0x38;
	[tilespmem:$0xF000] =	vst v63  }
0x20: {  	_ =	swait.ge [sflag:s10], $0x2800  }
0x21: {  	[sflag:s10] =	ssyncset.done $0x0  }
0x22: {  	s3 =	simm.s32 $0x1;
	[sflag:s10] =	ssyncadd.s32 $0xFFFFD800  }
0x23: {  	_ =	swait.ge [sflag:s3], $0x2800  }
0x24: {  	[sflag:s3] =	ssyncset.done $0x0  }
0x25: {  	[sflag:s3] =	ssyncadd.s32 $0xFFFFD800  }
0x26: {  	_ =	swait.ge [sflag:s3], $0x2800  }
0x27: {  	[sflag:s3] =	ssyncset.done $0x0  }
0x28: {  	[sflag:s3] =	ssyncadd.s32 $0xFFFFD800  }
0x29: {  	s19 =	simm.s32 $0x0;
	[bflag:$0x0] =	sbarrier.arrive $0xFFFF  }
0x2a: {  	[tilespmem:s12], [sflag:$0x2] =	stream.indirect.gather [hbm4b:s4+s13], $0x10, s19, s13, $0xb8;
	[tilespmem:$0xF000] =	vst v63  }
0x2b: {  	_ = 	snop  }
0x2c: {  	[tilespmem:s14], [sflag:$0x3] =	stream.indirect.gather [hbm4b:s4+s13], $0x10, s13, s13, $0xb8;
	[tilespmem:$0xF000] =	vst v63  }
0x2d: {  	s20 =	simm.s32 $0x100  }
0x2e: {  	[tilespmem:s15], [sflag:$0x4] =	stream.indirect.gather [hbm4b:s4+s13], $0x10, s20, s13, $0xb8;
	[tilespmem:$0xF000] =	vst v63  }
0x2f: {  	s21 =	simm.s32 $0x180  }
0x30: {  	[tilespmem:s17], [sflag:$0x5] =	stream.indirect.gather [hbm4b:s4+s13], $0x10, s21, s13, $0xb8;
	[tilespmem:$0xF000] =	vst v63  }
0x31: {  	s22 =	simm.s32 $0x200;
	s24 =	simm.s32 $0x7000;
	p0 =	por $0x1, $0x1  }
0x32: {  	[tilespmem:s24], [sflag:$0x6] =	stream.indirect.gather [hbm4b:s4+s13], $0x10, s22, s13, $0xb8;
	[tilespmem:$0xF000] =	vst v63  }
0x33: {  	s5 =	simm.s32 $0x280;
	s3 =	simm.s32 @!p0 $0x12  }
0x34: {  	[tilespmem:s23], [sflag:$0x7] =	stream.indirect.gather [hbm4b:s4+s13], $0x10, s5, s13, $0xb8;
	[tilespmem:$0xF000] =	vst v63  }
0x35: {  	_ =	swait.ge @!p0 [sflag:s3], $0x800  }
0x36: {  	[sflag:s3] =	ssyncset.done @!p0 $0x0  }
0x37: {  	s7 =	simm.s32 $0x300;
	s6 =	rddreg [dreg:$0x3];
	[sflag:s3] =	ssyncadd.s32 @!p0 $0xFFFFF800  }
0x38: {  	[tilespmem:s6], [sflag:$0x8] =	stream.indirect.gather [hbm4b:s4+s13], $0x10, s7, s13, $0xb8;
	[tilespmem:$0xF000] =	vst v63  }
0x39: {  	_ =	swait.ge [sflag:s25], $0x800  }
0x3a: {  	[sflag:s25] =	ssyncset.done $0x0  }
0x3b: {  	s8 =	simm.s32 $0x2800;
	s5 =	simm.s32 @!p0 $0x13;
	[sflag:s25] =	ssyncadd.s32 $0xFFFFF800  }
0x3c: {  	[spmem:s1] =	stream.indirect.scatter.add.f32 [tilespmem:s12], [sflag:$0xC], $0x10, s8, s13, $0xb8;
	[tilespmem:$0xF000] =	vst v63  }
0x3d: {  	_ =	swait.ge @!p0 [sflag:s5], $0x800  }
0x3e: {  	[sflag:s5] =	ssyncset.done @!p0 $0x0  }
0x3f: {  	s10 =	simm.s32 $0x380;
	[sflag:s5] =	ssyncadd.s32 @!p0 $0xFFFFF800  }
0x40: {  	[tilespmem:s26], [sflag:$0x9] =	stream.indirect.gather [hbm4b:s4+s13], $0x10, s10, s13, $0xb8;
	[tilespmem:$0xF000] =	vst v63  }
0x41: {  	_ =	swait.ge [sflag:s28], $0x800  }
0x42: {  	[sflag:s28] =	ssyncset.done $0x0  }
0x43: {  	s11 =	simm.s32 $0x2880;
	s5 =	simm.s32 @!p0 $0x14;
	[sflag:s28] =	ssyncadd.s32 $0xFFFFF800  }
0x44: {  	[spmem:s1] =	stream.indirect.scatter.add.f32 [tilespmem:s14], [sflag:$0xD], $0x10, s11, s13, $0xb8;
	[tilespmem:$0xF000] =	vst v63  }
0x45: {  	_ =	swait.ge @!p0 [sflag:s5], $0x800  }
0x46: {  	[sflag:s5] =	ssyncset.done @!p0 $0x0  }
0x47: {  	s18 =	simm.s32 $0x400;
	s16 =	rddreg [dreg:$0x4];
	[sflag:s5] =	ssyncadd.s32 @!p0 $0xFFFFF800  }
0x48: {  	[tilespmem:s16], [sflag:$0xA] =	stream.indirect.gather [hbm4b:s4+s13], $0x10, s18, s13, $0xb8;
	[tilespmem:$0xF000] =	vst v63  }
0x49: {  	_ =	swait.ge [sflag:s29], $0x800  }
0x4a: {  	[sflag:s29] =	ssyncset.done $0x0  }
0x4b: {  	s19 =	simm.s32 $0x2900;
	s5 =	simm.s32 @!p0 $0x15;
	[sflag:s29] =	ssyncadd.s32 $0xFFFFF800  }
0x4c: {  	[spmem:s1] =	stream.indirect.scatter.add.f32 [tilespmem:s15], [sflag:$0xE], $0x10, s19, s13, $0xb8;
	[tilespmem:$0xF000] =	vst v63  }
0x4d: {  	_ =	swait.ge @!p0 [sflag:s5], $0x800  }
0x4e: {  	[sflag:s5] =	ssyncset.done @!p0 $0x0  }
0x4f: {  	s20 =	simm.s32 $0x480;
	[sflag:s5] =	ssyncadd.s32 @!p0 $0xFFFFF800  }
0x50: {  	[tilespmem:s30], [sflag:$0xB] =	stream.indirect.gather [hbm4b:s4+s13], $0x10, s20, s13, $0xb8;
	[tilespmem:$0xF000] =	vst v63  }
0x51: {  	_ =	swait.ge [sflag:s31], $0x800  }
0x52: {  	p0 =	por $0x0, $0x0;
	[sflag:s31] =	ssyncset.done $0x0  }
0x53: {  	s21 =	simm.s32 $0x2980;
	s6 =	simm.s32 @p0 $0x6;
	[sflag:s31] =	ssyncadd.s32 $0xFFFFF800  }
0x54: {  	[spmem:s1] =	stream.indirect.scatter.add.f32 [tilespmem:s17], [sflag:$0xF], $0x10, s21, s13, $0xb8;
	[tilespmem:$0xF000] =	vst v63  }
0x55: {  	_ =	swait.ge @p0 [sflag:s6], $0x800  }
0x56: {  	s3 =	simm.s32 @p0 $0x2A00;
	s5 =	simm.s32 @p0 $0x80;
	[sflag:s6] =	ssyncset.done @p0 $0x0  }
0x57: {  	s7 =	simm.s32 @p0 $0x7000;
	[sflag:s6] =	ssyncadd.s32 @p0 $0xFFFFF800;
	s6 =	simm.s32 @!p0 $0xC  }
0x58: {  	[spmem:s1] =	stream.indirect.scatter.add.f32 @p0 [tilespmem:s7], [sflag:$0x10], $0x10, s3, s5, $0xb8;
	[tilespmem:$0xF000] =	vst v63  }
0x59: {  	_ =	swait.ge @!p0 [sflag:s6], $0x800  }
0x5a: {  	s8 =	simm.s32 @!p0 $0x5000;
	s7 =	simm.s32 @!p0 $0x500;
	[sflag:s6] =	ssyncset.done @!p0 $0x0  }
0x5b: {  	s3 =	simm.s32 @!p0 $0x80;
	[sflag:s6] =	ssyncadd.s32 @!p0 $0xFFFFF800;
	s6 =	simm.s32 @!p0 $0x6  }
0x5c: {  	[tilespmem:s8], [sflag:$0x2] =	stream.indirect.gather @!p0 [hbm4b:s4+s3], $0x10, s7, s3, $0xb8;
	[tilespmem:$0xF000] =	vst v63  }
0x5d: {  	_ =	swait.ge @!p0 [sflag:s6], $0x800  }
0x5e: {  	s7 =	simm.s32 @!p0 $0x2A00;
	[sflag:s6] =	ssyncset.done @!p0 $0x0  }
0x5f: {  	s8 =	simm.s32 @!p0 $0x7000;
	[sflag:s6] =	ssyncadd.s32 @!p0 $0xFFFFF800;
	s6 =	simm.s32 @!p0 $0xD  }
0x60: {  	[spmem:s1] =	stream.indirect.scatter.add.f32 @!p0 [tilespmem:s8], [sflag:$0x10], $0x10, s7, s3, $0xb8;
	[tilespmem:$0xF000] =	vst v63  }
0x61: {  	_ =	swait.ge @!p0 [sflag:s6], $0x800  }
0x62: {  	[sflag:s6] =	ssyncset.done @!p0 $0x0  }
0x63: {  	s7 =	simm.s32 @!p0 $0x580;
	[sflag:s6] =	ssyncadd.s32 @!p0 $0xFFFFF800;
	s6 =	simm.s32 @!p0 $0x5800  }
0x64: {  	[tilespmem:s6], [sflag:$0x3] =	stream.indirect.gather @!p0 [hbm4b:s4+s3], $0x10, s7, s3, $0xb8;
	[tilespmem:$0xF000] =	vst v63  }
0x65: {  	_ =	swait.ge [sflag:s0], $0x800  }
0x66: {  	[sflag:s0] =	ssyncset.done $0x0  }
0x67: {  	s22 =	simm.s32 $0x2A80;
	s7 =	simm.s32 @p0 $0x8;
	[sflag:s0] =	ssyncadd.s32 $0xFFFFF800  }
0x68: {  	[spmem:s1] =	stream.indirect.scatter.add.f32 [tilespmem:s23], [sflag:$0x11], $0x10, s22, s13, $0xb8;
	[tilespmem:$0xF000] =	vst v63  }
0x69: {  	_ =	swait.ge @p0 [sflag:s7], $0x800  }
0x6a: {  	[sflag:s7] =	ssyncset.done @p0 $0x0  }
0x6b: {  	s6 =	simm.s32 @p0 $0x2B00;
	[sflag:s7] =	ssyncadd.s32 @p0 $0xFFFFF800;
	s7 =	simm.s32 @p0 $0x8000  }
0x6c: {  	[spmem:s1] =	stream.indirect.scatter.add.f32 @p0 [tilespmem:s7], [sflag:$0x12], $0x10, s6, s5, $0xb8;
	[tilespmem:$0xF000] =	vst v63  }
0x6d: {  	s6 =	simm.s32 @!p0 $0xE  }
0x6e: {  	_ =	swait.ge @!p0 [sflag:s6], $0x800  }
0x6f: {  	[sflag:s6] =	ssyncset.done @!p0 $0x0  }
0x70: {  	s7 =	simm.s32 @!p0 $0x600;
	[sflag:s6] =	ssyncadd.s32 @!p0 $0xFFFFF800;
	s6 =	simm.s32 @!p0 $0x6000  }
0x71: {  	[tilespmem:s6], [sflag:$0x4] =	stream.indirect.gather @!p0 [hbm4b:s4+s3], $0x10, s7, s3, $0xb8;
	[tilespmem:$0xF000] =	vst v63  }
0x72: {  	s6 =	simm.s32 @!p0 $0x8  }
0x73: {  	_ =	swait.ge @!p0 [sflag:s6], $0x800  }
0x74: {  	[sflag:s6] =	ssyncset.done @!p0 $0x0  }
0x75: {  	s7 =	simm.s32 @!p0 $0x2B00;
	[sflag:s6] =	ssyncadd.s32 @!p0 $0xFFFFF800;
	s6 =	simm.s32 @!p0 $0x8000  }
0x76: {  	[spmem:s1] =	stream.indirect.scatter.add.f32 @!p0 [tilespmem:s6], [sflag:$0x12], $0x10, s7, s3, $0xb8;
	[tilespmem:$0xF000] =	vst v63  }
0x77: {  	s6 =	simm.s32 @!p0 $0xF  }
0x78: {  	_ =	swait.ge @!p0 [sflag:s6], $0x800  }
0x79: {  	[sflag:s6] =	ssyncset.done @!p0 $0x0  }
0x7a: {  	s7 =	simm.s32 @!p0 $0x680;
	[sflag:s6] =	ssyncadd.s32 @!p0 $0xFFFFF800;
	s6 =	simm.s32 @!p0 $0x6800  }
0x7b: {  	[tilespmem:s6], [sflag:$0x5] =	stream.indirect.gather @!p0 [hbm4b:s4+s3], $0x10, s7, s3, $0xb8;
	[tilespmem:$0xF000] =	vst v63  }
0x7c: {  	_ =	swait.ge [sflag:s2], $0x800  }
0x7d: {  	[sflag:s2] =	ssyncset.done $0x0  }
0x7e: {  	s24 =	simm.s32 $0x2B80;
	s7 =	simm.s32 @p0 $0xA;
	[sflag:s2] =	ssyncadd.s32 $0xFFFFF800  }
0x7f: {  	[spmem:s1] =	stream.indirect.scatter.add.f32 [tilespmem:s26], [sflag:$0x13], $0x10, s24, s13, $0xb8;
	[tilespmem:$0xF000] =	vst v63  }
0x80: {  	_ =	swait.ge @p0 [sflag:s7], $0x800  }
0x81: {  	[sflag:s7] =	ssyncset.done @p0 $0x0  }
0x82: {  	s6 =	simm.s32 @p0 $0x2C00;
	[sflag:s7] =	ssyncadd.s32 @p0 $0xFFFFF800;
	s7 =	simm.s32 @p0 $0x9000  }
0x83: {  	[spmem:s1] =	stream.indirect.scatter.add.f32 @p0 [tilespmem:s7], [sflag:$0x14], $0x10, s6, s5, $0xb8;
	[tilespmem:$0xF000] =	vst v63  }
0x84: {  	s5 =	simm.s32 @!p0 $0x10  }
0x85: {  	_ =	swait.ge @!p0 [sflag:s5], $0x800  }
0x86: {  	[sflag:s5] =	ssyncset.done @!p0 $0x0  }
0x87: {  	[sflag:s5] =	ssyncadd.s32 @!p0 $0xFFFFF800;
	s5 =	simm.s32 @!p0 $0x700  }
0x88: {  	[tilespmem:s8], [sflag:$0x6] =	stream.indirect.gather @!p0 [hbm4b:s4+s3], $0x10, s5, s3, $0xb8;
	[tilespmem:$0xF000] =	vst v63  }
0x89: {  	s5 =	simm.s32 @!p0 $0xA  }
0x8a: {  	_ =	swait.ge @!p0 [sflag:s5], $0x800  }
0x8b: {  	[sflag:s5] =	ssyncset.done @!p0 $0x0  }
0x8c: {  	s6 =	simm.s32 @!p0 $0x2C00;
	[sflag:s5] =	ssyncadd.s32 @!p0 $0xFFFFF800;
	s5 =	simm.s32 @!p0 $0x9000  }
0x8d: {  	[spmem:s1] =	stream.indirect.scatter.add.f32 @!p0 [tilespmem:s5], [sflag:$0x14], $0x10, s6, s3, $0xb8;
	[tilespmem:$0xF000] =	vst v63  }
0x8e: {  	s5 =	simm.s32 @!p0 $0x11  }
0x8f: {  	_ =	swait.ge @!p0 [sflag:s5], $0x800  }
0x90: {  	p1 =	por $0x0, $0x0;
	s16 =	simm.s32 $0x1400;
	[sflag:s5] =	ssyncset.done @!p0 $0x0  }
0x91: {  	s6 =	simm.s32 @!p0 $0x780;
	[sflag:s5] =	ssyncadd.s32 @!p0 $0xFFFFF800;
	s5 =	simm.s32 @!p0 $0x7800  }
0x92: {  	[tilespmem:s5], [sflag:$0x7] =	stream.indirect.gather @!p0 [hbm4b:s4+s3], $0x10, s6, s3, $0xb8;
	[tilespmem:$0xF000] =	vst v63  }
0x93: {  	s18 =	simm.s32 $0x2800;
	s3 =	simm.s32 $0x2C80;
	_ =	swait.ge [sflag:s9], $0x800  }
.LBB2_4:
0x94: {  	[sflag:s9] =	ssyncset.done $0x0  }
0x95: {  	s5 =	simm.s32 @!p1 $0x12;
	[sflag:s9] =	ssyncadd.s32 $0xFFFFF800  }
0x96: {  	[spmem:s1] =	stream.indirect.scatter.add.f32 [tilespmem:s30], [sflag:$0x15], $0x10, s3, s13, $0xb8;
	[tilespmem:$0xF000] =	vst v63  }
0x97: {  	_ =	swait.ge @!p1 [sflag:s5], $0x800  }
0x98: {  	s20 =	sshra.s32 s16, $0x2;
	[sflag:s5] =	ssyncset.done @!p1 $0x0  }
0x99: {  	s24 =	sadd.s32 $0x300, s20;
	s22 =	rddreg [dreg:$0x3];
	[sflag:s5] =	ssyncadd.s32 @!p1 $0xFFFFF800  }
0x9a: {  	[tilespmem:s22], [sflag:$0x8] =	stream.indirect.gather [hbm4b:s4+s13], $0x10, s24, s13, $0xb8;
	[tilespmem:$0xF000] =	vst v63  }
0x9b: {  	_ =	swait.ge [sflag:s25], $0x800  }
0x9c: {  	[sflag:s25] =	ssyncset.done $0x0  }
0x9d: {  	s6 =	sadd.s32 $0x2800, s20;
	s5 =	simm.s32 @!p1 $0x13;
	[sflag:s25] =	ssyncadd.s32 $0xFFFFF800  }
0x9e: {  	[spmem:s1] =	stream.indirect.scatter.add.f32 [tilespmem:s12], [sflag:$0xC], $0x10, s6, s13, $0xb8;
	[tilespmem:$0xF000] =	vst v63  }
0x9f: {  	_ =	swait.ge @!p1 [sflag:s5], $0x800  }
0xa0: {  	[sflag:s5] =	ssyncset.done @!p1 $0x0  }
0xa1: {  	s7 =	sadd.s32 $0x380, s20;
	[sflag:s5] =	ssyncadd.s32 @!p1 $0xFFFFF800  }
0xa2: {  	[tilespmem:s26], [sflag:$0x9] =	stream.indirect.gather [hbm4b:s4+s13], $0x10, s7, s13, $0xb8;
	[tilespmem:$0xF000] =	vst v63  }
0xa3: {  	_ =	swait.ge [sflag:s28], $0x800  }
0xa4: {  	[sflag:s28] =	ssyncset.done $0x0  }
0xa5: {  	s8 =	sadd.s32 $0x2880, s20;
	s5 =	simm.s32 @!p1 $0x14;
	[sflag:s28] =	ssyncadd.s32 $0xFFFFF800  }
0xa6: {  	[spmem:s1] =	stream.indirect.scatter.add.f32 [tilespmem:s14], [sflag:$0xD], $0x10, s8, s13, $0xb8;
	[tilespmem:$0xF000] =	vst v63  }
0xa7: {  	_ =	swait.ge @!p1 [sflag:s5], $0x800  }
0xa8: {  	[sflag:s5] =	ssyncset.done @!p1 $0x0  }
0xa9: {  	s11 =	sadd.s32 $0x400, s20;
	s10 =	rddreg [dreg:$0x4];
	[sflag:s5] =	ssyncadd.s32 @!p1 $0xFFFFF800  }
0xaa: {  	[tilespmem:s10], [sflag:$0xA] =	stream.indirect.gather [hbm4b:s4+s13], $0x10, s11, s13, $0xb8;
	[tilespmem:$0xF000] =	vst v63  }
0xab: {  	_ =	swait.ge [sflag:s29], $0x800  }
0xac: {  	[sflag:s29] =	ssyncset.done $0x0  }
0xad: {  	s12 =	sadd.s32 $0x2900, s20;
	s5 =	simm.s32 @!p1 $0x15;
	[sflag:s29] =	ssyncadd.s32 $0xFFFFF800  }
0xae: {  	[spmem:s1] =	stream.indirect.scatter.add.f32 [tilespmem:s15], [sflag:$0xE], $0x10, s12, s13, $0xb8;
	[tilespmem:$0xF000] =	vst v63  }
0xaf: {  	_ =	swait.ge @!p1 [sflag:s5], $0x800  }
0xb0: {  	[sflag:s5] =	ssyncset.done @!p1 $0x0  }
0xb1: {  	s14 =	sadd.s32 $0x480, s20;
	[sflag:s5] =	ssyncadd.s32 @!p1 $0xFFFFF800  }
0xb2: {  	[tilespmem:s30], [sflag:$0xB] =	stream.indirect.gather [hbm4b:s4+s13], $0x10, s14, s13, $0xb8;
	[tilespmem:$0xF000] =	vst v63  }
0xb3: {  	_ =	swait.ge [sflag:s31], $0x800  }
0xb4: {  	p1 =	seq.s32 s16, $0x8C00;
	[sflag:s31] =	ssyncset.done $0x0  }
0xb5: {  	s15 =	sadd.s32 $0x2980, s20;
	s6 =	simm.s32 @p1 $0x6;
	[sflag:s31] =	ssyncadd.s32 $0xFFFFF800  }
0xb6: {  	[spmem:s1] =	stream.indirect.scatter.add.f32 [tilespmem:s17], [sflag:$0xF], $0x10, s15, s13, $0xb8;
	[tilespmem:$0xF000] =	vst v63  }
0xb7: {  	s7 =	sshra.s32 @p1 s16, $0x2;
	_ =	swait.ge @p1 [sflag:s6], $0x800  }
0xb8: {  	s5 =	simm.s32 @p1 $0x80;
	s8 =	simm.s32 @p1 $0x7000;
	[sflag:s6] =	ssyncset.done @p1 $0x0  }
0xb9: {  	s3 =	sadd.s32 @p1 $0x2A00, s7;
	[sflag:s6] =	ssyncadd.s32 @p1 $0xFFFFF800;
	s6 =	simm.s32 @!p1 $0xC  }
0xba: {  	[spmem:s1] =	stream.indirect.scatter.add.f32 @p1 [tilespmem:s8], [sflag:$0x10], $0x10, s3, s5, $0xb8;
	[tilespmem:$0xF000] =	vst v63  }
0xbb: {  	s16 =	sshra.s32 @!p1 s16, $0x2;
	_ =	swait.ge @!p1 [sflag:s6], $0x800  }
0xbc: {  	s22 =	simm.s32 @!p1 $0x80;
	s11 =	sadd.s32 @!p1 $0x500, s16;
	[sflag:s6] =	ssyncset.done @!p1 $0x0  }
0xbd: {  	s8 =	simm.s32 @!p1 $0x5000;
	[sflag:s6] =	ssyncadd.s32 @!p1 $0xFFFFF800;
	s6 =	simm.s32 @!p1 $0x6  }
0xbe: {  	[tilespmem:s8], [sflag:$0x2] =	stream.indirect.gather @!p1 [hbm4b:s4+s22], $0x10, s11, s22, $0xb8;
	[tilespmem:$0xF000] =	vst v63  }
0xbf: {  	_ =	swait.ge @!p1 [sflag:s6], $0x800  }
0xc0: {  	s17 =	simm.s32 @!p1 $0xD;
	[sflag:s6] =	ssyncset.done @!p1 $0x0  }
0xc1: {  	s3 =	sadd.s32 @!p1 $0x2A00, s16;
	s8 =	simm.s32 @!p1 $0x7000;
	[sflag:s6] =	ssyncadd.s32 @!p1 $0xFFFFF800  }
0xc2: {  	[spmem:s1] =	stream.indirect.scatter.add.f32 @!p1 [tilespmem:s8], [sflag:$0x10], $0x10, s3, s22, $0xb8;
	[tilespmem:$0xF000] =	vst v63  }
0xc3: {  	_ =	swait.ge @!p1 [sflag:s17], $0x800  }
0xc4: {  	[sflag:s17] =	ssyncset.done @!p1 $0x0  }
0xc5: {  	s19 =	simm.s32 @!p1 $0x5800;
	s10 =	sadd.s32 @!p1 $0x580, s16;
	[sflag:s17] =	ssyncadd.s32 @!p1 $0xFFFFF800  }
0xc6: {  	[tilespmem:s19], [sflag:$0x3] =	stream.indirect.gather @!p1 [hbm4b:s4+s22], $0x10, s10, s22, $0xb8;
	[tilespmem:$0xF000] =	vst v63  }
0xc7: {  	_ =	swait.ge [sflag:s0], $0x800  }
0xc8: {  	[sflag:s0] =	ssyncset.done $0x0  }
0xc9: {  	s17 =	simm.s32 @p1 $0x8;
	s19 =	sadd.s32 $0x2A80, s20;
	[sflag:s0] =	ssyncadd.s32 $0xFFFFF800  }
0xca: {  	[spmem:s1] =	stream.indirect.scatter.add.f32 [tilespmem:s23], [sflag:$0x11], $0x10, s19, s13, $0xb8;
	[tilespmem:$0xF000] =	vst v63  }
0xcb: {  	_ =	swait.ge @p1 [sflag:s17], $0x800  }
0xcc: {  	s14 =	sadd.s32 @p1 $0x2B00, s7;
	[sflag:s17] =	ssyncset.done @p1 $0x0  }
0xcd: {  	s10 =	simm.s32 @p1 $0x8000;
	[sflag:s17] =	ssyncadd.s32 @p1 $0xFFFFF800;
	s17 =	simm.s32 @!p1 $0xE  }
0xce: {  	[spmem:s1] =	stream.indirect.scatter.add.f32 @p1 [tilespmem:s10], [sflag:$0x12], $0x10, s14, s5, $0xb8;
	[tilespmem:$0xF000] =	vst v63  }
0xcf: {  	_ =	swait.ge @!p1 [sflag:s17], $0x800  }
0xd0: {  	s15 =	sadd.s32 @!p1 $0x600, s16;
	[sflag:s17] =	ssyncset.done @!p1 $0x0  }
0xd1: {  	s10 =	simm.s32 @!p1 $0x6000;
	s14 =	simm.s32 @!p1 $0x8;
	[sflag:s17] =	ssyncadd.s32 @!p1 $0xFFFFF800  }
0xd2: {  	[tilespmem:s10], [sflag:$0x4] =	stream.indirect.gather @!p1 [hbm4b:s4+s22], $0x10, s15, s22, $0xb8;
	[tilespmem:$0xF000] =	vst v63  }
0xd3: {  	_ =	swait.ge @!p1 [sflag:s14], $0x800  }
0xd4: {  	s11 =	sadd.s32 @!p1 $0x2B00, s16;
	[sflag:s14] =	ssyncset.done @!p1 $0x0  }
0xd5: {  	s10 =	simm.s32 @!p1 $0x8000;
	[sflag:s14] =	ssyncadd.s32 @!p1 $0xFFFFF800;
	s14 =	simm.s32 @!p1 $0xF  }
0xd6: {  	[spmem:s1] =	stream.indirect.scatter.add.f32 @!p1 [tilespmem:s10], [sflag:$0x12], $0x10, s11, s22, $0xb8;
	[tilespmem:$0xF000] =	vst v63  }
0xd7: {  	_ =	swait.ge @!p1 [sflag:s14], $0x800  }
0xd8: {  	s21 =	smov.u32 s18;
	[sflag:s14] =	ssyncset.done @!p1 $0x0  }
0xd9: {  	s12 =	sadd.s32 @!p1 $0x680, s16;
	s10 =	simm.s32 @!p1 $0x6800;
	[sflag:s14] =	ssyncadd.s32 @!p1 $0xFFFFF800  }
0xda: {  	[tilespmem:s10], [sflag:$0x5] =	stream.indirect.gather @!p1 [hbm4b:s4+s22], $0x10, s12, s22, $0xb8;
	[tilespmem:$0xF000] =	vst v63  }
0xdb: {  	s24 =	sadd.s32 @!p1 $0x2C00, s16;
	s6 =	sadd.s32 @!p1 $0x780, s16;
	_ =	swait.ge [sflag:s2], $0x800  }
0xdc: {  	s3 =	sadd.s32 @!p1 $0x700, s16;
	s16 =	smov.u32 s21;
	[sflag:s2] =	ssyncset.done $0x0  }
0xdd: {  	s21 =	sadd.s32 $0x2B80, s20;
	s11 =	simm.s32 @p1 $0xA;
	[sflag:s2] =	ssyncadd.s32 $0xFFFFF800  }
0xde: {  	[spmem:s1] =	stream.indirect.scatter.add.f32 [tilespmem:s26], [sflag:$0x13], $0x10, s21, s13, $0xb8;
	[tilespmem:$0xF000] =	vst v63  }
0xdf: {  	_ =	swait.ge @p1 [sflag:s11], $0x800  }
0xe0: {  	s7 =	sadd.s32 @p1 $0x2C00, s7;
	[sflag:s11] =	ssyncset.done @p1 $0x0  }
0xe1: {  	s10 =	simm.s32 @p1 $0x9000;
	[sflag:s11] =	ssyncadd.s32 @p1 $0xFFFFF800;
	s11 =	simm.s32 @!p1 $0x10  }
0xe2: {  	[spmem:s1] =	stream.indirect.scatter.add.f32 @p1 [tilespmem:s10], [sflag:$0x14], $0x10, s7, s5, $0xb8;
	[tilespmem:$0xF000] =	vst v63  }
0xe3: {  	_ =	swait.ge @!p1 [sflag:s11], $0x800  }
0xe4: {  	[sflag:s11] =	ssyncset.done @!p1 $0x0  }
0xe5: {  	s5 =	simm.s32 @!p1 $0xA;
	[sflag:s11] =	ssyncadd.s32 @!p1 $0xFFFFF800  }
0xe6: {  	[tilespmem:s8], [sflag:$0x6] =	stream.indirect.gather @!p1 [hbm4b:s4+s22], $0x10, s3, s22, $0xb8;
	[tilespmem:$0xF000] =	vst v63  }
0xe7: {  	s18 =	sadd.s32 $0x1400, s18;
	_ =	swait.ge @!p1 [sflag:s5], $0x800  }
0xe8: {  	p0 =	sne.s32 s18, $0xA000;
	[sflag:s5] =	ssyncset.done @!p1 $0x0  }
0xe9: {  	s3 =	simm.s32 @!p1 $0x9000;
	[sflag:s5] =	ssyncadd.s32 @!p1 $0xFFFFF800;
	s5 =	simm.s32 @!p1 $0x11  }
0xea: {  	[spmem:s1] =	stream.indirect.scatter.add.f32 @!p1 [tilespmem:s3], [sflag:$0x14], $0x10, s24, s22, $0xb8;
	[tilespmem:$0xF000] =	vst v63  }
.Ltmp1:
0xeb: {  	s17 =	simm.s32 $0x6800;
	_ =	swait.ge @!p1 [sflag:s5], $0x800;
	(pc) =	sbr.rel @p0 .LBB2_4-.Ltmp1, $4  }
0xec: {  	s15 =	simm.s32 $0x6000;
	s14 =	simm.s32 $0x5800;
	[sflag:s5] =	ssyncset.done @!p1 $0x0  }
0xed: {  	s12 =	simm.s32 $0x5000;
	s3 =	simm.s32 @!p1 $0x7800;
	[sflag:s5] =	ssyncadd.s32 @!p1 $0xFFFFF800  }
0xee: {  	[tilespmem:s3], [sflag:$0x7] =	stream.indirect.gather @!p1 [hbm4b:s4+s22], $0x10, s6, s22, $0xb8;
	[tilespmem:$0xF000] =	vst v63  }
0xef: {  	p1 =	seq.s32 s16, $0x0;
	s3 =	sadd.s32 $0x2C80, s20;
	_ =	swait.ge [sflag:s9], $0x800  }
0xf0: {  	[sflag:s9] =	ssyncset.done $0x0  }
0xf1: {  	s5 =	simm.s32 @!p1 $0x12;
	[sflag:s9] =	ssyncadd.s32 $0xFFFFF800  }
0xf2: {  	[spmem:s1] =	stream.indirect.scatter.add.f32 [tilespmem:s30], [sflag:$0x15], $0x10, s3, s13, $0xb8;
	[tilespmem:$0xF000] =	vst v63  }
0xf3: {  	_ =	swait.ge @!p1 [sflag:s5], $0x800  }
0xf4: {  	s18 =	sshra.s32 s16, $0x2;
	[sflag:s5] =	ssyncset.done @!p1 $0x0  }
0xf5: {  	s22 =	sadd.s32 $0x300, s18;
	s21 =	rddreg [dreg:$0x3];
	[sflag:s5] =	ssyncadd.s32 @!p1 $0xFFFFF800  }
0xf6: {  	[tilespmem:s21], [sflag:$0x8] =	stream.indirect.gather [hbm4b:s4+s13], $0x10, s22, s13, $0xb8;
	[tilespmem:$0xF000] =	vst v63  }
0xf7: {  	_ =	swait.ge [sflag:s25], $0x800  }
0xf8: {  	[sflag:s25] =	ssyncset.done $0x0  }
0xf9: {  	s24 =	sadd.s32 $0x2800, s18;
	s5 =	simm.s32 @!p1 $0x13;
	[sflag:s25] =	ssyncadd.s32 $0xFFFFF800  }
0xfa: {  	[spmem:s1] =	stream.indirect.scatter.add.f32 [tilespmem:s12], [sflag:$0xC], $0x10, s24, s13, $0xb8;
	[tilespmem:$0xF000] =	vst v63  }
0xfb: {  	_ =	swait.ge @!p1 [sflag:s5], $0x800  }
0xfc: {  	[sflag:s5] =	ssyncset.done @!p1 $0x0  }
0xfd: {  	s6 =	sadd.s32 $0x380, s18;
	[sflag:s5] =	ssyncadd.s32 @!p1 $0xFFFFF800  }
0xfe: {  	[tilespmem:s26], [sflag:$0x9] =	stream.indirect.gather [hbm4b:s4+s13], $0x10, s6, s13, $0xb8;
	[tilespmem:$0xF000] =	vst v63  }
0xff: {  	_ =	swait.ge [sflag:s28], $0x800  }
0x100: {  	[sflag:s28] =	ssyncset.done $0x0  }
0x101: {  	s7 =	sadd.s32 $0x2880, s18;
	s5 =	simm.s32 @!p1 $0x14;
	[sflag:s28] =	ssyncadd.s32 $0xFFFFF800  }
0x102: {  	[spmem:s1] =	stream.indirect.scatter.add.f32 [tilespmem:s14], [sflag:$0xD], $0x10, s7, s13, $0xb8;
	[tilespmem:$0xF000] =	vst v63  }
0x103: {  	_ =	swait.ge @!p1 [sflag:s5], $0x800  }
0x104: {  	[sflag:s5] =	ssyncset.done @!p1 $0x0  }
0x105: {  	s10 =	sadd.s32 $0x400, s18;
	s8 =	rddreg [dreg:$0x4];
	[sflag:s5] =	ssyncadd.s32 @!p1 $0xFFFFF800  }
0x106: {  	[tilespmem:s8], [sflag:$0xA] =	stream.indirect.gather [hbm4b:s4+s13], $0x10, s10, s13, $0xb8;
	[tilespmem:$0xF000] =	vst v63  }
0x107: {  	_ =	swait.ge [sflag:s29], $0x800  }
0x108: {  	[sflag:s29] =	ssyncset.done $0x0  }
0x109: {  	s11 =	sadd.s32 $0x2900, s18;
	s5 =	simm.s32 @!p1 $0x15;
	[sflag:s29] =	ssyncadd.s32 $0xFFFFF800  }
0x10a: {  	[spmem:s1] =	stream.indirect.scatter.add.f32 [tilespmem:s15], [sflag:$0xE], $0x10, s11, s13, $0xb8;
	[tilespmem:$0xF000] =	vst v63  }
0x10b: {  	_ =	swait.ge @!p1 [sflag:s5], $0x800  }
0x10c: {  	[sflag:s5] =	ssyncset.done @!p1 $0x0  }
0x10d: {  	s19 =	sadd.s32 $0x480, s18;
	[sflag:s5] =	ssyncadd.s32 @!p1 $0xFFFFF800  }
0x10e: {  	[tilespmem:s30], [sflag:$0xB] =	stream.indirect.gather [hbm4b:s4+s13], $0x10, s19, s13, $0xb8;
	[tilespmem:$0xF000] =	vst v63  }
0x10f: {  	_ =	swait.ge [sflag:s31], $0x800  }
0x110: {  	p0 =	seq.s32 s16, $0x8C00;
	[sflag:s31] =	ssyncset.done $0x0  }
0x111: {  	s20 =	sadd.s32 $0x2980, s18;
	s5 =	simm.s32 @p0 $0x6;
	[sflag:s31] =	ssyncadd.s32 $0xFFFFF800  }
0x112: {  	[spmem:s1] =	stream.indirect.scatter.add.f32 [tilespmem:s17], [sflag:$0xF], $0x10, s20, s13, $0xb8;
	[tilespmem:$0xF000] =	vst v63  }
0x113: {  	s6 =	sshra.s32 @p0 s16, $0x2;
	_ =	swait.ge @p0 [sflag:s5], $0x800  }
0x114: {  	s3 =	sadd.s32 @p0 $0x2A00, s6;
	s7 =	simm.s32 @p0 $0x80;
	[sflag:s5] =	ssyncset.done @p0 $0x0  }
0x115: {  	s8 =	simm.s32 @p0 $0x7000;
	s10 =	simm.s32 @!p0 $0xC;
	[sflag:s5] =	ssyncadd.s32 @p0 $0xFFFFF800  }
0x116: {  	[spmem:s1] =	stream.indirect.scatter.add.f32 @p0 [tilespmem:s8], [sflag:$0x10], $0x10, s3, s7, $0xb8;
	[tilespmem:$0xF000] =	vst v63  }
0x117: {  	s11 =	simm.s32 @!p0 $0x5000;
	_ =	swait.ge @!p0 [sflag:s10], $0x800  }
0x118: {  	s5 =	simm.s32 @!p0 $0x80;
	s3 =	sshra.s32 @!p0 s16, $0x2;
	[sflag:s10] =	ssyncset.done @!p0 $0x0  }
0x119: {  	s8 =	sadd.s32 @!p0 $0x500, s3;
	[sflag:s10] =	ssyncadd.s32 @!p0 $0xFFFFF800;
	s10 =	simm.s32 @!p0 $0x6  }
0x11a: {  	[tilespmem:s11], [sflag:$0x2] =	stream.indirect.gather @!p0 [hbm4b:s4+s5], $0x10, s8, s5, $0xb8;
	[tilespmem:$0xF000] =	vst v63  }
0x11b: {  	_ =	swait.ge @!p0 [sflag:s10], $0x800  }
0x11c: {  	s8 =	sadd.s32 @!p0 $0x2A00, s3;
	[sflag:s10] =	ssyncset.done @!p0 $0x0  }
0x11d: {  	s11 =	simm.s32 @!p0 $0x7000;
	[sflag:s10] =	ssyncadd.s32 @!p0 $0xFFFFF800;
	s10 =	simm.s32 @!p0 $0xD  }
0x11e: {  	[spmem:s1] =	stream.indirect.scatter.add.f32 @!p0 [tilespmem:s11], [sflag:$0x10], $0x10, s8, s5, $0xb8;
	[tilespmem:$0xF000] =	vst v63  }
0x11f: {  	_ =	swait.ge @!p0 [sflag:s10], $0x800  }
0x120: {  	[sflag:s10] =	ssyncset.done @!p0 $0x0  }
0x121: {  	s8 =	sadd.s32 @!p0 $0x580, s3;
	[sflag:s10] =	ssyncadd.s32 @!p0 $0xFFFFF800;
	s10 =	simm.s32 @!p0 $0x5800  }
0x122: {  	[tilespmem:s10], [sflag:$0x3] =	stream.indirect.gather @!p0 [hbm4b:s4+s5], $0x10, s8, s5, $0xb8;
	[tilespmem:$0xF000] =	vst v63  }
0x123: {  	_ =	swait.ge [sflag:s0], $0x800  }
0x124: {  	[sflag:s0] =	ssyncset.done $0x0  }
0x125: {  	s21 =	sadd.s32 $0x2A80, s18;
	s10 =	simm.s32 @p0 $0x8;
	[sflag:s0] =	ssyncadd.s32 $0xFFFFF800  }
0x126: {  	[spmem:s1] =	stream.indirect.scatter.add.f32 [tilespmem:s23], [sflag:$0x11], $0x10, s21, s13, $0xb8;
	[tilespmem:$0xF000] =	vst v63  }
0x127: {  	_ =	swait.ge @p0 [sflag:s10], $0x800  }
0x128: {  	[sflag:s10] =	ssyncset.done @p0 $0x0  }
0x129: {  	s8 =	sadd.s32 @p0 $0x2B00, s6;
	[sflag:s10] =	ssyncadd.s32 @p0 $0xFFFFF800;
	s10 =	simm.s32 @p0 $0x8000  }
0x12a: {  	[spmem:s1] =	stream.indirect.scatter.add.f32 @p0 [tilespmem:s10], [sflag:$0x12], $0x10, s8, s7, $0xb8;
	[tilespmem:$0xF000] =	vst v63  }
0x12b: {  	s8 =	simm.s32 @!p0 $0xE  }
0x12c: {  	_ =	swait.ge @!p0 [sflag:s8], $0x800  }
0x12d: {  	[sflag:s8] =	ssyncset.done @!p0 $0x0  }
0x12e: {  	s10 =	sadd.s32 @!p0 $0x600, s3;
	[sflag:s8] =	ssyncadd.s32 @!p0 $0xFFFFF800;
	s8 =	simm.s32 @!p0 $0x6000  }
0x12f: {  	[tilespmem:s8], [sflag:$0x4] =	stream.indirect.gather @!p0 [hbm4b:s4+s5], $0x10, s10, s5, $0xb8;
	[tilespmem:$0xF000] =	vst v63  }
0x130: {  	s8 =	simm.s32 @!p0 $0x8  }
0x131: {  	_ =	swait.ge @!p0 [sflag:s8], $0x800  }
0x132: {  	[sflag:s8] =	ssyncset.done @!p0 $0x0  }
0x133: {  	s10 =	sadd.s32 @!p0 $0x2B00, s3;
	[sflag:s8] =	ssyncadd.s32 @!p0 $0xFFFFF800;
	s8 =	simm.s32 @!p0 $0x8000  }
0x134: {  	[spmem:s1] =	stream.indirect.scatter.add.f32 @!p0 [tilespmem:s8], [sflag:$0x12], $0x10, s10, s5, $0xb8;
	[tilespmem:$0xF000] =	vst v63  }
0x135: {  	s8 =	simm.s32 @!p0 $0xF  }
0x136: {  	_ =	swait.ge @!p0 [sflag:s8], $0x800  }
0x137: {  	[sflag:s8] =	ssyncset.done @!p0 $0x0  }
0x138: {  	s10 =	sadd.s32 @!p0 $0x680, s3;
	[sflag:s8] =	ssyncadd.s32 @!p0 $0xFFFFF800;
	s8 =	simm.s32 @!p0 $0x6800  }
0x139: {  	[tilespmem:s8], [sflag:$0x5] =	stream.indirect.gather @!p0 [hbm4b:s4+s5], $0x10, s10, s5, $0xb8;
	[tilespmem:$0xF000] =	vst v63  }
0x13a: {  	_ =	swait.ge [sflag:s2], $0x800  }
0x13b: {  	[sflag:s2] =	ssyncset.done $0x0  }
0x13c: {  	s22 =	sadd.s32 $0x2B80, s18;
	s8 =	simm.s32 @p0 $0xA;
	[sflag:s2] =	ssyncadd.s32 $0xFFFFF800  }
0x13d: {  	[spmem:s1] =	stream.indirect.scatter.add.f32 [tilespmem:s26], [sflag:$0x13], $0x10, s22, s13, $0xb8;
	[tilespmem:$0xF000] =	vst v63  }
0x13e: {  	_ =	swait.ge @p0 [sflag:s8], $0x800  }
0x13f: {  	[sflag:s8] =	ssyncset.done @p0 $0x0  }
0x140: {  	s6 =	sadd.s32 @p0 $0x2C00, s6;
	[sflag:s8] =	ssyncadd.s32 @p0 $0xFFFFF800;
	s8 =	simm.s32 @p0 $0x9000  }
0x141: {  	[spmem:s1] =	stream.indirect.scatter.add.f32 @p0 [tilespmem:s8], [sflag:$0x14], $0x10, s6, s7, $0xb8;
	[tilespmem:$0xF000] =	vst v63  }
0x142: {  	s6 =	simm.s32 @!p0 $0x10  }
0x143: {  	_ =	swait.ge @!p0 [sflag:s6], $0x800  }
0x144: {  	[sflag:s6] =	ssyncset.done @!p0 $0x0  }
0x145: {  	[sflag:s6] =	ssyncadd.s32 @!p0 $0xFFFFF800;
	s6 =	sadd.s32 @!p0 $0x700, s3  }
0x146: {  	[tilespmem:s11], [sflag:$0x6] =	stream.indirect.gather @!p0 [hbm4b:s4+s5], $0x10, s6, s5, $0xb8;
	[tilespmem:$0xF000] =	vst v63  }
0x147: {  	s6 =	simm.s32 @!p0 $0xA  }
0x148: {  	_ =	swait.ge @!p0 [sflag:s6], $0x800  }
0x149: {  	[sflag:s6] =	ssyncset.done @!p0 $0x0  }
0x14a: {  	s7 =	sadd.s32 @!p0 $0x2C00, s3;
	[sflag:s6] =	ssyncadd.s32 @!p0 $0xFFFFF800;
	s6 =	simm.s32 @!p0 $0x9000  }
0x14b: {  	[spmem:s1] =	stream.indirect.scatter.add.f32 @!p0 [tilespmem:s6], [sflag:$0x14], $0x10, s7, s5, $0xb8;
	[tilespmem:$0xF000] =	vst v63  }
0x14c: {  	s6 =	simm.s32 @!p0 $0x11  }
0x14d: {  	_ =	swait.ge @!p0 [sflag:s6], $0x800  }
0x14e: {  	[sflag:s6] =	ssyncset.done @!p0 $0x0  }
0x14f: {  	s3 =	sadd.s32 @!p0 $0x780, s3;
	[sflag:s6] =	ssyncadd.s32 @!p0 $0xFFFFF800;
	s6 =	simm.s32 @!p0 $0x7800  }
0x150: {  	[tilespmem:s6], [sflag:$0x7] =	stream.indirect.gather @!p0 [hbm4b:s4+s5], $0x10, s3, s5, $0xb8;
	[tilespmem:$0xF000] =	vst v63  }
0x151: {  	_ =	swait.ge [sflag:s9], $0x800  }
0x152: {  	[sflag:s9] =	ssyncset.done $0x0  }
0x153: {  	s24 =	sadd.s32 $0x2C80, s18;
	s5 =	simm.s32 $0xC;
	[sflag:s9] =	ssyncadd.s32 $0xFFFFF800  }
0x154: {  	[spmem:s1] =	stream.indirect.scatter.add.f32 [tilespmem:s30], [sflag:$0x15], $0x10, s24, s13, $0xb8;
	[tilespmem:$0xF000] =	vst v63  }
0x155: {  	_ =	swait.ge [sflag:s5], $0x800  }
0x156: {  	[sflag:s5] =	ssyncset.done $0x0  }
0x157: {  	s6 =	simm.s32 $0xD;
	[sflag:s5] =	ssyncadd.s32 $0xFFFFF800  }
0x158: {  	_ =	swait.ge [sflag:s6], $0x800  }
0x159: {  	[sflag:s6] =	ssyncset.done $0x0  }
0x15a: {  	s7 =	simm.s32 $0xE;
	[sflag:s6] =	ssyncadd.s32 $0xFFFFF800  }
0x15b: {  	_ =	swait.ge [sflag:s7], $0x800  }
0x15c: {  	[sflag:s7] =	ssyncset.done $0x0  }
0x15d: {  	s8 =	simm.s32 $0xF;
	[sflag:s7] =	ssyncadd.s32 $0xFFFFF800  }
0x15e: {  	_ =	swait.ge [sflag:s8], $0x800  }
0x15f: {  	[sflag:s8] =	ssyncset.done $0x0  }
0x160: {  	s10 =	simm.s32 $0x10;
	[sflag:s8] =	ssyncadd.s32 $0xFFFFF800  }
0x161: {  	_ =	swait.ge [sflag:s10], $0x800  }
0x162: {  	[sflag:s10] =	ssyncset.done $0x0  }
0x163: {  	s11 =	simm.s32 $0x11;
	[sflag:s10] =	ssyncadd.s32 $0xFFFFF800  }
0x164: {  	_ =	swait.ge [sflag:s11], $0x800  }
0x165: {  	[sflag:s11] =	ssyncset.done $0x0  }
0x166: {  	s16 =	simm.s32 $0x12;
	[sflag:s11] =	ssyncadd.s32 $0xFFFFF800  }
0x167: {  	_ =	swait.ge [sflag:s16], $0x800  }
0x168: {  	[sflag:s16] =	ssyncset.done $0x0  }
0x169: {  	s18 =	simm.s32 $0x13;
	[sflag:s16] =	ssyncadd.s32 $0xFFFFF800  }
0x16a: {  	_ =	swait.ge [sflag:s18], $0x800  }
0x16b: {  	[sflag:s18] =	ssyncset.done $0x0  }
0x16c: {  	s19 =	simm.s32 $0x14;
	[sflag:s18] =	ssyncadd.s32 $0xFFFFF800  }
0x16d: {  	_ =	swait.ge [sflag:s19], $0x800  }
0x16e: {  	[sflag:s19] =	ssyncset.done $0x0  }
0x16f: {  	s20 =	simm.s32 $0x15;
	[sflag:s19] =	ssyncadd.s32 $0xFFFFF800  }
0x170: {  	_ =	swait.ge [sflag:s20], $0x800  }
0x171: {  	[sflag:s20] =	ssyncset.done $0x0  }
0x172: {  	[sflag:s20] =	ssyncadd.s32 $0xFFFFF800  }
0x173: {  	[bflag:$0x0] =	sbarrier.arrive $0xFFFF  }
0x174: {  	s7 =	simm.s32 $0xA000;
	s10 =	simm.s32 $0x16;
	s6 =	rddreg [dreg:$0x7]  }
0x175: {  	[tilespmem:s7], [sflag:$0x16] =	stream.linear.gather [spmem:s6], $0x2800, $0x38;
	[tilespmem:$0xF000] =	vst v63  }
0x176: {  	_ =	swait.ge [sflag:s10], $0x2800  }
0x177: {  	[sflag:s10] =	ssyncset.done $0x0  }
0x178: {  	s8 =	simm.s32 $0x0;
	s21 =	rddreg [dreg:$0x9];
	[sflag:s10] =	ssyncadd.s32 $0xFFFFD800  }
0x179: {  	[hbm4b:s21+s8] =	stream.linear.scatter [tilespmem:s7], [sflag:$0x16], $0x2800, $0x38;
	[tilespmem:$0xF000] =	vst v63  }
0x17a: {  	_ =	swait.ge [sflag:s10], $0x2800  }
0x17b: {  	s22 =	rddreg [dreg:$0xa]  }
0x17c: {  	s24 =	rddreg [dreg:$0x8];
	s5 =	sadd.s32 $0x1, s22  }
0x17d: {  	p0 =	sne.s32 s5, s24  }
.Ltmp2:
0x17e: {  	_ = 	snop;
	(pc) =	sbr.rel @p0 .LBB2_1-.Ltmp2, $3  }
0x17f: {  	_ =	sdelay $0x1  }
0x180: {  	[sflag:s10] =	ssyncset.done $0x0  }
0x181: {  	[sflag:s10] =	ssyncadd.s32 $0xFFFFD800  }
0x182: {  	_ =	sfence.sel $0x180000  }
0x183: {  	[bflag:$0x0] =	sbarrier.arrive $0xFFFF  }
0x184: {  	_ =	strace $0x9000004A  }
0x185: {  	s0 =	stileid.u32;
	[bflag:$0x2] =	sbarrier.arrive $0xFFFF  }
0x186: {  	p0 =	sne.s32 s0, $0x0;
	s0 =	rddreg [dreg:$0x2]  }
0x187: {  	s0 =	sadd.s32 @!p0 $0x100000, s0  }
0x188: {  	[sflag:s0] =	ssyncadd.tile.s32 @!p0 $0x1;
	_ =	shalt  }
.Lfunc_end2:
_tile_overlayer_lowered:
.L_overlay_start_2:
0x189: {  	(tag) =	ssettag $0x2  }
0x18a: {  	s0 =	rddreg [dreg:$0x0];
	s2 =	stileid.u32  }
0x18b: {  	s1 =	rddreg [dreg:$0x1];
	p0 =	sne.s32 s2, $0x0  }
0x18c: {  	s3 =	rddreg [dreg:$0x2];
	[bflag:$0x3] =	sbarrier.arrive $0xFFFF;
	s2 =	simm.s32 @!p0 $0x1C16  }
0x18d: {  	[timem:s3], [sflag:s2] =	dma.local @!p0 [hbm:s0], s1  }
0x18e: {  	s0 =	simm.s32 @!p0 $0x16  }
0x18f: {  	_ =	swait.ge @!p0 [sflag:s0], s1  }
0x190: {  	s1 =	ssub.s32 @!p0 $0x0, s1;
	[sflag:s0] =	ssyncset.done @!p0 $0x0  }
0x191: {  	[sflag:s0] =	ssyncadd.s32 @!p0 s1  }
0x192: {  	[bflag:$0x3] =	sbarrier.arrive $0xFFFF  }
0x193: {  	_ =	shalt  }

// kernel: kernel.15.cloned.1.call-start
scs
__scs_entry_jumppad:
0x0: {  	(pc) =	sbr.rel $0x88, $3  }
0x1: {  	(tag) =	ssettag $0x0;
	lr =	simm.s32 $0x1  }
0x2: {  	[smem:$0x3F9B] =	sst lr;
	_ =	strace $0xD0000000  }
0x3: {  	_ = 	snop  }
0x4: {  	_ = 	snop  }
0x5: {  	_ = 	snop  }
0x6: {  	_ = 	snop  }
0x7: {  	_ = 	snop  }
__scs_overlays_trampoline_lowered:
0x8: {  	[smem:$0x3FAA] =	sst s0  }
0x9: {  	[smem:$0x3FAB] =	sst s1  }
0xa: {  	[smem:$0x3FAC] =	sst s2  }
0xb: {  	[smem:$0x3FAD] =	sst s3  }
0xc: {  	[smem:$0x3FAE] =	sst s4  }
0xd: {  	[smem:$0x3FAF] =	sst s5  }
0xe: {  	[smem:$0x3FB0] =	sst s6  }
0xf: {  	[smem:$0x3FB1] =	sst s7  }
0x10: {  	[smem:$0x3FB2] =	sst s8  }
0x11: {  	[smem:$0x3FB3] =	sst s9;
	s0 =	simm.s32 @!p0 $0x0  }
0x12: {  	s1 =	sld [smem:$0x3F99];
	s0 =	simm.s32 @p0 $0x1  }
0x13: {  	[smem:$0x3FB4] =	sst s0;
	s0 =	simm.s32 @!p1 $0x0  }
0x14: {  	s2 =	sld [smem:$0x3F98];
	s0 =	simm.s32 @p1 $0x1  }
0x15: {  	[smem:$0x3FB5] =	sst s0;
	s0 =	simm.s32 @!p2 $0x0  }
0x16: {  	s3 =	sld [smem:$0x3FDB];
	s0 =	simm.s32 @p2 $0x1  }
0x17: {  	s4 =	simm.s32 $0x1BF5;
	[smem:$0x3FB7] =	sst s0  }
0x18: {  	s0 =	sld [smem:$0x3F9A];
	_ =	swait.ge [sflag:s4], $0x0  }
0x19: {  	s7 =	sld [smem:$0x3F9B]  }
0x1a: {  	s8 =	sadd.s32 $0xFFFFE003, lr  }
0x1b: {  	s9 =	sadd.s32 $0xFFFFFEF7, lr;
	s5 =	simm.s32 $0xFFFFFFFF;
	p2 =	slt.u32 s8, $0xFFFFF086  }
0x1c: {  	p1 =	slt.u32 s9, $0xF7A;
	s5 =	simm.s32 @!p2 $0x0  }
0x1d: {  	s5 =	simm.s32 @p1 $0x1;
	p0 =	seq.s32 s7, s2  }
0x1e: {  	s7 =	smul.u32 @!p0 $0xF7A, s2;
	p2 =	seq.s32 @!p0 s5, $0x0  }
0x1f: {  	s9 =	smul.u32 $0xF7A, s1;
	s8 =	simm.s32 @!p0 $0x1BF5;
	p2 =	por !p2, p0  }
0x20: {  	[sflag:s8] =	ssyncset.s32 @!p0 $0xFFFFF086;
	s6 =	sadd.s32 @!p0 s3, s7;
	s7 =	simm.s32 @!p0 $0x108  }
0x21: {  	s3 =	sadd.s32 s3, s9;
	s6 =	sadd.s32 @!p0 $0x88, s6;
	s7 =	simm.s32 @p2 $0x1082  }
0x22: {  	[simem:s7], [sflag:s8] =	dma.local @!p0 [hbm:s6], $0xF7A  }
0x23: {  	s9 =	sor.u32 $0xD0000000, s2;
	s6 =	simm.s32 $0x108;
	_ =	swait.ge @!p0 [sflag:s8], $0x0  }
0x24: {  	s3 =	sadd.s32 $0x88, s3;
	s6 =	simm.s32 @!p1 $0x1082;
	[sflag:s4] =	ssyncset.s32 $0xFFFFF086  }
0x25: {  	[simem:s6], [sflag:s4] =	dma.local [hbm:s3], $0xF7A  }
0x26: {  	[smem:$0x3F9B] =	sst s1;
	(tag) =	ssettag s2;
	_ =	strace s9  }
0x27: {  	s1 =	sld [smem:$0x3FAB]  }
0x28: {  	s2 =	sld [smem:$0x3FAC]  }
0x29: {  	s4 =	sld [smem:$0x3FAE]  }
0x2a: {  	p0 =	seq.s32 s5, $0x0;
	s5 =	sld [smem:$0x3FAF]  }
0x2b: {  	s6 =	sld [smem:$0x3FB0]  }
0x2c: {  	s7 =	sld [smem:$0x3FB1]  }
0x2d: {  	s3 =	simm.s32 $0x108;
	s8 =	sld [smem:$0x3FB2]  }
0x2e: {  	s3 =	simm.s32 @!p0 $0x1082;
	s9 =	sld [smem:$0x3FB3]  }
0x2f: {  	lr =	sadd.s32 s0, s3;
	s0 =	sld [smem:$0x3FAA]  }
0x30: {  	s3 =	sld [smem:$0x3FAD]  }
0x31: {  	[smem:$0x3FB6] =	sst s10  }
0x32: {  	s10 =	sld [smem:$0x3FB4];
	_ =	sdelay $0x3  }
0x33: {  	p0 =	seq.s32 s10, $0x1;
	s10 =	sld [smem:$0x3FB6];
	_ =	sdelay $0x3  }
0x34: {  	[smem:$0x3FB6] =	sst s10  }
0x35: {  	s10 =	sld [smem:$0x3FB5];
	_ =	sdelay $0x3  }
0x36: {  	p1 =	seq.s32 s10, $0x1;
	s10 =	sld [smem:$0x3FB6];
	_ =	sdelay $0x3  }
0x37: {  	[smem:$0x3FB6] =	sst s10  }
0x38: {  	s10 =	sld [smem:$0x3FB7]  }
0x39: {  	_ = 	snop;
	(pc) =	sbr.ind lr, $3  }
0x3a: {  	_ = 	snop  }
0x3b: {  	_ = 	snop  }
0x3c: {  	p2 =	seq.s32 s10, $0x1;
	s10 =	sld [smem:$0x3FB6]  }
0x3d: {  	_ =	shalt  }
0x3e: {  	_ =	shalt  }
0x3f: {  	_ =	shalt  }
0x40: {  	_ =	shalt  }
0x41: {  	_ =	shalt  }
0x42: {  	_ =	shalt  }
0x43: {  	_ =	shalt  }
0x44: {  	_ =	shalt  }
0x45: {  	_ =	shalt  }
0x46: {  	_ =	shalt  }
0x47: {  	_ =	shalt  }
0x48: {  	_ =	shalt  }
0x49: {  	_ =	shalt  }
0x4a: {  	_ =	shalt  }
0x4b: {  	_ =	shalt  }
0x4c: {  	_ =	shalt  }
0x4d: {  	_ =	shalt  }
0x4e: {  	_ =	shalt  }
0x4f: {  	_ =	shalt  }
0x50: {  	_ =	shalt  }
0x51: {  	_ =	shalt  }
0x52: {  	_ =	shalt  }
0x53: {  	_ =	shalt  }
0x54: {  	_ =	shalt  }
0x55: {  	_ =	shalt  }
0x56: {  	_ =	shalt  }
0x57: {  	_ =	shalt  }
0x58: {  	_ =	shalt  }
0x59: {  	_ =	shalt  }
0x5a: {  	_ =	shalt  }
0x5b: {  	_ =	shalt  }
0x5c: {  	_ =	shalt  }
0x5d: {  	_ =	shalt  }
0x5e: {  	_ =	shalt  }
0x5f: {  	_ =	shalt  }
0x60: {  	_ =	shalt  }
0x61: {  	_ =	shalt  }
0x62: {  	_ =	shalt  }
0x63: {  	_ =	shalt  }
0x64: {  	_ =	shalt  }
0x65: {  	_ =	shalt  }
0x66: {  	_ =	shalt  }
0x67: {  	_ =	shalt  }
0x68: {  	_ =	shalt  }
0x69: {  	_ =	shalt  }
0x6a: {  	_ =	shalt  }
0x6b: {  	_ =	shalt  }
0x6c: {  	_ =	shalt  }
0x6d: {  	_ =	shalt  }
0x6e: {  	_ =	shalt  }
0x6f: {  	_ =	shalt  }
0x70: {  	_ =	shalt  }
0x71: {  	_ =	shalt  }
0x72: {  	_ =	shalt  }
0x73: {  	_ =	shalt  }
0x74: {  	_ =	shalt  }
0x75: {  	_ =	shalt  }
0x76: {  	_ =	shalt  }
0x77: {  	_ =	shalt  }
0x78: {  	_ =	shalt  }
0x79: {  	_ =	shalt  }
0x7a: {  	_ =	shalt  }
0x7b: {  	_ =	shalt  }
0x7c: {  	_ =	shalt  }
0x7d: {  	_ =	shalt  }
0x7e: {  	_ =	shalt  }
0x7f: {  	_ =	shalt  }
0x80: {  	_ =	shalt  }
0x81: {  	_ =	shalt  }
0x82: {  	_ =	shalt  }
0x83: {  	_ =	shalt  }
0x84: {  	_ =	shalt  }
0x85: {  	_ =	shalt  }
0x86: {  	_ =	shalt  }
0x87: {  	_ =	shalt  }
.Lfunc_end0:
.L_simem_size_0:
called_computation.2_lowered:
.L_overlay_start_0:
0x88: {  	s2 =	sld [smem:$0x3FD9]  }
0x89: {  	s3 =	sld [smem:$0x3FFE];
	_ =	sdelay $0x1  }
0x8a: {  	s1 =	srdreg.scid  }
0x8b: {  	s0 =	sand.u32 $0x1, s1  }
0x8c: {  	s16 =	sshll.u32 s0, $0xA;
	s2 =	sadd.s32 s3, s2  }
0x8d: {  	s2 =	sadd.s32 s2, s16  }
0x8e: {  	[smem:$0x3FC2] =	sst s2  }
0x8f: {  	_ = 	snop  }
0x90: {  	(tm) =	ssettm $0x1  }
0x91: {  	s17 =	sld [smem:$0x3FFB];
	_ =	sdelay $0x3  }
0x92: {  	_ =	strace s17  }
0x93: {  	s2 =	sld [smem:$0x3FFC];
	_ =	sdelay $0x3  }
0x94: {  	_ =	strace s2  }
0x95: {  	s2 =	sld [smem:$0x3FFD];
	_ =	sdelay $0x3  }
0x96: {  	_ =	strace s2  }
0x97: {  	_ =	strace $0x8FFFFFFF  }
0x98: {  	s18 =	sld [smem:$0x3FDB];
	_ =	sdelay $0x1  }
0x99: {  	s19 =	simm.s32 $_scs_section_size  }
0x9a: {  	s4 =	simm.s32 $_size__tile_overlayer_lowered;
	s5 =	simm.s32 $_tile_overlayer_lowered  }
0x9b: {  	s22 =	simm.s32 $0x1BFF;
	s21 =	sshll.u32 s5, $0x1;
	s2 =	sadd.s32 s19, s18  }
0x9c: {  	s6 =	simm.s32 $0x0;
	s20 =	sshll.u32 s4, $0x1;
	s4 =	sadd.s32 s21, s2  }
0x9d: {  	[timem:s6], [sflag:s22] =	dma.local [hbm:s4], s20  }
0x9e: {  	_ =	swait.ge [sflag:s22], s20  }
0x9f: {  	s3 =	ssub.s32 $0x0, s20;
	[sflag:s22] =	ssyncset.done $0x0  }
0xa0: {  	[sflag:s22] =	ssyncadd.s32 s3;
	_ =	sdelay $0x1  }
0xa1: {  	s23 =	simm.s32 $0x1B8B  }
0xa2: {  	_ =	swait.ge [sflag:s23], $0x1  }
0xa3: {  	[sflag:s23] =	ssyncset.done $0x0  }
0xa4: {  	s25 =	simm.s32 $0x1B8E;
	s24 =	sld [smem:$0x3FFE];
	[sflag:s23] =	ssyncadd.s32 $0xFFFFFFFF  }
0xa5: {  	s26 =	simm.s32 $execute0_lowered;
	[smem:$0x3FD2] =	sst s25  }
0xa6: {  	s4 =	sshll.u32 s26, $0x1;
	_ =	strace $0x8000004C;
	[dreg:$0x1] =	wrdreg $0xFFFFFFFF  }
0xa7: {  	s28 =	simm.s32 $_size_execute0_lowered;
	s2 =	sadd.s32 s2, s4;
	[dreg:$0x0] =	wrdreg $0x0  }
0xa8: {  	s4 =	sshll.u32 s28, $0x1;
	[dreg:$0x2] =	wrdreg s2  }
0xa9: {  	[dreg:$0x3] =	wrdreg s4  }
0xaa: {  	[dreg:$0x4] =	wrdreg $0xC0  }
0xab: {  	_ =	task [dreg:s6], $0x5FFFF  }
0xac: {  	[dreg:$0x1] =	wrdreg $0xFFFFFFFF  }
0xad: {  	[dreg:$0x0] =	wrdreg $0x60  }
0xae: {  	[dreg:$0x2] =	wrdreg s24  }
0xaf: {  	[dreg:$0x3] =	wrdreg $0xC8000  }
0xb0: {  	[dreg:$0x4] =	wrdreg $0x9  }
0xb1: {  	_ =	task.clear_ibuf [dreg:s6], $0x5FFFF;
	_ =	strace $0x9000004C  }
0xb2: {  	s29 =	simm.s32 $0x9;
	_ =	strace $0x8000004E  }
0xb3: {  	_ =	swait.ge [sflag:s29], $0x1  }
0xb4: {  	[sflag:s29] =	ssyncadd.s32 $0xFFFFFFFF  }
0xb5: {  	_ =	strace $0x9000004E  }
0xb6: {  	_ =	sfence  }
0xb7: {  	s30 =	sld [smem:$0x0];
	_ =	sdelay $0x2  }
0xb8: {  	s31 =	sshll.u32 s1, $0xD;
	s1 =	sshrl.u32 s1, $0x2  }
0xb9: {  	s3 =	sand.u32 $0x4000, s31;
	s1 =	sadd.s32 s1, s30  }
0xba: {  	s0 =	sor.u32 s3, s0;
	s1 =	sshll.u32 s1, $0x11  }
0xbb: {  	s0 =	sor.u32 s1, s0  }
0xbc: {  	s0 =	sadd.s32 $0x8F2B, s0  }
0xbd: {  	[sflag:s0] =	ssyncadd.remote.s32 $0x1  }
0xbe: {  	_ =	sfence.sel $0xFFFF  }
0xbf: {  	[dreg:$0x0] =	wrdreg $0xFFFFFFFF;
	(pc) =	sbr.abs _section_cstart, $3  }
0xc0: {  	[dreg:$0x1] =	wrdreg $0xFFFFFFFF  }
0xc1: {  	_ =	task.clear_ibuf [dreg:s6], $0x2FFFF;
	_ =	strace $0x9FFFFFFF  }
0xc2: {  	(tm) =	ssettm $0x7FFFFFFF  }
0xc3: {  	_ =	shalt  }
tec
execute0_lowered:
.L_overlay_start_1:
0x0: {  	(tag) =	ssettag $0x1  }
0x1: {  	s0 =	rddreg [dreg:$0x0]  }
0x2: {  	s1 =	rddreg [dreg:$0x1]  }
0x3: {  	s2 =	srdreg.scid;
	s8 =	simm.s32 $0x0;
	s7 =	stileid.u32  }
0x4: {  	s10 =	simm.s32 $0x16;
	s13 =	simm.s32 $0x80;
	s12 =	simm.s32 $0x5000  }
0x5: {  	s14 =	simm.s32 $0x5800;
	s15 =	simm.s32 $0x6000;
	s17 =	simm.s32 $0x6800  }
0x6: {  	s25 =	simm.s32 $0x8000;
	s26 =	simm.s32 $0x9000;
	s28 =	simm.s32 $0x3  }
0x7: {  	s29 =	simm.s32 $0x4;
	s30 =	simm.s32 $0x9800;
	s31 =	simm.s32 $0x5  }
0x8: {  	s9 =	simm.s32 $0xB;
	s2 =	sand.u32 $0x1, s2;
	[smem:$0x7FF] =	sst s8  }
0x9: {  	s4 =	sadd.s32 $0x16E00, s0;
	s3 =	sshll.u32 s2, $0x4;
	_ =	strace $0x8000004D  }
0xa: {  	s5 =	smul.u32 $0x5000, s2;
	s2 =	ssub.s32 $0x2, s2;
	[dreg:$0x3] =	wrdreg s25  }
0xb: {  	[dreg:$0x4] =	wrdreg s26;
	s3 =	sor.u32 s7, s3;
	s7 =	smul.u32 $0x2800, s7  }
0xc: {  	s25 =	simm.s32 $0x2;
	s26 =	simm.s32 $0x8800;
	s6 =	sshrl.u32 s2, $0x1  }
0xd: {  	s3 =	smul.u32 $0x500, s3;
	s2 =	ssub.s32 s2, s6;
	s6 =	sadd.s32 s7, s1  }
0xe: {  	s24 =	sshrl.u32 s7, $0x3;
	s2 =	smax.u32 s2, $0x1;
	s7 =	simm.s32 $0xA000  }
0xf: {  	s3 =	sadd.s32 s3, s0;
	s0 =	sadd.s32 s5, s0;
	[dreg:$0x8] =	wrdreg s2  }
0x10: {  	s2 =	simm.s32 $0x9;
	[dreg:$0x7] =	wrdreg s6;
	s23 =	sadd.s32 $0x2E00, s3  }
0x11: {  	s3 =	sadd.s32 $0xCE00, s3;
	s0 =	sadd.s32 $0x1BE00, s0;
	[dreg:$0x5] =	wrdreg s23  }
0x12: {  	s5 =	simm.s32 $0x0;
	[dreg:$0x6] =	wrdreg s3;
	s0 =	sadd.s32 s24, s0  }
0x13: {  	v0 =	vimm.f32 $0.0e+00;
	s23 =	simm.s32 $0x7800;
	[dreg:$0x9] =	wrdreg s0;
	s0 =	simm.s32 $0x7  }
.LBB2_1:
0x14: {  	[dreg:$0xa] =	wrdreg s5  }
0x15: {  	s3 =	rddreg [dreg:$0x5]  }
0x16: {  	s22 =	rddreg [dreg:$0x6]  }
0x17: {  	[tilespmem:s8], [sflag:$0x1] =	stream.linear.gather [hbm4b:s3+s8], $0x2800, $0x38;
	[tilespmem:$0xF000] =	vst v63  }
0x18: {  	s24 =	simm.s32 $0x2800;
	s5 =	simm.s32 $0x0;
	s3 =	simm.s32 $0x40  }
0x19: {  	[tilespmem:s24], [sflag:$0x1] =	stream.linear.gather [hbm4b:s22+s8], $0x2800, $0x38;
	[tilespmem:$0xF000] =	vst v63  }
.LBB2_2:
0x1a: {  	p0 =	sne.s32 s3, $0x9FC0;
	[tilespmem:s5+$0xA000] =	vst v0;
	s5 =	smov.u32 s3;
	s3 =	sadd.s32 $0x40, s3  }
.Ltmp0:
0x1b: {  	(pc) =	sbr.rel @p0 .LBB2_2-.Ltmp0, $2  }
0x1c: {  	_ =	sdelay $0x2  }
0x1d: {  	s5 =	sshra.s32 s5, $0x2  }
0x1e: {  	[tilespmem:s5+$0xA000] =	vst v0  }
0x1f: {  	[spmem:s6] =	stream.linear.scatter [tilespmem:s7], [sflag:$0x16], $0x2800, $0x38;
	[tilespmem:$0xF000] =	vst v63  }
0x20: {  	_ =	swait.ge [sflag:s10], $0x2800  }
0x21: {  	[sflag:s10] =	ssyncset.done $0x0  }
0x22: {  	s3 =	simm.s32 $0x1;
	[sflag:s10] =	ssyncadd.s32 $0xFFFFD800  }
0x23: {  	_ =	swait.ge [sflag:s3], $0x2800  }
0x24: {  	[sflag:s3] =	ssyncset.done $0x0  }
0x25: {  	[sflag:s3] =	ssyncadd.s32 $0xFFFFD800  }
0x26: {  	_ =	swait.ge [sflag:s3], $0x2800  }
0x27: {  	[sflag:s3] =	ssyncset.done $0x0  }
0x28: {  	[sflag:s3] =	ssyncadd.s32 $0xFFFFD800  }
0x29: {  	s19 =	simm.s32 $0x0;
	[bflag:$0x0] =	sbarrier.arrive $0xFFFF  }
0x2a: {  	[tilespmem:s12], [sflag:$0x2] =	stream.indirect.gather [hbm4b:s4+s13], $0x10, s19, s13, $0xb8;
	[tilespmem:$0xF000] =	vst v63  }
0x2b: {  	_ = 	snop  }
0x2c: {  	[tilespmem:s14], [sflag:$0x3] =	stream.indirect.gather [hbm4b:s4+s13], $0x10, s13, s13, $0xb8;
	[tilespmem:$0xF000] =	vst v63  }
0x2d: {  	s20 =	simm.s32 $0x100  }
0x2e: {  	[tilespmem:s15], [sflag:$0x4] =	stream.indirect.gather [hbm4b:s4+s13], $0x10, s20, s13, $0xb8;
	[tilespmem:$0xF000] =	vst v63  }
0x2f: {  	s21 =	simm.s32 $0x180  }
0x30: {  	[tilespmem:s17], [sflag:$0x5] =	stream.indirect.gather [hbm4b:s4+s13], $0x10, s21, s13, $0xb8;
	[tilespmem:$0xF000] =	vst v63  }
0x31: {  	s22 =	simm.s32 $0x200;
	s24 =	simm.s32 $0x7000;
	p0 =	por $0x1, $0x1  }
0x32: {  	[tilespmem:s24], [sflag:$0x6] =	stream.indirect.gather [hbm4b:s4+s13], $0x10, s22, s13, $0xb8;
	[tilespmem:$0xF000] =	vst v63  }
0x33: {  	s5 =	simm.s32 $0x280;
	s3 =	simm.s32 @!p0 $0x12  }
0x34: {  	[tilespmem:s23], [sflag:$0x7] =	stream.indirect.gather [hbm4b:s4+s13], $0x10, s5, s13, $0xb8;
	[tilespmem:$0xF000] =	vst v63  }
0x35: {  	_ =	swait.ge @!p0 [sflag:s3], $0x800  }
0x36: {  	[sflag:s3] =	ssyncset.done @!p0 $0x0  }
0x37: {  	s7 =	simm.s32 $0x300;
	s6 =	rddreg [dreg:$0x3];
	[sflag:s3] =	ssyncadd.s32 @!p0 $0xFFFFF800  }
0x38: {  	[tilespmem:s6], [sflag:$0x8] =	stream.indirect.gather [hbm4b:s4+s13], $0x10, s7, s13, $0xb8;
	[tilespmem:$0xF000] =	vst v63  }
0x39: {  	_ =	swait.ge [sflag:s25], $0x800  }
0x3a: {  	[sflag:s25] =	ssyncset.done $0x0  }
0x3b: {  	s8 =	simm.s32 $0x2800;
	s5 =	simm.s32 @!p0 $0x13;
	[sflag:s25] =	ssyncadd.s32 $0xFFFFF800  }
0x3c: {  	[spmem:s1] =	stream.indirect.scatter.add.f32 [tilespmem:s12], [sflag:$0xC], $0x10, s8, s13, $0xb8;
	[tilespmem:$0xF000] =	vst v63  }
0x3d: {  	_ =	swait.ge @!p0 [sflag:s5], $0x800  }
0x3e: {  	[sflag:s5] =	ssyncset.done @!p0 $0x0  }
0x3f: {  	s10 =	simm.s32 $0x380;
	[sflag:s5] =	ssyncadd.s32 @!p0 $0xFFFFF800  }
0x40: {  	[tilespmem:s26], [sflag:$0x9] =	stream.indirect.gather [hbm4b:s4+s13], $0x10, s10, s13, $0xb8;
	[tilespmem:$0xF000] =	vst v63  }
0x41: {  	_ =	swait.ge [sflag:s28], $0x800  }
0x42: {  	[sflag:s28] =	ssyncset.done $0x0  }
0x43: {  	s11 =	simm.s32 $0x2880;
	s5 =	simm.s32 @!p0 $0x14;
	[sflag:s28] =	ssyncadd.s32 $0xFFFFF800  }
0x44: {  	[spmem:s1] =	stream.indirect.scatter.add.f32 [tilespmem:s14], [sflag:$0xD], $0x10, s11, s13, $0xb8;
	[tilespmem:$0xF000] =	vst v63  }
0x45: {  	_ =	swait.ge @!p0 [sflag:s5], $0x800  }
0x46: {  	[sflag:s5] =	ssyncset.done @!p0 $0x0  }
0x47: {  	s18 =	simm.s32 $0x400;
	s16 =	rddreg [dreg:$0x4];
	[sflag:s5] =	ssyncadd.s32 @!p0 $0xFFFFF800  }
0x48: {  	[tilespmem:s16], [sflag:$0xA] =	stream.indirect.gather [hbm4b:s4+s13], $0x10, s18, s13, $0xb8;
	[tilespmem:$0xF000] =	vst v63  }
0x49: {  	_ =	swait.ge [sflag:s29], $0x800  }
0x4a: {  	[sflag:s29] =	ssyncset.done $0x0  }
0x4b: {  	s19 =	simm.s32 $0x2900;
	s5 =	simm.s32 @!p0 $0x15;
	[sflag:s29] =	ssyncadd.s32 $0xFFFFF800  }
0x4c: {  	[spmem:s1] =	stream.indirect.scatter.add.f32 [tilespmem:s15], [sflag:$0xE], $0x10, s19, s13, $0xb8;
	[tilespmem:$0xF000] =	vst v63  }
0x4d: {  	_ =	swait.ge @!p0 [sflag:s5], $0x800  }
0x4e: {  	[sflag:s5] =	ssyncset.done @!p0 $0x0  }
0x4f: {  	s20 =	simm.s32 $0x480;
	[sflag:s5] =	ssyncadd.s32 @!p0 $0xFFFFF800  }
0x50: {  	[tilespmem:s30], [sflag:$0xB] =	stream.indirect.gather [hbm4b:s4+s13], $0x10, s20, s13, $0xb8;
	[tilespmem:$0xF000] =	vst v63  }
0x51: {  	_ =	swait.ge [sflag:s31], $0x800  }
0x52: {  	p0 =	por $0x0, $0x0;
	[sflag:s31] =	ssyncset.done $0x0  }
0x53: {  	s21 =	simm.s32 $0x2980;
	s6 =	simm.s32 @p0 $0x6;
	[sflag:s31] =	ssyncadd.s32 $0xFFFFF800  }
0x54: {  	[spmem:s1] =	stream.indirect.scatter.add.f32 [tilespmem:s17], [sflag:$0xF], $0x10, s21, s13, $0xb8;
	[tilespmem:$0xF000] =	vst v63  }
0x55: {  	_ =	swait.ge @p0 [sflag:s6], $0x800  }
0x56: {  	s3 =	simm.s32 @p0 $0x2A00;
	s5 =	simm.s32 @p0 $0x80;
	[sflag:s6] =	ssyncset.done @p0 $0x0  }
0x57: {  	s7 =	simm.s32 @p0 $0x7000;
	[sflag:s6] =	ssyncadd.s32 @p0 $0xFFFFF800;
	s6 =	simm.s32 @!p0 $0xC  }
0x58: {  	[spmem:s1] =	stream.indirect.scatter.add.f32 @p0 [tilespmem:s7], [sflag:$0x10], $0x10, s3, s5, $0xb8;
	[tilespmem:$0xF000] =	vst v63  }
0x59: {  	_ =	swait.ge @!p0 [sflag:s6], $0x800  }
0x5a: {  	s8 =	simm.s32 @!p0 $0x5000;
	s7 =	simm.s32 @!p0 $0x500;
	[sflag:s6] =	ssyncset.done @!p0 $0x0  }
0x5b: {  	s3 =	simm.s32 @!p0 $0x80;
	[sflag:s6] =	ssyncadd.s32 @!p0 $0xFFFFF800;
	s6 =	simm.s32 @!p0 $0x6  }
0x5c: {  	[tilespmem:s8], [sflag:$0x2] =	stream.indirect.gather @!p0 [hbm4b:s4+s3], $0x10, s7, s3, $0xb8;
	[tilespmem:$0xF000] =	vst v63  }
0x5d: {  	_ =	swait.ge @!p0 [sflag:s6], $0x800  }
0x5e: {  	s7 =	simm.s32 @!p0 $0x2A00;
	[sflag:s6] =	ssyncset.done @!p0 $0x0  }
0x5f: {  	s8 =	simm.s32 @!p0 $0x7000;
	[sflag:s6] =	ssyncadd.s32 @!p0 $0xFFFFF800;
	s6 =	simm.s32 @!p0 $0xD  }
0x60: {  	[spmem:s1] =	stream.indirect.scatter.add.f32 @!p0 [tilespmem:s8], [sflag:$0x10], $0x10, s7, s3, $0xb8;
	[tilespmem:$0xF000] =	vst v63  }
0x61: {  	_ =	swait.ge @!p0 [sflag:s6], $0x800  }
0x62: {  	[sflag:s6] =	ssyncset.done @!p0 $0x0  }
0x63: {  	s7 =	simm.s32 @!p0 $0x580;
	[sflag:s6] =	ssyncadd.s32 @!p0 $0xFFFFF800;
	s6 =	simm.s32 @!p0 $0x5800  }
0x64: {  	[tilespmem:s6], [sflag:$0x3] =	stream.indirect.gather @!p0 [hbm4b:s4+s3], $0x10, s7, s3, $0xb8;
	[tilespmem:$0xF000] =	vst v63  }
0x65: {  	_ =	swait.ge [sflag:s0], $0x800  }
0x66: {  	[sflag:s0] =	ssyncset.done $0x0  }
0x67: {  	s22 =	simm.s32 $0x2A80;
	s7 =	simm.s32 @p0 $0x8;
	[sflag:s0] =	ssyncadd.s32 $0xFFFFF800  }
0x68: {  	[spmem:s1] =	stream.indirect.scatter.add.f32 [tilespmem:s23], [sflag:$0x11], $0x10, s22, s13, $0xb8;
	[tilespmem:$0xF000] =	vst v63  }
0x69: {  	_ =	swait.ge @p0 [sflag:s7], $0x800  }
0x6a: {  	[sflag:s7] =	ssyncset.done @p0 $0x0  }
0x6b: {  	s6 =	simm.s32 @p0 $0x2B00;
	[sflag:s7] =	ssyncadd.s32 @p0 $0xFFFFF800;
	s7 =	simm.s32 @p0 $0x8000  }
0x6c: {  	[spmem:s1] =	stream.indirect.scatter.add.f32 @p0 [tilespmem:s7], [sflag:$0x12], $0x10, s6, s5, $0xb8;
	[tilespmem:$0xF000] =	vst v63  }
0x6d: {  	s6 =	simm.s32 @!p0 $0xE  }
0x6e: {  	_ =	swait.ge @!p0 [sflag:s6], $0x800  }
0x6f: {  	[sflag:s6] =	ssyncset.done @!p0 $0x0  }
0x70: {  	s7 =	simm.s32 @!p0 $0x600;
	[sflag:s6] =	ssyncadd.s32 @!p0 $0xFFFFF800;
	s6 =	simm.s32 @!p0 $0x6000  }
0x71: {  	[tilespmem:s6], [sflag:$0x4] =	stream.indirect.gather @!p0 [hbm4b:s4+s3], $0x10, s7, s3, $0xb8;
	[tilespmem:$0xF000] =	vst v63  }
0x72: {  	s6 =	simm.s32 @!p0 $0x8  }
0x73: {  	_ =	swait.ge @!p0 [sflag:s6], $0x800  }
0x74: {  	[sflag:s6] =	ssyncset.done @!p0 $0x0  }
0x75: {  	s7 =	simm.s32 @!p0 $0x2B00;
	[sflag:s6] =	ssyncadd.s32 @!p0 $0xFFFFF800;
	s6 =	simm.s32 @!p0 $0x8000  }
0x76: {  	[spmem:s1] =	stream.indirect.scatter.add.f32 @!p0 [tilespmem:s6], [sflag:$0x12], $0x10, s7, s3, $0xb8;
	[tilespmem:$0xF000] =	vst v63  }
0x77: {  	s6 =	simm.s32 @!p0 $0xF  }
0x78: {  	_ =	swait.ge @!p0 [sflag:s6], $0x800  }
0x79: {  	[sflag:s6] =	ssyncset.done @!p0 $0x0  }
0x7a: {  	s7 =	simm.s32 @!p0 $0x680;
	[sflag:s6] =	ssyncadd.s32 @!p0 $0xFFFFF800;
	s6 =	simm.s32 @!p0 $0x6800  }
0x7b: {  	[tilespmem:s6], [sflag:$0x5] =	stream.indirect.gather @!p0 [hbm4b:s4+s3], $0x10, s7, s3, $0xb8;
	[tilespmem:$0xF000] =	vst v63  }
0x7c: {  	_ =	swait.ge [sflag:s2], $0x800  }
0x7d: {  	[sflag:s2] =	ssyncset.done $0x0  }
0x7e: {  	s24 =	simm.s32 $0x2B80;
	s7 =	simm.s32 @p0 $0xA;
	[sflag:s2] =	ssyncadd.s32 $0xFFFFF800  }
0x7f: {  	[spmem:s1] =	stream.indirect.scatter.add.f32 [tilespmem:s26], [sflag:$0x13], $0x10, s24, s13, $0xb8;
	[tilespmem:$0xF000] =	vst v63  }
0x80: {  	_ =	swait.ge @p0 [sflag:s7], $0x800  }
0x81: {  	[sflag:s7] =	ssyncset.done @p0 $0x0  }
0x82: {  	s6 =	simm.s32 @p0 $0x2C00;
	[sflag:s7] =	ssyncadd.s32 @p0 $0xFFFFF800;
	s7 =	simm.s32 @p0 $0x9000  }
0x83: {  	[spmem:s1] =	stream.indirect.scatter.add.f32 @p0 [tilespmem:s7], [sflag:$0x14], $0x10, s6, s5, $0xb8;
	[tilespmem:$0xF000] =	vst v63  }
0x84: {  	s5 =	simm.s32 @!p0 $0x10  }
0x85: {  	_ =	swait.ge @!p0 [sflag:s5], $0x800  }
0x86: {  	[sflag:s5] =	ssyncset.done @!p0 $0x0  }
0x87: {  	[sflag:s5] =	ssyncadd.s32 @!p0 $0xFFFFF800;
	s5 =	simm.s32 @!p0 $0x700  }
0x88: {  	[tilespmem:s8], [sflag:$0x6] =	stream.indirect.gather @!p0 [hbm4b:s4+s3], $0x10, s5, s3, $0xb8;
	[tilespmem:$0xF000] =	vst v63  }
0x89: {  	s5 =	simm.s32 @!p0 $0xA  }
0x8a: {  	_ =	swait.ge @!p0 [sflag:s5], $0x800  }
0x8b: {  	[sflag:s5] =	ssyncset.done @!p0 $0x0  }
0x8c: {  	s6 =	simm.s32 @!p0 $0x2C00;
	[sflag:s5] =	ssyncadd.s32 @!p0 $0xFFFFF800;
	s5 =	simm.s32 @!p0 $0x9000  }
0x8d: {  	[spmem:s1] =	stream.indirect.scatter.add.f32 @!p0 [tilespmem:s5], [sflag:$0x14], $0x10, s6, s3, $0xb8;
	[tilespmem:$0xF000] =	vst v63  }
0x8e: {  	s5 =	simm.s32 @!p0 $0x11  }
0x8f: {  	_ =	swait.ge @!p0 [sflag:s5], $0x800  }
0x90: {  	p1 =	por $0x0, $0x0;
	s16 =	simm.s32 $0x1400;
	[sflag:s5] =	ssyncset.done @!p0 $0x0  }
0x91: {  	s6 =	simm.s32 @!p0 $0x780;
	[sflag:s5] =	ssyncadd.s32 @!p0 $0xFFFFF800;
	s5 =	simm.s32 @!p0 $0x7800  }
0x92: {  	[tilespmem:s5], [sflag:$0x7] =	stream.indirect.gather @!p0 [hbm4b:s4+s3], $0x10, s6, s3, $0xb8;
	[tilespmem:$0xF000] =	vst v63  }
0x93: {  	s18 =	simm.s32 $0x2800;
	s3 =	simm.s32 $0x2C80;
	_ =	swait.ge [sflag:s9], $0x800  }
.LBB2_4:
0x94: {  	[sflag:s9] =	ssyncset.done $0x0  }
0x95: {  	s5 =	simm.s32 @!p1 $0x12;
	[sflag:s9] =	ssyncadd.s32 $0xFFFFF800  }
0x96: {  	[spmem:s1] =	stream.indirect.scatter.add.f32 [tilespmem:s30], [sflag:$0x15], $0x10, s3, s13, $0xb8;
	[tilespmem:$0xF000] =	vst v63  }
0x97: {  	_ =	swait.ge @!p1 [sflag:s5], $0x800  }
0x98: {  	s20 =	sshra.s32 s16, $0x2;
	[sflag:s5] =	ssyncset.done @!p1 $0x0  }
0x99: {  	s24 =	sadd.s32 $0x300, s20;
	s22 =	rddreg [dreg:$0x3];
	[sflag:s5] =	ssyncadd.s32 @!p1 $0xFFFFF800  }
0x9a: {  	[tilespmem:s22], [sflag:$0x8] =	stream.indirect.gather [hbm4b:s4+s13], $0x10, s24, s13, $0xb8;
	[tilespmem:$0xF000] =	vst v63  }
0x9b: {  	_ =	swait.ge [sflag:s25], $0x800  }
0x9c: {  	[sflag:s25] =	ssyncset.done $0x0  }
0x9d: {  	s6 =	sadd.s32 $0x2800, s20;
	s5 =	simm.s32 @!p1 $0x13;
	[sflag:s25] =	ssyncadd.s32 $0xFFFFF800  }
0x9e: {  	[spmem:s1] =	stream.indirect.scatter.add.f32 [tilespmem:s12], [sflag:$0xC], $0x10, s6, s13, $0xb8;
	[tilespmem:$0xF000] =	vst v63  }
0x9f: {  	_ =	swait.ge @!p1 [sflag:s5], $0x800  }
0xa0: {  	[sflag:s5] =	ssyncset.done @!p1 $0x0  }
0xa1: {  	s7 =	sadd.s32 $0x380, s20;
	[sflag:s5] =	ssyncadd.s32 @!p1 $0xFFFFF800  }
0xa2: {  	[tilespmem:s26], [sflag:$0x9] =	stream.indirect.gather [hbm4b:s4+s13], $0x10, s7, s13, $0xb8;
	[tilespmem:$0xF000] =	vst v63  }
0xa3: {  	_ =	swait.ge [sflag:s28], $0x800  }
0xa4: {  	[sflag:s28] =	ssyncset.done $0x0  }
0xa5: {  	s8 =	sadd.s32 $0x2880, s20;
	s5 =	simm.s32 @!p1 $0x14;
	[sflag:s28] =	ssyncadd.s32 $0xFFFFF800  }
0xa6: {  	[spmem:s1] =	stream.indirect.scatter.add.f32 [tilespmem:s14], [sflag:$0xD], $0x10, s8, s13, $0xb8;
	[tilespmem:$0xF000] =	vst v63  }
0xa7: {  	_ =	swait.ge @!p1 [sflag:s5], $0x800  }
0xa8: {  	[sflag:s5] =	ssyncset.done @!p1 $0x0  }
0xa9: {  	s11 =	sadd.s32 $0x400, s20;
	s10 =	rddreg [dreg:$0x4];
	[sflag:s5] =	ssyncadd.s32 @!p1 $0xFFFFF800  }
0xaa: {  	[tilespmem:s10], [sflag:$0xA] =	stream.indirect.gather [hbm4b:s4+s13], $0x10, s11, s13, $0xb8;
	[tilespmem:$0xF000] =	vst v63  }
0xab: {  	_ =	swait.ge [sflag:s29], $0x800  }
0xac: {  	[sflag:s29] =	ssyncset.done $0x0  }
0xad: {  	s12 =	sadd.s32 $0x2900, s20;
	s5 =	simm.s32 @!p1 $0x15;
	[sflag:s29] =	ssyncadd.s32 $0xFFFFF800  }
0xae: {  	[spmem:s1] =	stream.indirect.scatter.add.f32 [tilespmem:s15], [sflag:$0xE], $0x10, s12, s13, $0xb8;
	[tilespmem:$0xF000] =	vst v63  }
0xaf: {  	_ =	swait.ge @!p1 [sflag:s5], $0x800  }
0xb0: {  	[sflag:s5] =	ssyncset.done @!p1 $0x0  }
0xb1: {  	s14 =	sadd.s32 $0x480, s20;
	[sflag:s5] =	ssyncadd.s32 @!p1 $0xFFFFF800  }
0xb2: {  	[tilespmem:s30], [sflag:$0xB] =	stream.indirect.gather [hbm4b:s4+s13], $0x10, s14, s13, $0xb8;
	[tilespmem:$0xF000] =	vst v63  }
0xb3: {  	_ =	swait.ge [sflag:s31], $0x800  }
0xb4: {  	p1 =	seq.s32 s16, $0x8C00;
	[sflag:s31] =	ssyncset.done $0x0  }
0xb5: {  	s15 =	sadd.s32 $0x2980, s20;
	s6 =	simm.s32 @p1 $0x6;
	[sflag:s31] =	ssyncadd.s32 $0xFFFFF800  }
0xb6: {  	[spmem:s1] =	stream.indirect.scatter.add.f32 [tilespmem:s17], [sflag:$0xF], $0x10, s15, s13, $0xb8;
	[tilespmem:$0xF000] =	vst v63  }
0xb7: {  	s7 =	sshra.s32 @p1 s16, $0x2;
	_ =	swait.ge @p1 [sflag:s6], $0x800  }
0xb8: {  	s5 =	simm.s32 @p1 $0x80;
	s8 =	simm.s32 @p1 $0x7000;
	[sflag:s6] =	ssyncset.done @p1 $0x0  }
0xb9: {  	s3 =	sadd.s32 @p1 $0x2A00, s7;
	[sflag:s6] =	ssyncadd.s32 @p1 $0xFFFFF800;
	s6 =	simm.s32 @!p1 $0xC  }
0xba: {  	[spmem:s1] =	stream.indirect.scatter.add.f32 @p1 [tilespmem:s8], [sflag:$0x10], $0x10, s3, s5, $0xb8;
	[tilespmem:$0xF000] =	vst v63  }
0xbb: {  	s16 =	sshra.s32 @!p1 s16, $0x2;
	_ =	swait.ge @!p1 [sflag:s6], $0x800  }
0xbc: {  	s22 =	simm.s32 @!p1 $0x80;
	s11 =	sadd.s32 @!p1 $0x500, s16;
	[sflag:s6] =	ssyncset.done @!p1 $0x0  }
0xbd: {  	s8 =	simm.s32 @!p1 $0x5000;
	[sflag:s6] =	ssyncadd.s32 @!p1 $0xFFFFF800;
	s6 =	simm.s32 @!p1 $0x6  }
0xbe: {  	[tilespmem:s8], [sflag:$0x2] =	stream.indirect.gather @!p1 [hbm4b:s4+s22], $0x10, s11, s22, $0xb8;
	[tilespmem:$0xF000] =	vst v63  }
0xbf: {  	_ =	swait.ge @!p1 [sflag:s6], $0x800  }
0xc0: {  	s17 =	simm.s32 @!p1 $0xD;
	[sflag:s6] =	ssyncset.done @!p1 $0x0  }
0xc1: {  	s3 =	sadd.s32 @!p1 $0x2A00, s16;
	s8 =	simm.s32 @!p1 $0x7000;
	[sflag:s6] =	ssyncadd.s32 @!p1 $0xFFFFF800  }
0xc2: {  	[spmem:s1] =	stream.indirect.scatter.add.f32 @!p1 [tilespmem:s8], [sflag:$0x10], $0x10, s3, s22, $0xb8;
	[tilespmem:$0xF000] =	vst v63  }
0xc3: {  	_ =	swait.ge @!p1 [sflag:s17], $0x800  }
0xc4: {  	[sflag:s17] =	ssyncset.done @!p1 $0x0  }
0xc5: {  	s19 =	simm.s32 @!p1 $0x5800;
	s10 =	sadd.s32 @!p1 $0x580, s16;
	[sflag:s17] =	ssyncadd.s32 @!p1 $0xFFFFF800  }
0xc6: {  	[tilespmem:s19], [sflag:$0x3] =	stream.indirect.gather @!p1 [hbm4b:s4+s22], $0x10, s10, s22, $0xb8;
	[tilespmem:$0xF000] =	vst v63  }
0xc7: {  	_ =	swait.ge [sflag:s0], $0x800  }
0xc8: {  	[sflag:s0] =	ssyncset.done $0x0  }
0xc9: {  	s17 =	simm.s32 @p1 $0x8;
	s19 =	sadd.s32 $0x2A80, s20;
	[sflag:s0] =	ssyncadd.s32 $0xFFFFF800  }
0xca: {  	[spmem:s1] =	stream.indirect.scatter.add.f32 [tilespmem:s23], [sflag:$0x11], $0x10, s19, s13, $0xb8;
	[tilespmem:$0xF000] =	vst v63  }
0xcb: {  	_ =	swait.ge @p1 [sflag:s17], $0x800  }
0xcc: {  	s14 =	sadd.s32 @p1 $0x2B00, s7;
	[sflag:s17] =	ssyncset.done @p1 $0x0  }
0xcd: {  	s10 =	simm.s32 @p1 $0x8000;
	[sflag:s17] =	ssyncadd.s32 @p1 $0xFFFFF800;
	s17 =	simm.s32 @!p1 $0xE  }
0xce: {  	[spmem:s1] =	stream.indirect.scatter.add.f32 @p1 [tilespmem:s10], [sflag:$0x12], $0x10, s14, s5, $0xb8;
	[tilespmem:$0xF000] =	vst v63  }
0xcf: {  	_ =	swait.ge @!p1 [sflag:s17], $0x800  }
0xd0: {  	s15 =	sadd.s32 @!p1 $0x600, s16;
	[sflag:s17] =	ssyncset.done @!p1 $0x0  }
0xd1: {  	s10 =	simm.s32 @!p1 $0x6000;
	s14 =	simm.s32 @!p1 $0x8;
	[sflag:s17] =	ssyncadd.s32 @!p1 $0xFFFFF800  }
0xd2: {  	[tilespmem:s10], [sflag:$0x4] =	stream.indirect.gather @!p1 [hbm4b:s4+s22], $0x10, s15, s22, $0xb8;
	[tilespmem:$0xF000] =	vst v63  }
0xd3: {  	_ =	swait.ge @!p1 [sflag:s14], $0x800  }
0xd4: {  	s11 =	sadd.s32 @!p1 $0x2B00, s16;
	[sflag:s14] =	ssyncset.done @!p1 $0x0  }
0xd5: {  	s10 =	simm.s32 @!p1 $0x8000;
	[sflag:s14] =	ssyncadd.s32 @!p1 $0xFFFFF800;
	s14 =	simm.s32 @!p1 $0xF  }
0xd6: {  	[spmem:s1] =	stream.indirect.scatter.add.f32 @!p1 [tilespmem:s10], [sflag:$0x12], $0x10, s11, s22, $0xb8;
	[tilespmem:$0xF000] =	vst v63  }
0xd7: {  	_ =	swait.ge @!p1 [sflag:s14], $0x800  }
0xd8: {  	s21 =	smov.u32 s18;
	[sflag:s14] =	ssyncset.done @!p1 $0x0  }
0xd9: {  	s12 =	sadd.s32 @!p1 $0x680, s16;
	s10 =	simm.s32 @!p1 $0x6800;
	[sflag:s14] =	ssyncadd.s32 @!p1 $0xFFFFF800  }
0xda: {  	[tilespmem:s10], [sflag:$0x5] =	stream.indirect.gather @!p1 [hbm4b:s4+s22], $0x10, s12, s22, $0xb8;
	[tilespmem:$0xF000] =	vst v63  }
0xdb: {  	s24 =	sadd.s32 @!p1 $0x2C00, s16;
	s6 =	sadd.s32 @!p1 $0x780, s16;
	_ =	swait.ge [sflag:s2], $0x800  }
0xdc: {  	s3 =	sadd.s32 @!p1 $0x700, s16;
	s16 =	smov.u32 s21;
	[sflag:s2] =	ssyncset.done $0x0  }
0xdd: {  	s21 =	sadd.s32 $0x2B80, s20;
	s11 =	simm.s32 @p1 $0xA;
	[sflag:s2] =	ssyncadd.s32 $0xFFFFF800  }
0xde: {  	[spmem:s1] =	stream.indirect.scatter.add.f32 [tilespmem:s26], [sflag:$0x13], $0x10, s21, s13, $0xb8;
	[tilespmem:$0xF000] =	vst v63  }
0xdf: {  	_ =	swait.ge @p1 [sflag:s11], $0x800  }
0xe0: {  	s7 =	sadd.s32 @p1 $0x2C00, s7;
	[sflag:s11] =	ssyncset.done @p1 $0x0  }
0xe1: {  	s10 =	simm.s32 @p1 $0x9000;
	[sflag:s11] =	ssyncadd.s32 @p1 $0xFFFFF800;
	s11 =	simm.s32 @!p1 $0x10  }
0xe2: {  	[spmem:s1] =	stream.indirect.scatter.add.f32 @p1 [tilespmem:s10], [sflag:$0x14], $0x10, s7, s5, $0xb8;
	[tilespmem:$0xF000] =	vst v63  }
0xe3: {  	_ =	swait.ge @!p1 [sflag:s11], $0x800  }
0xe4: {  	[sflag:s11] =	ssyncset.done @!p1 $0x0  }
0xe5: {  	s5 =	simm.s32 @!p1 $0xA;
	[sflag:s11] =	ssyncadd.s32 @!p1 $0xFFFFF800  }
0xe6: {  	[tilespmem:s8], [sflag:$0x6] =	stream.indirect.gather @!p1 [hbm4b:s4+s22], $0x10, s3, s22, $0xb8;
	[tilespmem:$0xF000] =	vst v63  }
0xe7: {  	s18 =	sadd.s32 $0x1400, s18;
	_ =	swait.ge @!p1 [sflag:s5], $0x800  }
0xe8: {  	p0 =	sne.s32 s18, $0xA000;
	[sflag:s5] =	ssyncset.done @!p1 $0x0  }
0xe9: {  	s3 =	simm.s32 @!p1 $0x9000;
	[sflag:s5] =	ssyncadd.s32 @!p1 $0xFFFFF800;
	s5 =	simm.s32 @!p1 $0x11  }
0xea: {  	[spmem:s1] =	stream.indirect.scatter.add.f32 @!p1 [tilespmem:s3], [sflag:$0x14], $0x10, s24, s22, $0xb8;
	[tilespmem:$0xF000] =	vst v63  }
.Ltmp1:
0xeb: {  	s17 =	simm.s32 $0x6800;
	_ =	swait.ge @!p1 [sflag:s5], $0x800;
	(pc) =	sbr.rel @p0 .LBB2_4-.Ltmp1, $4  }
0xec: {  	s15 =	simm.s32 $0x6000;
	s14 =	simm.s32 $0x5800;
	[sflag:s5] =	ssyncset.done @!p1 $0x0  }
0xed: {  	s12 =	simm.s32 $0x5000;
	s3 =	simm.s32 @!p1 $0x7800;
	[sflag:s5] =	ssyncadd.s32 @!p1 $0xFFFFF800  }
0xee: {  	[tilespmem:s3], [sflag:$0x7] =	stream.indirect.gather @!p1 [hbm4b:s4+s22], $0x10, s6, s22, $0xb8;
	[tilespmem:$0xF000] =	vst v63  }
0xef: {  	p1 =	seq.s32 s16, $0x0;
	s3 =	sadd.s32 $0x2C80, s20;
	_ =	swait.ge [sflag:s9], $0x800  }
0xf0: {  	[sflag:s9] =	ssyncset.done $0x0  }
0xf1: {  	s5 =	simm.s32 @!p1 $0x12;
	[sflag:s9] =	ssyncadd.s32 $0xFFFFF800  }
0xf2: {  	[spmem:s1] =	stream.indirect.scatter.add.f32 [tilespmem:s30], [sflag:$0x15], $0x10, s3, s13, $0xb8;
	[tilespmem:$0xF000] =	vst v63  }
0xf3: {  	_ =	swait.ge @!p1 [sflag:s5], $0x800  }
0xf4: {  	s18 =	sshra.s32 s16, $0x2;
	[sflag:s5] =	ssyncset.done @!p1 $0x0  }
0xf5: {  	s22 =	sadd.s32 $0x300, s18;
	s21 =	rddreg [dreg:$0x3];
	[sflag:s5] =	ssyncadd.s32 @!p1 $0xFFFFF800  }
0xf6: {  	[tilespmem:s21], [sflag:$0x8] =	stream.indirect.gather [hbm4b:s4+s13], $0x10, s22, s13, $0xb8;
	[tilespmem:$0xF000] =	vst v63  }
0xf7: {  	_ =	swait.ge [sflag:s25], $0x800  }
0xf8: {  	[sflag:s25] =	ssyncset.done $0x0  }
0xf9: {  	s24 =	sadd.s32 $0x2800, s18;
	s5 =	simm.s32 @!p1 $0x13;
	[sflag:s25] =	ssyncadd.s32 $0xFFFFF800  }
0xfa: {  	[spmem:s1] =	stream.indirect.scatter.add.f32 [tilespmem:s12], [sflag:$0xC], $0x10, s24, s13, $0xb8;
	[tilespmem:$0xF000] =	vst v63  }
0xfb: {  	_ =	swait.ge @!p1 [sflag:s5], $0x800  }
0xfc: {  	[sflag:s5] =	ssyncset.done @!p1 $0x0  }
0xfd: {  	s6 =	sadd.s32 $0x380, s18;
	[sflag:s5] =	ssyncadd.s32 @!p1 $0xFFFFF800  }
0xfe: {  	[tilespmem:s26], [sflag:$0x9] =	stream.indirect.gather [hbm4b:s4+s13], $0x10, s6, s13, $0xb8;
	[tilespmem:$0xF000] =	vst v63  }
0xff: {  	_ =	swait.ge [sflag:s28], $0x800  }
0x100: {  	[sflag:s28] =	ssyncset.done $0x0  }
0x101: {  	s7 =	sadd.s32 $0x2880, s18;
	s5 =	simm.s32 @!p1 $0x14;
	[sflag:s28] =	ssyncadd.s32 $0xFFFFF800  }
0x102: {  	[spmem:s1] =	stream.indirect.scatter.add.f32 [tilespmem:s14], [sflag:$0xD], $0x10, s7, s13, $0xb8;
	[tilespmem:$0xF000] =	vst v63  }
0x103: {  	_ =	swait.ge @!p1 [sflag:s5], $0x800  }
0x104: {  	[sflag:s5] =	ssyncset.done @!p1 $0x0  }
0x105: {  	s10 =	sadd.s32 $0x400, s18;
	s8 =	rddreg [dreg:$0x4];
	[sflag:s5] =	ssyncadd.s32 @!p1 $0xFFFFF800  }
0x106: {  	[tilespmem:s8], [sflag:$0xA] =	stream.indirect.gather [hbm4b:s4+s13], $0x10, s10, s13, $0xb8;
	[tilespmem:$0xF000] =	vst v63  }
0x107: {  	_ =	swait.ge [sflag:s29], $0x800  }
0x108: {  	[sflag:s29] =	ssyncset.done $0x0  }
0x109: {  	s11 =	sadd.s32 $0x2900, s18;
	s5 =	simm.s32 @!p1 $0x15;
	[sflag:s29] =	ssyncadd.s32 $0xFFFFF800  }
0x10a: {  	[spmem:s1] =	stream.indirect.scatter.add.f32 [tilespmem:s15], [sflag:$0xE], $0x10, s11, s13, $0xb8;
	[tilespmem:$0xF000] =	vst v63  }
0x10b: {  	_ =	swait.ge @!p1 [sflag:s5], $0x800  }
0x10c: {  	[sflag:s5] =	ssyncset.done @!p1 $0x0  }
0x10d: {  	s19 =	sadd.s32 $0x480, s18;
	[sflag:s5] =	ssyncadd.s32 @!p1 $0xFFFFF800  }
0x10e: {  	[tilespmem:s30], [sflag:$0xB] =	stream.indirect.gather [hbm4b:s4+s13], $0x10, s19, s13, $0xb8;
	[tilespmem:$0xF000] =	vst v63  }
0x10f: {  	_ =	swait.ge [sflag:s31], $0x800  }
0x110: {  	p0 =	seq.s32 s16, $0x8C00;
	[sflag:s31] =	ssyncset.done $0x0  }
0x111: {  	s20 =	sadd.s32 $0x2980, s18;
	s5 =	simm.s32 @p0 $0x6;
	[sflag:s31] =	ssyncadd.s32 $0xFFFFF800  }
0x112: {  	[spmem:s1] =	stream.indirect.scatter.add.f32 [tilespmem:s17], [sflag:$0xF], $0x10, s20, s13, $0xb8;
	[tilespmem:$0xF000] =	vst v63  }
0x113: {  	s6 =	sshra.s32 @p0 s16, $0x2;
	_ =	swait.ge @p0 [sflag:s5], $0x800  }
0x114: {  	s3 =	sadd.s32 @p0 $0x2A00, s6;
	s7 =	simm.s32 @p0 $0x80;
	[sflag:s5] =	ssyncset.done @p0 $0x0  }
0x115: {  	s8 =	simm.s32 @p0 $0x7000;
	s10 =	simm.s32 @!p0 $0xC;
	[sflag:s5] =	ssyncadd.s32 @p0 $0xFFFFF800  }
0x116: {  	[spmem:s1] =	stream.indirect.scatter.add.f32 @p0 [tilespmem:s8], [sflag:$0x10], $0x10, s3, s7, $0xb8;
	[tilespmem:$0xF000] =	vst v63  }
0x117: {  	s11 =	simm.s32 @!p0 $0x5000;
	_ =	swait.ge @!p0 [sflag:s10], $0x800  }
0x118: {  	s5 =	simm.s32 @!p0 $0x80;
	s3 =	sshra.s32 @!p0 s16, $0x2;
	[sflag:s10] =	ssyncset.done @!p0 $0x0  }
0x119: {  	s8 =	sadd.s32 @!p0 $0x500, s3;
	[sflag:s10] =	ssyncadd.s32 @!p0 $0xFFFFF800;
	s10 =	simm.s32 @!p0 $0x6  }
0x11a: {  	[tilespmem:s11], [sflag:$0x2] =	stream.indirect.gather @!p0 [hbm4b:s4+s5], $0x10, s8, s5, $0xb8;
	[tilespmem:$0xF000] =	vst v63  }
0x11b: {  	_ =	swait.ge @!p0 [sflag:s10], $0x800  }
0x11c: {  	s8 =	sadd.s32 @!p0 $0x2A00, s3;
	[sflag:s10] =	ssyncset.done @!p0 $0x0  }
0x11d: {  	s11 =	simm.s32 @!p0 $0x7000;
	[sflag:s10] =	ssyncadd.s32 @!p0 $0xFFFFF800;
	s10 =	simm.s32 @!p0 $0xD  }
0x11e: {  	[spmem:s1] =	stream.indirect.scatter.add.f32 @!p0 [tilespmem:s11], [sflag:$0x10], $0x10, s8, s5, $0xb8;
	[tilespmem:$0xF000] =	vst v63  }
0x11f: {  	_ =	swait.ge @!p0 [sflag:s10], $0x800  }
0x120: {  	[sflag:s10] =	ssyncset.done @!p0 $0x0  }
0x121: {  	s8 =	sadd.s32 @!p0 $0x580, s3;
	[sflag:s10] =	ssyncadd.s32 @!p0 $0xFFFFF800;
	s10 =	simm.s32 @!p0 $0x5800  }
0x122: {  	[tilespmem:s10], [sflag:$0x3] =	stream.indirect.gather @!p0 [hbm4b:s4+s5], $0x10, s8, s5, $0xb8;
	[tilespmem:$0xF000] =	vst v63  }
0x123: {  	_ =	swait.ge [sflag:s0], $0x800  }
0x124: {  	[sflag:s0] =	ssyncset.done $0x0  }
0x125: {  	s21 =	sadd.s32 $0x2A80, s18;
	s10 =	simm.s32 @p0 $0x8;
	[sflag:s0] =	ssyncadd.s32 $0xFFFFF800  }
0x126: {  	[spmem:s1] =	stream.indirect.scatter.add.f32 [tilespmem:s23], [sflag:$0x11], $0x10, s21, s13, $0xb8;
	[tilespmem:$0xF000] =	vst v63  }
0x127: {  	_ =	swait.ge @p0 [sflag:s10], $0x800  }
0x128: {  	[sflag:s10] =	ssyncset.done @p0 $0x0  }
0x129: {  	s8 =	sadd.s32 @p0 $0x2B00, s6;
	[sflag:s10] =	ssyncadd.s32 @p0 $0xFFFFF800;
	s10 =	simm.s32 @p0 $0x8000  }
0x12a: {  	[spmem:s1] =	stream.indirect.scatter.add.f32 @p0 [tilespmem:s10], [sflag:$0x12], $0x10, s8, s7, $0xb8;
	[tilespmem:$0xF000] =	vst v63  }
0x12b: {  	s8 =	simm.s32 @!p0 $0xE  }
0x12c: {  	_ =	swait.ge @!p0 [sflag:s8], $0x800  }
0x12d: {  	[sflag:s8] =	ssyncset.done @!p0 $0x0  }
0x12e: {  	s10 =	sadd.s32 @!p0 $0x600, s3;
	[sflag:s8] =	ssyncadd.s32 @!p0 $0xFFFFF800;
	s8 =	simm.s32 @!p0 $0x6000  }
0x12f: {  	[tilespmem:s8], [sflag:$0x4] =	stream.indirect.gather @!p0 [hbm4b:s4+s5], $0x10, s10, s5, $0xb8;
	[tilespmem:$0xF000] =	vst v63  }
0x130: {  	s8 =	simm.s32 @!p0 $0x8  }
0x131: {  	_ =	swait.ge @!p0 [sflag:s8], $0x800  }
0x132: {  	[sflag:s8] =	ssyncset.done @!p0 $0x0  }
0x133: {  	s10 =	sadd.s32 @!p0 $0x2B00, s3;
	[sflag:s8] =	ssyncadd.s32 @!p0 $0xFFFFF800;
	s8 =	simm.s32 @!p0 $0x8000  }
0x134: {  	[spmem:s1] =	stream.indirect.scatter.add.f32 @!p0 [tilespmem:s8], [sflag:$0x12], $0x10, s10, s5, $0xb8;
	[tilespmem:$0xF000] =	vst v63  }
0x135: {  	s8 =	simm.s32 @!p0 $0xF  }
0x136: {  	_ =	swait.ge @!p0 [sflag:s8], $0x800  }
0x137: {  	[sflag:s8] =	ssyncset.done @!p0 $0x0  }
0x138: {  	s10 =	sadd.s32 @!p0 $0x680, s3;
	[sflag:s8] =	ssyncadd.s32 @!p0 $0xFFFFF800;
	s8 =	simm.s32 @!p0 $0x6800  }
0x139: {  	[tilespmem:s8], [sflag:$0x5] =	stream.indirect.gather @!p0 [hbm4b:s4+s5], $0x10, s10, s5, $0xb8;
	[tilespmem:$0xF000] =	vst v63  }
0x13a: {  	_ =	swait.ge [sflag:s2], $0x800  }
0x13b: {  	[sflag:s2] =	ssyncset.done $0x0  }
0x13c: {  	s22 =	sadd.s32 $0x2B80, s18;
	s8 =	simm.s32 @p0 $0xA;
	[sflag:s2] =	ssyncadd.s32 $0xFFFFF800  }
0x13d: {  	[spmem:s1] =	stream.indirect.scatter.add.f32 [tilespmem:s26], [sflag:$0x13], $0x10, s22, s13, $0xb8;
	[tilespmem:$0xF000] =	vst v63  }
0x13e: {  	_ =	swait.ge @p0 [sflag:s8], $0x800  }
0x13f: {  	[sflag:s8] =	ssyncset.done @p0 $0x0  }
0x140: {  	s6 =	sadd.s32 @p0 $0x2C00, s6;
	[sflag:s8] =	ssyncadd.s32 @p0 $0xFFFFF800;
	s8 =	simm.s32 @p0 $0x9000  }
0x141: {  	[spmem:s1] =	stream.indirect.scatter.add.f32 @p0 [tilespmem:s8], [sflag:$0x14], $0x10, s6, s7, $0xb8;
	[tilespmem:$0xF000] =	vst v63  }
0x142: {  	s6 =	simm.s32 @!p0 $0x10  }
0x143: {  	_ =	swait.ge @!p0 [sflag:s6], $0x800  }
0x144: {  	[sflag:s6] =	ssyncset.done @!p0 $0x0  }
0x145: {  	[sflag:s6] =	ssyncadd.s32 @!p0 $0xFFFFF800;
	s6 =	sadd.s32 @!p0 $0x700, s3  }
0x146: {  	[tilespmem:s11], [sflag:$0x6] =	stream.indirect.gather @!p0 [hbm4b:s4+s5], $0x10, s6, s5, $0xb8;
	[tilespmem:$0xF000] =	vst v63  }
0x147: {  	s6 =	simm.s32 @!p0 $0xA  }
0x148: {  	_ =	swait.ge @!p0 [sflag:s6], $0x800  }
0x149: {  	[sflag:s6] =	ssyncset.done @!p0 $0x0  }
0x14a: {  	s7 =	sadd.s32 @!p0 $0x2C00, s3;
	[sflag:s6] =	ssyncadd.s32 @!p0 $0xFFFFF800;
	s6 =	simm.s32 @!p0 $0x9000  }
0x14b: {  	[spmem:s1] =	stream.indirect.scatter.add.f32 @!p0 [tilespmem:s6], [sflag:$0x14], $0x10, s7, s5, $0xb8;
	[tilespmem:$0xF000] =	vst v63  }
0x14c: {  	s6 =	simm.s32 @!p0 $0x11  }
0x14d: {  	_ =	swait.ge @!p0 [sflag:s6], $0x800  }
0x14e: {  	[sflag:s6] =	ssyncset.done @!p0 $0x0  }
0x14f: {  	s3 =	sadd.s32 @!p0 $0x780, s3;
	[sflag:s6] =	ssyncadd.s32 @!p0 $0xFFFFF800;
	s6 =	simm.s32 @!p0 $0x7800  }
0x150: {  	[tilespmem:s6], [sflag:$0x7] =	stream.indirect.gather @!p0 [hbm4b:s4+s5], $0x10, s3, s5, $0xb8;
	[tilespmem:$0xF000] =	vst v63  }
0x151: {  	_ =	swait.ge [sflag:s9], $0x800  }
0x152: {  	[sflag:s9] =	ssyncset.done $0x0  }
0x153: {  	s24 =	sadd.s32 $0x2C80, s18;
	s5 =	simm.s32 $0xC;
	[sflag:s9] =	ssyncadd.s32 $0xFFFFF800  }
0x154: {  	[spmem:s1] =	stream.indirect.scatter.add.f32 [tilespmem:s30], [sflag:$0x15], $0x10, s24, s13, $0xb8;
	[tilespmem:$0xF000] =	vst v63  }
0x155: {  	_ =	swait.ge [sflag:s5], $0x800  }
0x156: {  	[sflag:s5] =	ssyncset.done $0x0  }
0x157: {  	s6 =	simm.s32 $0xD;
	[sflag:s5] =	ssyncadd.s32 $0xFFFFF800  }
0x158: {  	_ =	swait.ge [sflag:s6], $0x800  }
0x159: {  	[sflag:s6] =	ssyncset.done $0x0  }
0x15a: {  	s7 =	simm.s32 $0xE;
	[sflag:s6] =	ssyncadd.s32 $0xFFFFF800  }
0x15b: {  	_ =	swait.ge [sflag:s7], $0x800  }
0x15c: {  	[sflag:s7] =	ssyncset.done $0x0  }
0x15d: {  	s8 =	simm.s32 $0xF;
	[sflag:s7] =	ssyncadd.s32 $0xFFFFF800  }
0x15e: {  	_ =	swait.ge [sflag:s8], $0x800  }
0x15f: {  	[sflag:s8] =	ssyncset.done $0x0  }
0x160: {  	s10 =	simm.s32 $0x10;
	[sflag:s8] =	ssyncadd.s32 $0xFFFFF800  }
0x161: {  	_ =	swait.ge [sflag:s10], $0x800  }
0x162: {  	[sflag:s10] =	ssyncset.done $0x0  }
0x163: {  	s11 =	simm.s32 $0x11;
	[sflag:s10] =	ssyncadd.s32 $0xFFFFF800  }
0x164: {  	_ =	swait.ge [sflag:s11], $0x800  }
0x165: {  	[sflag:s11] =	ssyncset.done $0x0  }
0x166: {  	s16 =	simm.s32 $0x12;
	[sflag:s11] =	ssyncadd.s32 $0xFFFFF800  }
0x167: {  	_ =	swait.ge [sflag:s16], $0x800  }
0x168: {  	[sflag:s16] =	ssyncset.done $0x0  }
0x169: {  	s18 =	simm.s32 $0x13;
	[sflag:s16] =	ssyncadd.s32 $0xFFFFF800  }
0x16a: {  	_ =	swait.ge [sflag:s18], $0x800  }
0x16b: {  	[sflag:s18] =	ssyncset.done $0x0  }
0x16c: {  	s19 =	simm.s32 $0x14;
	[sflag:s18] =	ssyncadd.s32 $0xFFFFF800  }
0x16d: {  	_ =	swait.ge [sflag:s19], $0x800  }
0x16e: {  	[sflag:s19] =	ssyncset.done $0x0  }
0x16f: {  	s20 =	simm.s32 $0x15;
	[sflag:s19] =	ssyncadd.s32 $0xFFFFF800  }
0x170: {  	_ =	swait.ge [sflag:s20], $0x800  }
0x171: {  	[sflag:s20] =	ssyncset.done $0x0  }
0x172: {  	[sflag:s20] =	ssyncadd.s32 $0xFFFFF800  }
0x173: {  	[bflag:$0x0] =	sbarrier.arrive $0xFFFF  }
0x174: {  	s7 =	simm.s32 $0xA000;
	s10 =	simm.s32 $0x16;
	s6 =	rddreg [dreg:$0x7]  }
0x175: {  	[tilespmem:s7], [sflag:$0x16] =	stream.linear.gather [spmem:s6], $0x2800, $0x38;
	[tilespmem:$0xF000] =	vst v63  }
0x176: {  	_ =	swait.ge [sflag:s10], $0x2800  }
0x177: {  	[sflag:s10] =	ssyncset.done $0x0  }
0x178: {  	s8 =	simm.s32 $0x0;
	s21 =	rddreg [dreg:$0x9];
	[sflag:s10] =	ssyncadd.s32 $0xFFFFD800  }
0x179: {  	[hbm4b:s21+s8] =	stream.linear.scatter [tilespmem:s7], [sflag:$0x16], $0x2800, $0x38;
	[tilespmem:$0xF000] =	vst v63  }
0x17a: {  	_ =	swait.ge [sflag:s10], $0x2800  }
0x17b: {  	s22 =	rddreg [dreg:$0xa]  }
0x17c: {  	s24 =	rddreg [dreg:$0x8];
	s5 =	sadd.s32 $0x1, s22  }
0x17d: {  	p0 =	sne.s32 s5, s24  }
.Ltmp2:
0x17e: {  	_ = 	snop;
	(pc) =	sbr.rel @p0 .LBB2_1-.Ltmp2, $3  }
0x17f: {  	_ =	sdelay $0x1  }
0x180: {  	[sflag:s10] =	ssyncset.done $0x0  }
0x181: {  	[sflag:s10] =	ssyncadd.s32 $0xFFFFD800  }
0x182: {  	_ =	sfence.sel $0x180000  }
0x183: {  	[bflag:$0x0] =	sbarrier.arrive $0xFFFF  }
0x184: {  	_ =	strace $0x9000004D  }
0x185: {  	s0 =	stileid.u32;
	[bflag:$0x2] =	sbarrier.arrive $0xFFFF  }
0x186: {  	p0 =	sne.s32 s0, $0x0;
	s0 =	rddreg [dreg:$0x2]  }
0x187: {  	s0 =	sadd.s32 @!p0 $0x100000, s0  }
0x188: {  	[sflag:s0] =	ssyncadd.tile.s32 @!p0 $0x1;
	_ =	shalt  }
.Lfunc_end2:
_tile_overlayer_lowered:
.L_overlay_start_2:
0x189: {  	(tag) =	ssettag $0x2  }
0x18a: {  	s0 =	rddreg [dreg:$0x0];
	s2 =	stileid.u32  }
0x18b: {  	s1 =	rddreg [dreg:$0x1];
	p0 =	sne.s32 s2, $0x0  }
0x18c: {  	s3 =	rddreg [dreg:$0x2];
	[bflag:$0x3] =	sbarrier.arrive $0xFFFF;
	s2 =	simm.s32 @!p0 $0x1C16  }
0x18d: {  	[timem:s3], [sflag:s2] =	dma.local @!p0 [hbm:s0], s1  }
0x18e: {  	s0 =	simm.s32 @!p0 $0x16  }
0x18f: {  	_ =	swait.ge @!p0 [sflag:s0], s1  }
0x190: {  	s1 =	ssub.s32 @!p0 $0x0, s1;
	[sflag:s0] =	ssyncset.done @!p0 $0x0  }
0x191: {  	[sflag:s0] =	ssyncadd.s32 @!p0 s1  }
0x192: {  	[bflag:$0x3] =	sbarrier.arrive $0xFFFF  }
0x193: {  	_ =	shalt  }

// kernel: kernel.9.cloned.1.call-start
scs
__scs_entry_jumppad:
0x0: {  	(pc) =	sbr.rel $0x88, $3  }
0x1: {  	(tag) =	ssettag $0x0;
	lr =	simm.s32 $0x1  }
0x2: {  	[smem:$0x3F9B] =	sst lr;
	_ =	strace $0xD0000000  }
0x3: {  	_ = 	snop  }
0x4: {  	_ = 	snop  }
0x5: {  	_ = 	snop  }
0x6: {  	_ = 	snop  }
0x7: {  	_ = 	snop  }
__scs_overlays_trampoline_lowered:
0x8: {  	[smem:$0x3FAA] =	sst s0  }
0x9: {  	[smem:$0x3FAB] =	sst s1  }
0xa: {  	[smem:$0x3FAC] =	sst s2  }
0xb: {  	[smem:$0x3FAD] =	sst s3  }
0xc: {  	[smem:$0x3FAE] =	sst s4  }
0xd: {  	[smem:$0x3FAF] =	sst s5  }
0xe: {  	[smem:$0x3FB0] =	sst s6  }
0xf: {  	[smem:$0x3FB1] =	sst s7  }
0x10: {  	[smem:$0x3FB2] =	sst s8  }
0x11: {  	[smem:$0x3FB3] =	sst s9;
	s0 =	simm.s32 @!p0 $0x0  }
0x12: {  	s1 =	sld [smem:$0x3F99];
	s0 =	simm.s32 @p0 $0x1  }
0x13: {  	[smem:$0x3FB4] =	sst s0;
	s0 =	simm.s32 @!p1 $0x0  }
0x14: {  	s2 =	sld [smem:$0x3F98];
	s0 =	simm.s32 @p1 $0x1  }
0x15: {  	[smem:$0x3FB5] =	sst s0;
	s0 =	simm.s32 @!p2 $0x0  }
0x16: {  	s3 =	sld [smem:$0x3FDB];
	s0 =	simm.s32 @p2 $0x1  }
0x17: {  	s4 =	simm.s32 $0x1BF5;
	[smem:$0x3FB7] =	sst s0  }
0x18: {  	s0 =	sld [smem:$0x3F9A];
	_ =	swait.ge [sflag:s4], $0x0  }
0x19: {  	s7 =	sld [smem:$0x3F9B]  }
0x1a: {  	s8 =	sadd.s32 $0xFFFFE003, lr  }
0x1b: {  	s9 =	sadd.s32 $0xFFFFFEF7, lr;
	s5 =	simm.s32 $0xFFFFFFFF;
	p2 =	slt.u32 s8, $0xFFFFF086  }
0x1c: {  	p1 =	slt.u32 s9, $0xF7A;
	s5 =	simm.s32 @!p2 $0x0  }
0x1d: {  	s5 =	simm.s32 @p1 $0x1;
	p0 =	seq.s32 s7, s2  }
0x1e: {  	s7 =	smul.u32 @!p0 $0xF7A, s2;
	p2 =	seq.s32 @!p0 s5, $0x0  }
0x1f: {  	s9 =	smul.u32 $0xF7A, s1;
	s8 =	simm.s32 @!p0 $0x1BF5;
	p2 =	por !p2, p0  }
0x20: {  	[sflag:s8] =	ssyncset.s32 @!p0 $0xFFFFF086;
	s6 =	sadd.s32 @!p0 s3, s7;
	s7 =	simm.s32 @!p0 $0x108  }
0x21: {  	s3 =	sadd.s32 s3, s9;
	s6 =	sadd.s32 @!p0 $0x88, s6;
	s7 =	simm.s32 @p2 $0x1082  }
0x22: {  	[simem:s7], [sflag:s8] =	dma.local @!p0 [hbm:s6], $0xF7A  }
0x23: {  	s9 =	sor.u32 $0xD0000000, s2;
	s6 =	simm.s32 $0x108;
	_ =	swait.ge @!p0 [sflag:s8], $0x0  }
0x24: {  	s3 =	sadd.s32 $0x88, s3;
	s6 =	simm.s32 @!p1 $0x1082;
	[sflag:s4] =	ssyncset.s32 $0xFFFFF086  }
0x25: {  	[simem:s6], [sflag:s4] =	dma.local [hbm:s3], $0xF7A  }
0x26: {  	[smem:$0x3F9B] =	sst s1;
	(tag) =	ssettag s2;
	_ =	strace s9  }
0x27: {  	s1 =	sld [smem:$0x3FAB]  }
0x28: {  	s2 =	sld [smem:$0x3FAC]  }
0x29: {  	s4 =	sld [smem:$0x3FAE]  }
0x2a: {  	p0 =	seq.s32 s5, $0x0;
	s5 =	sld [smem:$0x3FAF]  }
0x2b: {  	s6 =	sld [smem:$0x3FB0]  }
0x2c: {  	s7 =	sld [smem:$0x3FB1]  }
0x2d: {  	s3 =	simm.s32 $0x108;
	s8 =	sld [smem:$0x3FB2]  }
0x2e: {  	s3 =	simm.s32 @!p0 $0x1082;
	s9 =	sld [smem:$0x3FB3]  }
0x2f: {  	lr =	sadd.s32 s0, s3;
	s0 =	sld [smem:$0x3FAA]  }
0x30: {  	s3 =	sld [smem:$0x3FAD]  }
0x31: {  	[smem:$0x3FB6] =	sst s10  }
0x32: {  	s10 =	sld [smem:$0x3FB4];
	_ =	sdelay $0x3  }
0x33: {  	p0 =	seq.s32 s10, $0x1;
	s10 =	sld [smem:$0x3FB6];
	_ =	sdelay $0x3  }
0x34: {  	[smem:$0x3FB6] =	sst s10  }
0x35: {  	s10 =	sld [smem:$0x3FB5];
	_ =	sdelay $0x3  }
0x36: {  	p1 =	seq.s32 s10, $0x1;
	s10 =	sld [smem:$0x3FB6];
	_ =	sdelay $0x3  }
0x37: {  	[smem:$0x3FB6] =	sst s10  }
0x38: {  	s10 =	sld [smem:$0x3FB7]  }
0x39: {  	_ = 	snop;
	(pc) =	sbr.ind lr, $3  }
0x3a: {  	_ = 	snop  }
0x3b: {  	_ = 	snop  }
0x3c: {  	p2 =	seq.s32 s10, $0x1;
	s10 =	sld [smem:$0x3FB6]  }
0x3d: {  	_ =	shalt  }
0x3e: {  	_ =	shalt  }
0x3f: {  	_ =	shalt  }
0x40: {  	_ =	shalt  }
0x41: {  	_ =	shalt  }
0x42: {  	_ =	shalt  }
0x43: {  	_ =	shalt  }
0x44: {  	_ =	shalt  }
0x45: {  	_ =	shalt  }
0x46: {  	_ =	shalt  }
0x47: {  	_ =	shalt  }
0x48: {  	_ =	shalt  }
0x49: {  	_ =	shalt  }
0x4a: {  	_ =	shalt  }
0x4b: {  	_ =	shalt  }
0x4c: {  	_ =	shalt  }
0x4d: {  	_ =	shalt  }
0x4e: {  	_ =	shalt  }
0x4f: {  	_ =	shalt  }
0x50: {  	_ =	shalt  }
0x51: {  	_ =	shalt  }
0x52: {  	_ =	shalt  }
0x53: {  	_ =	shalt  }
0x54: {  	_ =	shalt  }
0x55: {  	_ =	shalt  }
0x56: {  	_ =	shalt  }
0x57: {  	_ =	shalt  }
0x58: {  	_ =	shalt  }
0x59: {  	_ =	shalt  }
0x5a: {  	_ =	shalt  }
0x5b: {  	_ =	shalt  }
0x5c: {  	_ =	shalt  }
0x5d: {  	_ =	shalt  }
0x5e: {  	_ =	shalt  }
0x5f: {  	_ =	shalt  }
0x60: {  	_ =	shalt  }
0x61: {  	_ =	shalt  }
0x62: {  	_ =	shalt  }
0x63: {  	_ =	shalt  }
0x64: {  	_ =	shalt  }
0x65: {  	_ =	shalt  }
0x66: {  	_ =	shalt  }
0x67: {  	_ =	shalt  }
0x68: {  	_ =	shalt  }
0x69: {  	_ =	shalt  }
0x6a: {  	_ =	shalt  }
0x6b: {  	_ =	shalt  }
0x6c: {  	_ =	shalt  }
0x6d: {  	_ =	shalt  }
0x6e: {  	_ =	shalt  }
0x6f: {  	_ =	shalt  }
0x70: {  	_ =	shalt  }
0x71: {  	_ =	shalt  }
0x72: {  	_ =	shalt  }
0x73: {  	_ =	shalt  }
0x74: {  	_ =	shalt  }
0x75: {  	_ =	shalt  }
0x76: {  	_ =	shalt  }
0x77: {  	_ =	shalt  }
0x78: {  	_ =	shalt  }
0x79: {  	_ =	shalt  }
0x7a: {  	_ =	shalt  }
0x7b: {  	_ =	shalt  }
0x7c: {  	_ =	shalt  }
0x7d: {  	_ =	shalt  }
0x7e: {  	_ =	shalt  }
0x7f: {  	_ =	shalt  }
0x80: {  	_ =	shalt  }
0x81: {  	_ =	shalt  }
0x82: {  	_ =	shalt  }
0x83: {  	_ =	shalt  }
0x84: {  	_ =	shalt  }
0x85: {  	_ =	shalt  }
0x86: {  	_ =	shalt  }
0x87: {  	_ =	shalt  }
.Lfunc_end0:
.L_simem_size_0:
called_computation_lowered:
.L_overlay_start_0:
0x88: {  	s2 =	sld [smem:$0x3FD9]  }
0x89: {  	s3 =	sld [smem:$0x3FFE];
	_ =	sdelay $0x1  }
0x8a: {  	s1 =	srdreg.scid  }
0x8b: {  	s0 =	sand.u32 $0x1, s1  }
0x8c: {  	s16 =	sshll.u32 s0, $0xA;
	s2 =	sadd.s32 s3, s2  }
0x8d: {  	s2 =	sadd.s32 s2, s16  }
0x8e: {  	[smem:$0x3FC2] =	sst s2  }
0x8f: {  	_ = 	snop  }
0x90: {  	(tm) =	ssettm $0x1  }
0x91: {  	s17 =	sld [smem:$0x3FFB];
	_ =	sdelay $0x3  }
0x92: {  	_ =	strace s17  }
0x93: {  	s2 =	sld [smem:$0x3FFC];
	_ =	sdelay $0x3  }
0x94: {  	_ =	strace s2  }
0x95: {  	s2 =	sld [smem:$0x3FFD];
	_ =	sdelay $0x3  }
0x96: {  	_ =	strace s2  }
0x97: {  	_ =	strace $0x8FFFFFFF  }
0x98: {  	s18 =	sld [smem:$0x3FDB];
	_ =	sdelay $0x1  }
0x99: {  	s19 =	simm.s32 $_scs_section_size  }
0x9a: {  	s4 =	simm.s32 $_size__tile_overlayer_lowered;
	s5 =	simm.s32 $_tile_overlayer_lowered  }
0x9b: {  	s22 =	simm.s32 $0x1BFF;
	s21 =	sshll.u32 s5, $0x1;
	s2 =	sadd.s32 s19, s18  }
0x9c: {  	s6 =	simm.s32 $0x0;
	s20 =	sshll.u32 s4, $0x1;
	s4 =	sadd.s32 s21, s2  }
0x9d: {  	[timem:s6], [sflag:s22] =	dma.local [hbm:s4], s20  }
0x9e: {  	_ =	swait.ge [sflag:s22], s20  }
0x9f: {  	s3 =	ssub.s32 $0x0, s20;
	[sflag:s22] =	ssyncset.done $0x0  }
0xa0: {  	[sflag:s22] =	ssyncadd.s32 s3;
	_ =	sdelay $0x1  }
0xa1: {  	s23 =	simm.s32 $0x1B8B  }
0xa2: {  	_ =	swait.ge [sflag:s23], $0x1  }
0xa3: {  	[sflag:s23] =	ssyncset.done $0x0  }
0xa4: {  	s25 =	simm.s32 $0x1B8E;
	s24 =	sld [smem:$0x3FFE];
	[sflag:s23] =	ssyncadd.s32 $0xFFFFFFFF  }
0xa5: {  	s26 =	simm.s32 $execute0_lowered;
	[smem:$0x3FD2] =	sst s25  }
0xa6: {  	s4 =	sshll.u32 s26, $0x1;
	_ =	strace $0x80000046;
	[dreg:$0x1] =	wrdreg $0xFFFFFFFF  }
0xa7: {  	s28 =	simm.s32 $_size_execute0_lowered;
	s2 =	sadd.s32 s2, s4;
	[dreg:$0x0] =	wrdreg $0x0  }
0xa8: {  	s4 =	sshll.u32 s28, $0x1;
	[dreg:$0x2] =	wrdreg s2  }
0xa9: {  	[dreg:$0x3] =	wrdreg s4  }
0xaa: {  	[dreg:$0x4] =	wrdreg $0xC0  }
0xab: {  	_ =	task [dreg:s6], $0x5FFFF  }
0xac: {  	[dreg:$0x1] =	wrdreg $0xFFFFFFFF  }
0xad: {  	[dreg:$0x0] =	wrdreg $0x60  }
0xae: {  	[dreg:$0x2] =	wrdreg s24  }
0xaf: {  	[dreg:$0x3] =	wrdreg $0x53000  }
0xb0: {  	[dreg:$0x4] =	wrdreg $0x9  }
0xb1: {  	_ =	task.clear_ibuf [dreg:s6], $0x5FFFF;
	_ =	strace $0x90000046  }
0xb2: {  	s29 =	simm.s32 $0x9;
	_ =	strace $0x80000048  }
0xb3: {  	_ =	swait.ge [sflag:s29], $0x1  }
0xb4: {  	[sflag:s29] =	ssyncadd.s32 $0xFFFFFFFF  }
0xb5: {  	_ =	strace $0x90000048  }
0xb6: {  	_ =	sfence  }
0xb7: {  	s30 =	sld [smem:$0x0];
	_ =	sdelay $0x2  }
0xb8: {  	s31 =	sshll.u32 s1, $0xD;
	s1 =	sshrl.u32 s1, $0x2  }
0xb9: {  	s3 =	sand.u32 $0x4000, s31;
	s1 =	sadd.s32 s1, s30  }
0xba: {  	s0 =	sor.u32 s3, s0;
	s1 =	sshll.u32 s1, $0x11  }
0xbb: {  	s0 =	sor.u32 s1, s0  }
0xbc: {  	s0 =	sadd.s32 $0x8F2B, s0  }
0xbd: {  	[sflag:s0] =	ssyncadd.remote.s32 $0x1  }
0xbe: {  	_ =	sfence.sel $0xFFFF  }
0xbf: {  	[dreg:$0x0] =	wrdreg $0xFFFFFFFF;
	(pc) =	sbr.abs _section_cstart, $3  }
0xc0: {  	[dreg:$0x1] =	wrdreg $0xFFFFFFFF  }
0xc1: {  	_ =	task.clear_ibuf [dreg:s6], $0x2FFFF;
	_ =	strace $0x9FFFFFFF  }
0xc2: {  	(tm) =	ssettm $0x7FFFFFFF  }
0xc3: {  	_ =	shalt  }
tec
execute0_lowered:
.L_overlay_start_1:
0x0: {  	(tag) =	ssettag $0x1  }
0x1: {  	s5 =	rddreg [dreg:$0x0]  }
0x2: {  	s0 =	srdreg.scid;
	s2 =	rddreg [dreg:$0x1]  }
0x3: {  	s3 =	simm.s32 $0x0;
	s4 =	sand.u32 $0x1, s0;
	s0 =	stileid.u32  }
0x4: {  	s10 =	simm.s32 $0x2800;
	s11 =	simm.s32 $0x1;
	s7 =	smul.u32 $0xA00, s0  }
0x5: {  	s14 =	simm.s32 $0x0;
	[smem:$0x7FF] =	sst s3;
	s8 =	smul.u32 $0x5000, s4  }
0x6: {  	s1 =	sshll.u32 s4, $0x4;
	s4 =	ssub.s32 $0x2, s4;
	s13 =	smul.u32 $0x500, s0  }
0x7: {  	s6 =	sor.u32 s0, s1;
	s1 =	rddreg [dreg:$0x2];
	_ =	strace $0x80000047  }
0x8: {  	s9 =	sshrl.u32 s4, $0x1;
	s6 =	smul.u32 $0x500, s6;
	s7 =	sshrl.u32 s7, $0x2  }
0x9: {  	s8 =	sadd.s32 s8, s5;
	s9 =	ssub.s32 s4, s9;
	s4 =	sadd.s32 s7, s2  }
0xa: {  	s12 =	sadd.s32 $0x16E00, s8;
	s7 =	simm.s32 $0x2880;
	s8 =	simm.s32 $0x2  }
0xb: {  	s6 =	sadd.s32 s6, s5;
	s12 =	sadd.s32 s13, s12;
	s13 =	simm.s32 $0x2B00  }
0xc: {  	v0 =	vimm.f32 $1.000000000e+00;
	v1 =	vimm.f32 $0.0e+00;
	s5 =	sadd.s32 $0xCE00, s6;
	s6 =	smax.u32 s9, $0x1;
	s9 =	simm.s32 $0x80  }
.LBB2_1:
0xd: {  	[tilespmem:$0x2800] =	vst v0  }
0xe: {  	[tilespmem:$0x2810] =	vst v0  }
0xf: {  	[tilespmem:$0x2820] =	vst v0  }
0x10: {  	[tilespmem:$0x2830] =	vst v0  }
0x11: {  	[tilespmem:$0x2840] =	vst v0  }
0x12: {  	[tilespmem:$0x2850] =	vst v0  }
0x13: {  	[tilespmem:$0x2860] =	vst v0  }
0x14: {  	[tilespmem:$0x2870] =	vst v0  }
0x15: {  	[tilespmem:$0x2880] =	vst v1  }
0x16: {  	[tilespmem:$0x2890] =	vst v1  }
0x17: {  	[tilespmem:$0x28A0] =	vst v1  }
0x18: {  	[tilespmem:$0x28B0] =	vst v1  }
0x19: {  	[tilespmem:$0x28C0] =	vst v1  }
0x1a: {  	[tilespmem:$0x28D0] =	vst v1  }
0x1b: {  	[tilespmem:$0x28E0] =	vst v1  }
0x1c: {  	[tilespmem:$0x28F0] =	vst v1  }
0x1d: {  	[tilespmem:$0x2900] =	vst v1  }
0x1e: {  	[tilespmem:$0x2910] =	vst v1  }
0x1f: {  	[tilespmem:$0x2920] =	vst v1  }
0x20: {  	[tilespmem:$0x2930] =	vst v1  }
0x21: {  	[tilespmem:$0x2940] =	vst v1  }
0x22: {  	[tilespmem:$0x2950] =	vst v1  }
0x23: {  	[tilespmem:$0x2960] =	vst v1  }
0x24: {  	[tilespmem:$0x2970] =	vst v1  }
0x25: {  	[tilespmem:$0x2980] =	vst v1  }
0x26: {  	[tilespmem:$0x2990] =	vst v1  }
0x27: {  	[tilespmem:$0x29A0] =	vst v1  }
0x28: {  	[tilespmem:$0x29B0] =	vst v1  }
0x29: {  	[tilespmem:$0x29C0] =	vst v1  }
0x2a: {  	[tilespmem:$0x29D0] =	vst v1  }
0x2b: {  	[tilespmem:$0x29E0] =	vst v1  }
0x2c: {  	[tilespmem:$0x29F0] =	vst v1  }
0x2d: {  	[tilespmem:$0x2A00] =	vst v1  }
0x2e: {  	[tilespmem:$0x2A10] =	vst v1  }
0x2f: {  	[tilespmem:$0x2A20] =	vst v1  }
0x30: {  	[tilespmem:$0x2A30] =	vst v1  }
0x31: {  	[tilespmem:$0x2A40] =	vst v1  }
0x32: {  	[tilespmem:$0x2A50] =	vst v1  }
0x33: {  	[tilespmem:$0x2A60] =	vst v1  }
0x34: {  	[tilespmem:$0x2A70] =	vst v1  }
0x35: {  	[tilespmem:$0x2A80] =	vst v1  }
0x36: {  	[tilespmem:$0x2A90] =	vst v1  }
0x37: {  	[tilespmem:$0x2AA0] =	vst v1  }
0x38: {  	[tilespmem:$0x2AB0] =	vst v1  }
0x39: {  	[tilespmem:$0x2AC0] =	vst v1  }
0x3a: {  	[tilespmem:$0x2AD0] =	vst v1  }
0x3b: {  	[tilespmem:$0x2AE0] =	vst v1  }
0x3c: {  	[tilespmem:$0x2AF0] =	vst v1  }
0x3d: {  	[spmem:s4] =	stream.linear.scatter [tilespmem:s7], [sflag:$0x2], $0x280, $0x38;
	[tilespmem:$0x5580] =	vst v63  }
0x3e: {  	_ =	swait.ge [sflag:s8], $0x280  }
0x3f: {  	[sflag:s8] =	ssyncset.done $0x0  }
0x40: {  	[sflag:s8] =	ssyncadd.s32 $0xFFFFFD80  }
0x41: {  	[tilespmem:s3], [sflag:$0x2] =	stream.linear.gather [hbm4b:s5+s3], $0x2800, $0x38;
	[tilespmem:$0x5580] =	vst v63  }
0x42: {  	_ =	swait.ge [sflag:s8], $0x2800  }
0x43: {  	[sflag:s8] =	ssyncset.done $0x0  }
0x44: {  	p0 =	por $0x1, $0x1;
	[sflag:s8] =	ssyncadd.s32 $0xFFFFD800  }
0x45: {  	s16 =	simm.s32 @!p0 $0x1;
	[bflag:$0x0] =	sbarrier.arrive $0xFFFF  }
0x46: {  	_ =	swait.ge @!p0 [sflag:s16], $0x80  }
0x47: {  	s15 =	simm.s32 $0x1;
	[sflag:s16] =	ssyncset.done @!p0 $0x0  }
0x48: {  	s17 =	simm.s32 $0x0;
	[sflag:s16] =	ssyncadd.s32 @!p0 $0xFFFFFF80;
	s16 =	simm.s32 $0x80  }
.LBB2_2:
0x49: {  	[spmem:s2] =	stream.indirect.scatter.add.f32 [tilespmem:s10], [sflag:$0x1], $0x1, s17, s9, $0xb8;
	[tilespmem:$0x5580] =	vst v63  }
0x4a: {  	p0 =	slt.u32 s15, $0x18;
	s15 =	sadd.s32 $0x1, s15  }
0x4b: {  	p1 =	sne.s32 s15, $0x50  }
.Ltmp0:
0x4c: {  	(pc) =	sbr.rel @p1 .LBB2_2-.Ltmp0, $4  }
0x4d: {  	s17 =	smov.u32 s16;
	s18 =	simm.s32 @!p0 $0x1  }
0x4e: {  	_ =	swait.ge @!p0 [sflag:s18], $0x80  }
0x4f: {  	[sflag:s18] =	ssyncset.done @!p0 $0x0  }
0x50: {  	s16 =	sadd.s32 $0x80, s16;
	[sflag:s18] =	ssyncadd.s32 @!p0 $0xFFFFFF80  }
0x51: {  	[spmem:s2] =	stream.indirect.scatter.add.f32 [tilespmem:s10], [sflag:$0x1], $0x1, s17, s9, $0xb8;
	[tilespmem:$0x5580] =	vst v63  }
0x52: {  	_ =	swait.ge [sflag:s11], $0x80  }
0x53: {  	[sflag:s11] =	ssyncset.done $0x0  }
0x54: {  	[sflag:s11] =	ssyncadd.s32 $0xFFFFFF80  }
0x55: {  	_ =	swait.ge [sflag:s11], $0x80  }
0x56: {  	[sflag:s11] =	ssyncset.done $0x0  }
0x57: {  	[sflag:s11] =	ssyncadd.s32 $0xFFFFFF80  }
0x58: {  	_ =	swait.ge [sflag:s11], $0x80  }
0x59: {  	[sflag:s11] =	ssyncset.done $0x0  }
0x5a: {  	[sflag:s11] =	ssyncadd.s32 $0xFFFFFF80  }
0x5b: {  	_ =	swait.ge [sflag:s11], $0x80  }
0x5c: {  	[sflag:s11] =	ssyncset.done $0x0  }
0x5d: {  	[sflag:s11] =	ssyncadd.s32 $0xFFFFFF80  }
0x5e: {  	_ =	swait.ge [sflag:s11], $0x80  }
0x5f: {  	[sflag:s11] =	ssyncset.done $0x0  }
0x60: {  	[sflag:s11] =	ssyncadd.s32 $0xFFFFFF80  }
0x61: {  	_ =	swait.ge [sflag:s11], $0x80  }
0x62: {  	[sflag:s11] =	ssyncset.done $0x0  }
0x63: {  	[sflag:s11] =	ssyncadd.s32 $0xFFFFFF80  }
0x64: {  	_ =	swait.ge [sflag:s11], $0x80  }
0x65: {  	[sflag:s11] =	ssyncset.done $0x0  }
0x66: {  	[sflag:s11] =	ssyncadd.s32 $0xFFFFFF80  }
0x67: {  	_ =	swait.ge [sflag:s11], $0x80  }
0x68: {  	[sflag:s11] =	ssyncset.done $0x0  }
0x69: {  	[sflag:s11] =	ssyncadd.s32 $0xFFFFFF80  }
0x6a: {  	_ =	swait.ge [sflag:s11], $0x80  }
0x6b: {  	[sflag:s11] =	ssyncset.done $0x0  }
0x6c: {  	[sflag:s11] =	ssyncadd.s32 $0xFFFFFF80  }
0x6d: {  	_ =	swait.ge [sflag:s11], $0x80  }
0x6e: {  	[sflag:s11] =	ssyncset.done $0x0  }
0x6f: {  	[sflag:s11] =	ssyncadd.s32 $0xFFFFFF80  }
0x70: {  	_ =	swait.ge [sflag:s11], $0x80  }
0x71: {  	[sflag:s11] =	ssyncset.done $0x0  }
0x72: {  	[sflag:s11] =	ssyncadd.s32 $0xFFFFFF80  }
0x73: {  	_ =	swait.ge [sflag:s11], $0x80  }
0x74: {  	[sflag:s11] =	ssyncset.done $0x0  }
0x75: {  	[sflag:s11] =	ssyncadd.s32 $0xFFFFFF80  }
0x76: {  	_ =	swait.ge [sflag:s11], $0x80  }
0x77: {  	[sflag:s11] =	ssyncset.done $0x0  }
0x78: {  	[sflag:s11] =	ssyncadd.s32 $0xFFFFFF80  }
0x79: {  	_ =	swait.ge [sflag:s11], $0x80  }
0x7a: {  	[sflag:s11] =	ssyncset.done $0x0  }
0x7b: {  	[sflag:s11] =	ssyncadd.s32 $0xFFFFFF80  }
0x7c: {  	_ =	swait.ge [sflag:s11], $0x80  }
0x7d: {  	[sflag:s11] =	ssyncset.done $0x0  }
0x7e: {  	[sflag:s11] =	ssyncadd.s32 $0xFFFFFF80  }
0x7f: {  	_ =	swait.ge [sflag:s11], $0x80  }
0x80: {  	[sflag:s11] =	ssyncset.done $0x0  }
0x81: {  	[sflag:s11] =	ssyncadd.s32 $0xFFFFFF80  }
0x82: {  	_ =	swait.ge [sflag:s11], $0x80  }
0x83: {  	[sflag:s11] =	ssyncset.done $0x0  }
0x84: {  	[sflag:s11] =	ssyncadd.s32 $0xFFFFFF80  }
0x85: {  	_ =	swait.ge [sflag:s11], $0x80  }
0x86: {  	[sflag:s11] =	ssyncset.done $0x0  }
0x87: {  	[sflag:s11] =	ssyncadd.s32 $0xFFFFFF80  }
0x88: {  	_ =	swait.ge [sflag:s11], $0x80  }
0x89: {  	[sflag:s11] =	ssyncset.done $0x0  }
0x8a: {  	[sflag:s11] =	ssyncadd.s32 $0xFFFFFF80  }
0x8b: {  	_ =	swait.ge [sflag:s11], $0x80  }
0x8c: {  	[sflag:s11] =	ssyncset.done $0x0  }
0x8d: {  	[sflag:s11] =	ssyncadd.s32 $0xFFFFFF80  }
0x8e: {  	_ =	swait.ge [sflag:s11], $0x80  }
0x8f: {  	[sflag:s11] =	ssyncset.done $0x0  }
0x90: {  	[sflag:s11] =	ssyncadd.s32 $0xFFFFFF80  }
0x91: {  	_ =	swait.ge [sflag:s11], $0x80  }
0x92: {  	[sflag:s11] =	ssyncset.done $0x0  }
0x93: {  	[sflag:s11] =	ssyncadd.s32 $0xFFFFFF80  }
0x94: {  	_ =	swait.ge [sflag:s11], $0x80  }
0x95: {  	[sflag:s11] =	ssyncset.done $0x0  }
0x96: {  	[sflag:s11] =	ssyncadd.s32 $0xFFFFFF80  }
0x97: {  	_ =	swait.ge [sflag:s11], $0x80  }
0x98: {  	[sflag:s11] =	ssyncset.done $0x0  }
0x99: {  	[sflag:s11] =	ssyncadd.s32 $0xFFFFFF80  }
0x9a: {  	[bflag:$0x0] =	sbarrier.arrive $0xFFFF  }
0x9b: {  	[tilespmem:s7], [sflag:$0x2] =	stream.linear.gather [spmem:s4], $0x280, $0x38;
	[tilespmem:$0x5580] =	vst v63  }
0x9c: {  	_ =	swait.ge [sflag:s8], $0x280  }
0x9d: {  	[sflag:s8] =	ssyncset.done $0x0  }
0x9e: {  	s15 =	simm.s32 $0x0;
	[sflag:s8] =	ssyncadd.s32 $0xFFFFFD80  }
0x9f: {  	v2 =	vld [tilespmem:s15+$0x2880];
	_ =	sdelay $0x4  }
0xa0: {  	v3 =	vbroadcast v2, $0x0  }
0xa1: {  	s15 =	simm.s32 $0x2B80;
	v4 =	vbroadcast v2, $0x1  }
0xa2: {  	v5 =	vbroadcast v2, $0x2;
	[tilespmem:s15+$0xFFFFFF80] =	vst v3  }
0xa3: {  	v56 =	vbroadcast v2, $0x4;
	[tilespmem:s15+$0xFFFFFF90] =	vst v4  }
0xa4: {  	v57 =	vbroadcast v2, $0x5;
	[tilespmem:s15+$0xFFFFFFA0] =	vst v5  }
0xa5: {  	v58 =	vbroadcast v2, $0x7;
	[tilespmem:s15+$0xFFFFFFC0] =	vst v56  }
0xa6: {  	v59 =	vbroadcast v2, $0x8;
	[tilespmem:s15+$0xFFFFFFD0] =	vst v57  }
0xa7: {  	v60 =	vbroadcast v2, $0xA;
	[tilespmem:s15+$0xFFFFFFF0] =	vst v58  }
0xa8: {  	v3 =	vbroadcast v2, $0x3;
	[tilespmem:s15+$0x0] =	vst v59  }
0xa9: {  	v61 =	vbroadcast v2, $0xB;
	[tilespmem:s15+$0x20] =	vst v60  }
0xaa: {  	[tilespmem:s15+$0xFFFFFFB0] =	vst v3;
	v3 =	vbroadcast v2, $0x6  }
0xab: {  	v62 =	vbroadcast v2, $0xD;
	[tilespmem:s15+$0x30] =	vst v61  }
0xac: {  	[tilespmem:s15+$0xFFFFFFE0] =	vst v3;
	v3 =	vbroadcast v2, $0x9  }
0xad: {  	v63 =	vbroadcast v2, $0xE;
	[tilespmem:s15+$0x50] =	vst v62  }
0xae: {  	[tilespmem:s15+$0x10] =	vst v3;
	v3 =	vbroadcast v2, $0xC  }
0xaf: {  	[tilespmem:s15+$0x60] =	vst v63;
	v2 =	vbroadcast v2, $0xF  }
0xb0: {  	[tilespmem:s15+$0x40] =	vst v3  }
0xb1: {  	s17 =	simm.s32 $0x10;
	s16 =	simm.s32 $0x80;
	[tilespmem:s15+$0x70] =	vst v2  }
.LBB2_4:
0xb2: {  	p0 =	sne.s32 s16, $0x9C0;
	v2 =	vld [tilespmem:s17+$0x2880];
	_ =	sdelay $0x4  }
0xb3: {  	v3 =	vbroadcast v2, $0x0;
	v4 =	vbroadcast v2, $0x1  }
0xb4: {  	s15 =	sadd.s32 $0x100, s15;
	v5 =	vbroadcast v2, $0x2;
	v6 =	vbroadcast v2, $0x3  }
0xb5: {  	v7 =	vbroadcast v2, $0x5;
	[tilespmem:s15+$0xFFFFFF80] =	vst v3;
	v3 =	vbroadcast v2, $0x4  }
0xb6: {  	v8 =	vbroadcast v2, $0x7;
	[tilespmem:s15+$0xFFFFFF90] =	vst v4;
	v4 =	vbroadcast v2, $0x6  }
0xb7: {  	v9 =	vbroadcast v2, $0x9;
	[tilespmem:s15+$0xFFFFFFA0] =	vst v5;
	v5 =	vbroadcast v2, $0x8  }
0xb8: {  	v10 =	vbroadcast v2, $0xB;
	[tilespmem:s15+$0xFFFFFFB0] =	vst v6;
	v6 =	vbroadcast v2, $0xA  }
0xb9: {  	v11 =	vbroadcast v2, $0xD;
	[tilespmem:s15+$0xFFFFFFC0] =	vst v3;
	v3 =	vbroadcast v2, $0xC  }
0xba: {  	[tilespmem:s15+$0xFFFFFFD0] =	vst v7;
	v7 =	vbroadcast v2, $0xE;
	v2 =	vbroadcast v2, $0xF  }
0xbb: {  	[tilespmem:s15+$0xFFFFFFE0] =	vst v4  }
0xbc: {  	[tilespmem:s15+$0xFFFFFFF0] =	vst v8  }
0xbd: {  	[tilespmem:s15+$0x0] =	vst v5  }
0xbe: {  	[tilespmem:s15+$0x10] =	vst v9  }
0xbf: {  	[tilespmem:s15+$0x20] =	vst v6  }
.Ltmp1:
0xc0: {  	[tilespmem:s15+$0x30] =	vst v10;
	(pc) =	sbr.rel @p0 .LBB2_4-.Ltmp1, $4  }
0xc1: {  	[tilespmem:s15+$0x40] =	vst v3  }
0xc2: {  	[tilespmem:s15+$0x50] =	vst v11  }
0xc3: {  	[tilespmem:s15+$0x60] =	vst v7  }
0xc4: {  	s17 =	sshra.s32 s16, $0x2;
	s16 =	sadd.s32 $0x40, s16;
	[tilespmem:s15+$0x70] =	vst v2  }
0xc5: {  	v2 =	vld [tilespmem:s17+$0x2880];
	_ =	sdelay $0x4  }
0xc6: {  	v3 =	vbroadcast v2, $0x0  }
0xc7: {  	s15 =	sadd.s32 $0x100, s15;
	v4 =	vbroadcast v2, $0x1  }
0xc8: {  	v5 =	vbroadcast v2, $0x2;
	[tilespmem:s15+$0xFFFFFF80] =	vst v3  }
0xc9: {  	v56 =	vbroadcast v2, $0x4;
	[tilespmem:s15+$0xFFFFFF90] =	vst v4  }
0xca: {  	v57 =	vbroadcast v2, $0x5;
	[tilespmem:s15+$0xFFFFFFA0] =	vst v5  }
0xcb: {  	v58 =	vbroadcast v2, $0x7;
	[tilespmem:s15+$0xFFFFFFC0] =	vst v56  }
0xcc: {  	v59 =	vbroadcast v2, $0x8;
	[tilespmem:s15+$0xFFFFFFD0] =	vst v57  }
0xcd: {  	v60 =	vbroadcast v2, $0xA;
	[tilespmem:s15+$0xFFFFFFF0] =	vst v58  }
0xce: {  	v3 =	vbroadcast v2, $0x3;
	[tilespmem:s15+$0x0] =	vst v59  }
0xcf: {  	v61 =	vbroadcast v2, $0xB;
	[tilespmem:s15+$0x20] =	vst v60  }
0xd0: {  	[tilespmem:s15+$0xFFFFFFB0] =	vst v3;
	v3 =	vbroadcast v2, $0x6  }
0xd1: {  	v62 =	vbroadcast v2, $0xD;
	[tilespmem:s15+$0x30] =	vst v61  }
0xd2: {  	[tilespmem:s15+$0xFFFFFFE0] =	vst v3;
	v3 =	vbroadcast v2, $0x9  }
0xd3: {  	v63 =	vbroadcast v2, $0xE;
	[tilespmem:s15+$0x50] =	vst v62  }
0xd4: {  	[tilespmem:s15+$0x10] =	vst v3;
	v3 =	vbroadcast v2, $0xC  }
0xd5: {  	s14 =	sadd.s32 $0x1, s14;
	[tilespmem:s15+$0x60] =	vst v63;
	v2 =	vbroadcast v2, $0xF  }
0xd6: {  	p0 =	sne.s32 s14, s6;
	[tilespmem:s15+$0x40] =	vst v3  }
.Ltmp2:
0xd7: {  	[tilespmem:s15+$0x70] =	vst v2;
	(pc) =	sbr.rel @p0 .LBB2_1-.Ltmp2, $4  }
0xd8: {  	[hbm4b:s12+s3] =	stream.linear.scatter [tilespmem:s13], [sflag:$0x2], $0x2800, $0x38;
	[tilespmem:$0x5580] =	vst v63  }
0xd9: {  	_ =	swait.ge [sflag:s8], $0x2800  }
0xda: {  	[sflag:s8] =	ssyncset.done $0x0  }
0xdb: {  	[sflag:s8] =	ssyncadd.s32 $0xFFFFD800  }
0xdc: {  	_ =	sfence.sel $0x180000  }
0xdd: {  	[bflag:$0x0] =	sbarrier.arrive $0xFFFF  }
0xde: {  	p0 =	sne.s32 s0, $0x0;
	_ =	strace $0x90000047  }
0xdf: {  	s0 =	sadd.s32 @!p0 $0x100000, s1;
	[bflag:$0x2] =	sbarrier.arrive $0xFFFF  }
0xe0: {  	[sflag:s0] =	ssyncadd.tile.s32 @!p0 $0x1;
	_ =	shalt  }
.Lfunc_end2:
_tile_overlayer_lowered:
.L_overlay_start_2:
0xe1: {  	(tag) =	ssettag $0x2  }
0xe2: {  	s0 =	rddreg [dreg:$0x0];
	s2 =	stileid.u32  }
0xe3: {  	s1 =	rddreg [dreg:$0x1];
	p0 =	sne.s32 s2, $0x0  }
0xe4: {  	s3 =	rddreg [dreg:$0x2];
	[bflag:$0x3] =	sbarrier.arrive $0xFFFF;
	s2 =	simm.s32 @!p0 $0x1C02  }
0xe5: {  	[timem:s3], [sflag:s2] =	dma.local @!p0 [hbm:s0], s1  }
0xe6: {  	s0 =	simm.s32 @!p0 $0x2  }
0xe7: {  	_ =	swait.ge @!p0 [sflag:s0], s1  }
0xe8: {  	s1 =	ssub.s32 @!p0 $0x0, s1;
	[sflag:s0] =	ssyncset.done @!p0 $0x0  }
0xe9: {  	[sflag:s0] =	ssyncadd.s32 @!p0 s1  }
0xea: {  	[bflag:$0x3] =	sbarrier.arrive $0xFFFF  }
0xeb: {  	_ =	shalt  }

</sc_bundles>
